<compile_context>
chip_gen: v7x
topology: tpu7x:2x2x1
jax: 0.10.2.dev20260603
libtpu: 0.0.44.dev20260713+nightly
codegen_flags: <defaults>
</compile_context>

<pallas_src>
import dataclasses
import functools

import jax
import jax.numpy as jnp
from jax import lax
from jax.experimental import pallas as pl
from jax.experimental.pallas import tpu as pltpu
from jax.experimental.pallas import tpu_sc as plsc

NSEG = 10000
NROW = 320000
D = 128
NW = 32
RPW = NROW // NW
CH = 400
NCH = NROW // CH
CPW = RPW // CH
STG = 64
LANES = 16
VPR = D // LANES

_MESH = plsc.VectorSubcoreMesh(core_axis_name="c", subcore_axis_name="s")

_COMPILER_PARAMS = pltpu.CompilerParams(use_tc_tiling_on_sc=False)
if "needs_layout_passes" in pltpu.CompilerParams.__dataclass_fields__:
    _COMPILER_PARAMS = dataclasses.replace(_COMPILER_PARAMS,
                                           needs_layout_passes=False)


def _seg_max_body(feats_hbm, batch_hbm, out_hbm, ids_v0, ids_v1, feats_v0,
                  feats_v1, edge_v, stage_v, sems):
    wid = lax.axis_index("c") * 16 + lax.axis_index("s")
    row0 = wid * RPW
    ids_bufs = (ids_v0, ids_v1)
    feats_bufs = (feats_v0, feats_v1)

    lo_off = pl.multiple_of(jnp.maximum(row0 - 8, 0), 8)
    pltpu.sync_copy(batch_hbm.at[pl.ds(lo_off, 8)], edge_v.at[pl.ds(0, 8)])
    hi_off = pl.multiple_of(row0 + RPW - 8, 8)
    pltpu.sync_copy(batch_hbm.at[pl.ds(hi_off, 8)], edge_v.at[pl.ds(8, 8)])
    ev_lo = edge_v[pl.ds(0, 16)]
    own_lo = jnp.where(wid > 0, ev_lo[7] + 1, 0).astype(jnp.int32)
    own_hi = jnp.where(wid < NW - 1, ev_lo[15], NSEG - 1).astype(jnp.int32)

    minf = jnp.full((LANES,), -jnp.inf, jnp.float32)

    def _flush_issue(half, b):
        pltpu.async_copy(stage_v.at[pl.ds(half * STG, STG)],
                         out_hbm.at[pl.ds(b, STG)], sems.at[4 + half])

    def _flush_wait(half):
        pltpu.make_async_copy(stage_v.at[pl.ds(half * STG, STG)],
                              out_hbm.at[pl.ds(0, STG)],
                              sems.at[4 + half]).wait()

    def stage_row(vecs, nw, bb):
        slot = nw - bb
        bufp = lax.shift_right_logical(bb - own_lo, 6) & 1
        for j in range(VPR):
            stage_v[slot + bufp * STG, pl.ds(j * LANES, LANES)] = vecs[j]

        def flush(b):
            lax.cond(bufp == 0, lambda: _flush_issue(0, b),
                     lambda: _flush_issue(1, b))
            lax.cond(b - own_lo >= STG,
                     lambda: lax.cond(bufp == 0, lambda: _flush_wait(1),
                                      lambda: _flush_wait(0)),
                     lambda: None)
            return b + STG

        bb = lax.cond(slot == STG - 1, flush, lambda b: b, bb)
        return nw + 1, bb

    def fill_to(target, nw, bb):
        def cond(st):
            return st[0] < target

        def body(st):
            return stage_row((minf,) * VPR, st[0], st[1])

        return lax.while_loop(cond, body, (nw, bb))

    iota16 = lax.iota(jnp.int32, LANES)

    def _ffs(mask):
        r = plsc.all_reduce_ffs(mask)
        return r[0] if getattr(r, "ndim", 0) else r

    def _popcnt(mask):
        r = plsc.all_reduce_population_count(mask)
        return r[0] if getattr(r, "ndim", 0) else r

    def make_group_step(ids_v, feats_v):
        def row_vecs(r):
            return [feats_v[r, pl.ds(j * LANES, LANES)] for j in range(VPR)]

        def group_step(g, st):
            cur, nw, bb, acc = st
            base = g * LANES
            idvec = ids_v[pl.ds(base, LANES)]

            def fast(cur, nw, bb, acc):
                new_acc = []
                for j in range(VPR):
                    col = [feats_v[base + k, pl.ds(j * LANES, LANES)]
                           for k in range(LANES)]
                    while len(col) > 1:
                        col = [jnp.maximum(col[i], col[i + 1])
                               for i in range(0, len(col), 2)]
                    new_acc.append(jnp.maximum(acc[j], col[0]))
                return cur, nw, bb, tuple(new_acc)

            def dense(i, a):
                rv = row_vecs(base + i)
                return tuple(jnp.maximum(a[j], rv[j]) for j in range(VPR))

            def sid_at(stop):
                sidv = plsc.load_gather(
                    ids_v, [jnp.full((LANES,), base + stop, jnp.int32)])
                return sidv[0]

            def slow(cur, nw, bb, acc):
                prev_ids = plsc.load_gather(
                    ids_v, [base + jnp.maximum(iota16 - 1, 0)])
                neq = jnp.where(iota16 == 0, idvec != cur,
                                idvec != prev_ids)
                in_own = jnp.logical_and(idvec >= own_lo, idvec <= own_hi)
                newmask = jnp.logical_and(neq, in_own)
                deadmask = idvec > own_hi
                ndead = _popcnt(deadmask)
                n_end = jnp.where(ndead > 0, _ffs(deadmask),
                                  LANES).astype(jnp.int32)
                nb_total = _popcnt(newmask)

                def one_boundary(cur, nw, bb, acc):
                    p = _ffs(newmask)
                    acc = lax.cond(
                        cur >= 0,
                        lambda a: lax.fori_loop(0, p, dense, a),
                        lambda a: a, acc)

                    def close(a, b, acc_=acc):
                        return stage_row(acc_, a, b)

                    nw, bb = lax.cond(cur >= 0, close,
                                      lambda a, b: (a, b), nw, bb)
                    sid = sid_at(p)
                    nw, bb = fill_to(sid, nw, bb)
                    acc = tuple(row_vecs(base + p))
                    acc = lax.fori_loop(p + 1, LANES, dense, acc)
                    return sid, nw, bb, acc

                def general(cur, nw, bb, acc):
                    def rcond(st):
                        return st[0] < n_end

                    def rbody(st):
                        pos, cur, nw, bb, acc = st
                        rest = jnp.logical_and(newmask, iota16 >= pos)
                        nb = jnp.where(_popcnt(rest) > 0, _ffs(rest),
                                       LANES).astype(jnp.int32)
                        stop = jnp.minimum(nb, n_end)

                        acc = lax.cond(
                            cur >= 0,
                            lambda a: lax.fori_loop(pos, stop, dense, a),
                            lambda a: a, acc)

                        def open_new(cur_, nw_, bb_, acc_):
                            def close(a, b):
                                return stage_row(acc_, a, b)

                            nw_, bb_ = lax.cond(cur_ >= 0, close,
                                                lambda a, b: (a, b), nw_,
                                                bb_)
                            sid = sid_at(stop)
                            nw_, bb_ = fill_to(sid, nw_, bb_)
                            return sid, nw_, bb_, tuple(
                                row_vecs(base + stop))

                        cur, nw, bb, acc = lax.cond(
                            stop < n_end, open_new,
                            lambda a, b, c, d: (a, b, c, d), cur, nw, bb,
                            acc)
                        return stop + 1, cur, nw, bb, acc

                    _, cur, nw, bb, acc = lax.while_loop(
                        rcond, rbody, (jnp.int32(0), cur, nw, bb, acc))
                    return cur, nw, bb, acc

                streamlined = jnp.logical_and(nb_total == 1, ndead == 0)
                return lax.cond(streamlined, one_boundary, general, cur,
                                nw, bb, acc)

            all_cont = idvec[LANES - 1] == cur
            return lax.cond(all_cont, fast, slow, cur, nw, bb, acc)

        return group_step

    def issue(c, slot):
        base = pl.multiple_of(c * CH, 8)
        pltpu.async_copy(batch_hbm.at[pl.ds(base, CH)], ids_bufs[slot],
                         sems.at[slot])
        pltpu.async_copy(feats_hbm.at[pl.ds(base, CH)], feats_bufs[slot],
                         sems.at[2 + slot])

    def wait_slot(slot):
        pltpu.make_async_copy(batch_hbm.at[pl.ds(0, CH)], ids_bufs[slot],
                              sems.at[slot]).wait()
        pltpu.make_async_copy(feats_hbm.at[pl.ds(0, CH)], feats_bufs[slot],
                              sems.at[2 + slot]).wait()

    c0 = jnp.int32(wid * CPW)

    def make_chunk_body(slot):
        def f(c, cur, nw, bb, acc):
            issue(jnp.minimum(c + 1, NCH - 1), 1 - slot)
            wait_slot(slot)
            cur, nw, bb, acc = lax.fori_loop(
                0, CH // LANES, make_group_step(ids_bufs[slot],
                                                feats_bufs[slot]),
                (cur, nw, bb, acc))
            idtail = ids_bufs[slot][pl.ds(CH - LANES, LANES)]
            cont = jnp.logical_and(idtail[LANES - 1] <= own_hi,
                                   c + 1 < NCH)
            return cont, cur, nw, bb, acc

        return f

    def outer_cond(st):
        return st[1]

    def outer_body(st):
        k, _, cur, nw, bb, acc = st
        c = c0 + k
        cont, cur, nw, bb, acc = lax.cond((k & 1) == 0, make_chunk_body(0),
                                          make_chunk_body(1), c, cur, nw,
                                          bb, acc)
        return k + 1, cont, cur, nw, bb, acc

    acc0 = (minf,) * VPR
    issue(c0, 0)
    init = (jnp.int32(0), jnp.bool_(True), jnp.int32(-1), own_lo, own_lo,
            acc0)
    k_fin, _, cur, nw, bb, acc = lax.while_loop(outer_cond, outer_body,
                                                init)
    lax.cond((k_fin & 1) == 0, lambda: wait_slot(0), lambda: wait_slot(1))

    def close_fin(a, b):
        return stage_row(acc, a, b)

    nw, bb = lax.cond(cur >= 0, close_fin, lambda a, b: (a, b), nw, bb)
    nw, bb = fill_to(own_hi + 1, nw, bb)

    nflushed = lax.shift_right_logical(bb - own_lo, 6)
    lax.cond(nflushed >= 1,
             lambda: lax.cond((nflushed - 1) & 1 == 0,
                              lambda: _flush_wait(0),
                              lambda: _flush_wait(1)),
             lambda: None)
    srcoff = (nflushed & 1) * STG
    rem = nw - bb
    off = jnp.int32(0)
    for sz in (32, 16, 8, 4, 2, 1):
        def do(o, _sz=sz):
            pltpu.sync_copy(stage_v.at[pl.ds(srcoff + o, _sz)],
                            out_hbm.at[pl.ds(bb + o, _sz)])
            return o + _sz

        off = lax.cond((rem & sz) != 0, do, lambda o: o, off)


@functools.partial(pl.kernel,
                   out_type=jax.ShapeDtypeStruct((NSEG, D), jnp.float32),
                   mesh=_MESH,
                   compiler_params=_COMPILER_PARAMS,
                   scratch_types=[
                       pltpu.VMEM((CH,), jnp.int32),
                       pltpu.VMEM((CH,), jnp.int32),
                       pltpu.VMEM((CH, D), jnp.float32),
                       pltpu.VMEM((CH, D), jnp.float32),
                       pltpu.VMEM((16,), jnp.int32),
                       pltpu.VMEM((2 * STG, D), jnp.float32),
                       pltpu.SemaphoreType.DMA((6,)),
                   ])
def _seg_max_kernel(feats_hbm, batch_hbm, out_hbm, ids_v0, ids_v1,
                    feats_v0, feats_v1, edge_v, stage_v, sems):
    _seg_max_body(feats_hbm, batch_hbm, out_hbm, ids_v0, ids_v1, feats_v0,
                  feats_v1, edge_v, stage_v, sems)


def kernel(feats, batch):
    return _seg_max_kernel(feats, batch.astype(jnp.int32))

# --- scband reference (transcript-rebuilt; emitter-appended) ---
"""Pipeline reference for scband-pool-max-23545010717180 (READ-ONLY COPY).

The authoritative reference and input builder live on the scoring server;
editing this copy changes nothing except your own understanding.
"""

import jax, jax.numpy as jnp
import numpy as np

NUM_SEGMENTS = 10000
N = 320000
D = 128

def setup_inputs(seed: int = 0) -> dict:
    key = jax.random.key(seed)
    k1, k2 = jax.random.split(key)
    feats = jax.random.normal(k1, (N, D), dtype=jnp.float32)
    batch = jnp.sort(jax.random.randint(k2, (N,), 0, NUM_SEGMENTS, dtype=jnp.int64))
    return {"feats": feats, "batch": batch}

def reference(feats, batch):
    # torch_scatter.scatter_max(feats, batch, dim=0)[0] equivalent:
    # per-segment max over rows of feats grouped by batch ids.
    maxed_nodes = jax.ops.segment_max(feats, batch, num_segments=NUM_SEGMENTS, indices_are_sorted=True)
    return maxed_nodes

if __name__ == "__main__":
    import jax
    _d = setup_inputs()
    print(jax.jit(kernel)(*tuple(_d.values())))

</pallas_src>

<mosaic_0001>
#map = affine_map<(d0, d1) -> (0, 0)>
#map1 = affine_map<(d0, d1) -> (0)>
module attributes {stable_mosaic.version = 14 : i64} {
  func.func @_seg_max_kernel(%arg0: i32, %arg1: i32, %arg2: memref<320000x128xf32, #tpu.memory_space<hbm>>, %arg3: memref<320000xi32, #tpu.memory_space<hbm>>, %arg4: memref<10000x128xf32, #tpu.memory_space<hbm>>, %arg5: memref<400xi32, #tpu.memory_space<vmem>>, %arg6: memref<400xi32, #tpu.memory_space<vmem>>, %arg7: memref<400x128xf32, #tpu.memory_space<vmem>>, %arg8: memref<400x128xf32, #tpu.memory_space<vmem>>, %arg9: memref<16xi32, #tpu.memory_space<vmem>>, %arg10: memref<128x128xf32, #tpu.memory_space<vmem>>, %arg11: memref<6x!tpu.dma_semaphore, #tpu.memory_space<semaphore_mem>>) attributes {dimension_semantics = [#tpu.dimension_semantics<core_parallel>, #tpu.dimension_semantics<subcore_parallel>], iteration_bounds = array<i64: 2, 16>, scalar_prefetch = 0 : i64, scratch_operands = 7 : i64, tpu.core_type = #tpu.core_type<sc_vector_subcore>, window_params = [{transform_indices = #map}, {transform_indices = #map1}, {transform_indices = #map}]} {
    %mul3A = arith.constant 16 : i32
    %mul3A_0 = arith.muli %arg0, %mul3A : i32
    %add3A = arith.addi %mul3A_0, %arg1 : i32
    %mul3A_1 = arith.constant 10000 : i32
    %mul3A_2 = arith.muli %add3A, %mul3A_1 : i32
    %sub3A = arith.constant 8 : i32
    %sub3A_3 = arith.subi %mul3A_2, %sub3A : i32
    %max3A = arith.constant 0 : i32
    %max3A_4 = arith.maxsi %sub3A_3, %max3A : i32
    %multiple_of3A = tpu.assume_multiple %max3A_4, 8 : i32
    "tpu.region"() ({
      %run_scoped3A = tpu.sem_alloc : memref<!tpu.dma_semaphore, #tpu.memory_space<semaphore_mem>>
      %dma_start3A_110 = arith.constant 0 : i32
      %dma_start3A_111 = tpu.memref_slice %arg9[%dma_start3A_110] : memref<16xi32, #tpu.memory_space<vmem>> -> memref<8xi32, #tpu.memory_space<vmem>>
      %dma_start3A_112 = tpu.memref_slice %arg3[%multiple_of3A] : memref<320000xi32, #tpu.memory_space<hbm>> -> memref<8xi32, #tpu.memory_space<hbm>>
      %dma_start3A_113 = arith.constant 0 : i32
      %dma_start3A_114 = tpu.memref_slice %arg9[%dma_start3A_113] : memref<16xi32, #tpu.memory_space<vmem>> -> memref<8xi32, #tpu.memory_space<vmem>>
      %dma_start3A_115 = tpu.memref_slice %arg3[%multiple_of3A] : memref<320000xi32, #tpu.memory_space<hbm>> -> memref<8xi32, #tpu.memory_space<hbm>>
      tpu.enqueue_dma source(%dma_start3A_115 : memref<8xi32, #tpu.memory_space<hbm>>) target(%dma_start3A_114 : memref<8xi32, #tpu.memory_space<vmem>>) target_semaphore(%run_scoped3A : memref<!tpu.dma_semaphore, #tpu.memory_space<semaphore_mem>>)
      %dma_wait3A = arith.constant 0 : i32
      %dma_wait3A_116 = tpu.memref_slice %arg9[%dma_wait3A] : memref<16xi32, #tpu.memory_space<vmem>> -> memref<8xi32, #tpu.memory_space<vmem>>
      %dma_wait3A_117 = tpu.memref_slice %arg3[%multiple_of3A] : memref<320000xi32, #tpu.memory_space<hbm>> -> memref<8xi32, #tpu.memory_space<hbm>>
      %dma_wait3A_118 = arith.constant 0 : i32
      %dma_wait3A_119 = tpu.memref_slice %arg9[%dma_wait3A_118] : memref<16xi32, #tpu.memory_space<vmem>> -> memref<8xi32, #tpu.memory_space<vmem>>
      %dma_wait3A_120 = tpu.memref_slice %arg3[%multiple_of3A] : memref<320000xi32, #tpu.memory_space<hbm>> -> memref<8xi32, #tpu.memory_space<hbm>>
      tpu.wait_dma2 semaphore(%run_scoped3A : memref<!tpu.dma_semaphore, #tpu.memory_space<semaphore_mem>>) src(%dma_wait3A_120 : memref<8xi32, #tpu.memory_space<hbm>>) dst(%dma_wait3A_119 : memref<8xi32, #tpu.memory_space<vmem>>)
      tpu.yield
    }) : () -> ()
    %add3A_5 = arith.constant 10000 : i32
    %add3A_6 = arith.addi %mul3A_2, %add3A_5 : i32
    %sub3A_7 = arith.constant 8 : i32
    %sub3A_8 = arith.subi %add3A_6, %sub3A_7 : i32
    %multiple_of3A_9 = tpu.assume_multiple %sub3A_8, 8 : i32
    "tpu.region"() ({
      %run_scoped3A = tpu.sem_alloc : memref<!tpu.dma_semaphore, #tpu.memory_space<semaphore_mem>>
      %dma_start3A_110 = arith.constant 8 : i32
      %dma_start3A_111 = tpu.memref_slice %arg9[%dma_start3A_110] : memref<16xi32, #tpu.memory_space<vmem>> -> memref<8xi32, #tpu.memory_space<vmem>>
      %dma_start3A_112 = tpu.memref_slice %arg3[%multiple_of3A_9] : memref<320000xi32, #tpu.memory_space<hbm>> -> memref<8xi32, #tpu.memory_space<hbm>>
      %dma_start3A_113 = arith.constant 8 : i32
      %dma_start3A_114 = tpu.memref_slice %arg9[%dma_start3A_113] : memref<16xi32, #tpu.memory_space<vmem>> -> memref<8xi32, #tpu.memory_space<vmem>>
      %dma_start3A_115 = tpu.memref_slice %arg3[%multiple_of3A_9] : memref<320000xi32, #tpu.memory_space<hbm>> -> memref<8xi32, #tpu.memory_space<hbm>>
      tpu.enqueue_dma source(%dma_start3A_115 : memref<8xi32, #tpu.memory_space<hbm>>) target(%dma_start3A_114 : memref<8xi32, #tpu.memory_space<vmem>>) target_semaphore(%run_scoped3A : memref<!tpu.dma_semaphore, #tpu.memory_space<semaphore_mem>>)
      %dma_wait3A = arith.constant 8 : i32
      %dma_wait3A_116 = tpu.memref_slice %arg9[%dma_wait3A] : memref<16xi32, #tpu.memory_space<vmem>> -> memref<8xi32, #tpu.memory_space<vmem>>
      %dma_wait3A_117 = tpu.memref_slice %arg3[%multiple_of3A_9] : memref<320000xi32, #tpu.memory_space<hbm>> -> memref<8xi32, #tpu.memory_space<hbm>>
      %dma_wait3A_118 = arith.constant 8 : i32
      %dma_wait3A_119 = tpu.memref_slice %arg9[%dma_wait3A_118] : memref<16xi32, #tpu.memory_space<vmem>> -> memref<8xi32, #tpu.memory_space<vmem>>
      %dma_wait3A_120 = tpu.memref_slice %arg3[%multiple_of3A_9] : memref<320000xi32, #tpu.memory_space<hbm>> -> memref<8xi32, #tpu.memory_space<hbm>>
      tpu.wait_dma2 semaphore(%run_scoped3A : memref<!tpu.dma_semaphore, #tpu.memory_space<semaphore_mem>>) src(%dma_wait3A_120 : memref<8xi32, #tpu.memory_space<hbm>>) dst(%dma_wait3A_119 : memref<8xi32, #tpu.memory_space<vmem>>)
      tpu.yield
    }) : () -> ()
    %get3A = arith.constant 0 : index
    %get3A_10 = tpu.vector_load %arg9[%get3A] {strides = array<i32>} : memref<16xi32, #tpu.memory_space<vmem>>, vector<16xi32>,
    %gt3A = arith.constant 0 : i32
    %gt3A_11 = arith.cmpi sgt, %add3A, %gt3A : i32
    %slice3A = vector.extract_strided_slice %get3A_10 {offsets = [7], sizes = [1], strides = [1]} : vector<16xi32> to vector<1xi32>
    %squeeze3A = vector.extract %slice3A[0] : i32 from vector<1xi32>
    %add3A_12 = arith.constant 1 : i32
    %add3A_13 = arith.addi %squeeze3A, %add3A_12 : i32
    %jit3A = arith.constant 0 : i32
    %select_n3A = arith.select %gt3A_11, %add3A_13, %jit3A : i32
    %lt3A = arith.constant 31 : i32
    %lt3A_14 = arith.cmpi slt, %add3A, %lt3A : i32
    %slice3A_15 = vector.extract_strided_slice %get3A_10 {offsets = [15], sizes = [1], strides = [1]} : vector<16xi32> to vector<1xi32>
    %squeeze3A_16 = vector.extract %slice3A_15[0] : i32 from vector<1xi32>
    %jit3A_17 = arith.constant 9999 : i32
    %select_n3A_18 = arith.select %lt3A_14, %squeeze3A_16, %jit3A_17 : i32
    %broadcast_in_dim3A = arith.constant 0xFF800000 : f32
    %broadcast_in_dim3A_19 = vector.broadcast %broadcast_in_dim3A : f32 to vector<16xf32>
    %iota3A = tpu.iota {dimensions = array<i32: 0>} : vector<16xi32>
    %mul3A_20 = arith.constant 25 : i32
    %mul3A_21 = arith.muli %add3A, %mul3A_20 : i32
    %mul3A_22 = arith.constant 400 : i32
    %mul3A_23 = arith.muli %mul3A_21, %mul3A_22 : i32
    %multiple_of3A_24 = tpu.assume_multiple %mul3A_23, 8 : i32
    %dma_start3A = arith.constant 0 : i32
    %dma_start3A_25 = tpu.memref_slice %arg3[%multiple_of3A_24] : memref<320000xi32, #tpu.memory_space<hbm>> -> memref<400xi32, #tpu.memory_space<hbm>>
    %dma_start3A_26 = tpu.memref_slice %arg11[%dma_start3A] : memref<6x!tpu.dma_semaphore, #tpu.memory_space<semaphore_mem>> -> memref<1x!tpu.dma_semaphore, #tpu.memory_space<semaphore_mem>>
    %dma_start3A_27 = tpu.memref_squeeze %dma_start3A_26 : memref<1x!tpu.dma_semaphore, #tpu.memory_space<semaphore_mem>> -> memref<!tpu.dma_semaphore, #tpu.memory_space<semaphore_mem>>
    %dma_start3A_28 = tpu.memref_slice %arg3[%multiple_of3A_24] : memref<320000xi32, #tpu.memory_space<hbm>> -> memref<400xi32, #tpu.memory_space<hbm>>
    tpu.enqueue_dma source(%dma_start3A_28 : memref<400xi32, #tpu.memory_space<hbm>>) target(%arg5 : memref<400xi32, #tpu.memory_space<vmem>>) target_semaphore(%dma_start3A_27 : memref<!tpu.dma_semaphore, #tpu.memory_space<semaphore_mem>>)
    %dma_start3A_29 = arith.constant 2 : i32
    %dma_start3A_30 = arith.constant 0 : i32
    %dma_start3A_31 = tpu.memref_slice %arg2[%multiple_of3A_24, %dma_start3A_30] : memref<320000x128xf32, #tpu.memory_space<hbm>> -> memref<400x128xf32, #tpu.memory_space<hbm>>
    %dma_start3A_32 = tpu.memref_slice %arg11[%dma_start3A_29] : memref<6x!tpu.dma_semaphore, #tpu.memory_space<semaphore_mem>> -> memref<1x!tpu.dma_semaphore, #tpu.memory_space<semaphore_mem>>
    %dma_start3A_33 = tpu.memref_squeeze %dma_start3A_32 : memref<1x!tpu.dma_semaphore, #tpu.memory_space<semaphore_mem>> -> memref<!tpu.dma_semaphore, #tpu.memory_space<semaphore_mem>>
    %dma_start3A_34 = arith.constant 0 : i32
    %dma_start3A_35 = tpu.memref_slice %arg2[%multiple_of3A_24, %dma_start3A_34] : memref<320000x128xf32, #tpu.memory_space<hbm>> -> memref<400x128xf32, #tpu.memory_space<hbm>>
    tpu.enqueue_dma source(%dma_start3A_35 : memref<400x128xf32, #tpu.memory_space<hbm>>) target(%arg7 : memref<400x128xf32, #tpu.memory_space<vmem>>) target_semaphore(%dma_start3A_33 : memref<!tpu.dma_semaphore, #tpu.memory_space<semaphore_mem>>)
    %while3A = arith.constant 0 : i32
    %while3A_36 = arith.constant true
    %while3A_37 = arith.constant -1 : i32
    %while3A_38:13 = scf.while (%while3A_110 = %while3A, %while3A_111 = %while3A_36, %while3A_112 = %while3A_37, %while3A_113 = %select_n3A, %while3A_114 = %select_n3A, %while3A_115 = %broadcast_in_dim3A_19, %while3A_116 = %broadcast_in_dim3A_19, %while3A_117 = %broadcast_in_dim3A_19, %while3A_118 = %broadcast_in_dim3A_19, %while3A_119 = %broadcast_in_dim3A_19, %while3A_120 = %broadcast_in_dim3A_19, %while3A_121 = %broadcast_in_dim3A_19, %while3A_122 = %broadcast_in_dim3A_19) : (i32, i1, i32, i32, i32, vector<16xf32>, vector<16xf32>, vector<16xf32>, vector<16xf32>, vector<16xf32>, vector<16xf32>, vector<16xf32>, vector<16xf32>) -> (i32, i1, i32, i32, i32, vector<16xf32>, vector<16xf32>, vector<16xf32>, vector<16xf32>, vector<16xf32>, vector<16xf32>, vector<16xf32>, vector<16xf32>) {
      scf.condition(%while3A_111) %while3A_110, %while3A_111, %while3A_112, %while3A_113, %while3A_114, %while3A_115, %while3A_116, %while3A_117, %while3A_118, %while3A_119, %while3A_120, %while3A_121, %while3A_122 : i32, i1, i32, i32, i32, vector<16xf32>, vector<16xf32>, vector<16xf32>, vector<16xf32>, vector<16xf32>, vector<16xf32>, vector<16xf32>, vector<16xf32>
    } do {
    ^bb0(%while3A_110: i32, %while3A_111: i1, %while3A_112: i32, %while3A_113: i32, %while3A_114: i32, %while3A_115: vector<16xf32>, %while3A_116: vector<16xf32>, %while3A_117: vector<16xf32>, %while3A_118: vector<16xf32>, %while3A_119: vector<16xf32>, %while3A_120: vector<16xf32>, %while3A_121: vector<16xf32>, %while3A_122: vector<16xf32>):
      %add3A_123 = arith.addi %mul3A_21, %while3A_110 : i32
      %and3A_124 = arith.constant 1 : i32
      %and3A_125 = arith.andi %while3A_110, %and3A_124 : i32
      %eq3A_126 = arith.constant 0 : i32
      %eq3A_127 = arith.cmpi eq, %and3A_125, %eq3A_126 : i32
      %convert_element_type3A_128 = arith.extui %eq3A_127 : i1 to i32
      %cond3A_129 = arith.constant 0 : i32
      %cond3A_130 = arith.cmpi ne, %convert_element_type3A_128, %cond3A_129 : i32
      %cond3A_131:12 = scf.if %cond3A_130 -> (i1, i32, i32, i32, vector<16xf32>, vector<16xf32>, vector<16xf32>, vector<16xf32>, vector<16xf32>, vector<16xf32>, vector<16xf32>, vector<16xf32>) {
        %add3A_134 = arith.constant 1 : i32
        %add3A_135 = arith.addi %add3A_123, %add3A_134 : i32
        %min3A = arith.constant 799 : i32
        %min3A_136 = arith.minsi %add3A_135, %min3A : i32
        %mul3A_137 = arith.constant 400 : i32
        %mul3A_138 = arith.muli %min3A_136, %mul3A_137 : i32
        %multiple_of3A_139 = tpu.assume_multiple %mul3A_138, 8 : i32
        %dma_start3A_140 = arith.constant 1 : i32
        %dma_start3A_141 = tpu.memref_slice %arg3[%multiple_of3A_139] : memref<320000xi32, #tpu.memory_space<hbm>> -> memref<400xi32, #tpu.memory_space<hbm>>
        %dma_start3A_142 = tpu.memref_slice %arg11[%dma_start3A_140] : memref<6x!tpu.dma_semaphore, #tpu.memory_space<semaphore_mem>> -> memref<1x!tpu.dma_semaphore, #tpu.memory_space<semaphore_mem>>
        %dma_start3A_143 = tpu.memref_squeeze %dma_start3A_142 : memref<1x!tpu.dma_semaphore, #tpu.memory_space<semaphore_mem>> -> memref<!tpu.dma_semaphore, #tpu.memory_space<semaphore_mem>>
        %dma_start3A_144 = tpu.memref_slice %arg3[%multiple_of3A_139] : memref<320000xi32, #tpu.memory_space<hbm>> -> memref<400xi32, #tpu.memory_space<hbm>>
        tpu.enqueue_dma source(%dma_start3A_144 : memref<400xi32, #tpu.memory_space<hbm>>) target(%arg6 : memref<400xi32, #tpu.memory_space<vmem>>) target_semaphore(%dma_start3A_143 : memref<!tpu.dma_semaphore, #tpu.memory_space<semaphore_mem>>)
        %dma_start3A_145 = arith.constant 3 : i32
        %dma_start3A_146 = arith.constant 0 : i32
        %dma_start3A_147 = tpu.memref_slice %arg2[%multiple_of3A_139, %dma_start3A_146] : memref<320000x128xf32, #tpu.memory_space<hbm>> -> memref<400x128xf32, #tpu.memory_space<hbm>>
        %dma_start3A_148 = tpu.memref_slice %arg11[%dma_start3A_145] : memref<6x!tpu.dma_semaphore, #tpu.memory_space<semaphore_mem>> -> memref<1x!tpu.dma_semaphore, #tpu.memory_space<semaphore_mem>>
        %dma_start3A_149 = tpu.memref_squeeze %dma_start3A_148 : memref<1x!tpu.dma_semaphore, #tpu.memory_space<semaphore_mem>> -> memref<!tpu.dma_semaphore, #tpu.memory_space<semaphore_mem>>
        %dma_start3A_150 = arith.constant 0 : i32
        %dma_start3A_151 = tpu.memref_slice %arg2[%multiple_of3A_139, %dma_start3A_150] : memref<320000x128xf32, #tpu.memory_space<hbm>> -> memref<400x128xf32, #tpu.memory_space<hbm>>
        tpu.enqueue_dma source(%dma_start3A_151 : memref<400x128xf32, #tpu.memory_space<hbm>>) target(%arg8 : memref<400x128xf32, #tpu.memory_space<vmem>>) target_semaphore(%dma_start3A_149 : memref<!tpu.dma_semaphore, #tpu.memory_space<semaphore_mem>>)
        %dma_wait3A = arith.constant 0 : i32
        %dma_wait3A_152 = arith.constant 0 : i32
        %dma_wait3A_153 = tpu.memref_slice %arg3[%dma_wait3A_152] : memref<320000xi32, #tpu.memory_space<hbm>> -> memref<400xi32, #tpu.memory_space<hbm>>
        %dma_wait3A_154 = tpu.memref_slice %arg11[%dma_wait3A] : memref<6x!tpu.dma_semaphore, #tpu.memory_space<semaphore_mem>> -> memref<1x!tpu.dma_semaphore, #tpu.memory_space<semaphore_mem>>
        %dma_wait3A_155 = tpu.memref_squeeze %dma_wait3A_154 : memref<1x!tpu.dma_semaphore, #tpu.memory_space<semaphore_mem>> -> memref<!tpu.dma_semaphore, #tpu.memory_space<semaphore_mem>>
        %dma_wait3A_156 = arith.constant 0 : i32
        %dma_wait3A_157 = tpu.memref_slice %arg3[%dma_wait3A_156] : memref<320000xi32, #tpu.memory_space<hbm>> -> memref<400xi32, #tpu.memory_space<hbm>>
        tpu.wait_dma2 semaphore(%dma_wait3A_155 : memref<!tpu.dma_semaphore, #tpu.memory_space<semaphore_mem>>) src(%dma_wait3A_157 : memref<400xi32, #tpu.memory_space<hbm>>) dst(%arg5 : memref<400xi32, #tpu.memory_space<vmem>>)
        %dma_wait3A_158 = arith.constant 2 : i32
        %dma_wait3A_159 = arith.constant 0 : i32
        %dma_wait3A_160 = arith.constant 0 : i32
        %dma_wait3A_161 = tpu.memref_slice %arg2[%dma_wait3A_159, %dma_wait3A_160] : memref<320000x128xf32, #tpu.memory_space<hbm>> -> memref<400x128xf32, #tpu.memory_space<hbm>>
        %dma_wait3A_162 = tpu.memref_slice %arg11[%dma_wait3A_158] : memref<6x!tpu.dma_semaphore, #tpu.memory_space<semaphore_mem>> -> memref<1x!tpu.dma_semaphore, #tpu.memory_space<semaphore_mem>>
        %dma_wait3A_163 = tpu.memref_squeeze %dma_wait3A_162 : memref<1x!tpu.dma_semaphore, #tpu.memory_space<semaphore_mem>> -> memref<!tpu.dma_semaphore, #tpu.memory_space<semaphore_mem>>
        %dma_wait3A_164 = arith.constant 0 : i32
        %dma_wait3A_165 = arith.constant 0 : i32
        %dma_wait3A_166 = tpu.memref_slice %arg2[%dma_wait3A_164, %dma_wait3A_165] : memref<320000x128xf32, #tpu.memory_space<hbm>> -> memref<400x128xf32, #tpu.memory_space<hbm>>
        tpu.wait_dma2 semaphore(%dma_wait3A_163 : memref<!tpu.dma_semaphore, #tpu.memory_space<semaphore_mem>>) src(%dma_wait3A_166 : memref<400x128xf32, #tpu.memory_space<hbm>>) dst(%arg7 : memref<400x128xf32, #tpu.memory_space<vmem>>)
        %scan3A = arith.constant 0 : i32
        %scan3A_167 = arith.constant 25 : i32
        %scan3A_168 = arith.addi %scan3A, %scan3A_167 : i32
        %scan3A_169 = arith.constant 1 : i32
        %scan3A_170:11 = scf.for %scan3A_181 = %scan3A to %scan3A_168 step %scan3A_169 iter_args(%scan3A_182 = %while3A_112, %scan3A_183 = %while3A_113, %scan3A_184 = %while3A_114, %scan3A_185 = %while3A_115, %scan3A_186 = %while3A_116, %scan3A_187 = %while3A_117, %scan3A_188 = %while3A_118, %scan3A_189 = %while3A_119, %scan3A_190 = %while3A_120, %scan3A_191 = %while3A_121, %scan3A_192 = %while3A_122) -> (i32, i32, i32, vector<16xf32>, vector<16xf32>, vector<16xf32>, vector<16xf32>, vector<16xf32>, vector<16xf32>, vector<16xf32>, vector<16xf32>)  : i32 {
          %mul3A_193 = arith.constant 16 : i32
          %mul3A_194 = arith.muli %scan3A_181, %mul3A_193 : i32
          %get3A_195 = arith.index_cast %mul3A_194 : i32 to index
          %get3A_196 = tpu.vector_load %arg5[%get3A_195] {strides = array<i32>} : memref<400xi32, #tpu.memory_space<vmem>>, vector<16xi32>,
          %slice3A_197 = vector.extract_strided_slice %get3A_196 {offsets = [15], sizes = [1], strides = [1]} : vector<16xi32> to vector<1xi32>
          %squeeze3A_198 = vector.extract %slice3A_197[0] : i32 from vector<1xi32>
          %eq3A_199 = arith.cmpi eq, %squeeze3A_198, %scan3A_182 : i32
          %convert_element_type3A_200 = arith.extui %eq3A_199 : i1 to i32
          %cond3A_201 = arith.constant 0 : i32
          %cond3A_202 = arith.cmpi ne, %convert_element_type3A_200, %cond3A_201 : i32
          %cond3A_203:11 = scf.if %cond3A_202 -> (i32, i32, i32, vector<16xf32>, vector<16xf32>, vector<16xf32>, vector<16xf32>, vector<16xf32>, vector<16xf32>, vector<16xf32>, vector<16xf32>) {
            %add3A_204 = arith.constant 0 : i32
            %add3A_205 = arith.addi %mul3A_194, %add3A_204 : i32
            %get3A_206 = arith.index_cast %add3A_205 : i32 to index
            %get3A_207 = arith.constant 0 : index
            %get3A_208 = tpu.vector_load %arg7[%get3A_206, %get3A_207] {strides = array<i32>} : memref<400x128xf32, #tpu.memory_space<vmem>>, vector<16xf32>,
            %add3A_209 = arith.constant 1 : i32
            %add3A_210 = arith.addi %mul3A_194, %add3A_209 : i32
            %get3A_211 = arith.index_cast %add3A_210 : i32 to index
            %get3A_212 = arith.constant 0 : index
            %get3A_213 = tpu.vector_load %arg7[%get3A_211, %get3A_212] {strides = array<i32>} : memref<400x128xf32, #tpu.memory_space<vmem>>, vector<16xf32>,
            %add3A_214 = arith.constant 2 : i32
            %add3A_215 = arith.addi %mul3A_194, %add3A_214 : i32
            %get3A_216 = arith.index_cast %add3A_215 : i32 to index
            %get3A_217 = arith.constant 0 : index
            %get3A_218 = tpu.vector_load %arg7[%get3A_216, %get3A_217] {strides = array<i32>} : memref<400x128xf32, #tpu.memory_space<vmem>>, vector<16xf32>,
            %add3A_219 = arith.constant 3 : i32
            %add3A_220 = arith.addi %mul3A_194, %add3A_219 : i32
            %get3A_221 = arith.index_cast %add3A_220 : i32 to index
            %get3A_222 = arith.constant 0 : index
            %get3A_223 = tpu.vector_load %arg7[%get3A_221, %get3A_222] {strides = array<i32>} : memref<400x128xf32, #tpu.memory_space<vmem>>, vector<16xf32>,
            %add3A_224 = arith.constant 4 : i32
            %add3A_225 = arith.addi %mul3A_194, %add3A_224 : i32
            %get3A_226 = arith.index_cast %add3A_225 : i32 to index
            %get3A_227 = arith.constant 0 : index
            %get3A_228 = tpu.vector_load %arg7[%get3A_226, %get3A_227] {strides = array<i32>} : memref<400x128xf32, #tpu.memory_space<vmem>>, vector<16xf32>,
            %add3A_229 = arith.constant 5 : i32
            %add3A_230 = arith.addi %mul3A_194, %add3A_229 : i32
            %get3A_231 = arith.index_cast %add3A_230 : i32 to index
            %get3A_232 = arith.constant 0 : index
            %get3A_233 = tpu.vector_load %arg7[%get3A_231, %get3A_232] {strides = array<i32>} : memref<400x128xf32, #tpu.memory_space<vmem>>, vector<16xf32>,
            %add3A_234 = arith.constant 6 : i32
            %add3A_235 = arith.addi %mul3A_194, %add3A_234 : i32
            %get3A_236 = arith.index_cast %add3A_235 : i32 to index
            %get3A_237 = arith.constant 0 : index
            %get3A_238 = tpu.vector_load %arg7[%get3A_236, %get3A_237] {strides = array<i32>} : memref<400x128xf32, #tpu.memory_space<vmem>>, vector<16xf32>,
            %add3A_239 = arith.constant 7 : i32
            %add3A_240 = arith.addi %mul3A_194, %add3A_239 : i32
            %get3A_241 = arith.index_cast %add3A_240 : i32 to index
            %get3A_242 = arith.constant 0 : index
            %get3A_243 = tpu.vector_load %arg7[%get3A_241, %get3A_242] {strides = array<i32>} : memref<400x128xf32, #tpu.memory_space<vmem>>, vector<16xf32>,
            %add3A_244 = arith.constant 8 : i32
            %add3A_245 = arith.addi %mul3A_194, %add3A_244 : i32
            %get3A_246 = arith.index_cast %add3A_245 : i32 to index
            %get3A_247 = arith.constant 0 : index
            %get3A_248 = tpu.vector_load %arg7[%get3A_246, %get3A_247] {strides = array<i32>} : memref<400x128xf32, #tpu.memory_space<vmem>>, vector<16xf32>,
            %add3A_249 = arith.constant 9 : i32
            %add3A_250 = arith.addi %mul3A_194, %add3A_249 : i32
            %get3A_251 = arith.index_cast %add3A_250 : i32 to index
            %get3A_252 = arith.constant 0 : index
            %get3A_253 = tpu.vector_load %arg7[%get3A_251, %get3A_252] {strides = array<i32>} : memref<400x128xf32, #tpu.memory_space<vmem>>, vector<16xf32>,
            %add3A_254 = arith.constant 10 : i32
            %add3A_255 = arith.addi %mul3A_194, %add3A_254 : i32
            %get3A_256 = arith.index_cast %add3A_255 : i32 to index
            %get3A_257 = arith.constant 0 : index
            %get3A_258 = tpu.vector_load %arg7[%get3A_256, %get3A_257] {strides = array<i32>} : memref<400x128xf32, #tpu.memory_space<vmem>>, vector<16xf32>,
            %add3A_259 = arith.constant 11 : i32
            %add3A_260 = arith.addi %mul3A_194, %add3A_259 : i32
            %get3A_261 = arith.index_cast %add3A_260 : i32 to index
            %get3A_262 = arith.constant 0 : index
            %get3A_263 = tpu.vector_load %arg7[%get3A_261, %get3A_262] {strides = array<i32>} : memref<400x128xf32, #tpu.memory_space<vmem>>, vector<16xf32>,
            %add3A_264 = arith.constant 12 : i32
            %add3A_265 = arith.addi %mul3A_194, %add3A_264 : i32
            %get3A_266 = arith.index_cast %add3A_265 : i32 to index
            %get3A_267 = arith.constant 0 : index
            %get3A_268 = tpu.vector_load %arg7[%get3A_266, %get3A_267] {strides = array<i32>} : memref<400x128xf32, #tpu.memory_space<vmem>>, vector<16xf32>,
            %add3A_269 = arith.constant 13 : i32
            %add3A_270 = arith.addi %mul3A_194, %add3A_269 : i32
            %get3A_271 = arith.index_cast %add3A_270 : i32 to index
            %get3A_272 = arith.constant 0 : index
            %get3A_273 = tpu.vector_load %arg7[%get3A_271, %get3A_272] {strides = array<i32>} : memref<400x128xf32, #tpu.memory_space<vmem>>, vector<16xf32>,
            %add3A_274 = arith.constant 14 : i32
            %add3A_275 = arith.addi %mul3A_194, %add3A_274 : i32
            %get3A_276 = arith.index_cast %add3A_275 : i32 to index
            %get3A_277 = arith.constant 0 : index
            %get3A_278 = tpu.vector_load %arg7[%get3A_276, %get3A_277] {strides = array<i32>} : memref<400x128xf32, #tpu.memory_space<vmem>>, vector<16xf32>,
            %add3A_279 = arith.constant 15 : i32
            %add3A_280 = arith.addi %mul3A_194, %add3A_279 : i32
            %get3A_281 = arith.index_cast %add3A_280 : i32 to index
            %get3A_282 = arith.constant 0 : index
            %get3A_283 = tpu.vector_load %arg7[%get3A_281, %get3A_282] {strides = array<i32>} : memref<400x128xf32, #tpu.memory_space<vmem>>, vector<16xf32>,
            %max3A_284 = arith.maximumf %get3A_208, %get3A_213 : vector<16xf32>
            %max3A_285 = arith.maximumf %get3A_218, %get3A_223 : vector<16xf32>
            %max3A_286 = arith.maximumf %get3A_228, %get3A_233 : vector<16xf32>
            %max3A_287 = arith.maximumf %get3A_238, %get3A_243 : vector<16xf32>
            %max3A_288 = arith.maximumf %get3A_248, %get3A_253 : vector<16xf32>
            %max3A_289 = arith.maximumf %get3A_258, %get3A_263 : vector<16xf32>
            %max3A_290 = arith.maximumf %get3A_268, %get3A_273 : vector<16xf32>
            %max3A_291 = arith.maximumf %get3A_278, %get3A_283 : vector<16xf32>
            %max3A_292 = arith.maximumf %max3A_284, %max3A_285 : vector<16xf32>
            %max3A_293 = arith.maximumf %max3A_286, %max3A_287 : vector<16xf32>
            %max3A_294 = arith.maximumf %max3A_288, %max3A_289 : vector<16xf32>
            %max3A_295 = arith.maximumf %max3A_290, %max3A_291 : vector<16xf32>
            %max3A_296 = arith.maximumf %max3A_292, %max3A_293 : vector<16xf32>
            %max3A_297 = arith.maximumf %max3A_294, %max3A_295 : vector<16xf32>
            %max3A_298 = arith.maximumf %max3A_296, %max3A_297 : vector<16xf32>
            %max3A_299 = arith.maximumf %scan3A_185, %max3A_298 : vector<16xf32>
            %add3A_300 = arith.constant 0 : i32
            %add3A_301 = arith.addi %mul3A_194, %add3A_300 : i32
            %get3A_302 = arith.index_cast %add3A_301 : i32 to index
            %get3A_303 = arith.constant 16 : index
            %get3A_304 = tpu.vector_load %arg7[%get3A_302, %get3A_303] {strides = array<i32>} : memref<400x128xf32, #tpu.memory_space<vmem>>, vector<16xf32>,
            %add3A_305 = arith.constant 1 : i32
            %add3A_306 = arith.addi %mul3A_194, %add3A_305 : i32
            %get3A_307 = arith.index_cast %add3A_306 : i32 to index
            %get3A_308 = arith.constant 16 : index
            %get3A_309 = tpu.vector_load %arg7[%get3A_307, %get3A_308] {strides = array<i32>} : memref<400x128xf32, #tpu.memory_space<vmem>>, vector<16xf32>,
            %add3A_310 = arith.constant 2 : i32
            %add3A_311 = arith.addi %mul3A_194, %add3A_310 : i32
            %get3A_312 = arith.index_cast %add3A_311 : i32 to index
            %get3A_313 = arith.constant 16 : index
            %get3A_314 = tpu.vector_load %arg7[%get3A_312, %get3A_313] {strides = array<i32>} : memref<400x128xf32, #tpu.memory_space<vmem>>, vector<16xf32>,
            %add3A_315 = arith.constant 3 : i32
            %add3A_316 = arith.addi %mul3A_194, %add3A_315 : i32
            %get3A_317 = arith.index_cast %add3A_316 : i32 to index
            %get3A_318 = arith.constant 16 : index
            %get3A_319 = tpu.vector_load %arg7[%get3A_317, %get3A_318] {strides = array<i32>} : memref<400x128xf32, #tpu.memory_space<vmem>>, vector<16xf32>,
            %add3A_320 = arith.constant 4 : i32
            %add3A_321 = arith.addi %mul3A_194, %add3A_320 : i32
            %get3A_322 = arith.index_cast %add3A_321 : i32 to index
            %get3A_323 = arith.constant 16 : index
            %get3A_324 = tpu.vector_load %arg7[%get3A_322, %get3A_323] {strides = array<i32>} : memref<400x128xf32, #tpu.memory_space<vmem>>, vector<16xf32>,
            %add3A_325 = arith.constant 5 : i32
            %add3A_326 = arith.addi %mul3A_194, %add3A_325 : i32
            %get3A_327 = arith.index_cast %add3A_326 : i32 to index
            %get3A_328 = arith.constant 16 : index
            %get3A_329 = tpu.vector_load %arg7[%get3A_327, %get3A_328] {strides = array<i32>} : memref<400x128xf32, #tpu.memory_space<vmem>>, vector<16xf32>,
            %add3A_330 = arith.constant 6 : i32
            %add3A_331 = arith.addi %mul3A_194, %add3A_330 : i32
            %get3A_332 = arith.index_cast %add3A_331 : i32 to index
            %get3A_333 = arith.constant 16 : index
            %get3A_334 = tpu.vector_load %arg7[%get3A_332, %get3A_333] {strides = array<i32>} : memref<400x128xf32, #tpu.memory_space<vmem>>, vector<16xf32>,
            %add3A_335 = arith.constant 7 : i32
            %add3A_336 = arith.addi %mul3A_194, %add3A_335 : i32
            %get3A_337 = arith.index_cast %add3A_336 : i32 to index
            %get3A_338 = arith.constant 16 : index
            %get3A_339 = tpu.vector_load %arg7[%get3A_337, %get3A_338] {strides = array<i32>} : memref<400x128xf32, #tpu.memory_space<vmem>>, vector<16xf32>,
            %add3A_340 = arith.constant 8 : i32
            %add3A_341 = arith.addi %mul3A_194, %add3A_340 : i32
            %get3A_342 = arith.index_cast %add3A_341 : i32 to index
            %get3A_343 = arith.constant 16 : index
            %get3A_344 = tpu.vector_load %arg7[%get3A_342, %get3A_343] {strides = array<i32>} : memref<400x128xf32, #tpu.memory_space<vmem>>, vector<16xf32>,
            %add3A_345 = arith.constant 9 : i32
            %add3A_346 = arith.addi %mul3A_194, %add3A_345 : i32
            %get3A_347 = arith.index_cast %add3A_346 : i32 to index
            %get3A_348 = arith.constant 16 : index
            %get3A_349 = tpu.vector_load %arg7[%get3A_347, %get3A_348] {strides = array<i32>} : memref<400x128xf32, #tpu.memory_space<vmem>>, vector<16xf32>,
            %add3A_350 = arith.constant 10 : i32
            %add3A_351 = arith.addi %mul3A_194, %add3A_350 : i32
            %get3A_352 = arith.index_cast %add3A_351 : i32 to index
            %get3A_353 = arith.constant 16 : index
            %get3A_354 = tpu.vector_load %arg7[%get3A_352, %get3A_353] {strides = array<i32>} : memref<400x128xf32, #tpu.memory_space<vmem>>, vector<16xf32>,
            %add3A_355 = arith.constant 11 : i32
            %add3A_356 = arith.addi %mul3A_194, %add3A_355 : i32
            %get3A_357 = arith.index_cast %add3A_356 : i32 to index
            %get3A_358 = arith.constant 16 : index
            %get3A_359 = tpu.vector_load %arg7[%get3A_357, %get3A_358] {strides = array<i32>} : memref<400x128xf32, #tpu.memory_space<vmem>>, vector<16xf32>,
            %add3A_360 = arith.constant 12 : i32
            %add3A_361 = arith.addi %mul3A_194, %add3A_360 : i32
            %get3A_362 = arith.index_cast %add3A_361 : i32 to index
            %get3A_363 = arith.constant 16 : index
            %get3A_364 = tpu.vector_load %arg7[%get3A_362, %get3A_363] {strides = array<i32>} : memref<400x128xf32, #tpu.memory_space<vmem>>, vector<16xf32>,
            %add3A_365 = arith.constant 13 : i32
            %add3A_366 = arith.addi %mul3A_194, %add3A_365 : i32
            %get3A_367 = arith.index_cast %add3A_366 : i32 to index
            %get3A_368 = arith.constant 16 : index
            %get3A_369 = tpu.vector_load %arg7[%get3A_367, %get3A_368] {strides = array<i32>} : memref<400x128xf32, #tpu.memory_space<vmem>>, vector<16xf32>,
            %add3A_370 = arith.constant 14 : i32
            %add3A_371 = arith.addi %mul3A_194, %add3A_370 : i32
            %get3A_372 = arith.index_cast %add3A_371 : i32 to index
            %get3A_373 = arith.constant 16 : index
            %get3A_374 = tpu.vector_load %arg7[%get3A_372, %get3A_373] {strides = array<i32>} : memref<400x128xf32, #tpu.memory_space<vmem>>, vector<16xf32>,
            %add3A_375 = arith.constant 15 : i32
            %add3A_376 = arith.addi %mul3A_194, %add3A_375 : i32
            %get3A_377 = arith.index_cast %add3A_376 : i32 to index
            %get3A_378 = arith.constant 16 : index
            %get3A_379 = tpu.vector_load %arg7[%get3A_377, %get3A_378] {strides = array<i32>} : memref<400x128xf32, #tpu.memory_space<vmem>>, vector<16xf32>,
            %max3A_380 = arith.maximumf %get3A_304, %get3A_309 : vector<16xf32>
            %max3A_381 = arith.maximumf %get3A_314, %get3A_319 : vector<16xf32>
            %max3A_382 = arith.maximumf %get3A_324, %get3A_329 : vector<16xf32>
            %max3A_383 = arith.maximumf %get3A_334, %get3A_339 : vector<16xf32>
            %max3A_384 = arith.maximumf %get3A_344, %get3A_349 : vector<16xf32>
            %max3A_385 = arith.maximumf %get3A_354, %get3A_359 : vector<16xf32>
            %max3A_386 = arith.maximumf %get3A_364, %get3A_369 : vector<16xf32>
            %max3A_387 = arith.maximumf %get3A_374, %get3A_379 : vector<16xf32>
            %max3A_388 = arith.maximumf %max3A_380, %max3A_381 : vector<16xf32>
            %max3A_389 = arith.maximumf %max3A_382, %max3A_383 : vector<16xf32>
            %max3A_390 = arith.maximumf %max3A_384, %max3A_385 : vector<16xf32>
            %max3A_391 = arith.maximumf %max3A_386, %max3A_387 : vector<16xf32>
            %max3A_392 = arith.maximumf %max3A_388, %max3A_389 : vector<16xf32>
            %max3A_393 = arith.maximumf %max3A_390, %max3A_391 : vector<16xf32>
            %max3A_394 = arith.maximumf %max3A_392, %max3A_393 : vector<16xf32>
            %max3A_395 = arith.maximumf %scan3A_186, %max3A_394 : vector<16xf32>
            %add3A_396 = arith.constant 0 : i32
            %add3A_397 = arith.addi %mul3A_194, %add3A_396 : i32
            %get3A_398 = arith.index_cast %add3A_397 : i32 to index
            %get3A_399 = arith.constant 32 : index
            %get3A_400 = tpu.vector_load %arg7[%get3A_398, %get3A_399] {strides = array<i32>} : memref<400x128xf32, #tpu.memory_space<vmem>>, vector<16xf32>,
            %add3A_401 = arith.constant 1 : i32
            %add3A_402 = arith.addi %mul3A_194, %add3A_401 : i32
            %get3A_403 = arith.index_cast %add3A_402 : i32 to index
            %get3A_404 = arith.constant 32 : index
            %get3A_405 = tpu.vector_load %arg7[%get3A_403, %get3A_404] {strides = array<i32>} : memref<400x128xf32, #tpu.memory_space<vmem>>, vector<16xf32>,
            %add3A_406 = arith.constant 2 : i32
            %add3A_407 = arith.addi %mul3A_194, %add3A_406 : i32
            %get3A_408 = arith.index_cast %add3A_407 : i32 to index
            %get3A_409 = arith.constant 32 : index
            %get3A_410 = tpu.vector_load %arg7[%get3A_408, %get3A_409] {strides = array<i32>} : memref<400x128xf32, #tpu.memory_space<vmem>>, vector<16xf32>,
            %add3A_411 = arith.constant 3 : i32
            %add3A_412 = arith.addi %mul3A_194, %add3A_411 : i32
            %get3A_413 = arith.index_cast %add3A_412 : i32 to index
            %get3A_414 = arith.constant 32 : index
            %get3A_415 = tpu.vector_load %arg7[%get3A_413, %get3A_414] {strides = array<i32>} : memref<400x128xf32, #tpu.memory_space<vmem>>, vector<16xf32>,
            %add3A_416 = arith.constant 4 : i32
            %add3A_417 = arith.addi %mul3A_194, %add3A_416 : i32
            %get3A_418 = arith.index_cast %add3A_417 : i32 to index
            %get3A_419 = arith.constant 32 : index
            %get3A_420 = tpu.vector_load %arg7[%get3A_418, %get3A_419] {strides = array<i32>} : memref<400x128xf32, #tpu.memory_space<vmem>>, vector<16xf32>,
            %add3A_421 = arith.constant 5 : i32
            %add3A_422 = arith.addi %mul3A_194, %add3A_421 : i32
            %get3A_423 = arith.index_cast %add3A_422 : i32 to index
            %get3A_424 = arith.constant 32 : index
            %get3A_425 = tpu.vector_load %arg7[%get3A_423, %get3A_424] {strides = array<i32>} : memref<400x128xf32, #tpu.memory_space<vmem>>, vector<16xf32>,
            %add3A_426 = arith.constant 6 : i32
            %add3A_427 = arith.addi %mul3A_194, %add3A_426 : i32
            %get3A_428 = arith.index_cast %add3A_427 : i32 to index
            %get3A_429 = arith.constant 32 : index
            %get3A_430 = tpu.vector_load %arg7[%get3A_428, %get3A_429] {strides = array<i32>} : memref<400x128xf32, #tpu.memory_space<vmem>>, vector<16xf32>,
            %add3A_431 = arith.constant 7 : i32
            %add3A_432 = arith.addi %mul3A_194, %add3A_431 : i32
            %get3A_433 = arith.index_cast %add3A_432 : i32 to index
            %get3A_434 = arith.constant 32 : index
            %get3A_435 = tpu.vector_load %arg7[%get3A_433, %get3A_434] {strides = array<i32>} : memref<400x128xf32, #tpu.memory_space<vmem>>, vector<16xf32>,
            %add3A_436 = arith.constant 8 : i32
            %add3A_437 = arith.addi %mul3A_194, %add3A_436 : i32
            %get3A_438 = arith.index_cast %add3A_437 : i32 to index
            %get3A_439 = arith.constant 32 : index
            %get3A_440 = tpu.vector_load %arg7[%get3A_438, %get3A_439] {strides = array<i32>} : memref<400x128xf32, #tpu.memory_space<vmem>>, vector<16xf32>,
            %add3A_441 = arith.constant 9 : i32
            %add3A_442 = arith.addi %mul3A_194, %add3A_441 : i32
            %get3A_443 = arith.index_cast %add3A_442 : i32 to index
            %get3A_444 = arith.constant 32 : index
            %get3A_445 = tpu.vector_load %arg7[%get3A_443, %get3A_444] {strides = array<i32>} : memref<400x128xf32, #tpu.memory_space<vmem>>, vector<16xf32>,
            %add3A_446 = arith.constant 10 : i32
            %add3A_447 = arith.addi %mul3A_194, %add3A_446 : i32
            %get3A_448 = arith.index_cast %add3A_447 : i32 to index
            %get3A_449 = arith.constant 32 : index
            %get3A_450 = tpu.vector_load %arg7[%get3A_448, %get3A_449] {strides = array<i32>} : memref<400x128xf32, #tpu.memory_space<vmem>>, vector<16xf32>,
            %add3A_451 = arith.constant 11 : i32
            %add3A_452 = arith.addi %mul3A_194, %add3A_451 : i32
            %get3A_453 = arith.index_cast %add3A_452 : i32 to index
            %get3A_454 = arith.constant 32 : index
            %get3A_455 = tpu.vector_load %arg7[%get3A_453, %get3A_454] {strides = array<i32>} : memref<400x128xf32, #tpu.memory_space<vmem>>, vector<16xf32>,
            %add3A_456 = arith.constant 12 : i32
            %add3A_457 = arith.addi %mul3A_194, %add3A_456 : i32
            %get3A_458 = arith.index_cast %add3A_457 : i32 to index
            %get3A_459 = arith.constant 32 : index
            %get3A_460 = tpu.vector_load %arg7[%get3A_458, %get3A_459] {strides = array<i32>} : memref<400x128xf32, #tpu.memory_space<vmem>>, vector<16xf32>,
            %add3A_461 = arith.constant 13 : i32
            %add3A_462 = arith.addi %mul3A_194, %add3A_461 : i32
            %get3A_463 = arith.index_cast %add3A_462 : i32 to index
            %get3A_464 = arith.constant 32 : index
            %get3A_465 = tpu.vector_load %arg7[%get3A_463, %get3A_464] {strides = array<i32>} : memref<400x128xf32, #tpu.memory_space<vmem>>, vector<16xf32>,
            %add3A_466 = arith.constant 14 : i32
            %add3A_467 = arith.addi %mul3A_194, %add3A_466 : i32
            %get3A_468 = arith.index_cast %add3A_467 : i32 to index
            %get3A_469 = arith.constant 32 : index
            %get3A_470 = tpu.vector_load %arg7[%get3A_468, %get3A_469] {strides = array<i32>} : memref<400x128xf32, #tpu.memory_space<vmem>>, vector<16xf32>,
            %add3A_471 = arith.constant 15 : i32
            %add3A_472 = arith.addi %mul3A_194, %add3A_471 : i32
            %get3A_473 = arith.index_cast %add3A_472 : i32 to index
            %get3A_474 = arith.constant 32 : index
            %get3A_475 = tpu.vector_load %arg7[%get3A_473, %get3A_474] {strides = array<i32>} : memref<400x128xf32, #tpu.memory_space<vmem>>, vector<16xf32>,
            %max3A_476 = arith.maximumf %get3A_400, %get3A_405 : vector<16xf32>
            %max3A_477 = arith.maximumf %get3A_410, %get3A_415 : vector<16xf32>
            %max3A_478 = arith.maximumf %get3A_420, %get3A_425 : vector<16xf32>
            %max3A_479 = arith.maximumf %get3A_430, %get3A_435 : vector<16xf32>
            %max3A_480 = arith.maximumf %get3A_440, %get3A_445 : vector<16xf32>
            %max3A_481 = arith.maximumf %get3A_450, %get3A_455 : vector<16xf32>
            %max3A_482 = arith.maximumf %get3A_460, %get3A_465 : vector<16xf32>
            %max3A_483 = arith.maximumf %get3A_470, %get3A_475 : vector<16xf32>
            %max3A_484 = arith.maximumf %max3A_476, %max3A_477 : vector<16xf32>
            %max3A_485 = arith.maximumf %max3A_478, %max3A_479 : vector<16xf32>
            %max3A_486 = arith.maximumf %max3A_480, %max3A_481 : vector<16xf32>
            %max3A_487 = arith.maximumf %max3A_482, %max3A_483 : vector<16xf32>
            %max3A_488 = arith.maximumf %max3A_484, %max3A_485 : vector<16xf32>
            %max3A_489 = arith.maximumf %max3A_486, %max3A_487 : vector<16xf32>
            %max3A_490 = arith.maximumf %max3A_488, %max3A_489 : vector<16xf32>
            %max3A_491 = arith.maximumf %scan3A_187, %max3A_490 : vector<16xf32>
            %add3A_492 = arith.constant 0 : i32
            %add3A_493 = arith.addi %mul3A_194, %add3A_492 : i32
            %get3A_494 = arith.index_cast %add3A_493 : i32 to index
            %get3A_495 = arith.constant 48 : index
            %get3A_496 = tpu.vector_load %arg7[%get3A_494, %get3A_495] {strides = array<i32>} : memref<400x128xf32, #tpu.memory_space<vmem>>, vector<16xf32>,
            %add3A_497 = arith.constant 1 : i32
            %add3A_498 = arith.addi %mul3A_194, %add3A_497 : i32
            %get3A_499 = arith.index_cast %add3A_498 : i32 to index
            %get3A_500 = arith.constant 48 : index
            %get3A_501 = tpu.vector_load %arg7[%get3A_499, %get3A_500] {strides = array<i32>} : memref<400x128xf32, #tpu.memory_space<vmem>>, vector<16xf32>,
            %add3A_502 = arith.constant 2 : i32
            %add3A_503 = arith.addi %mul3A_194, %add3A_502 : i32
            %get3A_504 = arith.index_cast %add3A_503 : i32 to index
            %get3A_505 = arith.constant 48 : index
            %get3A_506 = tpu.vector_load %arg7[%get3A_504, %get3A_505] {strides = array<i32>} : memref<400x128xf32, #tpu.memory_space<vmem>>, vector<16xf32>,
            %add3A_507 = arith.constant 3 : i32
            %add3A_508 = arith.addi %mul3A_194, %add3A_507 : i32
            %get3A_509 = arith.index_cast %add3A_508 : i32 to index
            %get3A_510 = arith.constant 48 : index
            %get3A_511 = tpu.vector_load %arg7[%get3A_509, %get3A_510] {strides = array<i32>} : memref<400x128xf32, #tpu.memory_space<vmem>>, vector<16xf32>,
            %add3A_512 = arith.constant 4 : i32
            %add3A_513 = arith.addi %mul3A_194, %add3A_512 : i32
            %get3A_514 = arith.index_cast %add3A_513 : i32 to index
            %get3A_515 = arith.constant 48 : index
            %get3A_516 = tpu.vector_load %arg7[%get3A_514, %get3A_515] {strides = array<i32>} : memref<400x128xf32, #tpu.memory_space<vmem>>, vector<16xf32>,
            %add3A_517 = arith.constant 5 : i32
            %add3A_518 = arith.addi %mul3A_194, %add3A_517 : i32
            %get3A_519 = arith.index_cast %add3A_518 : i32 to index
            %get3A_520 = arith.constant 48 : index
            %get3A_521 = tpu.vector_load %arg7[%get3A_519, %get3A_520] {strides = array<i32>} : memref<400x128xf32, #tpu.memory_space<vmem>>, vector<16xf32>,
            %add3A_522 = arith.constant 6 : i32
            %add3A_523 = arith.addi %mul3A_194, %add3A_522 : i32
            %get3A_524 = arith.index_cast %add3A_523 : i32 to index
            %get3A_525 = arith.constant 48 : index
            %get3A_526 = tpu.vector_load %arg7[%get3A_524, %get3A_525] {strides = array<i32>} : memref<400x128xf32, #tpu.memory_space<vmem>>, vector<16xf32>,
            %add3A_527 = arith.constant 7 : i32
            %add3A_528 = arith.addi %mul3A_194, %add3A_527 : i32
            %get3A_529 = arith.index_cast %add3A_528 : i32 to index
            %get3A_530 = arith.constant 48 : index
            %get3A_531 = tpu.vector_load %arg7[%get3A_529, %get3A_530] {strides = array<i32>} : memref<400x128xf32, #tpu.memory_space<vmem>>, vector<16xf32>,
            %add3A_532 = arith.constant 8 : i32
            %add3A_533 = arith.addi %mul3A_194, %add3A_532 : i32
            %get3A_534 = arith.index_cast %add3A_533 : i32 to index
            %get3A_535 = arith.constant 48 : index
            %get3A_536 = tpu.vector_load %arg7[%get3A_534, %get3A_535] {strides = array<i32>} : memref<400x128xf32, #tpu.memory_space<vmem>>, vector<16xf32>,
            %add3A_537 = arith.constant 9 : i32
            %add3A_538 = arith.addi %mul3A_194, %add3A_537 : i32
            %get3A_539 = arith.index_cast %add3A_538 : i32 to index
            %get3A_540 = arith.constant 48 : index
            %get3A_541 = tpu.vector_load %arg7[%get3A_539, %get3A_540] {strides = array<i32>} : memref<400x128xf32, #tpu.memory_space<vmem>>, vector<16xf32>,
            %add3A_542 = arith.constant 10 : i32
            %add3A_543 = arith.addi %mul3A_194, %add3A_542 : i32
            %get3A_544 = arith.index_cast %add3A_543 : i32 to index
            %get3A_545 = arith.constant 48 : index
            %get3A_546 = tpu.vector_load %arg7[%get3A_544, %get3A_545] {strides = array<i32>} : memref<400x128xf32, #tpu.memory_space<vmem>>, vector<16xf32>,
            %add3A_547 = arith.constant 11 : i32
            %add3A_548 = arith.addi %mul3A_194, %add3A_547 : i32
            %get3A_549 = arith.index_cast %add3A_548 : i32 to index
            %get3A_550 = arith.constant 48 : index
            %get3A_551 = tpu.vector_load %arg7[%get3A_549, %get3A_550] {strides = array<i32>} : memref<400x128xf32, #tpu.memory_space<vmem>>, vector<16xf32>,
            %add3A_552 = arith.constant 12 : i32
            %add3A_553 = arith.addi %mul3A_194, %add3A_552 : i32
            %get3A_554 = arith.index_cast %add3A_553 : i32 to index
            %get3A_555 = arith.constant 48 : index
            %get3A_556 = tpu.vector_load %arg7[%get3A_554, %get3A_555] {strides = array<i32>} : memref<400x128xf32, #tpu.memory_space<vmem>>, vector<16xf32>,
            %add3A_557 = arith.constant 13 : i32
            %add3A_558 = arith.addi %mul3A_194, %add3A_557 : i32
            %get3A_559 = arith.index_cast %add3A_558 : i32 to index
            %get3A_560 = arith.constant 48 : index
            %get3A_561 = tpu.vector_load %arg7[%get3A_559, %get3A_560] {strides = array<i32>} : memref<400x128xf32, #tpu.memory_space<vmem>>, vector<16xf32>,
            %add3A_562 = arith.constant 14 : i32
            %add3A_563 = arith.addi %mul3A_194, %add3A_562 : i32
            %get3A_564 = arith.index_cast %add3A_563 : i32 to index
            %get3A_565 = arith.constant 48 : index
            %get3A_566 = tpu.vector_load %arg7[%get3A_564, %get3A_565] {strides = array<i32>} : memref<400x128xf32, #tpu.memory_space<vmem>>, vector<16xf32>,
            %add3A_567 = arith.constant 15 : i32
            %add3A_568 = arith.addi %mul3A_194, %add3A_567 : i32
            %get3A_569 = arith.index_cast %add3A_568 : i32 to index
            %get3A_570 = arith.constant 48 : index
            %get3A_571 = tpu.vector_load %arg7[%get3A_569, %get3A_570] {strides = array<i32>} : memref<400x128xf32, #tpu.memory_space<vmem>>, vector<16xf32>,
            %max3A_572 = arith.maximumf %get3A_496, %get3A_501 : vector<16xf32>
            %max3A_573 = arith.maximumf %get3A_506, %get3A_511 : vector<16xf32>
            %max3A_574 = arith.maximumf %get3A_516, %get3A_521 : vector<16xf32>
            %max3A_575 = arith.maximumf %get3A_526, %get3A_531 : vector<16xf32>
            %max3A_576 = arith.maximumf %get3A_536, %get3A_541 : vector<16xf32>
            %max3A_577 = arith.maximumf %get3A_546, %get3A_551 : vector<16xf32>
            %max3A_578 = arith.maximumf %get3A_556, %get3A_561 : vector<16xf32>
            %max3A_579 = arith.maximumf %get3A_566, %get3A_571 : vector<16xf32>
            %max3A_580 = arith.maximumf %max3A_572, %max3A_573 : vector<16xf32>
            %max3A_581 = arith.maximumf %max3A_574, %max3A_575 : vector<16xf32>
            %max3A_582 = arith.maximumf %max3A_576, %max3A_577 : vector<16xf32>
            %max3A_583 = arith.maximumf %max3A_578, %max3A_579 : vector<16xf32>
            %max3A_584 = arith.maximumf %max3A_580, %max3A_581 : vector<16xf32>
            %max3A_585 = arith.maximumf %max3A_582, %max3A_583 : vector<16xf32>
            %max3A_586 = arith.maximumf %max3A_584, %max3A_585 : vector<16xf32>
            %max3A_587 = arith.maximumf %scan3A_188, %max3A_586 : vector<16xf32>
            %add3A_588 = arith.constant 0 : i32
            %add3A_589 = arith.addi %mul3A_194, %add3A_588 : i32
            %get3A_590 = arith.index_cast %add3A_589 : i32 to index
            %get3A_591 = arith.constant 64 : index
            %get3A_592 = tpu.vector_load %arg7[%get3A_590, %get3A_591] {strides = array<i32>} : memref<400x128xf32, #tpu.memory_space<vmem>>, vector<16xf32>,
            %add3A_593 = arith.constant 1 : i32
            %add3A_594 = arith.addi %mul3A_194, %add3A_593 : i32
            %get3A_595 = arith.index_cast %add3A_594 : i32 to index
            %get3A_596 = arith.constant 64 : index
            %get3A_597 = tpu.vector_load %arg7[%get3A_595, %get3A_596] {strides = array<i32>} : memref<400x128xf32, #tpu.memory_space<vmem>>, vector<16xf32>,
            %add3A_598 = arith.constant 2 : i32
            %add3A_599 = arith.addi %mul3A_194, %add3A_598 : i32
            %get3A_600 = arith.index_cast %add3A_599 : i32 to index
            %get3A_601 = arith.constant 64 : index
            %get3A_602 = tpu.vector_load %arg7[%get3A_600, %get3A_601] {strides = array<i32>} : memref<400x128xf32, #tpu.memory_space<vmem>>, vector<16xf32>,
            %add3A_603 = arith.constant 3 : i32
            %add3A_604 = arith.addi %mul3A_194, %add3A_603 : i32
            %get3A_605 = arith.index_cast %add3A_604 : i32 to index
            %get3A_606 = arith.constant 64 : index
            %get3A_607 = tpu.vector_load %arg7[%get3A_605, %get3A_606] {strides = array<i32>} : memref<400x128xf32, #tpu.memory_space<vmem>>, vector<16xf32>,
            %add3A_608 = arith.constant 4 : i32
            %add3A_609 = arith.addi %mul3A_194, %add3A_608 : i32
            %get3A_610 = arith.index_cast %add3A_609 : i32 to index
            %get3A_611 = arith.constant 64 : index
            %get3A_612 = tpu.vector_load %arg7[%get3A_610, %get3A_611] {strides = array<i32>} : memref<400x128xf32, #tpu.memory_space<vmem>>, vector<16xf32>,
            %add3A_613 = arith.constant 5 : i32
            %add3A_614 = arith.addi %mul3A_194, %add3A_613 : i32
            %get3A_615 = arith.index_cast %add3A_614 : i32 to index
            %get3A_616 = arith.constant 64 : index
            %get3A_617 = tpu.vector_load %arg7[%get3A_615, %get3A_616] {strides = array<i32>} : memref<400x128xf32, #tpu.memory_space<vmem>>, vector<16xf32>,
            %add3A_618 = arith.constant 6 : i32
            %add3A_619 = arith.addi %mul3A_194, %add3A_618 : i32
            %get3A_620 = arith.index_cast %add3A_619 : i32 to index
            %get3A_621 = arith.constant 64 : index
            %get3A_622 = tpu.vector_load %arg7[%get3A_620, %get3A_621] {strides = array<i32>} : memref<400x128xf32, #tpu.memory_space<vmem>>, vector<16xf32>,
            %add3A_623 = arith.constant 7 : i32
            %add3A_624 = arith.addi %mul3A_194, %add3A_623 : i32
            %get3A_625 = arith.index_cast %add3A_624 : i32 to index
            %get3A_626 = arith.constant 64 : index
            %get3A_627 = tpu.vector_load %arg7[%get3A_625, %get3A_626] {strides = array<i32>} : memref<400x128xf32, #tpu.memory_space<vmem>>, vector<16xf32>,
            %add3A_628 = arith.constant 8 : i32
            %add3A_629 = arith.addi %mul3A_194, %add3A_628 : i32
            %get3A_630 = arith.index_cast %add3A_629 : i32 to index
            %get3A_631 = arith.constant 64 : index
            %get3A_632 = tpu.vector_load %arg7[%get3A_630, %get3A_631] {strides = array<i32>} : memref<400x128xf32, #tpu.memory_space<vmem>>, vector<16xf32>,
            %add3A_633 = arith.constant 9 : i32
            %add3A_634 = arith.addi %mul3A_194, %add3A_633 : i32
            %get3A_635 = arith.index_cast %add3A_634 : i32 to index
            %get3A_636 = arith.constant 64 : index
            %get3A_637 = tpu.vector_load %arg7[%get3A_635, %get3A_636] {strides = array<i32>} : memref<400x128xf32, #tpu.memory_space<vmem>>, vector<16xf32>,
            %add3A_638 = arith.constant 10 : i32
            %add3A_639 = arith.addi %mul3A_194, %add3A_638 : i32
            %get3A_640 = arith.index_cast %add3A_639 : i32 to index
            %get3A_641 = arith.constant 64 : index
            %get3A_642 = tpu.vector_load %arg7[%get3A_640, %get3A_641] {strides = array<i32>} : memref<400x128xf32, #tpu.memory_space<vmem>>, vector<16xf32>,
            %add3A_643 = arith.constant 11 : i32
            %add3A_644 = arith.addi %mul3A_194, %add3A_643 : i32
            %get3A_645 = arith.index_cast %add3A_644 : i32 to index
            %get3A_646 = arith.constant 64 : index
            %get3A_647 = tpu.vector_load %arg7[%get3A_645, %get3A_646] {strides = array<i32>} : memref<400x128xf32, #tpu.memory_space<vmem>>, vector<16xf32>,
            %add3A_648 = arith.constant 12 : i32
            %add3A_649 = arith.addi %mul3A_194, %add3A_648 : i32
            %get3A_650 = arith.index_cast %add3A_649 : i32 to index
            %get3A_651 = arith.constant 64 : index
            %get3A_652 = tpu.vector_load %arg7[%get3A_650, %get3A_651] {strides = array<i32>} : memref<400x128xf32, #tpu.memory_space<vmem>>, vector<16xf32>,
            %add3A_653 = arith.constant 13 : i32
            %add3A_654 = arith.addi %mul3A_194, %add3A_653 : i32
            %get3A_655 = arith.index_cast %add3A_654 : i32 to index
            %get3A_656 = arith.constant 64 : index
            %get3A_657 = tpu.vector_load %arg7[%get3A_655, %get3A_656] {strides = array<i32>} : memref<400x128xf32, #tpu.memory_space<vmem>>, vector<16xf32>,
            %add3A_658 = arith.constant 14 : i32
            %add3A_659 = arith.addi %mul3A_194, %add3A_658 : i32
            %get3A_660 = arith.index_cast %add3A_659 : i32 to index
            %get3A_661 = arith.constant 64 : index
            %get3A_662 = tpu.vector_load %arg7[%get3A_660, %get3A_661] {strides = array<i32>} : memref<400x128xf32, #tpu.memory_space<vmem>>, vector<16xf32>,
            %add3A_663 = arith.constant 15 : i32
            %add3A_664 = arith.addi %mul3A_194, %add3A_663 : i32
            %get3A_665 = arith.index_cast %add3A_664 : i32 to index
            %get3A_666 = arith.constant 64 : index
            %get3A_667 = tpu.vector_load %arg7[%get3A_665, %get3A_666] {strides = array<i32>} : memref<400x128xf32, #tpu.memory_space<vmem>>, vector<16xf32>,
            %max3A_668 = arith.maximumf %get3A_592, %get3A_597 : vector<16xf32>
            %max3A_669 = arith.maximumf %get3A_602, %get3A_607 : vector<16xf32>
            %max3A_670 = arith.maximumf %get3A_612, %get3A_617 : vector<16xf32>
            %max3A_671 = arith.maximumf %get3A_622, %get3A_627 : vector<16xf32>
            %max3A_672 = arith.maximumf %get3A_632, %get3A_637 : vector<16xf32>
            %max3A_673 = arith.maximumf %get3A_642, %get3A_647 : vector<16xf32>
            %max3A_674 = arith.maximumf %get3A_652, %get3A_657 : vector<16xf32>
            %max3A_675 = arith.maximumf %get3A_662, %get3A_667 : vector<16xf32>
            %max3A_676 = arith.maximumf %max3A_668, %max3A_669 : vector<16xf32>
            %max3A_677 = arith.maximumf %max3A_670, %max3A_671 : vector<16xf32>
            %max3A_678 = arith.maximumf %max3A_672, %max3A_673 : vector<16xf32>
            %max3A_679 = arith.maximumf %max3A_674, %max3A_675 : vector<16xf32>
            %max3A_680 = arith.maximumf %max3A_676, %max3A_677 : vector<16xf32>
            %max3A_681 = arith.maximumf %max3A_678, %max3A_679 : vector<16xf32>
            %max3A_682 = arith.maximumf %max3A_680, %max3A_681 : vector<16xf32>
            %max3A_683 = arith.maximumf %scan3A_189, %max3A_682 : vector<16xf32>
            %add3A_684 = arith.constant 0 : i32
            %add3A_685 = arith.addi %mul3A_194, %add3A_684 : i32
            %get3A_686 = arith.index_cast %add3A_685 : i32 to index
            %get3A_687 = arith.constant 80 : index
            %get3A_688 = tpu.vector_load %arg7[%get3A_686, %get3A_687] {strides = array<i32>} : memref<400x128xf32, #tpu.memory_space<vmem>>, vector<16xf32>,
            %add3A_689 = arith.constant 1 : i32
            %add3A_690 = arith.addi %mul3A_194, %add3A_689 : i32
            %get3A_691 = arith.index_cast %add3A_690 : i32 to index
            %get3A_692 = arith.constant 80 : index
            %get3A_693 = tpu.vector_load %arg7[%get3A_691, %get3A_692] {strides = array<i32>} : memref<400x128xf32, #tpu.memory_space<vmem>>, vector<16xf32>,
            %add3A_694 = arith.constant 2 : i32
            %add3A_695 = arith.addi %mul3A_194, %add3A_694 : i32
            %get3A_696 = arith.index_cast %add3A_695 : i32 to index
            %get3A_697 = arith.constant 80 : index
            %get3A_698 = tpu.vector_load %arg7[%get3A_696, %get3A_697] {strides = array<i32>} : memref<400x128xf32, #tpu.memory_space<vmem>>, vector<16xf32>,
            %add3A_699 = arith.constant 3 : i32
            %add3A_700 = arith.addi %mul3A_194, %add3A_699 : i32
            %get3A_701 = arith.index_cast %add3A_700 : i32 to index
            %get3A_702 = arith.constant 80 : index
            %get3A_703 = tpu.vector_load %arg7[%get3A_701, %get3A_702] {strides = array<i32>} : memref<400x128xf32, #tpu.memory_space<vmem>>, vector<16xf32>,
            %add3A_704 = arith.constant 4 : i32
            %add3A_705 = arith.addi %mul3A_194, %add3A_704 : i32
            %get3A_706 = arith.index_cast %add3A_705 : i32 to index
            %get3A_707 = arith.constant 80 : index
            %get3A_708 = tpu.vector_load %arg7[%get3A_706, %get3A_707] {strides = array<i32>} : memref<400x128xf32, #tpu.memory_space<vmem>>, vector<16xf32>,
            %add3A_709 = arith.constant 5 : i32
            %add3A_710 = arith.addi %mul3A_194, %add3A_709 : i32
            %get3A_711 = arith.index_cast %add3A_710 : i32 to index
            %get3A_712 = arith.constant 80 : index
            %get3A_713 = tpu.vector_load %arg7[%get3A_711, %get3A_712] {strides = array<i32>} : memref<400x128xf32, #tpu.memory_space<vmem>>, vector<16xf32>,
            %add3A_714 = arith.constant 6 : i32
            %add3A_715 = arith.addi %mul3A_194, %add3A_714 : i32
            %get3A_716 = arith.index_cast %add3A_715 : i32 to index
            %get3A_717 = arith.constant 80 : index
            %get3A_718 = tpu.vector_load %arg7[%get3A_716, %get3A_717] {strides = array<i32>} : memref<400x128xf32, #tpu.memory_space<vmem>>, vector<16xf32>,
            %add3A_719 = arith.constant 7 : i32
            %add3A_720 = arith.addi %mul3A_194, %add3A_719 : i32
            %get3A_721 = arith.index_cast %add3A_720 : i32 to index
            %get3A_722 = arith.constant 80 : index
            %get3A_723 = tpu.vector_load %arg7[%get3A_721, %get3A_722] {strides = array<i32>} : memref<400x128xf32, #tpu.memory_space<vmem>>, vector<16xf32>,
            %add3A_724 = arith.constant 8 : i32
            %add3A_725 = arith.addi %mul3A_194, %add3A_724 : i32
            %get3A_726 = arith.index_cast %add3A_725 : i32 to index
            %get3A_727 = arith.constant 80 : index
            %get3A_728 = tpu.vector_load %arg7[%get3A_726, %get3A_727] {strides = array<i32>} : memref<400x128xf32, #tpu.memory_space<vmem>>, vector<16xf32>,
            %add3A_729 = arith.constant 9 : i32
            %add3A_730 = arith.addi %mul3A_194, %add3A_729 : i32
            %get3A_731 = arith.index_cast %add3A_730 : i32 to index
            %get3A_732 = arith.constant 80 : index
            %get3A_733 = tpu.vector_load %arg7[%get3A_731, %get3A_732] {strides = array<i32>} : memref<400x128xf32, #tpu.memory_space<vmem>>, vector<16xf32>,
            %add3A_734 = arith.constant 10 : i32
            %add3A_735 = arith.addi %mul3A_194, %add3A_734 : i32
            %get3A_736 = arith.index_cast %add3A_735 : i32 to index
            %get3A_737 = arith.constant 80 : index
            %get3A_738 = tpu.vector_load %arg7[%get3A_736, %get3A_737] {strides = array<i32>} : memref<400x128xf32, #tpu.memory_space<vmem>>, vector<16xf32>,
            %add3A_739 = arith.constant 11 : i32
            %add3A_740 = arith.addi %mul3A_194, %add3A_739 : i32
            %get3A_741 = arith.index_cast %add3A_740 : i32 to index
            %get3A_742 = arith.constant 80 : index
            %get3A_743 = tpu.vector_load %arg7[%get3A_741, %get3A_742] {strides = array<i32>} : memref<400x128xf32, #tpu.memory_space<vmem>>, vector<16xf32>,
            %add3A_744 = arith.constant 12 : i32
            %add3A_745 = arith.addi %mul3A_194, %add3A_744 : i32
            %get3A_746 = arith.index_cast %add3A_745 : i32 to index
            %get3A_747 = arith.constant 80 : index
            %get3A_748 = tpu.vector_load %arg7[%get3A_746, %get3A_747] {strides = array<i32>} : memref<400x128xf32, #tpu.memory_space<vmem>>, vector<16xf32>,
            %add3A_749 = arith.constant 13 : i32
            %add3A_750 = arith.addi %mul3A_194, %add3A_749 : i32
            %get3A_751 = arith.index_cast %add3A_750 : i32 to index
            %get3A_752 = arith.constant 80 : index
            %get3A_753 = tpu.vector_load %arg7[%get3A_751, %get3A_752] {strides = array<i32>} : memref<400x128xf32, #tpu.memory_space<vmem>>, vector<16xf32>,
            %add3A_754 = arith.constant 14 : i32
            %add3A_755 = arith.addi %mul3A_194, %add3A_754 : i32
            %get3A_756 = arith.index_cast %add3A_755 : i32 to index
            %get3A_757 = arith.constant 80 : index
            %get3A_758 = tpu.vector_load %arg7[%get3A_756, %get3A_757] {strides = array<i32>} : memref<400x128xf32, #tpu.memory_space<vmem>>, vector<16xf32>,
            %add3A_759 = arith.constant 15 : i32
            %add3A_760 = arith.addi %mul3A_194, %add3A_759 : i32
            %get3A_761 = arith.index_cast %add3A_760 : i32 to index
            %get3A_762 = arith.constant 80 : index
            %get3A_763 = tpu.vector_load %arg7[%get3A_761, %get3A_762] {strides = array<i32>} : memref<400x128xf32, #tpu.memory_space<vmem>>, vector<16xf32>,
            %max3A_764 = arith.maximumf %get3A_688, %get3A_693 : vector<16xf32>
            %max3A_765 = arith.maximumf %get3A_698, %get3A_703 : vector<16xf32>
            %max3A_766 = arith.maximumf %get3A_708, %get3A_713 : vector<16xf32>
            %max3A_767 = arith.maximumf %get3A_718, %get3A_723 : vector<16xf32>
            %max3A_768 = arith.maximumf %get3A_728, %get3A_733 : vector<16xf32>
            %max3A_769 = arith.maximumf %get3A_738, %get3A_743 : vector<16xf32>
            %max3A_770 = arith.maximumf %get3A_748, %get3A_753 : vector<16xf32>
            %max3A_771 = arith.maximumf %get3A_758, %get3A_763 : vector<16xf32>
            %max3A_772 = arith.maximumf %max3A_764, %max3A_765 : vector<16xf32>
            %max3A_773 = arith.maximumf %max3A_766, %max3A_767 : vector<16xf32>
            %max3A_774 = arith.maximumf %max3A_768, %max3A_769 : vector<16xf32>
            %max3A_775 = arith.maximumf %max3A_770, %max3A_771 : vector<16xf32>
            %max3A_776 = arith.maximumf %max3A_772, %max3A_773 : vector<16xf32>
            %max3A_777 = arith.maximumf %max3A_774, %max3A_775 : vector<16xf32>
            %max3A_778 = arith.maximumf %max3A_776, %max3A_777 : vector<16xf32>
            %max3A_779 = arith.maximumf %scan3A_190, %max3A_778 : vector<16xf32>
            %add3A_780 = arith.constant 0 : i32
            %add3A_781 = arith.addi %mul3A_194, %add3A_780 : i32
            %get3A_782 = arith.index_cast %add3A_781 : i32 to index
            %get3A_783 = arith.constant 96 : index
            %get3A_784 = tpu.vector_load %arg7[%get3A_782, %get3A_783] {strides = array<i32>} : memref<400x128xf32, #tpu.memory_space<vmem>>, vector<16xf32>,
            %add3A_785 = arith.constant 1 : i32
            %add3A_786 = arith.addi %mul3A_194, %add3A_785 : i32
            %get3A_787 = arith.index_cast %add3A_786 : i32 to index
            %get3A_788 = arith.constant 96 : index
            %get3A_789 = tpu.vector_load %arg7[%get3A_787, %get3A_788] {strides = array<i32>} : memref<400x128xf32, #tpu.memory_space<vmem>>, vector<16xf32>,
            %add3A_790 = arith.constant 2 : i32
            %add3A_791 = arith.addi %mul3A_194, %add3A_790 : i32
            %get3A_792 = arith.index_cast %add3A_791 : i32 to index
            %get3A_793 = arith.constant 96 : index
            %get3A_794 = tpu.vector_load %arg7[%get3A_792, %get3A_793] {strides = array<i32>} : memref<400x128xf32, #tpu.memory_space<vmem>>, vector<16xf32>,
            %add3A_795 = arith.constant 3 : i32
            %add3A_796 = arith.addi %mul3A_194, %add3A_795 : i32
            %get3A_797 = arith.index_cast %add3A_796 : i32 to index
            %get3A_798 = arith.constant 96 : index
            %get3A_799 = tpu.vector_load %arg7[%get3A_797, %get3A_798] {strides = array<i32>} : memref<400x128xf32, #tpu.memory_space<vmem>>, vector<16xf32>,
            %add3A_800 = arith.constant 4 : i32
            %add3A_801 = arith.addi %mul3A_194, %add3A_800 : i32
            %get3A_802 = arith.index_cast %add3A_801 : i32 to index
            %get3A_803 = arith.constant 96 : index
            %get3A_804 = tpu.vector_load %arg7[%get3A_802, %get3A_803] {strides = array<i32>} : memref<400x128xf32, #tpu.memory_space<vmem>>, vector<16xf32>,
            %add3A_805 = arith.constant 5 : i32
            %add3A_806 = arith.addi %mul3A_194, %add3A_805 : i32
            %get3A_807 = arith.index_cast %add3A_806 : i32 to index
            %get3A_808 = arith.constant 96 : index
            %get3A_809 = tpu.vector_load %arg7[%get3A_807, %get3A_808] {strides = array<i32>} : memref<400x128xf32, #tpu.memory_space<vmem>>, vector<16xf32>,
            %add3A_810 = arith.constant 6 : i32
            %add3A_811 = arith.addi %mul3A_194, %add3A_810 : i32
            %get3A_812 = arith.index_cast %add3A_811 : i32 to index
            %get3A_813 = arith.constant 96 : index
            %get3A_814 = tpu.vector_load %arg7[%get3A_812, %get3A_813] {strides = array<i32>} : memref<400x128xf32, #tpu.memory_space<vmem>>, vector<16xf32>,
            %add3A_815 = arith.constant 7 : i32
            %add3A_816 = arith.addi %mul3A_194, %add3A_815 : i32
            %get3A_817 = arith.index_cast %add3A_816 : i32 to index
            %get3A_818 = arith.constant 96 : index
            %get3A_819 = tpu.vector_load %arg7[%get3A_817, %get3A_818] {strides = array<i32>} : memref<400x128xf32, #tpu.memory_space<vmem>>, vector<16xf32>,
            %add3A_820 = arith.constant 8 : i32
            %add3A_821 = arith.addi %mul3A_194, %add3A_820 : i32
            %get3A_822 = arith.index_cast %add3A_821 : i32 to index
            %get3A_823 = arith.constant 96 : index
            %get3A_824 = tpu.vector_load %arg7[%get3A_822, %get3A_823] {strides = array<i32>} : memref<400x128xf32, #tpu.memory_space<vmem>>, vector<16xf32>,
            %add3A_825 = arith.constant 9 : i32
            %add3A_826 = arith.addi %mul3A_194, %add3A_825 : i32
            %get3A_827 = arith.index_cast %add3A_826 : i32 to index
            %get3A_828 = arith.constant 96 : index
            %get3A_829 = tpu.vector_load %arg7[%get3A_827, %get3A_828] {strides = array<i32>} : memref<400x128xf32, #tpu.memory_space<vmem>>, vector<16xf32>,
            %add3A_830 = arith.constant 10 : i32
            %add3A_831 = arith.addi %mul3A_194, %add3A_830 : i32
            %get3A_832 = arith.index_cast %add3A_831 : i32 to index
            %get3A_833 = arith.constant 96 : index
            %get3A_834 = tpu.vector_load %arg7[%get3A_832, %get3A_833] {strides = array<i32>} : memref<400x128xf32, #tpu.memory_space<vmem>>, vector<16xf32>,
            %add3A_835 = arith.constant 11 : i32
            %add3A_836 = arith.addi %mul3A_194, %add3A_835 : i32
            %get3A_837 = arith.index_cast %add3A_836 : i32 to index
            %get3A_838 = arith.constant 96 : index
            %get3A_839 = tpu.vector_load %arg7[%get3A_837, %get3A_838] {strides = array<i32>} : memref<400x128xf32, #tpu.memory_space<vmem>>, vector<16xf32>,
            %add3A_840 = arith.constant 12 : i32
            %add3A_841 = arith.addi %mul3A_194, %add3A_840 : i32
            %get3A_842 = arith.index_cast %add3A_841 : i32 to index
            %get3A_843 = arith.constant 96 : index
            %get3A_844 = tpu.vector_load %arg7[%get3A_842, %get3A_843] {strides = array<i32>} : memref<400x128xf32, #tpu.memory_space<vmem>>, vector<16xf32>,
            %add3A_845 = arith.constant 13 : i32
            %add3A_846 = arith.addi %mul3A_194, %add3A_845 : i32
            %get3A_847 = arith.index_cast %add3A_846 : i32 to index
            %get3A_848 = arith.constant 96 : index
            %get3A_849 = tpu.vector_load %arg7[%get3A_847, %get3A_848] {strides = array<i32>} : memref<400x128xf32, #tpu.memory_space<vmem>>, vector<16xf32>,
            %add3A_850 = arith.constant 14 : i32
            %add3A_851 = arith.addi %mul3A_194, %add3A_850 : i32
            %get3A_852 = arith.index_cast %add3A_851 : i32 to index
            %get3A_853 = arith.constant 96 : index
            %get3A_854 = tpu.vector_load %arg7[%get3A_852, %get3A_853] {strides = array<i32>} : memref<400x128xf32, #tpu.memory_space<vmem>>, vector<16xf32>,
            %add3A_855 = arith.constant 15 : i32
            %add3A_856 = arith.addi %mul3A_194, %add3A_855 : i32
            %get3A_857 = arith.index_cast %add3A_856 : i32 to index
            %get3A_858 = arith.constant 96 : index
            %get3A_859 = tpu.vector_load %arg7[%get3A_857, %get3A_858] {strides = array<i32>} : memref<400x128xf32, #tpu.memory_space<vmem>>, vector<16xf32>,
            %max3A_860 = arith.maximumf %get3A_784, %get3A_789 : vector<16xf32>
            %max3A_861 = arith.maximumf %get3A_794, %get3A_799 : vector<16xf32>
            %max3A_862 = arith.maximumf %get3A_804, %get3A_809 : vector<16xf32>
            %max3A_863 = arith.maximumf %get3A_814, %get3A_819 : vector<16xf32>
            %max3A_864 = arith.maximumf %get3A_824, %get3A_829 : vector<16xf32>
            %max3A_865 = arith.maximumf %get3A_834, %get3A_839 : vector<16xf32>
            %max3A_866 = arith.maximumf %get3A_844, %get3A_849 : vector<16xf32>
            %max3A_867 = arith.maximumf %get3A_854, %get3A_859 : vector<16xf32>
            %max3A_868 = arith.maximumf %max3A_860, %max3A_861 : vector<16xf32>
            %max3A_869 = arith.maximumf %max3A_862, %max3A_863 : vector<16xf32>
            %max3A_870 = arith.maximumf %max3A_864, %max3A_865 : vector<16xf32>
            %max3A_871 = arith.maximumf %max3A_866, %max3A_867 : vector<16xf32>
            %max3A_872 = arith.maximumf %max3A_868, %max3A_869 : vector<16xf32>
            %max3A_873 = arith.maximumf %max3A_870, %max3A_871 : vector<16xf32>
            %max3A_874 = arith.maximumf %max3A_872, %max3A_873 : vector<16xf32>
            %max3A_875 = arith.maximumf %scan3A_191, %max3A_874 : vector<16xf32>
            %add3A_876 = arith.constant 0 : i32
            %add3A_877 = arith.addi %mul3A_194, %add3A_876 : i32
            %get3A_878 = arith.index_cast %add3A_877 : i32 to index
            %get3A_879 = arith.constant 112 : index
            %get3A_880 = tpu.vector_load %arg7[%get3A_878, %get3A_879] {strides = array<i32>} : memref<400x128xf32, #tpu.memory_space<vmem>>, vector<16xf32>,
            %add3A_881 = arith.constant 1 : i32
            %add3A_882 = arith.addi %mul3A_194, %add3A_881 : i32
            %get3A_883 = arith.index_cast %add3A_882 : i32 to index
            %get3A_884 = arith.constant 112 : index
            %get3A_885 = tpu.vector_load %arg7[%get3A_883, %get3A_884] {strides = array<i32>} : memref<400x128xf32, #tpu.memory_space<vmem>>, vector<16xf32>,
            %add3A_886 = arith.constant 2 : i32
            %add3A_887 = arith.addi %mul3A_194, %add3A_886 : i32
            %get3A_888 = arith.index_cast %add3A_887 : i32 to index
            %get3A_889 = arith.constant 112 : index
            %get3A_890 = tpu.vector_load %arg7[%get3A_888, %get3A_889] {strides = array<i32>} : memref<400x128xf32, #tpu.memory_space<vmem>>, vector<16xf32>,
            %add3A_891 = arith.constant 3 : i32
            %add3A_892 = arith.addi %mul3A_194, %add3A_891 : i32
            %get3A_893 = arith.index_cast %add3A_892 : i32 to index
            %get3A_894 = arith.constant 112 : index
            %get3A_895 = tpu.vector_load %arg7[%get3A_893, %get3A_894] {strides = array<i32>} : memref<400x128xf32, #tpu.memory_space<vmem>>, vector<16xf32>,
            %add3A_896 = arith.constant 4 : i32
            %add3A_897 = arith.addi %mul3A_194, %add3A_896 : i32
            %get3A_898 = arith.index_cast %add3A_897 : i32 to index
            %get3A_899 = arith.constant 112 : index
            %get3A_900 = tpu.vector_load %arg7[%get3A_898, %get3A_899] {strides = array<i32>} : memref<400x128xf32, #tpu.memory_space<vmem>>, vector<16xf32>,
            %add3A_901 = arith.constant 5 : i32
            %add3A_902 = arith.addi %mul3A_194, %add3A_901 : i32
            %get3A_903 = arith.index_cast %add3A_902 : i32 to index
            %get3A_904 = arith.constant 112 : index
            %get3A_905 = tpu.vector_load %arg7[%get3A_903, %get3A_904] {strides = array<i32>} : memref<400x128xf32, #tpu.memory_space<vmem>>, vector<16xf32>,
            %add3A_906 = arith.constant 6 : i32
            %add3A_907 = arith.addi %mul3A_194, %add3A_906 : i32
            %get3A_908 = arith.index_cast %add3A_907 : i32 to index
            %get3A_909 = arith.constant 112 : index
            %get3A_910 = tpu.vector_load %arg7[%get3A_908, %get3A_909] {strides = array<i32>} : memref<400x128xf32, #tpu.memory_space<vmem>>, vector<16xf32>,
            %add3A_911 = arith.constant 7 : i32
            %add3A_912 = arith.addi %mul3A_194, %add3A_911 : i32
            %get3A_913 = arith.index_cast %add3A_912 : i32 to index
            %get3A_914 = arith.constant 112 : index
            %get3A_915 = tpu.vector_load %arg7[%get3A_913, %get3A_914] {strides = array<i32>} : memref<400x128xf32, #tpu.memory_space<vmem>>, vector<16xf32>,
            %add3A_916 = arith.constant 8 : i32
            %add3A_917 = arith.addi %mul3A_194, %add3A_916 : i32
            %get3A_918 = arith.index_cast %add3A_917 : i32 to index
            %get3A_919 = arith.constant 112 : index
            %get3A_920 = tpu.vector_load %arg7[%get3A_918, %get3A_919] {strides = array<i32>} : memref<400x128xf32, #tpu.memory_space<vmem>>, vector<16xf32>,
            %add3A_921 = arith.constant 9 : i32
            %add3A_922 = arith.addi %mul3A_194, %add3A_921 : i32
            %get3A_923 = arith.index_cast %add3A_922 : i32 to index
            %get3A_924 = arith.constant 112 : index
            %get3A_925 = tpu.vector_load %arg7[%get3A_923, %get3A_924] {strides = array<i32>} : memref<400x128xf32, #tpu.memory_space<vmem>>, vector<16xf32>,
            %add3A_926 = arith.constant 10 : i32
            %add3A_927 = arith.addi %mul3A_194, %add3A_926 : i32
            %get3A_928 = arith.index_cast %add3A_927 : i32 to index
            %get3A_929 = arith.constant 112 : index
            %get3A_930 = tpu.vector_load %arg7[%get3A_928, %get3A_929] {strides = array<i32>} : memref<400x128xf32, #tpu.memory_space<vmem>>, vector<16xf32>,
            %add3A_931 = arith.constant 11 : i32
            %add3A_932 = arith.addi %mul3A_194, %add3A_931 : i32
            %get3A_933 = arith.index_cast %add3A_932 : i32 to index
            %get3A_934 = arith.constant 112 : index
            %get3A_935 = tpu.vector_load %arg7[%get3A_933, %get3A_934] {strides = array<i32>} : memref<400x128xf32, #tpu.memory_space<vmem>>, vector<16xf32>,
            %add3A_936 = arith.constant 12 : i32
            %add3A_937 = arith.addi %mul3A_194, %add3A_936 : i32
            %get3A_938 = arith.index_cast %add3A_937 : i32 to index
            %get3A_939 = arith.constant 112 : index
            %get3A_940 = tpu.vector_load %arg7[%get3A_938, %get3A_939] {strides = array<i32>} : memref<400x128xf32, #tpu.memory_space<vmem>>, vector<16xf32>,
            %add3A_941 = arith.constant 13 : i32
            %add3A_942 = arith.addi %mul3A_194, %add3A_941 : i32
            %get3A_943 = arith.index_cast %add3A_942 : i32 to index
            %get3A_944 = arith.constant 112 : index
            %get3A_945 = tpu.vector_load %arg7[%get3A_943, %get3A_944] {strides = array<i32>} : memref<400x128xf32, #tpu.memory_space<vmem>>, vector<16xf32>,
            %add3A_946 = arith.constant 14 : i32
            %add3A_947 = arith.addi %mul3A_194, %add3A_946 : i32
            %get3A_948 = arith.index_cast %add3A_947 : i32 to index
            %get3A_949 = arith.constant 112 : index
            %get3A_950 = tpu.vector_load %arg7[%get3A_948, %get3A_949] {strides = array<i32>} : memref<400x128xf32, #tpu.memory_space<vmem>>, vector<16xf32>,
            %add3A_951 = arith.constant 15 : i32
            %add3A_952 = arith.addi %mul3A_194, %add3A_951 : i32
            %get3A_953 = arith.index_cast %add3A_952 : i32 to index
            %get3A_954 = arith.constant 112 : index
            %get3A_955 = tpu.vector_load %arg7[%get3A_953, %get3A_954] {strides = array<i32>} : memref<400x128xf32, #tpu.memory_space<vmem>>, vector<16xf32>,
            %max3A_956 = arith.maximumf %get3A_880, %get3A_885 : vector<16xf32>
            %max3A_957 = arith.maximumf %get3A_890, %get3A_895 : vector<16xf32>
            %max3A_958 = arith.maximumf %get3A_900, %get3A_905 : vector<16xf32>
            %max3A_959 = arith.maximumf %get3A_910, %get3A_915 : vector<16xf32>
            %max3A_960 = arith.maximumf %get3A_920, %get3A_925 : vector<16xf32>
            %max3A_961 = arith.maximumf %get3A_930, %get3A_935 : vector<16xf32>
            %max3A_962 = arith.maximumf %get3A_940, %get3A_945 : vector<16xf32>
            %max3A_963 = arith.maximumf %get3A_950, %get3A_955 : vector<16xf32>
            %max3A_964 = arith.maximumf %max3A_956, %max3A_957 : vector<16xf32>
            %max3A_965 = arith.maximumf %max3A_958, %max3A_959 : vector<16xf32>
            %max3A_966 = arith.maximumf %max3A_960, %max3A_961 : vector<16xf32>
            %max3A_967 = arith.maximumf %max3A_962, %max3A_963 : vector<16xf32>
            %max3A_968 = arith.maximumf %max3A_964, %max3A_965 : vector<16xf32>
            %max3A_969 = arith.maximumf %max3A_966, %max3A_967 : vector<16xf32>
            %max3A_970 = arith.maximumf %max3A_968, %max3A_969 : vector<16xf32>
            %max3A_971 = arith.maximumf %scan3A_192, %max3A_970 : vector<16xf32>
            scf.yield %scan3A_182, %scan3A_183, %scan3A_184, %max3A_299, %max3A_395, %max3A_491, %max3A_587, %max3A_683, %max3A_779, %max3A_875, %max3A_971 : i32, i32, i32, vector<16xf32>, vector<16xf32>, vector<16xf32>, vector<16xf32>, vector<16xf32>, vector<16xf32>, vector<16xf32>, vector<16xf32>
          } else {
            %sub3A_204 = arith.constant 1 : i32
            %sub3A_205 = vector.broadcast %sub3A_204 : i32 to vector<16xi32>
            %sub3A_206 = arith.subi %iota3A, %sub3A_205 : vector<16xi32>
            %max3A_207 = arith.constant 0 : i32
            %max3A_208 = vector.broadcast %max3A_207 : i32 to vector<16xi32>
            %max3A_209 = arith.maxsi %sub3A_206, %max3A_208 : vector<16xi32>
            %add3A_210 = vector.broadcast %mul3A_194 : i32 to vector<16xi32>
            %add3A_211 = arith.addi %add3A_210, %max3A_209 : vector<16xi32>
            %gather3A = tpu.vector_load_idx %arg5[%add3A_211] : memref<400xi32, #tpu.memory_space<vmem>>[vector<16xi32>], vector<16xi32>,
            %eq3A_212 = arith.constant 0 : i32
            %eq3A_213 = vector.broadcast %eq3A_212 : i32 to vector<16xi32>
            %eq3A_214 = arith.cmpi eq, %iota3A, %eq3A_213 : vector<16xi32>
            %ne3A_215 = vector.broadcast %scan3A_182 : i32 to vector<16xi32>
            %ne3A_216 = arith.cmpi ne, %get3A_196, %ne3A_215 : vector<16xi32>
            %ne3A_217 = arith.cmpi ne, %get3A_196, %gather3A : vector<16xi32>
            %select_n3A_218 = arith.select %eq3A_214, %ne3A_216, %ne3A_217 : vector<16xi1>, vector<16xi1>
            %ge3A_219 = vector.broadcast %select_n3A : i32 to vector<16xi32>
            %ge3A_220 = arith.cmpi sge, %get3A_196, %ge3A_219 : vector<16xi32>
            %le3A_221 = vector.broadcast %select_n3A_18 : i32 to vector<16xi32>
            %le3A_222 = arith.cmpi sle, %get3A_196, %le3A_221 : vector<16xi32>
            %and3A_223 = arith.andi %ge3A_220, %le3A_222 : vector<16xi1>
            %and3A_224 = arith.andi %select_n3A_218, %and3A_223 : vector<16xi1>
            %gt3A_225 = vector.broadcast %select_n3A_18 : i32 to vector<16xi32>
            %gt3A_226 = arith.cmpi sgt, %get3A_196, %gt3A_225 : vector<16xi32>
            %all_reduce_population_count3A = tpu.all_reduce %gt3A_226 {dim = 0 : i64, kind = #tpu.reduction_kind<sum>} : vector<16xi1> -> vector<16xi32>
            %slice3A_227 = vector.extract_strided_slice %all_reduce_population_count3A {offsets = [0], sizes = [1], strides = [1]} : vector<16xi32> to vector<1xi32>
            %squeeze3A_228 = vector.extract %slice3A_227[0] : i32 from vector<1xi32>
            %gt3A_229 = arith.constant 0 : i32
            %gt3A_230 = arith.cmpi sgt, %squeeze3A_228, %gt3A_229 : i32
            %all_reduce_ffs3A = tpu.all_reduce %gt3A_226 {dim = 0 : i64, kind = #tpu.reduction_kind<find_first_set>} : vector<16xi1> -> vector<16xi32>
            %slice3A_231 = vector.extract_strided_slice %all_reduce_ffs3A {offsets = [0], sizes = [1], strides = [1]} : vector<16xi32> to vector<1xi32>
            %squeeze3A_232 = vector.extract %slice3A_231[0] : i32 from vector<1xi32>
            %jit3A_233 = arith.constant 16 : i32
            %select_n3A_234 = arith.select %gt3A_230, %squeeze3A_232, %jit3A_233 : i32
            %all_reduce_population_count3A_235 = tpu.all_reduce %and3A_224 {dim = 0 : i64, kind = #tpu.reduction_kind<sum>} : vector<16xi1> -> vector<16xi32>
            %slice3A_236 = vector.extract_strided_slice %all_reduce_population_count3A_235 {offsets = [0], sizes = [1], strides = [1]} : vector<16xi32> to vector<1xi32>
            %squeeze3A_237 = vector.extract %slice3A_236[0] : i32 from vector<1xi32>
            %eq3A_238 = arith.constant 1 : i32
            %eq3A_239 = arith.cmpi eq, %squeeze3A_237, %eq3A_238 : i32
            %eq3A_240 = arith.constant 0 : i32
            %eq3A_241 = arith.cmpi eq, %squeeze3A_228, %eq3A_240 : i32
            %and3A_242 = arith.andi %eq3A_239, %eq3A_241 : i1
            %convert_element_type3A_243 = arith.extui %and3A_242 : i1 to i32
            %cond3A_244 = arith.constant 0 : i32
            %cond3A_245 = arith.cmpi ne, %convert_element_type3A_243, %cond3A_244 : i32
            %cond3A_246:11 = scf.if %cond3A_245 -> (i32, i32, i32, vector<16xf32>, vector<16xf32>, vector<16xf32>, vector<16xf32>, vector<16xf32>, vector<16xf32>, vector<16xf32>, vector<16xf32>) {
              %all_reduce_ffs3A_247 = tpu.all_reduce %and3A_224 {dim = 0 : i64, kind = #tpu.reduction_kind<find_first_set>} : vector<16xi1> -> vector<16xi32>
              %slice3A_248 = vector.extract_strided_slice %all_reduce_ffs3A_247 {offsets = [0], sizes = [1], strides = [1]} : vector<16xi32> to vector<1xi32>
              %squeeze3A_249 = vector.extract %slice3A_248[0] : i32 from vector<1xi32>
              %ge3A_250 = arith.constant 0 : i32
              %ge3A_251 = arith.cmpi sge, %scan3A_182, %ge3A_250 : i32
              %convert_element_type3A_252 = arith.extui %ge3A_251 : i1 to i32
              %cond3A_253 = arith.constant 0 : i32
              %cond3A_254 = arith.cmpi ne, %convert_element_type3A_252, %cond3A_253 : i32
              %cond3A_255:8 = scf.if %cond3A_254 -> (vector<16xf32>, vector<16xf32>, vector<16xf32>, vector<16xf32>, vector<16xf32>, vector<16xf32>, vector<16xf32>, vector<16xf32>) {
                %while3A_306 = arith.constant 0 : i32
                %while3A_307 = arith.subi %squeeze3A_249, %while3A_306 : i32
                %while3A_308 = arith.addi %while3A_306, %while3A_307 : i32
                %while3A_309 = arith.constant 1 : i32
                %while3A_310 = arith.divsi %while3A_307, %while3A_309 : i32
                %while3A_311 = arith.muli %while3A_310, %while3A_309 : i32
                %while3A_312 = arith.addi %while3A_306, %while3A_311 : i32
                %while3A_313 = arith.constant 1 : i32
                %while3A_314:8 = scf.for %while3A_317 = %while3A_306 to %while3A_312 step %while3A_313 iter_args(%while3A_318 = %scan3A_185, %while3A_319 = %scan3A_186, %while3A_320 = %scan3A_187, %while3A_321 = %scan3A_188, %while3A_322 = %scan3A_189, %while3A_323 = %scan3A_190, %while3A_324 = %scan3A_191, %while3A_325 = %scan3A_192) -> (vector<16xf32>, vector<16xf32>, vector<16xf32>, vector<16xf32>, vector<16xf32>, vector<16xf32>, vector<16xf32>, vector<16xf32>)  : i32 {
                  %add3A_326 = arith.addi %mul3A_194, %while3A_317 : i32
                  %get3A_327 = arith.index_cast %add3A_326 : i32 to index
                  %get3A_328 = arith.constant 0 : index
                  %get3A_329 = tpu.vector_load %arg7[%get3A_327, %get3A_328] {strides = array<i32>} : memref<400x128xf32, #tpu.memory_space<vmem>>, vector<16xf32>,
                  %get3A_330 = arith.index_cast %add3A_326 : i32 to index
                  %get3A_331 = arith.constant 16 : index
                  %get3A_332 = tpu.vector_load %arg7[%get3A_330, %get3A_331] {strides = array<i32>} : memref<400x128xf32, #tpu.memory_space<vmem>>, vector<16xf32>,
                  %get3A_333 = arith.index_cast %add3A_326 : i32 to index
                  %get3A_334 = arith.constant 32 : index
                  %get3A_335 = tpu.vector_load %arg7[%get3A_333, %get3A_334] {strides = array<i32>} : memref<400x128xf32, #tpu.memory_space<vmem>>, vector<16xf32>,
                  %get3A_336 = arith.index_cast %add3A_326 : i32 to index
                  %get3A_337 = arith.constant 48 : index
                  %get3A_338 = tpu.vector_load %arg7[%get3A_336, %get3A_337] {strides = array<i32>} : memref<400x128xf32, #tpu.memory_space<vmem>>, vector<16xf32>,
                  %get3A_339 = arith.index_cast %add3A_326 : i32 to index
                  %get3A_340 = arith.constant 64 : index
                  %get3A_341 = tpu.vector_load %arg7[%get3A_339, %get3A_340] {strides = array<i32>} : memref<400x128xf32, #tpu.memory_space<vmem>>, vector<16xf32>,
                  %get3A_342 = arith.index_cast %add3A_326 : i32 to index
                  %get3A_343 = arith.constant 80 : index
                  %get3A_344 = tpu.vector_load %arg7[%get3A_342, %get3A_343] {strides = array<i32>} : memref<400x128xf32, #tpu.memory_space<vmem>>, vector<16xf32>,
                  %get3A_345 = arith.index_cast %add3A_326 : i32 to index
                  %get3A_346 = arith.constant 96 : index
                  %get3A_347 = tpu.vector_load %arg7[%get3A_345, %get3A_346] {strides = array<i32>} : memref<400x128xf32, #tpu.memory_space<vmem>>, vector<16xf32>,
                  %get3A_348 = arith.index_cast %add3A_326 : i32 to index
                  %get3A_349 = arith.constant 112 : index
                  %get3A_350 = tpu.vector_load %arg7[%get3A_348, %get3A_349] {strides = array<i32>} : memref<400x128xf32, #tpu.memory_space<vmem>>, vector<16xf32>,
                  %max3A_351 = arith.maximumf %while3A_318, %get3A_329 : vector<16xf32>
                  %max3A_352 = arith.maximumf %while3A_319, %get3A_332 : vector<16xf32>
                  %max3A_353 = arith.maximumf %while3A_320, %get3A_335 : vector<16xf32>
                  %max3A_354 = arith.maximumf %while3A_321, %get3A_338 : vector<16xf32>
                  %max3A_355 = arith.maximumf %while3A_322, %get3A_341 : vector<16xf32>
                  %max3A_356 = arith.maximumf %while3A_323, %get3A_344 : vector<16xf32>
                  %max3A_357 = arith.maximumf %while3A_324, %get3A_347 : vector<16xf32>
                  %max3A_358 = arith.maximumf %while3A_325, %get3A_350 : vector<16xf32>
                  scf.yield %max3A_351, %max3A_352, %max3A_353, %max3A_354, %max3A_355, %max3A_356, %max3A_357, %max3A_358 : vector<16xf32>, vector<16xf32>, vector<16xf32>, vector<16xf32>, vector<16xf32>, vector<16xf32>, vector<16xf32>, vector<16xf32>
                }
                %while3A_315 = arith.constant 1 : i32
                %while3A_316:8 = scf.for %while3A_317 = %while3A_312 to %while3A_308 step %while3A_315 iter_args(%while3A_318 = %while3A_314#0, %while3A_319 = %while3A_314#1, %while3A_320 = %while3A_314#2, %while3A_321 = %while3A_314#3, %while3A_322 = %while3A_314#4, %while3A_323 = %while3A_314#5, %while3A_324 = %while3A_314#6, %while3A_325 = %while3A_314#7) -> (vector<16xf32>, vector<16xf32>, vector<16xf32>, vector<16xf32>, vector<16xf32>, vector<16xf32>, vector<16xf32>, vector<16xf32>)  : i32 {
                  %add3A_326 = arith.addi %mul3A_194, %while3A_317 : i32
                  %get3A_327 = arith.index_cast %add3A_326 : i32 to index
                  %get3A_328 = arith.constant 0 : index
                  %get3A_329 = tpu.vector_load %arg7[%get3A_327, %get3A_328] {strides = array<i32>} : memref<400x128xf32, #tpu.memory_space<vmem>>, vector<16xf32>,
                  %get3A_330 = arith.index_cast %add3A_326 : i32 to index
                  %get3A_331 = arith.constant 16 : index
                  %get3A_332 = tpu.vector_load %arg7[%get3A_330, %get3A_331] {strides = array<i32>} : memref<400x128xf32, #tpu.memory_space<vmem>>, vector<16xf32>,
                  %get3A_333 = arith.index_cast %add3A_326 : i32 to index
                  %get3A_334 = arith.constant 32 : index
                  %get3A_335 = tpu.vector_load %arg7[%get3A_333, %get3A_334] {strides = array<i32>} : memref<400x128xf32, #tpu.memory_space<vmem>>, vector<16xf32>,
                  %get3A_336 = arith.index_cast %add3A_326 : i32 to index
                  %get3A_337 = arith.constant 48 : index
                  %get3A_338 = tpu.vector_load %arg7[%get3A_336, %get3A_337] {strides = array<i32>} : memref<400x128xf32, #tpu.memory_space<vmem>>, vector<16xf32>,
                  %get3A_339 = arith.index_cast %add3A_326 : i32 to index
                  %get3A_340 = arith.constant 64 : index
                  %get3A_341 = tpu.vector_load %arg7[%get3A_339, %get3A_340] {strides = array<i32>} : memref<400x128xf32, #tpu.memory_space<vmem>>, vector<16xf32>,
                  %get3A_342 = arith.index_cast %add3A_326 : i32 to index
                  %get3A_343 = arith.constant 80 : index
                  %get3A_344 = tpu.vector_load %arg7[%get3A_342, %get3A_343] {strides = array<i32>} : memref<400x128xf32, #tpu.memory_space<vmem>>, vector<16xf32>,
                  %get3A_345 = arith.index_cast %add3A_326 : i32 to index
                  %get3A_346 = arith.constant 96 : index
                  %get3A_347 = tpu.vector_load %arg7[%get3A_345, %get3A_346] {strides = array<i32>} : memref<400x128xf32, #tpu.memory_space<vmem>>, vector<16xf32>,
                  %get3A_348 = arith.index_cast %add3A_326 : i32 to index
                  %get3A_349 = arith.constant 112 : index
                  %get3A_350 = tpu.vector_load %arg7[%get3A_348, %get3A_349] {strides = array<i32>} : memref<400x128xf32, #tpu.memory_space<vmem>>, vector<16xf32>,
                  %max3A_351 = arith.maximumf %while3A_318, %get3A_329 : vector<16xf32>
                  %max3A_352 = arith.maximumf %while3A_319, %get3A_332 : vector<16xf32>
                  %max3A_353 = arith.maximumf %while3A_320, %get3A_335 : vector<16xf32>
                  %max3A_354 = arith.maximumf %while3A_321, %get3A_338 : vector<16xf32>
                  %max3A_355 = arith.maximumf %while3A_322, %get3A_341 : vector<16xf32>
                  %max3A_356 = arith.maximumf %while3A_323, %get3A_344 : vector<16xf32>
                  %max3A_357 = arith.maximumf %while3A_324, %get3A_347 : vector<16xf32>
                  %max3A_358 = arith.maximumf %while3A_325, %get3A_350 : vector<16xf32>
                  scf.yield %max3A_351, %max3A_352, %max3A_353, %max3A_354, %max3A_355, %max3A_356, %max3A_357, %max3A_358 : vector<16xf32>, vector<16xf32>, vector<16xf32>, vector<16xf32>, vector<16xf32>, vector<16xf32>, vector<16xf32>, vector<16xf32>
                }
                scf.yield %while3A_316#0, %while3A_316#1, %while3A_316#2, %while3A_316#3, %while3A_316#4, %while3A_316#5, %while3A_316#6, %while3A_316#7 : vector<16xf32>, vector<16xf32>, vector<16xf32>, vector<16xf32>, vector<16xf32>, vector<16xf32>, vector<16xf32>, vector<16xf32>
              } else {
                scf.yield %scan3A_185, %scan3A_186, %scan3A_187, %scan3A_188, %scan3A_189, %scan3A_190, %scan3A_191, %scan3A_192 : vector<16xf32>, vector<16xf32>, vector<16xf32>, vector<16xf32>, vector<16xf32>, vector<16xf32>, vector<16xf32>, vector<16xf32>
              }
              %ge3A_256 = arith.constant 0 : i32
              %ge3A_257 = arith.cmpi sge, %scan3A_182, %ge3A_256 : i32
              %convert_element_type3A_258 = arith.extui %ge3A_257 : i1 to i32
              %cond3A_259 = arith.constant 0 : i32
              %cond3A_260 = arith.cmpi ne, %convert_element_type3A_258, %cond3A_259 : i32
              %cond3A_261:2 = scf.if %cond3A_260 -> (i32, i32) {
                %sub3A_306 = arith.subi %scan3A_183, %scan3A_184 : i32
                %sub3A_307 = arith.subi %scan3A_184, %select_n3A : i32
                %shift_right_logical3A_308 = arith.constant 6 : i32
                %shift_right_logical3A_309 = arith.shrui %sub3A_307, %shift_right_logical3A_308 : i32
                %and3A_310 = arith.constant 1 : i32
                %and3A_311 = arith.andi %shift_right_logical3A_309, %and3A_310 : i32
                %mul3A_312 = arith.constant 64 : i32
                %mul3A_313 = arith.muli %and3A_311, %mul3A_312 : i32
                %add3A_314 = arith.addi %sub3A_306, %mul3A_313 : i32
                %swap3A = arith.index_cast %add3A_314 : i32 to index
                %swap3A_315 = arith.constant 0 : index
                %swap3A_316 = tpu.vector_load %arg10[%swap3A, %swap3A_315] {strides = array<i32>} : memref<128x128xf32, #tpu.memory_space<vmem>>, vector<16xf32>,
                tpu.vector_store %arg10[%swap3A, %swap3A_315], %cond3A_255#0 {strides = array<i32>} : memref<128x128xf32, #tpu.memory_space<vmem>>, vector<16xf32>,
                %mul3A_317 = arith.constant 64 : i32
                %mul3A_318 = arith.muli %and3A_311, %mul3A_317 : i32
                %add3A_319 = arith.addi %sub3A_306, %mul3A_318 : i32
                %swap3A_320 = arith.index_cast %add3A_319 : i32 to index
                %swap3A_321 = arith.constant 16 : index
                %swap3A_322 = tpu.vector_load %arg10[%swap3A_320, %swap3A_321] {strides = array<i32>} : memref<128x128xf32, #tpu.memory_space<vmem>>, vector<16xf32>,
                tpu.vector_store %arg10[%swap3A_320, %swap3A_321], %cond3A_255#1 {strides = array<i32>} : memref<128x128xf32, #tpu.memory_space<vmem>>, vector<16xf32>,
                %mul3A_323 = arith.constant 64 : i32
                %mul3A_324 = arith.muli %and3A_311, %mul3A_323 : i32
                %add3A_325 = arith.addi %sub3A_306, %mul3A_324 : i32
                %swap3A_326 = arith.index_cast %add3A_325 : i32 to index
                %swap3A_327 = arith.constant 32 : index
                %swap3A_328 = tpu.vector_load %arg10[%swap3A_326, %swap3A_327] {strides = array<i32>} : memref<128x128xf32, #tpu.memory_space<vmem>>, vector<16xf32>,
                tpu.vector_store %arg10[%swap3A_326, %swap3A_327], %cond3A_255#2 {strides = array<i32>} : memref<128x128xf32, #tpu.memory_space<vmem>>, vector<16xf32>,
                %mul3A_329 = arith.constant 64 : i32
                %mul3A_330 = arith.muli %and3A_311, %mul3A_329 : i32
                %add3A_331 = arith.addi %sub3A_306, %mul3A_330 : i32
                %swap3A_332 = arith.index_cast %add3A_331 : i32 to index
                %swap3A_333 = arith.constant 48 : index
                %swap3A_334 = tpu.vector_load %arg10[%swap3A_332, %swap3A_333] {strides = array<i32>} : memref<128x128xf32, #tpu.memory_space<vmem>>, vector<16xf32>,
                tpu.vector_store %arg10[%swap3A_332, %swap3A_333], %cond3A_255#3 {strides = array<i32>} : memref<128x128xf32, #tpu.memory_space<vmem>>, vector<16xf32>,
                %mul3A_335 = arith.constant 64 : i32
                %mul3A_336 = arith.muli %and3A_311, %mul3A_335 : i32
                %add3A_337 = arith.addi %sub3A_306, %mul3A_336 : i32
                %swap3A_338 = arith.index_cast %add3A_337 : i32 to index
                %swap3A_339 = arith.constant 64 : index
                %swap3A_340 = tpu.vector_load %arg10[%swap3A_338, %swap3A_339] {strides = array<i32>} : memref<128x128xf32, #tpu.memory_space<vmem>>, vector<16xf32>,
                tpu.vector_store %arg10[%swap3A_338, %swap3A_339], %cond3A_255#4 {strides = array<i32>} : memref<128x128xf32, #tpu.memory_space<vmem>>, vector<16xf32>,
                %mul3A_341 = arith.constant 64 : i32
                %mul3A_342 = arith.muli %and3A_311, %mul3A_341 : i32
                %add3A_343 = arith.addi %sub3A_306, %mul3A_342 : i32
                %swap3A_344 = arith.index_cast %add3A_343 : i32 to index
                %swap3A_345 = arith.constant 80 : index
                %swap3A_346 = tpu.vector_load %arg10[%swap3A_344, %swap3A_345] {strides = array<i32>} : memref<128x128xf32, #tpu.memory_space<vmem>>, vector<16xf32>,
                tpu.vector_store %arg10[%swap3A_344, %swap3A_345], %cond3A_255#5 {strides = array<i32>} : memref<128x128xf32, #tpu.memory_space<vmem>>, vector<16xf32>,
                %mul3A_347 = arith.constant 64 : i32
                %mul3A_348 = arith.muli %and3A_311, %mul3A_347 : i32
                %add3A_349 = arith.addi %sub3A_306, %mul3A_348 : i32
                %swap3A_350 = arith.index_cast %add3A_349 : i32 to index
                %swap3A_351 = arith.constant 96 : index
                %swap3A_352 = tpu.vector_load %arg10[%swap3A_350, %swap3A_351] {strides = array<i32>} : memref<128x128xf32, #tpu.memory_space<vmem>>, vector<16xf32>,
                tpu.vector_store %arg10[%swap3A_350, %swap3A_351], %cond3A_255#6 {strides = array<i32>} : memref<128x128xf32, #tpu.memory_space<vmem>>, vector<16xf32>,
                %mul3A_353 = arith.constant 64 : i32
                %mul3A_354 = arith.muli %and3A_311, %mul3A_353 : i32
                %add3A_355 = arith.addi %sub3A_306, %mul3A_354 : i32
                %swap3A_356 = arith.index_cast %add3A_355 : i32 to index
                %swap3A_357 = arith.constant 112 : index
                %swap3A_358 = tpu.vector_load %arg10[%swap3A_356, %swap3A_357] {strides = array<i32>} : memref<128x128xf32, #tpu.memory_space<vmem>>, vector<16xf32>,
                tpu.vector_store %arg10[%swap3A_356, %swap3A_357], %cond3A_255#7 {strides = array<i32>} : memref<128x128xf32, #tpu.memory_space<vmem>>, vector<16xf32>,
                %eq3A_359 = arith.constant 63 : i32
                %eq3A_360 = arith.cmpi eq, %sub3A_306, %eq3A_359 : i32
                %convert_element_type3A_361 = arith.extui %eq3A_360 : i1 to i32
                %cond3A_362 = arith.constant 0 : i32
                %cond3A_363 = arith.cmpi ne, %convert_element_type3A_361, %cond3A_362 : i32
                %cond3A_364 = scf.if %cond3A_363 -> (i32) {
                  %eq3A_367 = arith.constant 0 : i32
                  %eq3A_368 = arith.cmpi eq, %and3A_311, %eq3A_367 : i32
                  %convert_element_type3A_369 = arith.extui %eq3A_368 : i1 to i32
                  %cond3A_370 = arith.constant 0 : i32
                  %cond3A_371 = arith.cmpi ne, %convert_element_type3A_369, %cond3A_370 : i32
                  scf.if %cond3A_371 {
                    %dma_start3A_380 = arith.constant 4 : i32
                    %dma_start3A_381 = arith.constant 0 : i32
                    %dma_start3A_382 = arith.constant 0 : i32
                    %dma_start3A_383 = tpu.memref_slice %arg10[%dma_start3A_381, %dma_start3A_382] : memref<128x128xf32, #tpu.memory_space<vmem>> -> memref<64x128xf32, #tpu.memory_space<vmem>>
                    %dma_start3A_384 = arith.constant 0 : i32
                    %dma_start3A_385 = tpu.memref_slice %arg4[%scan3A_184, %dma_start3A_384] : memref<10000x128xf32, #tpu.memory_space<hbm>> -> memref<64x128xf32, #tpu.memory_space<hbm>>
                    %dma_start3A_386 = tpu.memref_slice %arg11[%dma_start3A_380] : memref<6x!tpu.dma_semaphore, #tpu.memory_space<semaphore_mem>> -> memref<1x!tpu.dma_semaphore, #tpu.memory_space<semaphore_mem>>
                    %dma_start3A_387 = tpu.memref_squeeze %dma_start3A_386 : memref<1x!tpu.dma_semaphore, #tpu.memory_space<semaphore_mem>> -> memref<!tpu.dma_semaphore, #tpu.memory_space<semaphore_mem>>
                    %dma_start3A_388 = arith.constant 0 : i32
                    %dma_start3A_389 = tpu.memref_slice %arg4[%scan3A_184, %dma_start3A_388] : memref<10000x128xf32, #tpu.memory_space<hbm>> -> memref<64x128xf32, #tpu.memory_space<hbm>>
                    %dma_start3A_390 = arith.constant 0 : i32
                    %dma_start3A_391 = arith.constant 0 : i32
                    %dma_start3A_392 = tpu.memref_slice %arg10[%dma_start3A_390, %dma_start3A_391] : memref<128x128xf32, #tpu.memory_space<vmem>> -> memref<64x128xf32, #tpu.memory_space<vmem>>
                    tpu.enqueue_dma source(%dma_start3A_392 : memref<64x128xf32, #tpu.memory_space<vmem>>) target(%dma_start3A_389 : memref<64x128xf32, #tpu.memory_space<hbm>>) target_semaphore(%dma_start3A_387 : memref<!tpu.dma_semaphore, #tpu.memory_space<semaphore_mem>>)
                  } else {
                    %dma_start3A_380 = arith.constant 5 : i32
                    %dma_start3A_381 = arith.constant 64 : i32
                    %dma_start3A_382 = arith.constant 0 : i32
                    %dma_start3A_383 = tpu.memref_slice %arg10[%dma_start3A_381, %dma_start3A_382] : memref<128x128xf32, #tpu.memory_space<vmem>> -> memref<64x128xf32, #tpu.memory_space<vmem>>
                    %dma_start3A_384 = arith.constant 0 : i32
                    %dma_start3A_385 = tpu.memref_slice %arg4[%scan3A_184, %dma_start3A_384] : memref<10000x128xf32, #tpu.memory_space<hbm>> -> memref<64x128xf32, #tpu.memory_space<hbm>>
                    %dma_start3A_386 = tpu.memref_slice %arg11[%dma_start3A_380] : memref<6x!tpu.dma_semaphore, #tpu.memory_space<semaphore_mem>> -> memref<1x!tpu.dma_semaphore, #tpu.memory_space<semaphore_mem>>
                    %dma_start3A_387 = tpu.memref_squeeze %dma_start3A_386 : memref<1x!tpu.dma_semaphore, #tpu.memory_space<semaphore_mem>> -> memref<!tpu.dma_semaphore, #tpu.memory_space<semaphore_mem>>
                    %dma_start3A_388 = arith.constant 0 : i32
                    %dma_start3A_389 = tpu.memref_slice %arg4[%scan3A_184, %dma_start3A_388] : memref<10000x128xf32, #tpu.memory_space<hbm>> -> memref<64x128xf32, #tpu.memory_space<hbm>>
                    %dma_start3A_390 = arith.constant 64 : i32
                    %dma_start3A_391 = arith.constant 0 : i32
                    %dma_start3A_392 = tpu.memref_slice %arg10[%dma_start3A_390, %dma_start3A_391] : memref<128x128xf32, #tpu.memory_space<vmem>> -> memref<64x128xf32, #tpu.memory_space<vmem>>
                    tpu.enqueue_dma source(%dma_start3A_392 : memref<64x128xf32, #tpu.memory_space<vmem>>) target(%dma_start3A_389 : memref<64x128xf32, #tpu.memory_space<hbm>>) target_semaphore(%dma_start3A_387 : memref<!tpu.dma_semaphore, #tpu.memory_space<semaphore_mem>>)
                  }
                  %sub3A_372 = arith.subi %scan3A_184, %select_n3A : i32
                  %ge3A_373 = arith.constant 64 : i32
                  %ge3A_374 = arith.cmpi sge, %sub3A_372, %ge3A_373 : i32
                  %convert_element_type3A_375 = arith.extui %ge3A_374 : i1 to i32
                  %cond3A_376 = arith.constant 0 : i32
                  %cond3A_377 = arith.cmpi ne, %convert_element_type3A_375, %cond3A_376 : i32
                  scf.if %cond3A_377 {
                    %eq3A_380 = arith.constant 0 : i32
                    %eq3A_381 = arith.cmpi eq, %and3A_311, %eq3A_380 : i32
                    %convert_element_type3A_382 = arith.extui %eq3A_381 : i1 to i32
                    %cond3A_383 = arith.constant 0 : i32
                    %cond3A_384 = arith.cmpi ne, %convert_element_type3A_382, %cond3A_383 : i32
                    scf.if %cond3A_384 {
                      %dma_wait3A_385 = arith.constant 5 : i32
                      %dma_wait3A_386 = arith.constant 64 : i32
                      %dma_wait3A_387 = arith.constant 0 : i32
                      %dma_wait3A_388 = tpu.memref_slice %arg10[%dma_wait3A_386, %dma_wait3A_387] : memref<128x128xf32, #tpu.memory_space<vmem>> -> memref<64x128xf32, #tpu.memory_space<vmem>>
                      %dma_wait3A_389 = arith.constant 0 : i32
                      %dma_wait3A_390 = arith.constant 0 : i32
                      %dma_wait3A_391 = tpu.memref_slice %arg4[%dma_wait3A_389, %dma_wait3A_390] : memref<10000x128xf32, #tpu.memory_space<hbm>> -> memref<64x128xf32, #tpu.memory_space<hbm>>
                      %dma_wait3A_392 = tpu.memref_slice %arg11[%dma_wait3A_385] : memref<6x!tpu.dma_semaphore, #tpu.memory_space<semaphore_mem>> -> memref<1x!tpu.dma_semaphore, #tpu.memory_space<semaphore_mem>>
                      %dma_wait3A_393 = tpu.memref_squeeze %dma_wait3A_392 : memref<1x!tpu.dma_semaphore, #tpu.memory_space<semaphore_mem>> -> memref<!tpu.dma_semaphore, #tpu.memory_space<semaphore_mem>>
                      %dma_wait3A_394 = arith.constant 0 : i32
                      %dma_wait3A_395 = arith.constant 0 : i32
                      %dma_wait3A_396 = tpu.memref_slice %arg4[%dma_wait3A_394, %dma_wait3A_395] : memref<10000x128xf32, #tpu.memory_space<hbm>> -> memref<64x128xf32, #tpu.memory_space<hbm>>
                      %dma_wait3A_397 = arith.constant 64 : i32
                      %dma_wait3A_398 = arith.constant 0 : i32
                      %dma_wait3A_399 = tpu.memref_slice %arg10[%dma_wait3A_397, %dma_wait3A_398] : memref<128x128xf32, #tpu.memory_space<vmem>> -> memref<64x128xf32, #tpu.memory_space<vmem>>
                      tpu.wait_dma2 semaphore(%dma_wait3A_393 : memref<!tpu.dma_semaphore, #tpu.memory_space<semaphore_mem>>) src(%dma_wait3A_399 : memref<64x128xf32, #tpu.memory_space<vmem>>) dst(%dma_wait3A_396 : memref<64x128xf32, #tpu.memory_space<hbm>>)
                    } else {
                      %dma_wait3A_385 = arith.constant 4 : i32
                      %dma_wait3A_386 = arith.constant 0 : i32
                      %dma_wait3A_387 = arith.constant 0 : i32
                      %dma_wait3A_388 = tpu.memref_slice %arg10[%dma_wait3A_386, %dma_wait3A_387] : memref<128x128xf32, #tpu.memory_space<vmem>> -> memref<64x128xf32, #tpu.memory_space<vmem>>
                      %dma_wait3A_389 = arith.constant 0 : i32
                      %dma_wait3A_390 = arith.constant 0 : i32
                      %dma_wait3A_391 = tpu.memref_slice %arg4[%dma_wait3A_389, %dma_wait3A_390] : memref<10000x128xf32, #tpu.memory_space<hbm>> -> memref<64x128xf32, #tpu.memory_space<hbm>>
                      %dma_wait3A_392 = tpu.memref_slice %arg11[%dma_wait3A_385] : memref<6x!tpu.dma_semaphore, #tpu.memory_space<semaphore_mem>> -> memref<1x!tpu.dma_semaphore, #tpu.memory_space<semaphore_mem>>
                      %dma_wait3A_393 = tpu.memref_squeeze %dma_wait3A_392 : memref<1x!tpu.dma_semaphore, #tpu.memory_space<semaphore_mem>> -> memref<!tpu.dma_semaphore, #tpu.memory_space<semaphore_mem>>
                      %dma_wait3A_394 = arith.constant 0 : i32
                      %dma_wait3A_395 = arith.constant 0 : i32
                      %dma_wait3A_396 = tpu.memref_slice %arg4[%dma_wait3A_394, %dma_wait3A_395] : memref<10000x128xf32, #tpu.memory_space<hbm>> -> memref<64x128xf32, #tpu.memory_space<hbm>>
                      %dma_wait3A_397 = arith.constant 0 : i32
                      %dma_wait3A_398 = arith.constant 0 : i32
                      %dma_wait3A_399 = tpu.memref_slice %arg10[%dma_wait3A_397, %dma_wait3A_398] : memref<128x128xf32, #tpu.memory_space<vmem>> -> memref<64x128xf32, #tpu.memory_space<vmem>>
                      tpu.wait_dma2 semaphore(%dma_wait3A_393 : memref<!tpu.dma_semaphore, #tpu.memory_space<semaphore_mem>>) src(%dma_wait3A_399 : memref<64x128xf32, #tpu.memory_space<vmem>>) dst(%dma_wait3A_396 : memref<64x128xf32, #tpu.memory_space<hbm>>)
                    }
                  } else {
                  }
                  %add3A_378 = arith.constant 64 : i32
                  %add3A_379 = arith.addi %scan3A_184, %add3A_378 : i32
                  scf.yield %add3A_379 : i32
                } else {
                  scf.yield %scan3A_184 : i32
                }
                %add3A_365 = arith.constant 1 : i32
                %add3A_366 = arith.addi %scan3A_183, %add3A_365 : i32
                scf.yield %add3A_366, %cond3A_364 : i32, i32
              } else {
                scf.yield %scan3A_183, %scan3A_184 : i32, i32
              }
              %add3A_262 = arith.addi %mul3A_194, %squeeze3A_249 : i32
              %broadcast_in_dim3A_263 = vector.broadcast %add3A_262 : i32 to vector<16xi32>
              %gather3A_264 = tpu.vector_load_idx %arg5[%broadcast_in_dim3A_263] : memref<400xi32, #tpu.memory_space<vmem>>[vector<16xi32>], vector<16xi32>,
              %slice3A_265 = vector.extract_strided_slice %gather3A_264 {offsets = [0], sizes = [1], strides = [1]} : vector<16xi32> to vector<1xi32>
              %squeeze3A_266 = vector.extract %slice3A_265[0] : i32 from vector<1xi32>
              %while3A_267:2 = scf.while (%while3A_306 = %cond3A_261#0, %while3A_307 = %cond3A_261#1) : (i32, i32) -> (i32, i32) {
                %lt3A_308 = arith.cmpi slt, %while3A_306, %squeeze3A_266 : i32
                scf.condition(%lt3A_308) %while3A_306, %while3A_307 : i32, i32
              } do {
              ^bb0(%while3A_306: i32, %while3A_307: i32):
                %sub3A_308 = arith.subi %while3A_306, %while3A_307 : i32
                %sub3A_309 = arith.subi %while3A_307, %select_n3A : i32
                %shift_right_logical3A_310 = arith.constant 6 : i32
                %shift_right_logical3A_311 = arith.shrui %sub3A_309, %shift_right_logical3A_310 : i32
                %and3A_312 = arith.constant 1 : i32
                %and3A_313 = arith.andi %shift_right_logical3A_311, %and3A_312 : i32
                %mul3A_314 = arith.constant 64 : i32
                %mul3A_315 = arith.muli %and3A_313, %mul3A_314 : i32
                %add3A_316 = arith.addi %sub3A_308, %mul3A_315 : i32
                %swap3A = arith.index_cast %add3A_316 : i32 to index
                %swap3A_317 = arith.constant 0 : index
                %swap3A_318 = tpu.vector_load %arg10[%swap3A, %swap3A_317] {strides = array<i32>} : memref<128x128xf32, #tpu.memory_space<vmem>>, vector<16xf32>,
                tpu.vector_store %arg10[%swap3A, %swap3A_317], %broadcast_in_dim3A_19 {strides = array<i32>} : memref<128x128xf32, #tpu.memory_space<vmem>>, vector<16xf32>,
                %mul3A_319 = arith.constant 64 : i32
                %mul3A_320 = arith.muli %and3A_313, %mul3A_319 : i32
                %add3A_321 = arith.addi %sub3A_308, %mul3A_320 : i32
                %swap3A_322 = arith.index_cast %add3A_321 : i32 to index
                %swap3A_323 = arith.constant 16 : index
                %swap3A_324 = tpu.vector_load %arg10[%swap3A_322, %swap3A_323] {strides = array<i32>} : memref<128x128xf32, #tpu.memory_space<vmem>>, vector<16xf32>,
                tpu.vector_store %arg10[%swap3A_322, %swap3A_323], %broadcast_in_dim3A_19 {strides = array<i32>} : memref<128x128xf32, #tpu.memory_space<vmem>>, vector<16xf32>,
                %mul3A_325 = arith.constant 64 : i32
                %mul3A_326 = arith.muli %and3A_313, %mul3A_325 : i32
                %add3A_327 = arith.addi %sub3A_308, %mul3A_326 : i32
                %swap3A_328 = arith.index_cast %add3A_327 : i32 to index
                %swap3A_329 = arith.constant 32 : index
                %swap3A_330 = tpu.vector_load %arg10[%swap3A_328, %swap3A_329] {strides = array<i32>} : memref<128x128xf32, #tpu.memory_space<vmem>>, vector<16xf32>,
                tpu.vector_store %arg10[%swap3A_328, %swap3A_329], %broadcast_in_dim3A_19 {strides = array<i32>} : memref<128x128xf32, #tpu.memory_space<vmem>>, vector<16xf32>,
                %mul3A_331 = arith.constant 64 : i32
                %mul3A_332 = arith.muli %and3A_313, %mul3A_331 : i32
                %add3A_333 = arith.addi %sub3A_308, %mul3A_332 : i32
                %swap3A_334 = arith.index_cast %add3A_333 : i32 to index
                %swap3A_335 = arith.constant 48 : index
                %swap3A_336 = tpu.vector_load %arg10[%swap3A_334, %swap3A_335] {strides = array<i32>} : memref<128x128xf32, #tpu.memory_space<vmem>>, vector<16xf32>,
                tpu.vector_store %arg10[%swap3A_334, %swap3A_335], %broadcast_in_dim3A_19 {strides = array<i32>} : memref<128x128xf32, #tpu.memory_space<vmem>>, vector<16xf32>,
                %mul3A_337 = arith.constant 64 : i32
                %mul3A_338 = arith.muli %and3A_313, %mul3A_337 : i32
                %add3A_339 = arith.addi %sub3A_308, %mul3A_338 : i32
                %swap3A_340 = arith.index_cast %add3A_339 : i32 to index
                %swap3A_341 = arith.constant 64 : index
                %swap3A_342 = tpu.vector_load %arg10[%swap3A_340, %swap3A_341] {strides = array<i32>} : memref<128x128xf32, #tpu.memory_space<vmem>>, vector<16xf32>,
                tpu.vector_store %arg10[%swap3A_340, %swap3A_341], %broadcast_in_dim3A_19 {strides = array<i32>} : memref<128x128xf32, #tpu.memory_space<vmem>>, vector<16xf32>,
                %mul3A_343 = arith.constant 64 : i32
                %mul3A_344 = arith.muli %and3A_313, %mul3A_343 : i32
                %add3A_345 = arith.addi %sub3A_308, %mul3A_344 : i32
                %swap3A_346 = arith.index_cast %add3A_345 : i32 to index
                %swap3A_347 = arith.constant 80 : index
                %swap3A_348 = tpu.vector_load %arg10[%swap3A_346, %swap3A_347] {strides = array<i32>} : memref<128x128xf32, #tpu.memory_space<vmem>>, vector<16xf32>,
                tpu.vector_store %arg10[%swap3A_346, %swap3A_347], %broadcast_in_dim3A_19 {strides = array<i32>} : memref<128x128xf32, #tpu.memory_space<vmem>>, vector<16xf32>,
                %mul3A_349 = arith.constant 64 : i32
                %mul3A_350 = arith.muli %and3A_313, %mul3A_349 : i32
                %add3A_351 = arith.addi %sub3A_308, %mul3A_350 : i32
                %swap3A_352 = arith.index_cast %add3A_351 : i32 to index
                %swap3A_353 = arith.constant 96 : index
                %swap3A_354 = tpu.vector_load %arg10[%swap3A_352, %swap3A_353] {strides = array<i32>} : memref<128x128xf32, #tpu.memory_space<vmem>>, vector<16xf32>,
                tpu.vector_store %arg10[%swap3A_352, %swap3A_353], %broadcast_in_dim3A_19 {strides = array<i32>} : memref<128x128xf32, #tpu.memory_space<vmem>>, vector<16xf32>,
                %mul3A_355 = arith.constant 64 : i32
                %mul3A_356 = arith.muli %and3A_313, %mul3A_355 : i32
                %add3A_357 = arith.addi %sub3A_308, %mul3A_356 : i32
                %swap3A_358 = arith.index_cast %add3A_357 : i32 to index
                %swap3A_359 = arith.constant 112 : index
                %swap3A_360 = tpu.vector_load %arg10[%swap3A_358, %swap3A_359] {strides = array<i32>} : memref<128x128xf32, #tpu.memory_space<vmem>>, vector<16xf32>,
                tpu.vector_store %arg10[%swap3A_358, %swap3A_359], %broadcast_in_dim3A_19 {strides = array<i32>} : memref<128x128xf32, #tpu.memory_space<vmem>>, vector<16xf32>,
                %eq3A_361 = arith.constant 63 : i32
                %eq3A_362 = arith.cmpi eq, %sub3A_308, %eq3A_361 : i32
                %convert_element_type3A_363 = arith.extui %eq3A_362 : i1 to i32
                %cond3A_364 = arith.constant 0 : i32
                %cond3A_365 = arith.cmpi ne, %convert_element_type3A_363, %cond3A_364 : i32
                %cond3A_366 = scf.if %cond3A_365 -> (i32) {
                  %eq3A_369 = arith.constant 0 : i32
                  %eq3A_370 = arith.cmpi eq, %and3A_313, %eq3A_369 : i32
                  %convert_element_type3A_371 = arith.extui %eq3A_370 : i1 to i32
                  %cond3A_372 = arith.constant 0 : i32
                  %cond3A_373 = arith.cmpi ne, %convert_element_type3A_371, %cond3A_372 : i32
                  scf.if %cond3A_373 {
                    %dma_start3A_382 = arith.constant 4 : i32
                    %dma_start3A_383 = arith.constant 0 : i32
                    %dma_start3A_384 = arith.constant 0 : i32
                    %dma_start3A_385 = tpu.memref_slice %arg10[%dma_start3A_383, %dma_start3A_384] : memref<128x128xf32, #tpu.memory_space<vmem>> -> memref<64x128xf32, #tpu.memory_space<vmem>>
                    %dma_start3A_386 = arith.constant 0 : i32
                    %dma_start3A_387 = tpu.memref_slice %arg4[%while3A_307, %dma_start3A_386] : memref<10000x128xf32, #tpu.memory_space<hbm>> -> memref<64x128xf32, #tpu.memory_space<hbm>>
                    %dma_start3A_388 = tpu.memref_slice %arg11[%dma_start3A_382] : memref<6x!tpu.dma_semaphore, #tpu.memory_space<semaphore_mem>> -> memref<1x!tpu.dma_semaphore, #tpu.memory_space<semaphore_mem>>
                    %dma_start3A_389 = tpu.memref_squeeze %dma_start3A_388 : memref<1x!tpu.dma_semaphore, #tpu.memory_space<semaphore_mem>> -> memref<!tpu.dma_semaphore, #tpu.memory_space<semaphore_mem>>
                    %dma_start3A_390 = arith.constant 0 : i32
                    %dma_start3A_391 = tpu.memref_slice %arg4[%while3A_307, %dma_start3A_390] : memref<10000x128xf32, #tpu.memory_space<hbm>> -> memref<64x128xf32, #tpu.memory_space<hbm>>
                    %dma_start3A_392 = arith.constant 0 : i32
                    %dma_start3A_393 = arith.constant 0 : i32
                    %dma_start3A_394 = tpu.memref_slice %arg10[%dma_start3A_392, %dma_start3A_393] : memref<128x128xf32, #tpu.memory_space<vmem>> -> memref<64x128xf32, #tpu.memory_space<vmem>>
                    tpu.enqueue_dma source(%dma_start3A_394 : memref<64x128xf32, #tpu.memory_space<vmem>>) target(%dma_start3A_391 : memref<64x128xf32, #tpu.memory_space<hbm>>) target_semaphore(%dma_start3A_389 : memref<!tpu.dma_semaphore, #tpu.memory_space<semaphore_mem>>)
                  } else {
                    %dma_start3A_382 = arith.constant 5 : i32
                    %dma_start3A_383 = arith.constant 64 : i32
                    %dma_start3A_384 = arith.constant 0 : i32
                    %dma_start3A_385 = tpu.memref_slice %arg10[%dma_start3A_383, %dma_start3A_384] : memref<128x128xf32, #tpu.memory_space<vmem>> -> memref<64x128xf32, #tpu.memory_space<vmem>>
                    %dma_start3A_386 = arith.constant 0 : i32
                    %dma_start3A_387 = tpu.memref_slice %arg4[%while3A_307, %dma_start3A_386] : memref<10000x128xf32, #tpu.memory_space<hbm>> -> memref<64x128xf32, #tpu.memory_space<hbm>>
                    %dma_start3A_388 = tpu.memref_slice %arg11[%dma_start3A_382] : memref<6x!tpu.dma_semaphore, #tpu.memory_space<semaphore_mem>> -> memref<1x!tpu.dma_semaphore, #tpu.memory_space<semaphore_mem>>
                    %dma_start3A_389 = tpu.memref_squeeze %dma_start3A_388 : memref<1x!tpu.dma_semaphore, #tpu.memory_space<semaphore_mem>> -> memref<!tpu.dma_semaphore, #tpu.memory_space<semaphore_mem>>
                    %dma_start3A_390 = arith.constant 0 : i32
                    %dma_start3A_391 = tpu.memref_slice %arg4[%while3A_307, %dma_start3A_390] : memref<10000x128xf32, #tpu.memory_space<hbm>> -> memref<64x128xf32, #tpu.memory_space<hbm>>
                    %dma_start3A_392 = arith.constant 64 : i32
                    %dma_start3A_393 = arith.constant 0 : i32
                    %dma_start3A_394 = tpu.memref_slice %arg10[%dma_start3A_392, %dma_start3A_393] : memref<128x128xf32, #tpu.memory_space<vmem>> -> memref<64x128xf32, #tpu.memory_space<vmem>>
                    tpu.enqueue_dma source(%dma_start3A_394 : memref<64x128xf32, #tpu.memory_space<vmem>>) target(%dma_start3A_391 : memref<64x128xf32, #tpu.memory_space<hbm>>) target_semaphore(%dma_start3A_389 : memref<!tpu.dma_semaphore, #tpu.memory_space<semaphore_mem>>)
                  }
                  %sub3A_374 = arith.subi %while3A_307, %select_n3A : i32
                  %ge3A_375 = arith.constant 64 : i32
                  %ge3A_376 = arith.cmpi sge, %sub3A_374, %ge3A_375 : i32
                  %convert_element_type3A_377 = arith.extui %ge3A_376 : i1 to i32
                  %cond3A_378 = arith.constant 0 : i32
                  %cond3A_379 = arith.cmpi ne, %convert_element_type3A_377, %cond3A_378 : i32
                  scf.if %cond3A_379 {
                    %eq3A_382 = arith.constant 0 : i32
                    %eq3A_383 = arith.cmpi eq, %and3A_313, %eq3A_382 : i32
                    %convert_element_type3A_384 = arith.extui %eq3A_383 : i1 to i32
                    %cond3A_385 = arith.constant 0 : i32
                    %cond3A_386 = arith.cmpi ne, %convert_element_type3A_384, %cond3A_385 : i32
                    scf.if %cond3A_386 {
                      %dma_wait3A_387 = arith.constant 5 : i32
                      %dma_wait3A_388 = arith.constant 64 : i32
                      %dma_wait3A_389 = arith.constant 0 : i32
                      %dma_wait3A_390 = tpu.memref_slice %arg10[%dma_wait3A_388, %dma_wait3A_389] : memref<128x128xf32, #tpu.memory_space<vmem>> -> memref<64x128xf32, #tpu.memory_space<vmem>>
                      %dma_wait3A_391 = arith.constant 0 : i32
                      %dma_wait3A_392 = arith.constant 0 : i32
                      %dma_wait3A_393 = tpu.memref_slice %arg4[%dma_wait3A_391, %dma_wait3A_392] : memref<10000x128xf32, #tpu.memory_space<hbm>> -> memref<64x128xf32, #tpu.memory_space<hbm>>
                      %dma_wait3A_394 = tpu.memref_slice %arg11[%dma_wait3A_387] : memref<6x!tpu.dma_semaphore, #tpu.memory_space<semaphore_mem>> -> memref<1x!tpu.dma_semaphore, #tpu.memory_space<semaphore_mem>>
                      %dma_wait3A_395 = tpu.memref_squeeze %dma_wait3A_394 : memref<1x!tpu.dma_semaphore, #tpu.memory_space<semaphore_mem>> -> memref<!tpu.dma_semaphore, #tpu.memory_space<semaphore_mem>>
                      %dma_wait3A_396 = arith.constant 0 : i32
                      %dma_wait3A_397 = arith.constant 0 : i32
                      %dma_wait3A_398 = tpu.memref_slice %arg4[%dma_wait3A_396, %dma_wait3A_397] : memref<10000x128xf32, #tpu.memory_space<hbm>> -> memref<64x128xf32, #tpu.memory_space<hbm>>
                      %dma_wait3A_399 = arith.constant 64 : i32
                      %dma_wait3A_400 = arith.constant 0 : i32
                      %dma_wait3A_401 = tpu.memref_slice %arg10[%dma_wait3A_399, %dma_wait3A_400] : memref<128x128xf32, #tpu.memory_space<vmem>> -> memref<64x128xf32, #tpu.memory_space<vmem>>
                      tpu.wait_dma2 semaphore(%dma_wait3A_395 : memref<!tpu.dma_semaphore, #tpu.memory_space<semaphore_mem>>) src(%dma_wait3A_401 : memref<64x128xf32, #tpu.memory_space<vmem>>) dst(%dma_wait3A_398 : memref<64x128xf32, #tpu.memory_space<hbm>>)
                    } else {
                      %dma_wait3A_387 = arith.constant 4 : i32
                      %dma_wait3A_388 = arith.constant 0 : i32
                      %dma_wait3A_389 = arith.constant 0 : i32
                      %dma_wait3A_390 = tpu.memref_slice %arg10[%dma_wait3A_388, %dma_wait3A_389] : memref<128x128xf32, #tpu.memory_space<vmem>> -> memref<64x128xf32, #tpu.memory_space<vmem>>
                      %dma_wait3A_391 = arith.constant 0 : i32
                      %dma_wait3A_392 = arith.constant 0 : i32
                      %dma_wait3A_393 = tpu.memref_slice %arg4[%dma_wait3A_391, %dma_wait3A_392] : memref<10000x128xf32, #tpu.memory_space<hbm>> -> memref<64x128xf32, #tpu.memory_space<hbm>>
                      %dma_wait3A_394 = tpu.memref_slice %arg11[%dma_wait3A_387] : memref<6x!tpu.dma_semaphore, #tpu.memory_space<semaphore_mem>> -> memref<1x!tpu.dma_semaphore, #tpu.memory_space<semaphore_mem>>
                      %dma_wait3A_395 = tpu.memref_squeeze %dma_wait3A_394 : memref<1x!tpu.dma_semaphore, #tpu.memory_space<semaphore_mem>> -> memref<!tpu.dma_semaphore, #tpu.memory_space<semaphore_mem>>
                      %dma_wait3A_396 = arith.constant 0 : i32
                      %dma_wait3A_397 = arith.constant 0 : i32
                      %dma_wait3A_398 = tpu.memref_slice %arg4[%dma_wait3A_396, %dma_wait3A_397] : memref<10000x128xf32, #tpu.memory_space<hbm>> -> memref<64x128xf32, #tpu.memory_space<hbm>>
                      %dma_wait3A_399 = arith.constant 0 : i32
                      %dma_wait3A_400 = arith.constant 0 : i32
                      %dma_wait3A_401 = tpu.memref_slice %arg10[%dma_wait3A_399, %dma_wait3A_400] : memref<128x128xf32, #tpu.memory_space<vmem>> -> memref<64x128xf32, #tpu.memory_space<vmem>>
                      tpu.wait_dma2 semaphore(%dma_wait3A_395 : memref<!tpu.dma_semaphore, #tpu.memory_space<semaphore_mem>>) src(%dma_wait3A_401 : memref<64x128xf32, #tpu.memory_space<vmem>>) dst(%dma_wait3A_398 : memref<64x128xf32, #tpu.memory_space<hbm>>)
                    }
                  } else {
                  }
                  %add3A_380 = arith.constant 64 : i32
                  %add3A_381 = arith.addi %while3A_307, %add3A_380 : i32
                  scf.yield %add3A_381 : i32
                } else {
                  scf.yield %while3A_307 : i32
                }
                %add3A_367 = arith.constant 1 : i32
                %add3A_368 = arith.addi %while3A_306, %add3A_367 : i32
                scf.yield %add3A_368, %cond3A_366 : i32, i32
              }
              %add3A_268 = arith.addi %mul3A_194, %squeeze3A_249 : i32
              %get3A_269 = arith.index_cast %add3A_268 : i32 to index
              %get3A_270 = arith.constant 0 : index
              %get3A_271 = tpu.vector_load %arg7[%get3A_269, %get3A_270] {strides = array<i32>} : memref<400x128xf32, #tpu.memory_space<vmem>>, vector<16xf32>,
              %get3A_272 = arith.index_cast %add3A_268 : i32 to index
              %get3A_273 = arith.constant 16 : index
              %get3A_274 = tpu.vector_load %arg7[%get3A_272, %get3A_273] {strides = array<i32>} : memref<400x128xf32, #tpu.memory_space<vmem>>, vector<16xf32>,
              %get3A_275 = arith.index_cast %add3A_268 : i32 to index
              %get3A_276 = arith.constant 32 : index
              %get3A_277 = tpu.vector_load %arg7[%get3A_275, %get3A_276] {strides = array<i32>} : memref<400x128xf32, #tpu.memory_space<vmem>>, vector<16xf32>,
              %get3A_278 = arith.index_cast %add3A_268 : i32 to index
              %get3A_279 = arith.constant 48 : index
              %get3A_280 = tpu.vector_load %arg7[%get3A_278, %get3A_279] {strides = array<i32>} : memref<400x128xf32, #tpu.memory_space<vmem>>, vector<16xf32>,
              %get3A_281 = arith.index_cast %add3A_268 : i32 to index
              %get3A_282 = arith.constant 64 : index
              %get3A_283 = tpu.vector_load %arg7[%get3A_281, %get3A_282] {strides = array<i32>} : memref<400x128xf32, #tpu.memory_space<vmem>>, vector<16xf32>,
              %get3A_284 = arith.index_cast %add3A_268 : i32 to index
              %get3A_285 = arith.constant 80 : index
              %get3A_286 = tpu.vector_load %arg7[%get3A_284, %get3A_285] {strides = array<i32>} : memref<400x128xf32, #tpu.memory_space<vmem>>, vector<16xf32>,
              %get3A_287 = arith.index_cast %add3A_268 : i32 to index
              %get3A_288 = arith.constant 96 : index
              %get3A_289 = tpu.vector_load %arg7[%get3A_287, %get3A_288] {strides = array<i32>} : memref<400x128xf32, #tpu.memory_space<vmem>>, vector<16xf32>,
              %get3A_290 = arith.index_cast %add3A_268 : i32 to index
              %get3A_291 = arith.constant 112 : index
              %get3A_292 = tpu.vector_load %arg7[%get3A_290, %get3A_291] {strides = array<i32>} : memref<400x128xf32, #tpu.memory_space<vmem>>, vector<16xf32>,
              %add3A_293 = arith.constant 1 : i32
              %add3A_294 = arith.addi %squeeze3A_249, %add3A_293 : i32
              %while3A_295 = arith.constant 16 : i32
              %while3A_296 = arith.subi %while3A_295, %add3A_294 : i32
              %while3A_297 = arith.addi %add3A_294, %while3A_296 : i32
              %while3A_298 = arith.constant 1 : i32
              %while3A_299 = arith.divsi %while3A_296, %while3A_298 : i32
              %while3A_300 = arith.muli %while3A_299, %while3A_298 : i32
              %while3A_301 = arith.addi %add3A_294, %while3A_300 : i32
              %while3A_302 = arith.constant 1 : i32
              %while3A_303:8 = scf.for %while3A_306 = %add3A_294 to %while3A_301 step %while3A_302 iter_args(%while3A_307 = %get3A_271, %while3A_308 = %get3A_274, %while3A_309 = %get3A_277, %while3A_310 = %get3A_280, %while3A_311 = %get3A_283, %while3A_312 = %get3A_286, %while3A_313 = %get3A_289, %while3A_314 = %get3A_292) -> (vector<16xf32>, vector<16xf32>, vector<16xf32>, vector<16xf32>, vector<16xf32>, vector<16xf32>, vector<16xf32>, vector<16xf32>)  : i32 {
                %add3A_315 = arith.addi %mul3A_194, %while3A_306 : i32
                %get3A_316 = arith.index_cast %add3A_315 : i32 to index
                %get3A_317 = arith.constant 0 : index
                %get3A_318 = tpu.vector_load %arg7[%get3A_316, %get3A_317] {strides = array<i32>} : memref<400x128xf32, #tpu.memory_space<vmem>>, vector<16xf32>,
                %get3A_319 = arith.index_cast %add3A_315 : i32 to index
                %get3A_320 = arith.constant 16 : index
                %get3A_321 = tpu.vector_load %arg7[%get3A_319, %get3A_320] {strides = array<i32>} : memref<400x128xf32, #tpu.memory_space<vmem>>, vector<16xf32>,
                %get3A_322 = arith.index_cast %add3A_315 : i32 to index
                %get3A_323 = arith.constant 32 : index
                %get3A_324 = tpu.vector_load %arg7[%get3A_322, %get3A_323] {strides = array<i32>} : memref<400x128xf32, #tpu.memory_space<vmem>>, vector<16xf32>,
                %get3A_325 = arith.index_cast %add3A_315 : i32 to index
                %get3A_326 = arith.constant 48 : index
                %get3A_327 = tpu.vector_load %arg7[%get3A_325, %get3A_326] {strides = array<i32>} : memref<400x128xf32, #tpu.memory_space<vmem>>, vector<16xf32>,
                %get3A_328 = arith.index_cast %add3A_315 : i32 to index
                %get3A_329 = arith.constant 64 : index
                %get3A_330 = tpu.vector_load %arg7[%get3A_328, %get3A_329] {strides = array<i32>} : memref<400x128xf32, #tpu.memory_space<vmem>>, vector<16xf32>,
                %get3A_331 = arith.index_cast %add3A_315 : i32 to index
                %get3A_332 = arith.constant 80 : index
                %get3A_333 = tpu.vector_load %arg7[%get3A_331, %get3A_332] {strides = array<i32>} : memref<400x128xf32, #tpu.memory_space<vmem>>, vector<16xf32>,
                %get3A_334 = arith.index_cast %add3A_315 : i32 to index
                %get3A_335 = arith.constant 96 : index
                %get3A_336 = tpu.vector_load %arg7[%get3A_334, %get3A_335] {strides = array<i32>} : memref<400x128xf32, #tpu.memory_space<vmem>>, vector<16xf32>,
                %get3A_337 = arith.index_cast %add3A_315 : i32 to index
                %get3A_338 = arith.constant 112 : index
                %get3A_339 = tpu.vector_load %arg7[%get3A_337, %get3A_338] {strides = array<i32>} : memref<400x128xf32, #tpu.memory_space<vmem>>, vector<16xf32>,
                %max3A_340 = arith.maximumf %while3A_307, %get3A_318 : vector<16xf32>
                %max3A_341 = arith.maximumf %while3A_308, %get3A_321 : vector<16xf32>
                %max3A_342 = arith.maximumf %while3A_309, %get3A_324 : vector<16xf32>
                %max3A_343 = arith.maximumf %while3A_310, %get3A_327 : vector<16xf32>
                %max3A_344 = arith.maximumf %while3A_311, %get3A_330 : vector<16xf32>
                %max3A_345 = arith.maximumf %while3A_312, %get3A_333 : vector<16xf32>
                %max3A_346 = arith.maximumf %while3A_313, %get3A_336 : vector<16xf32>
                %max3A_347 = arith.maximumf %while3A_314, %get3A_339 : vector<16xf32>
                scf.yield %max3A_340, %max3A_341, %max3A_342, %max3A_343, %max3A_344, %max3A_345, %max3A_346, %max3A_347 : vector<16xf32>, vector<16xf32>, vector<16xf32>, vector<16xf32>, vector<16xf32>, vector<16xf32>, vector<16xf32>, vector<16xf32>
              }
              %while3A_304 = arith.constant 1 : i32
              %while3A_305:8 = scf.for %while3A_306 = %while3A_301 to %while3A_297 step %while3A_304 iter_args(%while3A_307 = %while3A_303#0, %while3A_308 = %while3A_303#1, %while3A_309 = %while3A_303#2, %while3A_310 = %while3A_303#3, %while3A_311 = %while3A_303#4, %while3A_312 = %while3A_303#5, %while3A_313 = %while3A_303#6, %while3A_314 = %while3A_303#7) -> (vector<16xf32>, vector<16xf32>, vector<16xf32>, vector<16xf32>, vector<16xf32>, vector<16xf32>, vector<16xf32>, vector<16xf32>)  : i32 {
                %add3A_315 = arith.addi %mul3A_194, %while3A_306 : i32
                %get3A_316 = arith.index_cast %add3A_315 : i32 to index
                %get3A_317 = arith.constant 0 : index
                %get3A_318 = tpu.vector_load %arg7[%get3A_316, %get3A_317] {strides = array<i32>} : memref<400x128xf32, #tpu.memory_space<vmem>>, vector<16xf32>,
                %get3A_319 = arith.index_cast %add3A_315 : i32 to index
                %get3A_320 = arith.constant 16 : index
                %get3A_321 = tpu.vector_load %arg7[%get3A_319, %get3A_320] {strides = array<i32>} : memref<400x128xf32, #tpu.memory_space<vmem>>, vector<16xf32>,
                %get3A_322 = arith.index_cast %add3A_315 : i32 to index
                %get3A_323 = arith.constant 32 : index
                %get3A_324 = tpu.vector_load %arg7[%get3A_322, %get3A_323] {strides = array<i32>} : memref<400x128xf32, #tpu.memory_space<vmem>>, vector<16xf32>,
                %get3A_325 = arith.index_cast %add3A_315 : i32 to index
                %get3A_326 = arith.constant 48 : index
                %get3A_327 = tpu.vector_load %arg7[%get3A_325, %get3A_326] {strides = array<i32>} : memref<400x128xf32, #tpu.memory_space<vmem>>, vector<16xf32>,
                %get3A_328 = arith.index_cast %add3A_315 : i32 to index
                %get3A_329 = arith.constant 64 : index
                %get3A_330 = tpu.vector_load %arg7[%get3A_328, %get3A_329] {strides = array<i32>} : memref<400x128xf32, #tpu.memory_space<vmem>>, vector<16xf32>,
                %get3A_331 = arith.index_cast %add3A_315 : i32 to index
                %get3A_332 = arith.constant 80 : index
                %get3A_333 = tpu.vector_load %arg7[%get3A_331, %get3A_332] {strides = array<i32>} : memref<400x128xf32, #tpu.memory_space<vmem>>, vector<16xf32>,
                %get3A_334 = arith.index_cast %add3A_315 : i32 to index
                %get3A_335 = arith.constant 96 : index
                %get3A_336 = tpu.vector_load %arg7[%get3A_334, %get3A_335] {strides = array<i32>} : memref<400x128xf32, #tpu.memory_space<vmem>>, vector<16xf32>,
                %get3A_337 = arith.index_cast %add3A_315 : i32 to index
                %get3A_338 = arith.constant 112 : index
                %get3A_339 = tpu.vector_load %arg7[%get3A_337, %get3A_338] {strides = array<i32>} : memref<400x128xf32, #tpu.memory_space<vmem>>, vector<16xf32>,
                %max3A_340 = arith.maximumf %while3A_307, %get3A_318 : vector<16xf32>
                %max3A_341 = arith.maximumf %while3A_308, %get3A_321 : vector<16xf32>
                %max3A_342 = arith.maximumf %while3A_309, %get3A_324 : vector<16xf32>
                %max3A_343 = arith.maximumf %while3A_310, %get3A_327 : vector<16xf32>
                %max3A_344 = arith.maximumf %while3A_311, %get3A_330 : vector<16xf32>
                %max3A_345 = arith.maximumf %while3A_312, %get3A_333 : vector<16xf32>
                %max3A_346 = arith.maximumf %while3A_313, %get3A_336 : vector<16xf32>
                %max3A_347 = arith.maximumf %while3A_314, %get3A_339 : vector<16xf32>
                scf.yield %max3A_340, %max3A_341, %max3A_342, %max3A_343, %max3A_344, %max3A_345, %max3A_346, %max3A_347 : vector<16xf32>, vector<16xf32>, vector<16xf32>, vector<16xf32>, vector<16xf32>, vector<16xf32>, vector<16xf32>, vector<16xf32>
              }
              scf.yield %squeeze3A_266, %while3A_267#0, %while3A_267#1, %while3A_305#0, %while3A_305#1, %while3A_305#2, %while3A_305#3, %while3A_305#4, %while3A_305#5, %while3A_305#6, %while3A_305#7 : i32, i32, i32, vector<16xf32>, vector<16xf32>, vector<16xf32>, vector<16xf32>, vector<16xf32>, vector<16xf32>, vector<16xf32>, vector<16xf32>
            } else {
              %while3A_247 = arith.constant 0 : i32
              %while3A_248:12 = scf.while (%while3A_249 = %while3A_247, %while3A_250 = %scan3A_182, %while3A_251 = %scan3A_183, %while3A_252 = %scan3A_184, %while3A_253 = %scan3A_185, %while3A_254 = %scan3A_186, %while3A_255 = %scan3A_187, %while3A_256 = %scan3A_188, %while3A_257 = %scan3A_189, %while3A_258 = %scan3A_190, %while3A_259 = %scan3A_191, %while3A_260 = %scan3A_192) : (i32, i32, i32, i32, vector<16xf32>, vector<16xf32>, vector<16xf32>, vector<16xf32>, vector<16xf32>, vector<16xf32>, vector<16xf32>, vector<16xf32>) -> (i32, i32, i32, i32, vector<16xf32>, vector<16xf32>, vector<16xf32>, vector<16xf32>, vector<16xf32>, vector<16xf32>, vector<16xf32>, vector<16xf32>) {
                %lt3A_261 = arith.cmpi slt, %while3A_249, %select_n3A_234 : i32
                scf.condition(%lt3A_261) %while3A_249, %while3A_250, %while3A_251, %while3A_252, %while3A_253, %while3A_254, %while3A_255, %while3A_256, %while3A_257, %while3A_258, %while3A_259, %while3A_260 : i32, i32, i32, i32, vector<16xf32>, vector<16xf32>, vector<16xf32>, vector<16xf32>, vector<16xf32>, vector<16xf32>, vector<16xf32>, vector<16xf32>
              } do {
              ^bb0(%while3A_249: i32, %while3A_250: i32, %while3A_251: i32, %while3A_252: i32, %while3A_253: vector<16xf32>, %while3A_254: vector<16xf32>, %while3A_255: vector<16xf32>, %while3A_256: vector<16xf32>, %while3A_257: vector<16xf32>, %while3A_258: vector<16xf32>, %while3A_259: vector<16xf32>, %while3A_260: vector<16xf32>):
                %ge3A_261 = vector.broadcast %while3A_249 : i32 to vector<16xi32>
                %ge3A_262 = arith.cmpi sge, %iota3A, %ge3A_261 : vector<16xi32>
                %and3A_263 = arith.andi %and3A_224, %ge3A_262 : vector<16xi1>
                %all_reduce_population_count3A_264 = tpu.all_reduce %and3A_263 {dim = 0 : i64, kind = #tpu.reduction_kind<sum>} : vector<16xi1> -> vector<16xi32>
                %slice3A_265 = vector.extract_strided_slice %all_reduce_population_count3A_264 {offsets = [0], sizes = [1], strides = [1]} : vector<16xi32> to vector<1xi32>
                %squeeze3A_266 = vector.extract %slice3A_265[0] : i32 from vector<1xi32>
                %gt3A_267 = arith.constant 0 : i32
                %gt3A_268 = arith.cmpi sgt, %squeeze3A_266, %gt3A_267 : i32
                %all_reduce_ffs3A_269 = tpu.all_reduce %and3A_263 {dim = 0 : i64, kind = #tpu.reduction_kind<find_first_set>} : vector<16xi1> -> vector<16xi32>
                %slice3A_270 = vector.extract_strided_slice %all_reduce_ffs3A_269 {offsets = [0], sizes = [1], strides = [1]} : vector<16xi32> to vector<1xi32>
                %squeeze3A_271 = vector.extract %slice3A_270[0] : i32 from vector<1xi32>
                %jit3A_272 = arith.constant 16 : i32
                %select_n3A_273 = arith.select %gt3A_268, %squeeze3A_271, %jit3A_272 : i32
                %min3A_274 = arith.minsi %select_n3A_273, %select_n3A_234 : i32
                %ge3A_275 = arith.constant 0 : i32
                %ge3A_276 = arith.cmpi sge, %while3A_250, %ge3A_275 : i32
                %convert_element_type3A_277 = arith.extui %ge3A_276 : i1 to i32
                %cond3A_278 = arith.constant 0 : i32
                %cond3A_279 = arith.cmpi ne, %convert_element_type3A_277, %cond3A_278 : i32
                %cond3A_280:8 = scf.if %cond3A_279 -> (vector<16xf32>, vector<16xf32>, vector<16xf32>, vector<16xf32>, vector<16xf32>, vector<16xf32>, vector<16xf32>, vector<16xf32>) {
                  %while3A_288 = arith.subi %min3A_274, %while3A_249 : i32
                  %while3A_289 = arith.addi %while3A_249, %while3A_288 : i32
                  %while3A_290 = arith.constant 1 : i32
                  %while3A_291 = arith.divsi %while3A_288, %while3A_290 : i32
                  %while3A_292 = arith.muli %while3A_291, %while3A_290 : i32
                  %while3A_293 = arith.addi %while3A_249, %while3A_292 : i32
                  %while3A_294 = arith.constant 1 : i32
                  %while3A_295:8 = scf.for %while3A_298 = %while3A_249 to %while3A_293 step %while3A_294 iter_args(%while3A_299 = %while3A_253, %while3A_300 = %while3A_254, %while3A_301 = %while3A_255, %while3A_302 = %while3A_256, %while3A_303 = %while3A_257, %while3A_304 = %while3A_258, %while3A_305 = %while3A_259, %while3A_306 = %while3A_260) -> (vector<16xf32>, vector<16xf32>, vector<16xf32>, vector<16xf32>, vector<16xf32>, vector<16xf32>, vector<16xf32>, vector<16xf32>)  : i32 {
                    %add3A_307 = arith.addi %mul3A_194, %while3A_298 : i32
                    %get3A_308 = arith.index_cast %add3A_307 : i32 to index
                    %get3A_309 = arith.constant 0 : index
                    %get3A_310 = tpu.vector_load %arg7[%get3A_308, %get3A_309] {strides = array<i32>} : memref<400x128xf32, #tpu.memory_space<vmem>>, vector<16xf32>,
                    %get3A_311 = arith.index_cast %add3A_307 : i32 to index
                    %get3A_312 = arith.constant 16 : index
                    %get3A_313 = tpu.vector_load %arg7[%get3A_311, %get3A_312] {strides = array<i32>} : memref<400x128xf32, #tpu.memory_space<vmem>>, vector<16xf32>,
                    %get3A_314 = arith.index_cast %add3A_307 : i32 to index
                    %get3A_315 = arith.constant 32 : index
                    %get3A_316 = tpu.vector_load %arg7[%get3A_314, %get3A_315] {strides = array<i32>} : memref<400x128xf32, #tpu.memory_space<vmem>>, vector<16xf32>,
                    %get3A_317 = arith.index_cast %add3A_307 : i32 to index
                    %get3A_318 = arith.constant 48 : index
                    %get3A_319 = tpu.vector_load %arg7[%get3A_317, %get3A_318] {strides = array<i32>} : memref<400x128xf32, #tpu.memory_space<vmem>>, vector<16xf32>,
                    %get3A_320 = arith.index_cast %add3A_307 : i32 to index
                    %get3A_321 = arith.constant 64 : index
                    %get3A_322 = tpu.vector_load %arg7[%get3A_320, %get3A_321] {strides = array<i32>} : memref<400x128xf32, #tpu.memory_space<vmem>>, vector<16xf32>,
                    %get3A_323 = arith.index_cast %add3A_307 : i32 to index
                    %get3A_324 = arith.constant 80 : index
                    %get3A_325 = tpu.vector_load %arg7[%get3A_323, %get3A_324] {strides = array<i32>} : memref<400x128xf32, #tpu.memory_space<vmem>>, vector<16xf32>,
                    %get3A_326 = arith.index_cast %add3A_307 : i32 to index
                    %get3A_327 = arith.constant 96 : index
                    %get3A_328 = tpu.vector_load %arg7[%get3A_326, %get3A_327] {strides = array<i32>} : memref<400x128xf32, #tpu.memory_space<vmem>>, vector<16xf32>,
                    %get3A_329 = arith.index_cast %add3A_307 : i32 to index
                    %get3A_330 = arith.constant 112 : index
                    %get3A_331 = tpu.vector_load %arg7[%get3A_329, %get3A_330] {strides = array<i32>} : memref<400x128xf32, #tpu.memory_space<vmem>>, vector<16xf32>,
                    %max3A_332 = arith.maximumf %while3A_299, %get3A_310 : vector<16xf32>
                    %max3A_333 = arith.maximumf %while3A_300, %get3A_313 : vector<16xf32>
                    %max3A_334 = arith.maximumf %while3A_301, %get3A_316 : vector<16xf32>
                    %max3A_335 = arith.maximumf %while3A_302, %get3A_319 : vector<16xf32>
                    %max3A_336 = arith.maximumf %while3A_303, %get3A_322 : vector<16xf32>
                    %max3A_337 = arith.maximumf %while3A_304, %get3A_325 : vector<16xf32>
                    %max3A_338 = arith.maximumf %while3A_305, %get3A_328 : vector<16xf32>
                    %max3A_339 = arith.maximumf %while3A_306, %get3A_331 : vector<16xf32>
                    scf.yield %max3A_332, %max3A_333, %max3A_334, %max3A_335, %max3A_336, %max3A_337, %max3A_338, %max3A_339 : vector<16xf32>, vector<16xf32>, vector<16xf32>, vector<16xf32>, vector<16xf32>, vector<16xf32>, vector<16xf32>, vector<16xf32>
                  }
                  %while3A_296 = arith.constant 1 : i32
                  %while3A_297:8 = scf.for %while3A_298 = %while3A_293 to %while3A_289 step %while3A_296 iter_args(%while3A_299 = %while3A_295#0, %while3A_300 = %while3A_295#1, %while3A_301 = %while3A_295#2, %while3A_302 = %while3A_295#3, %while3A_303 = %while3A_295#4, %while3A_304 = %while3A_295#5, %while3A_305 = %while3A_295#6, %while3A_306 = %while3A_295#7) -> (vector<16xf32>, vector<16xf32>, vector<16xf32>, vector<16xf32>, vector<16xf32>, vector<16xf32>, vector<16xf32>, vector<16xf32>)  : i32 {
                    %add3A_307 = arith.addi %mul3A_194, %while3A_298 : i32
                    %get3A_308 = arith.index_cast %add3A_307 : i32 to index
                    %get3A_309 = arith.constant 0 : index
                    %get3A_310 = tpu.vector_load %arg7[%get3A_308, %get3A_309] {strides = array<i32>} : memref<400x128xf32, #tpu.memory_space<vmem>>, vector<16xf32>,
                    %get3A_311 = arith.index_cast %add3A_307 : i32 to index
                    %get3A_312 = arith.constant 16 : index
                    %get3A_313 = tpu.vector_load %arg7[%get3A_311, %get3A_312] {strides = array<i32>} : memref<400x128xf32, #tpu.memory_space<vmem>>, vector<16xf32>,
                    %get3A_314 = arith.index_cast %add3A_307 : i32 to index
                    %get3A_315 = arith.constant 32 : index
                    %get3A_316 = tpu.vector_load %arg7[%get3A_314, %get3A_315] {strides = array<i32>} : memref<400x128xf32, #tpu.memory_space<vmem>>, vector<16xf32>,
                    %get3A_317 = arith.index_cast %add3A_307 : i32 to index
                    %get3A_318 = arith.constant 48 : index
                    %get3A_319 = tpu.vector_load %arg7[%get3A_317, %get3A_318] {strides = array<i32>} : memref<400x128xf32, #tpu.memory_space<vmem>>, vector<16xf32>,
                    %get3A_320 = arith.index_cast %add3A_307 : i32 to index
                    %get3A_321 = arith.constant 64 : index
                    %get3A_322 = tpu.vector_load %arg7[%get3A_320, %get3A_321] {strides = array<i32>} : memref<400x128xf32, #tpu.memory_space<vmem>>, vector<16xf32>,
                    %get3A_323 = arith.index_cast %add3A_307 : i32 to index
                    %get3A_324 = arith.constant 80 : index
                    %get3A_325 = tpu.vector_load %arg7[%get3A_323, %get3A_324] {strides = array<i32>} : memref<400x128xf32, #tpu.memory_space<vmem>>, vector<16xf32>,
                    %get3A_326 = arith.index_cast %add3A_307 : i32 to index
                    %get3A_327 = arith.constant 96 : index
                    %get3A_328 = tpu.vector_load %arg7[%get3A_326, %get3A_327] {strides = array<i32>} : memref<400x128xf32, #tpu.memory_space<vmem>>, vector<16xf32>,
                    %get3A_329 = arith.index_cast %add3A_307 : i32 to index
                    %get3A_330 = arith.constant 112 : index
                    %get3A_331 = tpu.vector_load %arg7[%get3A_329, %get3A_330] {strides = array<i32>} : memref<400x128xf32, #tpu.memory_space<vmem>>, vector<16xf32>,
                    %max3A_332 = arith.maximumf %while3A_299, %get3A_310 : vector<16xf32>
                    %max3A_333 = arith.maximumf %while3A_300, %get3A_313 : vector<16xf32>
                    %max3A_334 = arith.maximumf %while3A_301, %get3A_316 : vector<16xf32>
                    %max3A_335 = arith.maximumf %while3A_302, %get3A_319 : vector<16xf32>
                    %max3A_336 = arith.maximumf %while3A_303, %get3A_322 : vector<16xf32>
                    %max3A_337 = arith.maximumf %while3A_304, %get3A_325 : vector<16xf32>
                    %max3A_338 = arith.maximumf %while3A_305, %get3A_328 : vector<16xf32>
                    %max3A_339 = arith.maximumf %while3A_306, %get3A_331 : vector<16xf32>
                    scf.yield %max3A_332, %max3A_333, %max3A_334, %max3A_335, %max3A_336, %max3A_337, %max3A_338, %max3A_339 : vector<16xf32>, vector<16xf32>, vector<16xf32>, vector<16xf32>, vector<16xf32>, vector<16xf32>, vector<16xf32>, vector<16xf32>
                  }
                  scf.yield %while3A_297#0, %while3A_297#1, %while3A_297#2, %while3A_297#3, %while3A_297#4, %while3A_297#5, %while3A_297#6, %while3A_297#7 : vector<16xf32>, vector<16xf32>, vector<16xf32>, vector<16xf32>, vector<16xf32>, vector<16xf32>, vector<16xf32>, vector<16xf32>
                } else {
                  scf.yield %while3A_253, %while3A_254, %while3A_255, %while3A_256, %while3A_257, %while3A_258, %while3A_259, %while3A_260 : vector<16xf32>, vector<16xf32>, vector<16xf32>, vector<16xf32>, vector<16xf32>, vector<16xf32>, vector<16xf32>, vector<16xf32>
                }
                %lt3A_281 = arith.cmpi slt, %min3A_274, %select_n3A_234 : i32
                %convert_element_type3A_282 = arith.extui %lt3A_281 : i1 to i32
                %cond3A_283 = arith.constant 0 : i32
                %cond3A_284 = arith.cmpi ne, %convert_element_type3A_282, %cond3A_283 : i32
                %cond3A_285:11 = scf.if %cond3A_284 -> (i32, i32, i32, vector<16xf32>, vector<16xf32>, vector<16xf32>, vector<16xf32>, vector<16xf32>, vector<16xf32>, vector<16xf32>, vector<16xf32>) {
                  %ge3A_288 = arith.constant 0 : i32
                  %ge3A_289 = arith.cmpi sge, %while3A_250, %ge3A_288 : i32
                  %convert_element_type3A_290 = arith.extui %ge3A_289 : i1 to i32
                  %cond3A_291 = arith.constant 0 : i32
                  %cond3A_292 = arith.cmpi ne, %convert_element_type3A_290, %cond3A_291 : i32
                  %cond3A_293:2 = scf.if %cond3A_292 -> (i32, i32) {
                    %sub3A_325 = arith.subi %while3A_251, %while3A_252 : i32
                    %sub3A_326 = arith.subi %while3A_252, %select_n3A : i32
                    %shift_right_logical3A_327 = arith.constant 6 : i32
                    %shift_right_logical3A_328 = arith.shrui %sub3A_326, %shift_right_logical3A_327 : i32
                    %and3A_329 = arith.constant 1 : i32
                    %and3A_330 = arith.andi %shift_right_logical3A_328, %and3A_329 : i32
                    %mul3A_331 = arith.constant 64 : i32
                    %mul3A_332 = arith.muli %and3A_330, %mul3A_331 : i32
                    %add3A_333 = arith.addi %sub3A_325, %mul3A_332 : i32
                    %swap3A = arith.index_cast %add3A_333 : i32 to index
                    %swap3A_334 = arith.constant 0 : index
                    %swap3A_335 = tpu.vector_load %arg10[%swap3A, %swap3A_334] {strides = array<i32>} : memref<128x128xf32, #tpu.memory_space<vmem>>, vector<16xf32>,
                    tpu.vector_store %arg10[%swap3A, %swap3A_334], %cond3A_280#0 {strides = array<i32>} : memref<128x128xf32, #tpu.memory_space<vmem>>, vector<16xf32>,
                    %mul3A_336 = arith.constant 64 : i32
                    %mul3A_337 = arith.muli %and3A_330, %mul3A_336 : i32
                    %add3A_338 = arith.addi %sub3A_325, %mul3A_337 : i32
                    %swap3A_339 = arith.index_cast %add3A_338 : i32 to index
                    %swap3A_340 = arith.constant 16 : index
                    %swap3A_341 = tpu.vector_load %arg10[%swap3A_339, %swap3A_340] {strides = array<i32>} : memref<128x128xf32, #tpu.memory_space<vmem>>, vector<16xf32>,
                    tpu.vector_store %arg10[%swap3A_339, %swap3A_340], %cond3A_280#1 {strides = array<i32>} : memref<128x128xf32, #tpu.memory_space<vmem>>, vector<16xf32>,
                    %mul3A_342 = arith.constant 64 : i32
                    %mul3A_343 = arith.muli %and3A_330, %mul3A_342 : i32
                    %add3A_344 = arith.addi %sub3A_325, %mul3A_343 : i32
                    %swap3A_345 = arith.index_cast %add3A_344 : i32 to index
                    %swap3A_346 = arith.constant 32 : index
                    %swap3A_347 = tpu.vector_load %arg10[%swap3A_345, %swap3A_346] {strides = array<i32>} : memref<128x128xf32, #tpu.memory_space<vmem>>, vector<16xf32>,
                    tpu.vector_store %arg10[%swap3A_345, %swap3A_346], %cond3A_280#2 {strides = array<i32>} : memref<128x128xf32, #tpu.memory_space<vmem>>, vector<16xf32>,
                    %mul3A_348 = arith.constant 64 : i32
                    %mul3A_349 = arith.muli %and3A_330, %mul3A_348 : i32
                    %add3A_350 = arith.addi %sub3A_325, %mul3A_349 : i32
                    %swap3A_351 = arith.index_cast %add3A_350 : i32 to index
                    %swap3A_352 = arith.constant 48 : index
                    %swap3A_353 = tpu.vector_load %arg10[%swap3A_351, %swap3A_352] {strides = array<i32>} : memref<128x128xf32, #tpu.memory_space<vmem>>, vector<16xf32>,
                    tpu.vector_store %arg10[%swap3A_351, %swap3A_352], %cond3A_280#3 {strides = array<i32>} : memref<128x128xf32, #tpu.memory_space<vmem>>, vector<16xf32>,
                    %mul3A_354 = arith.constant 64 : i32
                    %mul3A_355 = arith.muli %and3A_330, %mul3A_354 : i32
                    %add3A_356 = arith.addi %sub3A_325, %mul3A_355 : i32
                    %swap3A_357 = arith.index_cast %add3A_356 : i32 to index
                    %swap3A_358 = arith.constant 64 : index
                    %swap3A_359 = tpu.vector_load %arg10[%swap3A_357, %swap3A_358] {strides = array<i32>} : memref<128x128xf32, #tpu.memory_space<vmem>>, vector<16xf32>,
                    tpu.vector_store %arg10[%swap3A_357, %swap3A_358], %cond3A_280#4 {strides = array<i32>} : memref<128x128xf32, #tpu.memory_space<vmem>>, vector<16xf32>,
                    %mul3A_360 = arith.constant 64 : i32
                    %mul3A_361 = arith.muli %and3A_330, %mul3A_360 : i32
                    %add3A_362 = arith.addi %sub3A_325, %mul3A_361 : i32
                    %swap3A_363 = arith.index_cast %add3A_362 : i32 to index
                    %swap3A_364 = arith.constant 80 : index
                    %swap3A_365 = tpu.vector_load %arg10[%swap3A_363, %swap3A_364] {strides = array<i32>} : memref<128x128xf32, #tpu.memory_space<vmem>>, vector<16xf32>,
                    tpu.vector_store %arg10[%swap3A_363, %swap3A_364], %cond3A_280#5 {strides = array<i32>} : memref<128x128xf32, #tpu.memory_space<vmem>>, vector<16xf32>,
                    %mul3A_366 = arith.constant 64 : i32
                    %mul3A_367 = arith.muli %and3A_330, %mul3A_366 : i32
                    %add3A_368 = arith.addi %sub3A_325, %mul3A_367 : i32
                    %swap3A_369 = arith.index_cast %add3A_368 : i32 to index
                    %swap3A_370 = arith.constant 96 : index
                    %swap3A_371 = tpu.vector_load %arg10[%swap3A_369, %swap3A_370] {strides = array<i32>} : memref<128x128xf32, #tpu.memory_space<vmem>>, vector<16xf32>,
                    tpu.vector_store %arg10[%swap3A_369, %swap3A_370], %cond3A_280#6 {strides = array<i32>} : memref<128x128xf32, #tpu.memory_space<vmem>>, vector<16xf32>,
                    %mul3A_372 = arith.constant 64 : i32
                    %mul3A_373 = arith.muli %and3A_330, %mul3A_372 : i32
                    %add3A_374 = arith.addi %sub3A_325, %mul3A_373 : i32
                    %swap3A_375 = arith.index_cast %add3A_374 : i32 to index
                    %swap3A_376 = arith.constant 112 : index
                    %swap3A_377 = tpu.vector_load %arg10[%swap3A_375, %swap3A_376] {strides = array<i32>} : memref<128x128xf32, #tpu.memory_space<vmem>>, vector<16xf32>,
                    tpu.vector_store %arg10[%swap3A_375, %swap3A_376], %cond3A_280#7 {strides = array<i32>} : memref<128x128xf32, #tpu.memory_space<vmem>>, vector<16xf32>,
                    %eq3A_378 = arith.constant 63 : i32
                    %eq3A_379 = arith.cmpi eq, %sub3A_325, %eq3A_378 : i32
                    %convert_element_type3A_380 = arith.extui %eq3A_379 : i1 to i32
                    %cond3A_381 = arith.constant 0 : i32
                    %cond3A_382 = arith.cmpi ne, %convert_element_type3A_380, %cond3A_381 : i32
                    %cond3A_383 = scf.if %cond3A_382 -> (i32) {
                      %eq3A_386 = arith.constant 0 : i32
                      %eq3A_387 = arith.cmpi eq, %and3A_330, %eq3A_386 : i32
                      %convert_element_type3A_388 = arith.extui %eq3A_387 : i1 to i32
                      %cond3A_389 = arith.constant 0 : i32
                      %cond3A_390 = arith.cmpi ne, %convert_element_type3A_388, %cond3A_389 : i32
                      scf.if %cond3A_390 {
                        %dma_start3A_399 = arith.constant 4 : i32
                        %dma_start3A_400 = arith.constant 0 : i32
                        %dma_start3A_401 = arith.constant 0 : i32
                        %dma_start3A_402 = tpu.memref_slice %arg10[%dma_start3A_400, %dma_start3A_401] : memref<128x128xf32, #tpu.memory_space<vmem>> -> memref<64x128xf32, #tpu.memory_space<vmem>>
                        %dma_start3A_403 = arith.constant 0 : i32
                        %dma_start3A_404 = tpu.memref_slice %arg4[%while3A_252, %dma_start3A_403] : memref<10000x128xf32, #tpu.memory_space<hbm>> -> memref<64x128xf32, #tpu.memory_space<hbm>>
                        %dma_start3A_405 = tpu.memref_slice %arg11[%dma_start3A_399] : memref<6x!tpu.dma_semaphore, #tpu.memory_space<semaphore_mem>> -> memref<1x!tpu.dma_semaphore, #tpu.memory_space<semaphore_mem>>
                        %dma_start3A_406 = tpu.memref_squeeze %dma_start3A_405 : memref<1x!tpu.dma_semaphore, #tpu.memory_space<semaphore_mem>> -> memref<!tpu.dma_semaphore, #tpu.memory_space<semaphore_mem>>
                        %dma_start3A_407 = arith.constant 0 : i32
                        %dma_start3A_408 = tpu.memref_slice %arg4[%while3A_252, %dma_start3A_407] : memref<10000x128xf32, #tpu.memory_space<hbm>> -> memref<64x128xf32, #tpu.memory_space<hbm>>
                        %dma_start3A_409 = arith.constant 0 : i32
                        %dma_start3A_410 = arith.constant 0 : i32
                        %dma_start3A_411 = tpu.memref_slice %arg10[%dma_start3A_409, %dma_start3A_410] : memref<128x128xf32, #tpu.memory_space<vmem>> -> memref<64x128xf32, #tpu.memory_space<vmem>>
                        tpu.enqueue_dma source(%dma_start3A_411 : memref<64x128xf32, #tpu.memory_space<vmem>>) target(%dma_start3A_408 : memref<64x128xf32, #tpu.memory_space<hbm>>) target_semaphore(%dma_start3A_406 : memref<!tpu.dma_semaphore, #tpu.memory_space<semaphore_mem>>)
                      } else {
                        %dma_start3A_399 = arith.constant 5 : i32
                        %dma_start3A_400 = arith.constant 64 : i32
                        %dma_start3A_401 = arith.constant 0 : i32
                        %dma_start3A_402 = tpu.memref_slice %arg10[%dma_start3A_400, %dma_start3A_401] : memref<128x128xf32, #tpu.memory_space<vmem>> -> memref<64x128xf32, #tpu.memory_space<vmem>>
                        %dma_start3A_403 = arith.constant 0 : i32
                        %dma_start3A_404 = tpu.memref_slice %arg4[%while3A_252, %dma_start3A_403] : memref<10000x128xf32, #tpu.memory_space<hbm>> -> memref<64x128xf32, #tpu.memory_space<hbm>>
                        %dma_start3A_405 = tpu.memref_slice %arg11[%dma_start3A_399] : memref<6x!tpu.dma_semaphore, #tpu.memory_space<semaphore_mem>> -> memref<1x!tpu.dma_semaphore, #tpu.memory_space<semaphore_mem>>
                        %dma_start3A_406 = tpu.memref_squeeze %dma_start3A_405 : memref<1x!tpu.dma_semaphore, #tpu.memory_space<semaphore_mem>> -> memref<!tpu.dma_semaphore, #tpu.memory_space<semaphore_mem>>
                        %dma_start3A_407 = arith.constant 0 : i32
                        %dma_start3A_408 = tpu.memref_slice %arg4[%while3A_252, %dma_start3A_407] : memref<10000x128xf32, #tpu.memory_space<hbm>> -> memref<64x128xf32, #tpu.memory_space<hbm>>
                        %dma_start3A_409 = arith.constant 64 : i32
                        %dma_start3A_410 = arith.constant 0 : i32
                        %dma_start3A_411 = tpu.memref_slice %arg10[%dma_start3A_409, %dma_start3A_410] : memref<128x128xf32, #tpu.memory_space<vmem>> -> memref<64x128xf32, #tpu.memory_space<vmem>>
                        tpu.enqueue_dma source(%dma_start3A_411 : memref<64x128xf32, #tpu.memory_space<vmem>>) target(%dma_start3A_408 : memref<64x128xf32, #tpu.memory_space<hbm>>) target_semaphore(%dma_start3A_406 : memref<!tpu.dma_semaphore, #tpu.memory_space<semaphore_mem>>)
                      }
                      %sub3A_391 = arith.subi %while3A_252, %select_n3A : i32
                      %ge3A_392 = arith.constant 64 : i32
                      %ge3A_393 = arith.cmpi sge, %sub3A_391, %ge3A_392 : i32
                      %convert_element_type3A_394 = arith.extui %ge3A_393 : i1 to i32
                      %cond3A_395 = arith.constant 0 : i32
                      %cond3A_396 = arith.cmpi ne, %convert_element_type3A_394, %cond3A_395 : i32
                      scf.if %cond3A_396 {
                        %eq3A_399 = arith.constant 0 : i32
                        %eq3A_400 = arith.cmpi eq, %and3A_330, %eq3A_399 : i32
                        %convert_element_type3A_401 = arith.extui %eq3A_400 : i1 to i32
                        %cond3A_402 = arith.constant 0 : i32
                        %cond3A_403 = arith.cmpi ne, %convert_element_type3A_401, %cond3A_402 : i32
                        scf.if %cond3A_403 {
                          %dma_wait3A_404 = arith.constant 5 : i32
                          %dma_wait3A_405 = arith.constant 64 : i32
                          %dma_wait3A_406 = arith.constant 0 : i32
                          %dma_wait3A_407 = tpu.memref_slice %arg10[%dma_wait3A_405, %dma_wait3A_406] : memref<128x128xf32, #tpu.memory_space<vmem>> -> memref<64x128xf32, #tpu.memory_space<vmem>>
                          %dma_wait3A_408 = arith.constant 0 : i32
                          %dma_wait3A_409 = arith.constant 0 : i32
                          %dma_wait3A_410 = tpu.memref_slice %arg4[%dma_wait3A_408, %dma_wait3A_409] : memref<10000x128xf32, #tpu.memory_space<hbm>> -> memref<64x128xf32, #tpu.memory_space<hbm>>
                          %dma_wait3A_411 = tpu.memref_slice %arg11[%dma_wait3A_404] : memref<6x!tpu.dma_semaphore, #tpu.memory_space<semaphore_mem>> -> memref<1x!tpu.dma_semaphore, #tpu.memory_space<semaphore_mem>>
                          %dma_wait3A_412 = tpu.memref_squeeze %dma_wait3A_411 : memref<1x!tpu.dma_semaphore, #tpu.memory_space<semaphore_mem>> -> memref<!tpu.dma_semaphore, #tpu.memory_space<semaphore_mem>>
                          %dma_wait3A_413 = arith.constant 0 : i32
                          %dma_wait3A_414 = arith.constant 0 : i32
                          %dma_wait3A_415 = tpu.memref_slice %arg4[%dma_wait3A_413, %dma_wait3A_414] : memref<10000x128xf32, #tpu.memory_space<hbm>> -> memref<64x128xf32, #tpu.memory_space<hbm>>
                          %dma_wait3A_416 = arith.constant 64 : i32
                          %dma_wait3A_417 = arith.constant 0 : i32
                          %dma_wait3A_418 = tpu.memref_slice %arg10[%dma_wait3A_416, %dma_wait3A_417] : memref<128x128xf32, #tpu.memory_space<vmem>> -> memref<64x128xf32, #tpu.memory_space<vmem>>
                          tpu.wait_dma2 semaphore(%dma_wait3A_412 : memref<!tpu.dma_semaphore, #tpu.memory_space<semaphore_mem>>) src(%dma_wait3A_418 : memref<64x128xf32, #tpu.memory_space<vmem>>) dst(%dma_wait3A_415 : memref<64x128xf32, #tpu.memory_space<hbm>>)
                        } else {
                          %dma_wait3A_404 = arith.constant 4 : i32
                          %dma_wait3A_405 = arith.constant 0 : i32
                          %dma_wait3A_406 = arith.constant 0 : i32
                          %dma_wait3A_407 = tpu.memref_slice %arg10[%dma_wait3A_405, %dma_wait3A_406] : memref<128x128xf32, #tpu.memory_space<vmem>> -> memref<64x128xf32, #tpu.memory_space<vmem>>
                          %dma_wait3A_408 = arith.constant 0 : i32
                          %dma_wait3A_409 = arith.constant 0 : i32
                          %dma_wait3A_410 = tpu.memref_slice %arg4[%dma_wait3A_408, %dma_wait3A_409] : memref<10000x128xf32, #tpu.memory_space<hbm>> -> memref<64x128xf32, #tpu.memory_space<hbm>>
                          %dma_wait3A_411 = tpu.memref_slice %arg11[%dma_wait3A_404] : memref<6x!tpu.dma_semaphore, #tpu.memory_space<semaphore_mem>> -> memref<1x!tpu.dma_semaphore, #tpu.memory_space<semaphore_mem>>
                          %dma_wait3A_412 = tpu.memref_squeeze %dma_wait3A_411 : memref<1x!tpu.dma_semaphore, #tpu.memory_space<semaphore_mem>> -> memref<!tpu.dma_semaphore, #tpu.memory_space<semaphore_mem>>
                          %dma_wait3A_413 = arith.constant 0 : i32
                          %dma_wait3A_414 = arith.constant 0 : i32
                          %dma_wait3A_415 = tpu.memref_slice %arg4[%dma_wait3A_413, %dma_wait3A_414] : memref<10000x128xf32, #tpu.memory_space<hbm>> -> memref<64x128xf32, #tpu.memory_space<hbm>>
                          %dma_wait3A_416 = arith.constant 0 : i32
                          %dma_wait3A_417 = arith.constant 0 : i32
                          %dma_wait3A_418 = tpu.memref_slice %arg10[%dma_wait3A_416, %dma_wait3A_417] : memref<128x128xf32, #tpu.memory_space<vmem>> -> memref<64x128xf32, #tpu.memory_space<vmem>>
                          tpu.wait_dma2 semaphore(%dma_wait3A_412 : memref<!tpu.dma_semaphore, #tpu.memory_space<semaphore_mem>>) src(%dma_wait3A_418 : memref<64x128xf32, #tpu.memory_space<vmem>>) dst(%dma_wait3A_415 : memref<64x128xf32, #tpu.memory_space<hbm>>)
                        }
                      } else {
                      }
                      %add3A_397 = arith.constant 64 : i32
                      %add3A_398 = arith.addi %while3A_252, %add3A_397 : i32
                      scf.yield %add3A_398 : i32
                    } else {
                      scf.yield %while3A_252 : i32
                    }
                    %add3A_384 = arith.constant 1 : i32
                    %add3A_385 = arith.addi %while3A_251, %add3A_384 : i32
                    scf.yield %add3A_385, %cond3A_383 : i32, i32
                  } else {
                    scf.yield %while3A_251, %while3A_252 : i32, i32
                  }
                  %add3A_294 = arith.addi %mul3A_194, %min3A_274 : i32
                  %broadcast_in_dim3A_295 = vector.broadcast %add3A_294 : i32 to vector<16xi32>
                  %gather3A_296 = tpu.vector_load_idx %arg5[%broadcast_in_dim3A_295] : memref<400xi32, #tpu.memory_space<vmem>>[vector<16xi32>], vector<16xi32>,
                  %slice3A_297 = vector.extract_strided_slice %gather3A_296 {offsets = [0], sizes = [1], strides = [1]} : vector<16xi32> to vector<1xi32>
                  %squeeze3A_298 = vector.extract %slice3A_297[0] : i32 from vector<1xi32>
                  %while3A_299:2 = scf.while (%while3A_325 = %cond3A_293#0, %while3A_326 = %cond3A_293#1) : (i32, i32) -> (i32, i32) {
                    %lt3A_327 = arith.cmpi slt, %while3A_325, %squeeze3A_298 : i32
                    scf.condition(%lt3A_327) %while3A_325, %while3A_326 : i32, i32
                  } do {
                  ^bb0(%while3A_325: i32, %while3A_326: i32):
                    %sub3A_327 = arith.subi %while3A_325, %while3A_326 : i32
                    %sub3A_328 = arith.subi %while3A_326, %select_n3A : i32
                    %shift_right_logical3A_329 = arith.constant 6 : i32
                    %shift_right_logical3A_330 = arith.shrui %sub3A_328, %shift_right_logical3A_329 : i32
                    %and3A_331 = arith.constant 1 : i32
                    %and3A_332 = arith.andi %shift_right_logical3A_330, %and3A_331 : i32
                    %mul3A_333 = arith.constant 64 : i32
                    %mul3A_334 = arith.muli %and3A_332, %mul3A_333 : i32
                    %add3A_335 = arith.addi %sub3A_327, %mul3A_334 : i32
                    %swap3A = arith.index_cast %add3A_335 : i32 to index
                    %swap3A_336 = arith.constant 0 : index
                    %swap3A_337 = tpu.vector_load %arg10[%swap3A, %swap3A_336] {strides = array<i32>} : memref<128x128xf32, #tpu.memory_space<vmem>>, vector<16xf32>,
                    tpu.vector_store %arg10[%swap3A, %swap3A_336], %broadcast_in_dim3A_19 {strides = array<i32>} : memref<128x128xf32, #tpu.memory_space<vmem>>, vector<16xf32>,
                    %mul3A_338 = arith.constant 64 : i32
                    %mul3A_339 = arith.muli %and3A_332, %mul3A_338 : i32
                    %add3A_340 = arith.addi %sub3A_327, %mul3A_339 : i32
                    %swap3A_341 = arith.index_cast %add3A_340 : i32 to index
                    %swap3A_342 = arith.constant 16 : index
                    %swap3A_343 = tpu.vector_load %arg10[%swap3A_341, %swap3A_342] {strides = array<i32>} : memref<128x128xf32, #tpu.memory_space<vmem>>, vector<16xf32>,
                    tpu.vector_store %arg10[%swap3A_341, %swap3A_342], %broadcast_in_dim3A_19 {strides = array<i32>} : memref<128x128xf32, #tpu.memory_space<vmem>>, vector<16xf32>,
                    %mul3A_344 = arith.constant 64 : i32
                    %mul3A_345 = arith.muli %and3A_332, %mul3A_344 : i32
                    %add3A_346 = arith.addi %sub3A_327, %mul3A_345 : i32
                    %swap3A_347 = arith.index_cast %add3A_346 : i32 to index
                    %swap3A_348 = arith.constant 32 : index
                    %swap3A_349 = tpu.vector_load %arg10[%swap3A_347, %swap3A_348] {strides = array<i32>} : memref<128x128xf32, #tpu.memory_space<vmem>>, vector<16xf32>,
                    tpu.vector_store %arg10[%swap3A_347, %swap3A_348], %broadcast_in_dim3A_19 {strides = array<i32>} : memref<128x128xf32, #tpu.memory_space<vmem>>, vector<16xf32>,
                    %mul3A_350 = arith.constant 64 : i32
                    %mul3A_351 = arith.muli %and3A_332, %mul3A_350 : i32
                    %add3A_352 = arith.addi %sub3A_327, %mul3A_351 : i32
                    %swap3A_353 = arith.index_cast %add3A_352 : i32 to index
                    %swap3A_354 = arith.constant 48 : index
                    %swap3A_355 = tpu.vector_load %arg10[%swap3A_353, %swap3A_354] {strides = array<i32>} : memref<128x128xf32, #tpu.memory_space<vmem>>, vector<16xf32>,
                    tpu.vector_store %arg10[%swap3A_353, %swap3A_354], %broadcast_in_dim3A_19 {strides = array<i32>} : memref<128x128xf32, #tpu.memory_space<vmem>>, vector<16xf32>,
                    %mul3A_356 = arith.constant 64 : i32
                    %mul3A_357 = arith.muli %and3A_332, %mul3A_356 : i32
                    %add3A_358 = arith.addi %sub3A_327, %mul3A_357 : i32
                    %swap3A_359 = arith.index_cast %add3A_358 : i32 to index
                    %swap3A_360 = arith.constant 64 : index
                    %swap3A_361 = tpu.vector_load %arg10[%swap3A_359, %swap3A_360] {strides = array<i32>} : memref<128x128xf32, #tpu.memory_space<vmem>>, vector<16xf32>,
                    tpu.vector_store %arg10[%swap3A_359, %swap3A_360], %broadcast_in_dim3A_19 {strides = array<i32>} : memref<128x128xf32, #tpu.memory_space<vmem>>, vector<16xf32>,
                    %mul3A_362 = arith.constant 64 : i32
                    %mul3A_363 = arith.muli %and3A_332, %mul3A_362 : i32
                    %add3A_364 = arith.addi %sub3A_327, %mul3A_363 : i32
                    %swap3A_365 = arith.index_cast %add3A_364 : i32 to index
                    %swap3A_366 = arith.constant 80 : index
                    %swap3A_367 = tpu.vector_load %arg10[%swap3A_365, %swap3A_366] {strides = array<i32>} : memref<128x128xf32, #tpu.memory_space<vmem>>, vector<16xf32>,
                    tpu.vector_store %arg10[%swap3A_365, %swap3A_366], %broadcast_in_dim3A_19 {strides = array<i32>} : memref<128x128xf32, #tpu.memory_space<vmem>>, vector<16xf32>,
                    %mul3A_368 = arith.constant 64 : i32
                    %mul3A_369 = arith.muli %and3A_332, %mul3A_368 : i32
                    %add3A_370 = arith.addi %sub3A_327, %mul3A_369 : i32
                    %swap3A_371 = arith.index_cast %add3A_370 : i32 to index
                    %swap3A_372 = arith.constant 96 : index
                    %swap3A_373 = tpu.vector_load %arg10[%swap3A_371, %swap3A_372] {strides = array<i32>} : memref<128x128xf32, #tpu.memory_space<vmem>>, vector<16xf32>,
                    tpu.vector_store %arg10[%swap3A_371, %swap3A_372], %broadcast_in_dim3A_19 {strides = array<i32>} : memref<128x128xf32, #tpu.memory_space<vmem>>, vector<16xf32>,
                    %mul3A_374 = arith.constant 64 : i32
                    %mul3A_375 = arith.muli %and3A_332, %mul3A_374 : i32
                    %add3A_376 = arith.addi %sub3A_327, %mul3A_375 : i32
                    %swap3A_377 = arith.index_cast %add3A_376 : i32 to index
                    %swap3A_378 = arith.constant 112 : index
                    %swap3A_379 = tpu.vector_load %arg10[%swap3A_377, %swap3A_378] {strides = array<i32>} : memref<128x128xf32, #tpu.memory_space<vmem>>, vector<16xf32>,
                    tpu.vector_store %arg10[%swap3A_377, %swap3A_378], %broadcast_in_dim3A_19 {strides = array<i32>} : memref<128x128xf32, #tpu.memory_space<vmem>>, vector<16xf32>,
                    %eq3A_380 = arith.constant 63 : i32
                    %eq3A_381 = arith.cmpi eq, %sub3A_327, %eq3A_380 : i32
                    %convert_element_type3A_382 = arith.extui %eq3A_381 : i1 to i32
                    %cond3A_383 = arith.constant 0 : i32
                    %cond3A_384 = arith.cmpi ne, %convert_element_type3A_382, %cond3A_383 : i32
                    %cond3A_385 = scf.if %cond3A_384 -> (i32) {
                      %eq3A_388 = arith.constant 0 : i32
                      %eq3A_389 = arith.cmpi eq, %and3A_332, %eq3A_388 : i32
                      %convert_element_type3A_390 = arith.extui %eq3A_389 : i1 to i32
                      %cond3A_391 = arith.constant 0 : i32
                      %cond3A_392 = arith.cmpi ne, %convert_element_type3A_390, %cond3A_391 : i32
                      scf.if %cond3A_392 {
                        %dma_start3A_401 = arith.constant 4 : i32
                        %dma_start3A_402 = arith.constant 0 : i32
                        %dma_start3A_403 = arith.constant 0 : i32
                        %dma_start3A_404 = tpu.memref_slice %arg10[%dma_start3A_402, %dma_start3A_403] : memref<128x128xf32, #tpu.memory_space<vmem>> -> memref<64x128xf32, #tpu.memory_space<vmem>>
                        %dma_start3A_405 = arith.constant 0 : i32
                        %dma_start3A_406 = tpu.memref_slice %arg4[%while3A_326, %dma_start3A_405] : memref<10000x128xf32, #tpu.memory_space<hbm>> -> memref<64x128xf32, #tpu.memory_space<hbm>>
                        %dma_start3A_407 = tpu.memref_slice %arg11[%dma_start3A_401] : memref<6x!tpu.dma_semaphore, #tpu.memory_space<semaphore_mem>> -> memref<1x!tpu.dma_semaphore, #tpu.memory_space<semaphore_mem>>
                        %dma_start3A_408 = tpu.memref_squeeze %dma_start3A_407 : memref<1x!tpu.dma_semaphore, #tpu.memory_space<semaphore_mem>> -> memref<!tpu.dma_semaphore, #tpu.memory_space<semaphore_mem>>
                        %dma_start3A_409 = arith.constant 0 : i32
                        %dma_start3A_410 = tpu.memref_slice %arg4[%while3A_326, %dma_start3A_409] : memref<10000x128xf32, #tpu.memory_space<hbm>> -> memref<64x128xf32, #tpu.memory_space<hbm>>
                        %dma_start3A_411 = arith.constant 0 : i32
                        %dma_start3A_412 = arith.constant 0 : i32
                        %dma_start3A_413 = tpu.memref_slice %arg10[%dma_start3A_411, %dma_start3A_412] : memref<128x128xf32, #tpu.memory_space<vmem>> -> memref<64x128xf32, #tpu.memory_space<vmem>>
                        tpu.enqueue_dma source(%dma_start3A_413 : memref<64x128xf32, #tpu.memory_space<vmem>>) target(%dma_start3A_410 : memref<64x128xf32, #tpu.memory_space<hbm>>) target_semaphore(%dma_start3A_408 : memref<!tpu.dma_semaphore, #tpu.memory_space<semaphore_mem>>)
                      } else {
                        %dma_start3A_401 = arith.constant 5 : i32
                        %dma_start3A_402 = arith.constant 64 : i32
                        %dma_start3A_403 = arith.constant 0 : i32
                        %dma_start3A_404 = tpu.memref_slice %arg10[%dma_start3A_402, %dma_start3A_403] : memref<128x128xf32, #tpu.memory_space<vmem>> -> memref<64x128xf32, #tpu.memory_space<vmem>>
                        %dma_start3A_405 = arith.constant 0 : i32
                        %dma_start3A_406 = tpu.memref_slice %arg4[%while3A_326, %dma_start3A_405] : memref<10000x128xf32, #tpu.memory_space<hbm>> -> memref<64x128xf32, #tpu.memory_space<hbm>>
                        %dma_start3A_407 = tpu.memref_slice %arg11[%dma_start3A_401] : memref<6x!tpu.dma_semaphore, #tpu.memory_space<semaphore_mem>> -> memref<1x!tpu.dma_semaphore, #tpu.memory_space<semaphore_mem>>
                        %dma_start3A_408 = tpu.memref_squeeze %dma_start3A_407 : memref<1x!tpu.dma_semaphore, #tpu.memory_space<semaphore_mem>> -> memref<!tpu.dma_semaphore, #tpu.memory_space<semaphore_mem>>
                        %dma_start3A_409 = arith.constant 0 : i32
                        %dma_start3A_410 = tpu.memref_slice %arg4[%while3A_326, %dma_start3A_409] : memref<10000x128xf32, #tpu.memory_space<hbm>> -> memref<64x128xf32, #tpu.memory_space<hbm>>
                        %dma_start3A_411 = arith.constant 64 : i32
                        %dma_start3A_412 = arith.constant 0 : i32
                        %dma_start3A_413 = tpu.memref_slice %arg10[%dma_start3A_411, %dma_start3A_412] : memref<128x128xf32, #tpu.memory_space<vmem>> -> memref<64x128xf32, #tpu.memory_space<vmem>>
                        tpu.enqueue_dma source(%dma_start3A_413 : memref<64x128xf32, #tpu.memory_space<vmem>>) target(%dma_start3A_410 : memref<64x128xf32, #tpu.memory_space<hbm>>) target_semaphore(%dma_start3A_408 : memref<!tpu.dma_semaphore, #tpu.memory_space<semaphore_mem>>)
                      }
                      %sub3A_393 = arith.subi %while3A_326, %select_n3A : i32
                      %ge3A_394 = arith.constant 64 : i32
                      %ge3A_395 = arith.cmpi sge, %sub3A_393, %ge3A_394 : i32
                      %convert_element_type3A_396 = arith.extui %ge3A_395 : i1 to i32
                      %cond3A_397 = arith.constant 0 : i32
                      %cond3A_398 = arith.cmpi ne, %convert_element_type3A_396, %cond3A_397 : i32
                      scf.if %cond3A_398 {
                        %eq3A_401 = arith.constant 0 : i32
                        %eq3A_402 = arith.cmpi eq, %and3A_332, %eq3A_401 : i32
                        %convert_element_type3A_403 = arith.extui %eq3A_402 : i1 to i32
                        %cond3A_404 = arith.constant 0 : i32
                        %cond3A_405 = arith.cmpi ne, %convert_element_type3A_403, %cond3A_404 : i32
                        scf.if %cond3A_405 {
                          %dma_wait3A_406 = arith.constant 5 : i32
                          %dma_wait3A_407 = arith.constant 64 : i32
                          %dma_wait3A_408 = arith.constant 0 : i32
                          %dma_wait3A_409 = tpu.memref_slice %arg10[%dma_wait3A_407, %dma_wait3A_408] : memref<128x128xf32, #tpu.memory_space<vmem>> -> memref<64x128xf32, #tpu.memory_space<vmem>>
                          %dma_wait3A_410 = arith.constant 0 : i32
                          %dma_wait3A_411 = arith.constant 0 : i32
                          %dma_wait3A_412 = tpu.memref_slice %arg4[%dma_wait3A_410, %dma_wait3A_411] : memref<10000x128xf32, #tpu.memory_space<hbm>> -> memref<64x128xf32, #tpu.memory_space<hbm>>
                          %dma_wait3A_413 = tpu.memref_slice %arg11[%dma_wait3A_406] : memref<6x!tpu.dma_semaphore, #tpu.memory_space<semaphore_mem>> -> memref<1x!tpu.dma_semaphore, #tpu.memory_space<semaphore_mem>>
                          %dma_wait3A_414 = tpu.memref_squeeze %dma_wait3A_413 : memref<1x!tpu.dma_semaphore, #tpu.memory_space<semaphore_mem>> -> memref<!tpu.dma_semaphore, #tpu.memory_space<semaphore_mem>>
                          %dma_wait3A_415 = arith.constant 0 : i32
                          %dma_wait3A_416 = arith.constant 0 : i32
                          %dma_wait3A_417 = tpu.memref_slice %arg4[%dma_wait3A_415, %dma_wait3A_416] : memref<10000x128xf32, #tpu.memory_space<hbm>> -> memref<64x128xf32, #tpu.memory_space<hbm>>
                          %dma_wait3A_418 = arith.constant 64 : i32
                          %dma_wait3A_419 = arith.constant 0 : i32
                          %dma_wait3A_420 = tpu.memref_slice %arg10[%dma_wait3A_418, %dma_wait3A_419] : memref<128x128xf32, #tpu.memory_space<vmem>> -> memref<64x128xf32, #tpu.memory_space<vmem>>
                          tpu.wait_dma2 semaphore(%dma_wait3A_414 : memref<!tpu.dma_semaphore, #tpu.memory_space<semaphore_mem>>) src(%dma_wait3A_420 : memref<64x128xf32, #tpu.memory_space<vmem>>) dst(%dma_wait3A_417 : memref<64x128xf32, #tpu.memory_space<hbm>>)
                        } else {
                          %dma_wait3A_406 = arith.constant 4 : i32
                          %dma_wait3A_407 = arith.constant 0 : i32
                          %dma_wait3A_408 = arith.constant 0 : i32
                          %dma_wait3A_409 = tpu.memref_slice %arg10[%dma_wait3A_407, %dma_wait3A_408] : memref<128x128xf32, #tpu.memory_space<vmem>> -> memref<64x128xf32, #tpu.memory_space<vmem>>
                          %dma_wait3A_410 = arith.constant 0 : i32
                          %dma_wait3A_411 = arith.constant 0 : i32
                          %dma_wait3A_412 = tpu.memref_slice %arg4[%dma_wait3A_410, %dma_wait3A_411] : memref<10000x128xf32, #tpu.memory_space<hbm>> -> memref<64x128xf32, #tpu.memory_space<hbm>>
                          %dma_wait3A_413 = tpu.memref_slice %arg11[%dma_wait3A_406] : memref<6x!tpu.dma_semaphore, #tpu.memory_space<semaphore_mem>> -> memref<1x!tpu.dma_semaphore, #tpu.memory_space<semaphore_mem>>
                          %dma_wait3A_414 = tpu.memref_squeeze %dma_wait3A_413 : memref<1x!tpu.dma_semaphore, #tpu.memory_space<semaphore_mem>> -> memref<!tpu.dma_semaphore, #tpu.memory_space<semaphore_mem>>
                          %dma_wait3A_415 = arith.constant 0 : i32
                          %dma_wait3A_416 = arith.constant 0 : i32
                          %dma_wait3A_417 = tpu.memref_slice %arg4[%dma_wait3A_415, %dma_wait3A_416] : memref<10000x128xf32, #tpu.memory_space<hbm>> -> memref<64x128xf32, #tpu.memory_space<hbm>>
                          %dma_wait3A_418 = arith.constant 0 : i32
                          %dma_wait3A_419 = arith.constant 0 : i32
                          %dma_wait3A_420 = tpu.memref_slice %arg10[%dma_wait3A_418, %dma_wait3A_419] : memref<128x128xf32, #tpu.memory_space<vmem>> -> memref<64x128xf32, #tpu.memory_space<vmem>>
                          tpu.wait_dma2 semaphore(%dma_wait3A_414 : memref<!tpu.dma_semaphore, #tpu.memory_space<semaphore_mem>>) src(%dma_wait3A_420 : memref<64x128xf32, #tpu.memory_space<vmem>>) dst(%dma_wait3A_417 : memref<64x128xf32, #tpu.memory_space<hbm>>)
                        }
                      } else {
                      }
                      %add3A_399 = arith.constant 64 : i32
                      %add3A_400 = arith.addi %while3A_326, %add3A_399 : i32
                      scf.yield %add3A_400 : i32
                    } else {
                      scf.yield %while3A_326 : i32
                    }
                    %add3A_386 = arith.constant 1 : i32
                    %add3A_387 = arith.addi %while3A_325, %add3A_386 : i32
                    scf.yield %add3A_387, %cond3A_385 : i32, i32
                  }
                  %add3A_300 = arith.addi %mul3A_194, %min3A_274 : i32
                  %get3A_301 = arith.index_cast %add3A_300 : i32 to index
                  %get3A_302 = arith.constant 0 : index
                  %get3A_303 = tpu.vector_load %arg7[%get3A_301, %get3A_302] {strides = array<i32>} : memref<400x128xf32, #tpu.memory_space<vmem>>, vector<16xf32>,
                  %get3A_304 = arith.index_cast %add3A_300 : i32 to index
                  %get3A_305 = arith.constant 16 : index
                  %get3A_306 = tpu.vector_load %arg7[%get3A_304, %get3A_305] {strides = array<i32>} : memref<400x128xf32, #tpu.memory_space<vmem>>, vector<16xf32>,
                  %get3A_307 = arith.index_cast %add3A_300 : i32 to index
                  %get3A_308 = arith.constant 32 : index
                  %get3A_309 = tpu.vector_load %arg7[%get3A_307, %get3A_308] {strides = array<i32>} : memref<400x128xf32, #tpu.memory_space<vmem>>, vector<16xf32>,
                  %get3A_310 = arith.index_cast %add3A_300 : i32 to index
                  %get3A_311 = arith.constant 48 : index
                  %get3A_312 = tpu.vector_load %arg7[%get3A_310, %get3A_311] {strides = array<i32>} : memref<400x128xf32, #tpu.memory_space<vmem>>, vector<16xf32>,
                  %get3A_313 = arith.index_cast %add3A_300 : i32 to index
                  %get3A_314 = arith.constant 64 : index
                  %get3A_315 = tpu.vector_load %arg7[%get3A_313, %get3A_314] {strides = array<i32>} : memref<400x128xf32, #tpu.memory_space<vmem>>, vector<16xf32>,
                  %get3A_316 = arith.index_cast %add3A_300 : i32 to index
                  %get3A_317 = arith.constant 80 : index
                  %get3A_318 = tpu.vector_load %arg7[%get3A_316, %get3A_317] {strides = array<i32>} : memref<400x128xf32, #tpu.memory_space<vmem>>, vector<16xf32>,
                  %get3A_319 = arith.index_cast %add3A_300 : i32 to index
                  %get3A_320 = arith.constant 96 : index
                  %get3A_321 = tpu.vector_load %arg7[%get3A_319, %get3A_320] {strides = array<i32>} : memref<400x128xf32, #tpu.memory_space<vmem>>, vector<16xf32>,
                  %get3A_322 = arith.index_cast %add3A_300 : i32 to index
                  %get3A_323 = arith.constant 112 : index
                  %get3A_324 = tpu.vector_load %arg7[%get3A_322, %get3A_323] {strides = array<i32>} : memref<400x128xf32, #tpu.memory_space<vmem>>, vector<16xf32>,
                  scf.yield %squeeze3A_298, %while3A_299#0, %while3A_299#1, %get3A_303, %get3A_306, %get3A_309, %get3A_312, %get3A_315, %get3A_318, %get3A_321, %get3A_324 : i32, i32, i32, vector<16xf32>, vector<16xf32>, vector<16xf32>, vector<16xf32>, vector<16xf32>, vector<16xf32>, vector<16xf32>, vector<16xf32>
                } else {
                  scf.yield %while3A_250, %while3A_251, %while3A_252, %cond3A_280#0, %cond3A_280#1, %cond3A_280#2, %cond3A_280#3, %cond3A_280#4, %cond3A_280#5, %cond3A_280#6, %cond3A_280#7 : i32, i32, i32, vector<16xf32>, vector<16xf32>, vector<16xf32>, vector<16xf32>, vector<16xf32>, vector<16xf32>, vector<16xf32>, vector<16xf32>
                }
                %add3A_286 = arith.constant 1 : i32
                %add3A_287 = arith.addi %min3A_274, %add3A_286 : i32
                scf.yield %add3A_287, %cond3A_285#0, %cond3A_285#1, %cond3A_285#2, %cond3A_285#3, %cond3A_285#4, %cond3A_285#5, %cond3A_285#6, %cond3A_285#7, %cond3A_285#8, %cond3A_285#9, %cond3A_285#10 : i32, i32, i32, i32, vector<16xf32>, vector<16xf32>, vector<16xf32>, vector<16xf32>, vector<16xf32>, vector<16xf32>, vector<16xf32>, vector<16xf32>
              }
              scf.yield %while3A_248#1, %while3A_248#2, %while3A_248#3, %while3A_248#4, %while3A_248#5, %while3A_248#6, %while3A_248#7, %while3A_248#8, %while3A_248#9, %while3A_248#10, %while3A_248#11 : i32, i32, i32, vector<16xf32>, vector<16xf32>, vector<16xf32>, vector<16xf32>, vector<16xf32>, vector<16xf32>, vector<16xf32>, vector<16xf32>
            }
            scf.yield %cond3A_246#0, %cond3A_246#1, %cond3A_246#2, %cond3A_246#3, %cond3A_246#4, %cond3A_246#5, %cond3A_246#6, %cond3A_246#7, %cond3A_246#8, %cond3A_246#9, %cond3A_246#10 : i32, i32, i32, vector<16xf32>, vector<16xf32>, vector<16xf32>, vector<16xf32>, vector<16xf32>, vector<16xf32>, vector<16xf32>, vector<16xf32>
          }
          scf.yield %cond3A_203#0, %cond3A_203#1, %cond3A_203#2, %cond3A_203#3, %cond3A_203#4, %cond3A_203#5, %cond3A_203#6, %cond3A_203#7, %cond3A_203#8, %cond3A_203#9, %cond3A_203#10 : i32, i32, i32, vector<16xf32>, vector<16xf32>, vector<16xf32>, vector<16xf32>, vector<16xf32>, vector<16xf32>, vector<16xf32>, vector<16xf32>
        }
        %scan3A_171 = arith.constant 25 : i32
        %get3A_172 = arith.constant 384 : index
        %get3A_173 = tpu.vector_load %arg5[%get3A_172] {strides = array<i32>} : memref<400xi32, #tpu.memory_space<vmem>>, vector<16xi32>,
        %slice3A_174 = vector.extract_strided_slice %get3A_173 {offsets = [15], sizes = [1], strides = [1]} : vector<16xi32> to vector<1xi32>
        %squeeze3A_175 = vector.extract %slice3A_174[0] : i32 from vector<1xi32>
        %le3A = arith.cmpi sle, %squeeze3A_175, %select_n3A_18 : i32
        %add3A_176 = arith.constant 1 : i32
        %add3A_177 = arith.addi %add3A_123, %add3A_176 : i32
        %lt3A_178 = arith.constant 800 : i32
        %lt3A_179 = arith.cmpi slt, %add3A_177, %lt3A_178 : i32
        %and3A_180 = arith.andi %le3A, %lt3A_179 : i1
        scf.yield %and3A_180, %scan3A_170#0, %scan3A_170#1, %scan3A_170#2, %scan3A_170#3, %scan3A_170#4, %scan3A_170#5, %scan3A_170#6, %scan3A_170#7, %scan3A_170#8, %scan3A_170#9, %scan3A_170#10 : i1, i32, i32, i32, vector<16xf32>, vector<16xf32>, vector<16xf32>, vector<16xf32>, vector<16xf32>, vector<16xf32>, vector<16xf32>, vector<16xf32>
      } else {
        %add3A_134 = arith.constant 1 : i32
        %add3A_135 = arith.addi %add3A_123, %add3A_134 : i32
        %min3A = arith.constant 799 : i32
        %min3A_136 = arith.minsi %add3A_135, %min3A : i32
        %mul3A_137 = arith.constant 400 : i32
        %mul3A_138 = arith.muli %min3A_136, %mul3A_137 : i32
        %multiple_of3A_139 = tpu.assume_multiple %mul3A_138, 8 : i32
        %dma_start3A_140 = arith.constant 0 : i32
        %dma_start3A_141 = tpu.memref_slice %arg3[%multiple_of3A_139] : memref<320000xi32, #tpu.memory_space<hbm>> -> memref<400xi32, #tpu.memory_space<hbm>>
        %dma_start3A_142 = tpu.memref_slice %arg11[%dma_start3A_140] : memref<6x!tpu.dma_semaphore, #tpu.memory_space<semaphore_mem>> -> memref<1x!tpu.dma_semaphore, #tpu.memory_space<semaphore_mem>>
        %dma_start3A_143 = tpu.memref_squeeze %dma_start3A_142 : memref<1x!tpu.dma_semaphore, #tpu.memory_space<semaphore_mem>> -> memref<!tpu.dma_semaphore, #tpu.memory_space<semaphore_mem>>
        %dma_start3A_144 = tpu.memref_slice %arg3[%multiple_of3A_139] : memref<320000xi32, #tpu.memory_space<hbm>> -> memref<400xi32, #tpu.memory_space<hbm>>
        tpu.enqueue_dma source(%dma_start3A_144 : memref<400xi32, #tpu.memory_space<hbm>>) target(%arg5 : memref<400xi32, #tpu.memory_space<vmem>>) target_semaphore(%dma_start3A_143 : memref<!tpu.dma_semaphore, #tpu.memory_space<semaphore_mem>>)
        %dma_start3A_145 = arith.constant 2 : i32
        %dma_start3A_146 = arith.constant 0 : i32
        %dma_start3A_147 = tpu.memref_slice %arg2[%multiple_of3A_139, %dma_start3A_146] : memref<320000x128xf32, #tpu.memory_space<hbm>> -> memref<400x128xf32, #tpu.memory_space<hbm>>
        %dma_start3A_148 = tpu.memref_slice %arg11[%dma_start3A_145] : memref<6x!tpu.dma_semaphore, #tpu.memory_space<semaphore_mem>> -> memref<1x!tpu.dma_semaphore, #tpu.memory_space<semaphore_mem>>
        %dma_start3A_149 = tpu.memref_squeeze %dma_start3A_148 : memref<1x!tpu.dma_semaphore, #tpu.memory_space<semaphore_mem>> -> memref<!tpu.dma_semaphore, #tpu.memory_space<semaphore_mem>>
        %dma_start3A_150 = arith.constant 0 : i32
        %dma_start3A_151 = tpu.memref_slice %arg2[%multiple_of3A_139, %dma_start3A_150] : memref<320000x128xf32, #tpu.memory_space<hbm>> -> memref<400x128xf32, #tpu.memory_space<hbm>>
        tpu.enqueue_dma source(%dma_start3A_151 : memref<400x128xf32, #tpu.memory_space<hbm>>) target(%arg7 : memref<400x128xf32, #tpu.memory_space<vmem>>) target_semaphore(%dma_start3A_149 : memref<!tpu.dma_semaphore, #tpu.memory_space<semaphore_mem>>)
        %dma_wait3A = arith.constant 1 : i32
        %dma_wait3A_152 = arith.constant 0 : i32
        %dma_wait3A_153 = tpu.memref_slice %arg3[%dma_wait3A_152] : memref<320000xi32, #tpu.memory_space<hbm>> -> memref<400xi32, #tpu.memory_space<hbm>>
        %dma_wait3A_154 = tpu.memref_slice %arg11[%dma_wait3A] : memref<6x!tpu.dma_semaphore, #tpu.memory_space<semaphore_mem>> -> memref<1x!tpu.dma_semaphore, #tpu.memory_space<semaphore_mem>>
        %dma_wait3A_155 = tpu.memref_squeeze %dma_wait3A_154 : memref<1x!tpu.dma_semaphore, #tpu.memory_space<semaphore_mem>> -> memref<!tpu.dma_semaphore, #tpu.memory_space<semaphore_mem>>
        %dma_wait3A_156 = arith.constant 0 : i32
        %dma_wait3A_157 = tpu.memref_slice %arg3[%dma_wait3A_156] : memref<320000xi32, #tpu.memory_space<hbm>> -> memref<400xi32, #tpu.memory_space<hbm>>
        tpu.wait_dma2 semaphore(%dma_wait3A_155 : memref<!tpu.dma_semaphore, #tpu.memory_space<semaphore_mem>>) src(%dma_wait3A_157 : memref<400xi32, #tpu.memory_space<hbm>>) dst(%arg6 : memref<400xi32, #tpu.memory_space<vmem>>)
        %dma_wait3A_158 = arith.constant 3 : i32
        %dma_wait3A_159 = arith.constant 0 : i32
        %dma_wait3A_160 = arith.constant 0 : i32
        %dma_wait3A_161 = tpu.memref_slice %arg2[%dma_wait3A_159, %dma_wait3A_160] : memref<320000x128xf32, #tpu.memory_space<hbm>> -> memref<400x128xf32, #tpu.memory_space<hbm>>
        %dma_wait3A_162 = tpu.memref_slice %arg11[%dma_wait3A_158] : memref<6x!tpu.dma_semaphore, #tpu.memory_space<semaphore_mem>> -> memref<1x!tpu.dma_semaphore, #tpu.memory_space<semaphore_mem>>
        %dma_wait3A_163 = tpu.memref_squeeze %dma_wait3A_162 : memref<1x!tpu.dma_semaphore, #tpu.memory_space<semaphore_mem>> -> memref<!tpu.dma_semaphore, #tpu.memory_space<semaphore_mem>>
        %dma_wait3A_164 = arith.constant 0 : i32
        %dma_wait3A_165 = arith.constant 0 : i32
        %dma_wait3A_166 = tpu.memref_slice %arg2[%dma_wait3A_164, %dma_wait3A_165] : memref<320000x128xf32, #tpu.memory_space<hbm>> -> memref<400x128xf32, #tpu.memory_space<hbm>>
        tpu.wait_dma2 semaphore(%dma_wait3A_163 : memref<!tpu.dma_semaphore, #tpu.memory_space<semaphore_mem>>) src(%dma_wait3A_166 : memref<400x128xf32, #tpu.memory_space<hbm>>) dst(%arg8 : memref<400x128xf32, #tpu.memory_space<vmem>>)
        %scan3A = arith.constant 0 : i32
        %scan3A_167 = arith.constant 25 : i32
        %scan3A_168 = arith.addi %scan3A, %scan3A_167 : i32
        %scan3A_169 = arith.constant 1 : i32
        %scan3A_170:11 = scf.for %scan3A_181 = %scan3A to %scan3A_168 step %scan3A_169 iter_args(%scan3A_182 = %while3A_112, %scan3A_183 = %while3A_113, %scan3A_184 = %while3A_114, %scan3A_185 = %while3A_115, %scan3A_186 = %while3A_116, %scan3A_187 = %while3A_117, %scan3A_188 = %while3A_118, %scan3A_189 = %while3A_119, %scan3A_190 = %while3A_120, %scan3A_191 = %while3A_121, %scan3A_192 = %while3A_122) -> (i32, i32, i32, vector<16xf32>, vector<16xf32>, vector<16xf32>, vector<16xf32>, vector<16xf32>, vector<16xf32>, vector<16xf32>, vector<16xf32>)  : i32 {
          %mul3A_193 = arith.constant 16 : i32
          %mul3A_194 = arith.muli %scan3A_181, %mul3A_193 : i32
          %get3A_195 = arith.index_cast %mul3A_194 : i32 to index
          %get3A_196 = tpu.vector_load %arg6[%get3A_195] {strides = array<i32>} : memref<400xi32, #tpu.memory_space<vmem>>, vector<16xi32>,
          %slice3A_197 = vector.extract_strided_slice %get3A_196 {offsets = [15], sizes = [1], strides = [1]} : vector<16xi32> to vector<1xi32>
          %squeeze3A_198 = vector.extract %slice3A_197[0] : i32 from vector<1xi32>
          %eq3A_199 = arith.cmpi eq, %squeeze3A_198, %scan3A_182 : i32
          %convert_element_type3A_200 = arith.extui %eq3A_199 : i1 to i32
          %cond3A_201 = arith.constant 0 : i32
          %cond3A_202 = arith.cmpi ne, %convert_element_type3A_200, %cond3A_201 : i32
          %cond3A_203:11 = scf.if %cond3A_202 -> (i32, i32, i32, vector<16xf32>, vector<16xf32>, vector<16xf32>, vector<16xf32>, vector<16xf32>, vector<16xf32>, vector<16xf32>, vector<16xf32>) {
            %add3A_204 = arith.constant 0 : i32
            %add3A_205 = arith.addi %mul3A_194, %add3A_204 : i32
            %get3A_206 = arith.index_cast %add3A_205 : i32 to index
            %get3A_207 = arith.constant 0 : index
            %get3A_208 = tpu.vector_load %arg8[%get3A_206, %get3A_207] {strides = array<i32>} : memref<400x128xf32, #tpu.memory_space<vmem>>, vector<16xf32>,
            %add3A_209 = arith.constant 1 : i32
            %add3A_210 = arith.addi %mul3A_194, %add3A_209 : i32
            %get3A_211 = arith.index_cast %add3A_210 : i32 to index
            %get3A_212 = arith.constant 0 : index
            %get3A_213 = tpu.vector_load %arg8[%get3A_211, %get3A_212] {strides = array<i32>} : memref<400x128xf32, #tpu.memory_space<vmem>>, vector<16xf32>,
            %add3A_214 = arith.constant 2 : i32
            %add3A_215 = arith.addi %mul3A_194, %add3A_214 : i32
            %get3A_216 = arith.index_cast %add3A_215 : i32 to index
            %get3A_217 = arith.constant 0 : index
            %get3A_218 = tpu.vector_load %arg8[%get3A_216, %get3A_217] {strides = array<i32>} : memref<400x128xf32, #tpu.memory_space<vmem>>, vector<16xf32>,
            %add3A_219 = arith.constant 3 : i32
            %add3A_220 = arith.addi %mul3A_194, %add3A_219 : i32
            %get3A_221 = arith.index_cast %add3A_220 : i32 to index
            %get3A_222 = arith.constant 0 : index
            %get3A_223 = tpu.vector_load %arg8[%get3A_221, %get3A_222] {strides = array<i32>} : memref<400x128xf32, #tpu.memory_space<vmem>>, vector<16xf32>,
            %add3A_224 = arith.constant 4 : i32
            %add3A_225 = arith.addi %mul3A_194, %add3A_224 : i32
            %get3A_226 = arith.index_cast %add3A_225 : i32 to index
            %get3A_227 = arith.constant 0 : index
            %get3A_228 = tpu.vector_load %arg8[%get3A_226, %get3A_227] {strides = array<i32>} : memref<400x128xf32, #tpu.memory_space<vmem>>, vector<16xf32>,
            %add3A_229 = arith.constant 5 : i32
            %add3A_230 = arith.addi %mul3A_194, %add3A_229 : i32
            %get3A_231 = arith.index_cast %add3A_230 : i32 to index
            %get3A_232 = arith.constant 0 : index
            %get3A_233 = tpu.vector_load %arg8[%get3A_231, %get3A_232] {strides = array<i32>} : memref<400x128xf32, #tpu.memory_space<vmem>>, vector<16xf32>,
            %add3A_234 = arith.constant 6 : i32
            %add3A_235 = arith.addi %mul3A_194, %add3A_234 : i32
            %get3A_236 = arith.index_cast %add3A_235 : i32 to index
            %get3A_237 = arith.constant 0 : index
            %get3A_238 = tpu.vector_load %arg8[%get3A_236, %get3A_237] {strides = array<i32>} : memref<400x128xf32, #tpu.memory_space<vmem>>, vector<16xf32>,
            %add3A_239 = arith.constant 7 : i32
            %add3A_240 = arith.addi %mul3A_194, %add3A_239 : i32
            %get3A_241 = arith.index_cast %add3A_240 : i32 to index
            %get3A_242 = arith.constant 0 : index
            %get3A_243 = tpu.vector_load %arg8[%get3A_241, %get3A_242] {strides = array<i32>} : memref<400x128xf32, #tpu.memory_space<vmem>>, vector<16xf32>,
            %add3A_244 = arith.constant 8 : i32
            %add3A_245 = arith.addi %mul3A_194, %add3A_244 : i32
            %get3A_246 = arith.index_cast %add3A_245 : i32 to index
            %get3A_247 = arith.constant 0 : index
            %get3A_248 = tpu.vector_load %arg8[%get3A_246, %get3A_247] {strides = array<i32>} : memref<400x128xf32, #tpu.memory_space<vmem>>, vector<16xf32>,
            %add3A_249 = arith.constant 9 : i32
            %add3A_250 = arith.addi %mul3A_194, %add3A_249 : i32
            %get3A_251 = arith.index_cast %add3A_250 : i32 to index
            %get3A_252 = arith.constant 0 : index
            %get3A_253 = tpu.vector_load %arg8[%get3A_251, %get3A_252] {strides = array<i32>} : memref<400x128xf32, #tpu.memory_space<vmem>>, vector<16xf32>,
            %add3A_254 = arith.constant 10 : i32
            %add3A_255 = arith.addi %mul3A_194, %add3A_254 : i32
            %get3A_256 = arith.index_cast %add3A_255 : i32 to index
            %get3A_257 = arith.constant 0 : index
            %get3A_258 = tpu.vector_load %arg8[%get3A_256, %get3A_257] {strides = array<i32>} : memref<400x128xf32, #tpu.memory_space<vmem>>, vector<16xf32>,
            %add3A_259 = arith.constant 11 : i32
            %add3A_260 = arith.addi %mul3A_194, %add3A_259 : i32
            %get3A_261 = arith.index_cast %add3A_260 : i32 to index
            %get3A_262 = arith.constant 0 : index
            %get3A_263 = tpu.vector_load %arg8[%get3A_261, %get3A_262] {strides = array<i32>} : memref<400x128xf32, #tpu.memory_space<vmem>>, vector<16xf32>,
            %add3A_264 = arith.constant 12 : i32
            %add3A_265 = arith.addi %mul3A_194, %add3A_264 : i32
            %get3A_266 = arith.index_cast %add3A_265 : i32 to index
            %get3A_267 = arith.constant 0 : index
            %get3A_268 = tpu.vector_load %arg8[%get3A_266, %get3A_267] {strides = array<i32>} : memref<400x128xf32, #tpu.memory_space<vmem>>, vector<16xf32>,
            %add3A_269 = arith.constant 13 : i32
            %add3A_270 = arith.addi %mul3A_194, %add3A_269 : i32
            %get3A_271 = arith.index_cast %add3A_270 : i32 to index
            %get3A_272 = arith.constant 0 : index
            %get3A_273 = tpu.vector_load %arg8[%get3A_271, %get3A_272] {strides = array<i32>} : memref<400x128xf32, #tpu.memory_space<vmem>>, vector<16xf32>,
            %add3A_274 = arith.constant 14 : i32
            %add3A_275 = arith.addi %mul3A_194, %add3A_274 : i32
            %get3A_276 = arith.index_cast %add3A_275 : i32 to index
            %get3A_277 = arith.constant 0 : index
            %get3A_278 = tpu.vector_load %arg8[%get3A_276, %get3A_277] {strides = array<i32>} : memref<400x128xf32, #tpu.memory_space<vmem>>, vector<16xf32>,
            %add3A_279 = arith.constant 15 : i32
            %add3A_280 = arith.addi %mul3A_194, %add3A_279 : i32
            %get3A_281 = arith.index_cast %add3A_280 : i32 to index
            %get3A_282 = arith.constant 0 : index
            %get3A_283 = tpu.vector_load %arg8[%get3A_281, %get3A_282] {strides = array<i32>} : memref<400x128xf32, #tpu.memory_space<vmem>>, vector<16xf32>,
            %max3A_284 = arith.maximumf %get3A_208, %get3A_213 : vector<16xf32>
            %max3A_285 = arith.maximumf %get3A_218, %get3A_223 : vector<16xf32>
            %max3A_286 = arith.maximumf %get3A_228, %get3A_233 : vector<16xf32>
            %max3A_287 = arith.maximumf %get3A_238, %get3A_243 : vector<16xf32>
            %max3A_288 = arith.maximumf %get3A_248, %get3A_253 : vector<16xf32>
            %max3A_289 = arith.maximumf %get3A_258, %get3A_263 : vector<16xf32>
            %max3A_290 = arith.maximumf %get3A_268, %get3A_273 : vector<16xf32>
            %max3A_291 = arith.maximumf %get3A_278, %get3A_283 : vector<16xf32>
            %max3A_292 = arith.maximumf %max3A_284, %max3A_285 : vector<16xf32>
            %max3A_293 = arith.maximumf %max3A_286, %max3A_287 : vector<16xf32>
            %max3A_294 = arith.maximumf %max3A_288, %max3A_289 : vector<16xf32>
            %max3A_295 = arith.maximumf %max3A_290, %max3A_291 : vector<16xf32>
            %max3A_296 = arith.maximumf %max3A_292, %max3A_293 : vector<16xf32>
            %max3A_297 = arith.maximumf %max3A_294, %max3A_295 : vector<16xf32>
            %max3A_298 = arith.maximumf %max3A_296, %max3A_297 : vector<16xf32>
            %max3A_299 = arith.maximumf %scan3A_185, %max3A_298 : vector<16xf32>
            %add3A_300 = arith.constant 0 : i32
            %add3A_301 = arith.addi %mul3A_194, %add3A_300 : i32
            %get3A_302 = arith.index_cast %add3A_301 : i32 to index
            %get3A_303 = arith.constant 16 : index
            %get3A_304 = tpu.vector_load %arg8[%get3A_302, %get3A_303] {strides = array<i32>} : memref<400x128xf32, #tpu.memory_space<vmem>>, vector<16xf32>,
            %add3A_305 = arith.constant 1 : i32
            %add3A_306 = arith.addi %mul3A_194, %add3A_305 : i32
            %get3A_307 = arith.index_cast %add3A_306 : i32 to index
            %get3A_308 = arith.constant 16 : index
            %get3A_309 = tpu.vector_load %arg8[%get3A_307, %get3A_308] {strides = array<i32>} : memref<400x128xf32, #tpu.memory_space<vmem>>, vector<16xf32>,
            %add3A_310 = arith.constant 2 : i32
            %add3A_311 = arith.addi %mul3A_194, %add3A_310 : i32
            %get3A_312 = arith.index_cast %add3A_311 : i32 to index
            %get3A_313 = arith.constant 16 : index
            %get3A_314 = tpu.vector_load %arg8[%get3A_312, %get3A_313] {strides = array<i32>} : memref<400x128xf32, #tpu.memory_space<vmem>>, vector<16xf32>,
            %add3A_315 = arith.constant 3 : i32
            %add3A_316 = arith.addi %mul3A_194, %add3A_315 : i32
            %get3A_317 = arith.index_cast %add3A_316 : i32 to index
            %get3A_318 = arith.constant 16 : index
            %get3A_319 = tpu.vector_load %arg8[%get3A_317, %get3A_318] {strides = array<i32>} : memref<400x128xf32, #tpu.memory_space<vmem>>, vector<16xf32>,
            %add3A_320 = arith.constant 4 : i32
            %add3A_321 = arith.addi %mul3A_194, %add3A_320 : i32
            %get3A_322 = arith.index_cast %add3A_321 : i32 to index
            %get3A_323 = arith.constant 16 : index
            %get3A_324 = tpu.vector_load %arg8[%get3A_322, %get3A_323] {strides = array<i32>} : memref<400x128xf32, #tpu.memory_space<vmem>>, vector<16xf32>,
            %add3A_325 = arith.constant 5 : i32
            %add3A_326 = arith.addi %mul3A_194, %add3A_325 : i32
            %get3A_327 = arith.index_cast %add3A_326 : i32 to index
            %get3A_328 = arith.constant 16 : index
            %get3A_329 = tpu.vector_load %arg8[%get3A_327, %get3A_328] {strides = array<i32>} : memref<400x128xf32, #tpu.memory_space<vmem>>, vector<16xf32>,
            %add3A_330 = arith.constant 6 : i32
            %add3A_331 = arith.addi %mul3A_194, %add3A_330 : i32
            %get3A_332 = arith.index_cast %add3A_331 : i32 to index
            %get3A_333 = arith.constant 16 : index
            %get3A_334 = tpu.vector_load %arg8[%get3A_332, %get3A_333] {strides = array<i32>} : memref<400x128xf32, #tpu.memory_space<vmem>>, vector<16xf32>,
            %add3A_335 = arith.constant 7 : i32
            %add3A_336 = arith.addi %mul3A_194, %add3A_335 : i32
            %get3A_337 = arith.index_cast %add3A_336 : i32 to index
            %get3A_338 = arith.constant 16 : index
            %get3A_339 = tpu.vector_load %arg8[%get3A_337, %get3A_338] {strides = array<i32>} : memref<400x128xf32, #tpu.memory_space<vmem>>, vector<16xf32>,
            %add3A_340 = arith.constant 8 : i32
            %add3A_341 = arith.addi %mul3A_194, %add3A_340 : i32
            %get3A_342 = arith.index_cast %add3A_341 : i32 to index
            %get3A_343 = arith.constant 16 : index
            %get3A_344 = tpu.vector_load %arg8[%get3A_342, %get3A_343] {strides = array<i32>} : memref<400x128xf32, #tpu.memory_space<vmem>>, vector<16xf32>,
            %add3A_345 = arith.constant 9 : i32
            %add3A_346 = arith.addi %mul3A_194, %add3A_345 : i32
            %get3A_347 = arith.index_cast %add3A_346 : i32 to index
            %get3A_348 = arith.constant 16 : index
            %get3A_349 = tpu.vector_load %arg8[%get3A_347, %get3A_348] {strides = array<i32>} : memref<400x128xf32, #tpu.memory_space<vmem>>, vector<16xf32>,
            %add3A_350 = arith.constant 10 : i32
            %add3A_351 = arith.addi %mul3A_194, %add3A_350 : i32
            %get3A_352 = arith.index_cast %add3A_351 : i32 to index
            %get3A_353 = arith.constant 16 : index
            %get3A_354 = tpu.vector_load %arg8[%get3A_352, %get3A_353] {strides = array<i32>} : memref<400x128xf32, #tpu.memory_space<vmem>>, vector<16xf32>,
            %add3A_355 = arith.constant 11 : i32
            %add3A_356 = arith.addi %mul3A_194, %add3A_355 : i32
            %get3A_357 = arith.index_cast %add3A_356 : i32 to index
            %get3A_358 = arith.constant 16 : index
            %get3A_359 = tpu.vector_load %arg8[%get3A_357, %get3A_358] {strides = array<i32>} : memref<400x128xf32, #tpu.memory_space<vmem>>, vector<16xf32>,
            %add3A_360 = arith.constant 12 : i32
            %add3A_361 = arith.addi %mul3A_194, %add3A_360 : i32
            %get3A_362 = arith.index_cast %add3A_361 : i32 to index
            %get3A_363 = arith.constant 16 : index
            %get3A_364 = tpu.vector_load %arg8[%get3A_362, %get3A_363] {strides = array<i32>} : memref<400x128xf32, #tpu.memory_space<vmem>>, vector<16xf32>,
            %add3A_365 = arith.constant 13 : i32
            %add3A_366 = arith.addi %mul3A_194, %add3A_365 : i32
            %get3A_367 = arith.index_cast %add3A_366 : i32 to index
            %get3A_368 = arith.constant 16 : index
            %get3A_369 = tpu.vector_load %arg8[%get3A_367, %get3A_368] {strides = array<i32>} : memref<400x128xf32, #tpu.memory_space<vmem>>, vector<16xf32>,
            %add3A_370 = arith.constant 14 : i32
            %add3A_371 = arith.addi %mul3A_194, %add3A_370 : i32
            %get3A_372 = arith.index_cast %add3A_371 : i32 to index
            %get3A_373 = arith.constant 16 : index
            %get3A_374 = tpu.vector_load %arg8[%get3A_372, %get3A_373] {strides = array<i32>} : memref<400x128xf32, #tpu.memory_space<vmem>>, vector<16xf32>,
            %add3A_375 = arith.constant 15 : i32
            %add3A_376 = arith.addi %mul3A_194, %add3A_375 : i32
            %get3A_377 = arith.index_cast %add3A_376 : i32 to index
            %get3A_378 = arith.constant 16 : index
            %get3A_379 = tpu.vector_load %arg8[%get3A_377, %get3A_378] {strides = array<i32>} : memref<400x128xf32, #tpu.memory_space<vmem>>, vector<16xf32>,
            %max3A_380 = arith.maximumf %get3A_304, %get3A_309 : vector<16xf32>
            %max3A_381 = arith.maximumf %get3A_314, %get3A_319 : vector<16xf32>
            %max3A_382 = arith.maximumf %get3A_324, %get3A_329 : vector<16xf32>
            %max3A_383 = arith.maximumf %get3A_334, %get3A_339 : vector<16xf32>
            %max3A_384 = arith.maximumf %get3A_344, %get3A_349 : vector<16xf32>
            %max3A_385 = arith.maximumf %get3A_354, %get3A_359 : vector<16xf32>
            %max3A_386 = arith.maximumf %get3A_364, %get3A_369 : vector<16xf32>
            %max3A_387 = arith.maximumf %get3A_374, %get3A_379 : vector<16xf32>
            %max3A_388 = arith.maximumf %max3A_380, %max3A_381 : vector<16xf32>
            %max3A_389 = arith.maximumf %max3A_382, %max3A_383 : vector<16xf32>
            %max3A_390 = arith.maximumf %max3A_384, %max3A_385 : vector<16xf32>
            %max3A_391 = arith.maximumf %max3A_386, %max3A_387 : vector<16xf32>
            %max3A_392 = arith.maximumf %max3A_388, %max3A_389 : vector<16xf32>
            %max3A_393 = arith.maximumf %max3A_390, %max3A_391 : vector<16xf32>
            %max3A_394 = arith.maximumf %max3A_392, %max3A_393 : vector<16xf32>
            %max3A_395 = arith.maximumf %scan3A_186, %max3A_394 : vector<16xf32>
            %add3A_396 = arith.constant 0 : i32
            %add3A_397 = arith.addi %mul3A_194, %add3A_396 : i32
            %get3A_398 = arith.index_cast %add3A_397 : i32 to index
            %get3A_399 = arith.constant 32 : index
            %get3A_400 = tpu.vector_load %arg8[%get3A_398, %get3A_399] {strides = array<i32>} : memref<400x128xf32, #tpu.memory_space<vmem>>, vector<16xf32>,
            %add3A_401 = arith.constant 1 : i32
            %add3A_402 = arith.addi %mul3A_194, %add3A_401 : i32
            %get3A_403 = arith.index_cast %add3A_402 : i32 to index
            %get3A_404 = arith.constant 32 : index
            %get3A_405 = tpu.vector_load %arg8[%get3A_403, %get3A_404] {strides = array<i32>} : memref<400x128xf32, #tpu.memory_space<vmem>>, vector<16xf32>,
            %add3A_406 = arith.constant 2 : i32
            %add3A_407 = arith.addi %mul3A_194, %add3A_406 : i32
            %get3A_408 = arith.index_cast %add3A_407 : i32 to index
            %get3A_409 = arith.constant 32 : index
            %get3A_410 = tpu.vector_load %arg8[%get3A_408, %get3A_409] {strides = array<i32>} : memref<400x128xf32, #tpu.memory_space<vmem>>, vector<16xf32>,
            %add3A_411 = arith.constant 3 : i32
            %add3A_412 = arith.addi %mul3A_194, %add3A_411 : i32
            %get3A_413 = arith.index_cast %add3A_412 : i32 to index
            %get3A_414 = arith.constant 32 : index
            %get3A_415 = tpu.vector_load %arg8[%get3A_413, %get3A_414] {strides = array<i32>} : memref<400x128xf32, #tpu.memory_space<vmem>>, vector<16xf32>,
            %add3A_416 = arith.constant 4 : i32
            %add3A_417 = arith.addi %mul3A_194, %add3A_416 : i32
            %get3A_418 = arith.index_cast %add3A_417 : i32 to index
            %get3A_419 = arith.constant 32 : index
            %get3A_420 = tpu.vector_load %arg8[%get3A_418, %get3A_419] {strides = array<i32>} : memref<400x128xf32, #tpu.memory_space<vmem>>, vector<16xf32>,
            %add3A_421 = arith.constant 5 : i32
            %add3A_422 = arith.addi %mul3A_194, %add3A_421 : i32
            %get3A_423 = arith.index_cast %add3A_422 : i32 to index
            %get3A_424 = arith.constant 32 : index
            %get3A_425 = tpu.vector_load %arg8[%get3A_423, %get3A_424] {strides = array<i32>} : memref<400x128xf32, #tpu.memory_space<vmem>>, vector<16xf32>,
            %add3A_426 = arith.constant 6 : i32
            %add3A_427 = arith.addi %mul3A_194, %add3A_426 : i32
            %get3A_428 = arith.index_cast %add3A_427 : i32 to index
            %get3A_429 = arith.constant 32 : index
            %get3A_430 = tpu.vector_load %arg8[%get3A_428, %get3A_429] {strides = array<i32>} : memref<400x128xf32, #tpu.memory_space<vmem>>, vector<16xf32>,
            %add3A_431 = arith.constant 7 : i32
            %add3A_432 = arith.addi %mul3A_194, %add3A_431 : i32
            %get3A_433 = arith.index_cast %add3A_432 : i32 to index
            %get3A_434 = arith.constant 32 : index
            %get3A_435 = tpu.vector_load %arg8[%get3A_433, %get3A_434] {strides = array<i32>} : memref<400x128xf32, #tpu.memory_space<vmem>>, vector<16xf32>,
            %add3A_436 = arith.constant 8 : i32
            %add3A_437 = arith.addi %mul3A_194, %add3A_436 : i32
            %get3A_438 = arith.index_cast %add3A_437 : i32 to index
            %get3A_439 = arith.constant 32 : index
            %get3A_440 = tpu.vector_load %arg8[%get3A_438, %get3A_439] {strides = array<i32>} : memref<400x128xf32, #tpu.memory_space<vmem>>, vector<16xf32>,
            %add3A_441 = arith.constant 9 : i32
            %add3A_442 = arith.addi %mul3A_194, %add3A_441 : i32
            %get3A_443 = arith.index_cast %add3A_442 : i32 to index
            %get3A_444 = arith.constant 32 : index
            %get3A_445 = tpu.vector_load %arg8[%get3A_443, %get3A_444] {strides = array<i32>} : memref<400x128xf32, #tpu.memory_space<vmem>>, vector<16xf32>,
            %add3A_446 = arith.constant 10 : i32
            %add3A_447 = arith.addi %mul3A_194, %add3A_446 : i32
            %get3A_448 = arith.index_cast %add3A_447 : i32 to index
            %get3A_449 = arith.constant 32 : index
            %get3A_450 = tpu.vector_load %arg8[%get3A_448, %get3A_449] {strides = array<i32>} : memref<400x128xf32, #tpu.memory_space<vmem>>, vector<16xf32>,
            %add3A_451 = arith.constant 11 : i32
            %add3A_452 = arith.addi %mul3A_194, %add3A_451 : i32
            %get3A_453 = arith.index_cast %add3A_452 : i32 to index
            %get3A_454 = arith.constant 32 : index
            %get3A_455 = tpu.vector_load %arg8[%get3A_453, %get3A_454] {strides = array<i32>} : memref<400x128xf32, #tpu.memory_space<vmem>>, vector<16xf32>,
            %add3A_456 = arith.constant 12 : i32
            %add3A_457 = arith.addi %mul3A_194, %add3A_456 : i32
            %get3A_458 = arith.index_cast %add3A_457 : i32 to index
            %get3A_459 = arith.constant 32 : index
            %get3A_460 = tpu.vector_load %arg8[%get3A_458, %get3A_459] {strides = array<i32>} : memref<400x128xf32, #tpu.memory_space<vmem>>, vector<16xf32>,
            %add3A_461 = arith.constant 13 : i32
            %add3A_462 = arith.addi %mul3A_194, %add3A_461 : i32
            %get3A_463 = arith.index_cast %add3A_462 : i32 to index
            %get3A_464 = arith.constant 32 : index
            %get3A_465 = tpu.vector_load %arg8[%get3A_463, %get3A_464] {strides = array<i32>} : memref<400x128xf32, #tpu.memory_space<vmem>>, vector<16xf32>,
            %add3A_466 = arith.constant 14 : i32
            %add3A_467 = arith.addi %mul3A_194, %add3A_466 : i32
            %get3A_468 = arith.index_cast %add3A_467 : i32 to index
            %get3A_469 = arith.constant 32 : index
            %get3A_470 = tpu.vector_load %arg8[%get3A_468, %get3A_469] {strides = array<i32>} : memref<400x128xf32, #tpu.memory_space<vmem>>, vector<16xf32>,
            %add3A_471 = arith.constant 15 : i32
            %add3A_472 = arith.addi %mul3A_194, %add3A_471 : i32
            %get3A_473 = arith.index_cast %add3A_472 : i32 to index
            %get3A_474 = arith.constant 32 : index
            %get3A_475 = tpu.vector_load %arg8[%get3A_473, %get3A_474] {strides = array<i32>} : memref<400x128xf32, #tpu.memory_space<vmem>>, vector<16xf32>,
            %max3A_476 = arith.maximumf %get3A_400, %get3A_405 : vector<16xf32>
            %max3A_477 = arith.maximumf %get3A_410, %get3A_415 : vector<16xf32>
            %max3A_478 = arith.maximumf %get3A_420, %get3A_425 : vector<16xf32>
            %max3A_479 = arith.maximumf %get3A_430, %get3A_435 : vector<16xf32>
            %max3A_480 = arith.maximumf %get3A_440, %get3A_445 : vector<16xf32>
            %max3A_481 = arith.maximumf %get3A_450, %get3A_455 : vector<16xf32>
            %max3A_482 = arith.maximumf %get3A_460, %get3A_465 : vector<16xf32>
            %max3A_483 = arith.maximumf %get3A_470, %get3A_475 : vector<16xf32>
            %max3A_484 = arith.maximumf %max3A_476, %max3A_477 : vector<16xf32>
            %max3A_485 = arith.maximumf %max3A_478, %max3A_479 : vector<16xf32>
            %max3A_486 = arith.maximumf %max3A_480, %max3A_481 : vector<16xf32>
            %max3A_487 = arith.maximumf %max3A_482, %max3A_483 : vector<16xf32>
            %max3A_488 = arith.maximumf %max3A_484, %max3A_485 : vector<16xf32>
            %max3A_489 = arith.maximumf %max3A_486, %max3A_487 : vector<16xf32>
            %max3A_490 = arith.maximumf %max3A_488, %max3A_489 : vector<16xf32>
            %max3A_491 = arith.maximumf %scan3A_187, %max3A_490 : vector<16xf32>
            %add3A_492 = arith.constant 0 : i32
            %add3A_493 = arith.addi %mul3A_194, %add3A_492 : i32
            %get3A_494 = arith.index_cast %add3A_493 : i32 to index
            %get3A_495 = arith.constant 48 : index
            %get3A_496 = tpu.vector_load %arg8[%get3A_494, %get3A_495] {strides = array<i32>} : memref<400x128xf32, #tpu.memory_space<vmem>>, vector<16xf32>,
            %add3A_497 = arith.constant 1 : i32
            %add3A_498 = arith.addi %mul3A_194, %add3A_497 : i32
            %get3A_499 = arith.index_cast %add3A_498 : i32 to index
            %get3A_500 = arith.constant 48 : index
            %get3A_501 = tpu.vector_load %arg8[%get3A_499, %get3A_500] {strides = array<i32>} : memref<400x128xf32, #tpu.memory_space<vmem>>, vector<16xf32>,
            %add3A_502 = arith.constant 2 : i32
            %add3A_503 = arith.addi %mul3A_194, %add3A_502 : i32
            %get3A_504 = arith.index_cast %add3A_503 : i32 to index
            %get3A_505 = arith.constant 48 : index
            %get3A_506 = tpu.vector_load %arg8[%get3A_504, %get3A_505] {strides = array<i32>} : memref<400x128xf32, #tpu.memory_space<vmem>>, vector<16xf32>,
            %add3A_507 = arith.constant 3 : i32
            %add3A_508 = arith.addi %mul3A_194, %add3A_507 : i32
            %get3A_509 = arith.index_cast %add3A_508 : i32 to index
            %get3A_510 = arith.constant 48 : index
            %get3A_511 = tpu.vector_load %arg8[%get3A_509, %get3A_510] {strides = array<i32>} : memref<400x128xf32, #tpu.memory_space<vmem>>, vector<16xf32>,
            %add3A_512 = arith.constant 4 : i32
            %add3A_513 = arith.addi %mul3A_194, %add3A_512 : i32
            %get3A_514 = arith.index_cast %add3A_513 : i32 to index
            %get3A_515 = arith.constant 48 : index
            %get3A_516 = tpu.vector_load %arg8[%get3A_514, %get3A_515] {strides = array<i32>} : memref<400x128xf32, #tpu.memory_space<vmem>>, vector<16xf32>,
            %add3A_517 = arith.constant 5 : i32
            %add3A_518 = arith.addi %mul3A_194, %add3A_517 : i32
            %get3A_519 = arith.index_cast %add3A_518 : i32 to index
            %get3A_520 = arith.constant 48 : index
            %get3A_521 = tpu.vector_load %arg8[%get3A_519, %get3A_520] {strides = array<i32>} : memref<400x128xf32, #tpu.memory_space<vmem>>, vector<16xf32>,
            %add3A_522 = arith.constant 6 : i32
            %add3A_523 = arith.addi %mul3A_194, %add3A_522 : i32
            %get3A_524 = arith.index_cast %add3A_523 : i32 to index
            %get3A_525 = arith.constant 48 : index
            %get3A_526 = tpu.vector_load %arg8[%get3A_524, %get3A_525] {strides = array<i32>} : memref<400x128xf32, #tpu.memory_space<vmem>>, vector<16xf32>,
            %add3A_527 = arith.constant 7 : i32
            %add3A_528 = arith.addi %mul3A_194, %add3A_527 : i32
            %get3A_529 = arith.index_cast %add3A_528 : i32 to index
            %get3A_530 = arith.constant 48 : index
            %get3A_531 = tpu.vector_load %arg8[%get3A_529, %get3A_530] {strides = array<i32>} : memref<400x128xf32, #tpu.memory_space<vmem>>, vector<16xf32>,
            %add3A_532 = arith.constant 8 : i32
            %add3A_533 = arith.addi %mul3A_194, %add3A_532 : i32
            %get3A_534 = arith.index_cast %add3A_533 : i32 to index
            %get3A_535 = arith.constant 48 : index
            %get3A_536 = tpu.vector_load %arg8[%get3A_534, %get3A_535] {strides = array<i32>} : memref<400x128xf32, #tpu.memory_space<vmem>>, vector<16xf32>,
            %add3A_537 = arith.constant 9 : i32
            %add3A_538 = arith.addi %mul3A_194, %add3A_537 : i32
            %get3A_539 = arith.index_cast %add3A_538 : i32 to index
            %get3A_540 = arith.constant 48 : index
            %get3A_541 = tpu.vector_load %arg8[%get3A_539, %get3A_540] {strides = array<i32>} : memref<400x128xf32, #tpu.memory_space<vmem>>, vector<16xf32>,
            %add3A_542 = arith.constant 10 : i32
            %add3A_543 = arith.addi %mul3A_194, %add3A_542 : i32
            %get3A_544 = arith.index_cast %add3A_543 : i32 to index
            %get3A_545 = arith.constant 48 : index
            %get3A_546 = tpu.vector_load %arg8[%get3A_544, %get3A_545] {strides = array<i32>} : memref<400x128xf32, #tpu.memory_space<vmem>>, vector<16xf32>,
            %add3A_547 = arith.constant 11 : i32
            %add3A_548 = arith.addi %mul3A_194, %add3A_547 : i32
            %get3A_549 = arith.index_cast %add3A_548 : i32 to index
            %get3A_550 = arith.constant 48 : index
            %get3A_551 = tpu.vector_load %arg8[%get3A_549, %get3A_550] {strides = array<i32>} : memref<400x128xf32, #tpu.memory_space<vmem>>, vector<16xf32>,
            %add3A_552 = arith.constant 12 : i32
            %add3A_553 = arith.addi %mul3A_194, %add3A_552 : i32
            %get3A_554 = arith.index_cast %add3A_553 : i32 to index
            %get3A_555 = arith.constant 48 : index
            %get3A_556 = tpu.vector_load %arg8[%get3A_554, %get3A_555] {strides = array<i32>} : memref<400x128xf32, #tpu.memory_space<vmem>>, vector<16xf32>,
            %add3A_557 = arith.constant 13 : i32
            %add3A_558 = arith.addi %mul3A_194, %add3A_557 : i32
            %get3A_559 = arith.index_cast %add3A_558 : i32 to index
            %get3A_560 = arith.constant 48 : index
            %get3A_561 = tpu.vector_load %arg8[%get3A_559, %get3A_560] {strides = array<i32>} : memref<400x128xf32, #tpu.memory_space<vmem>>, vector<16xf32>,
            %add3A_562 = arith.constant 14 : i32
            %add3A_563 = arith.addi %mul3A_194, %add3A_562 : i32
            %get3A_564 = arith.index_cast %add3A_563 : i32 to index
            %get3A_565 = arith.constant 48 : index
            %get3A_566 = tpu.vector_load %arg8[%get3A_564, %get3A_565] {strides = array<i32>} : memref<400x128xf32, #tpu.memory_space<vmem>>, vector<16xf32>,
            %add3A_567 = arith.constant 15 : i32
            %add3A_568 = arith.addi %mul3A_194, %add3A_567 : i32
            %get3A_569 = arith.index_cast %add3A_568 : i32 to index
            %get3A_570 = arith.constant 48 : index
            %get3A_571 = tpu.vector_load %arg8[%get3A_569, %get3A_570] {strides = array<i32>} : memref<400x128xf32, #tpu.memory_space<vmem>>, vector<16xf32>,
            %max3A_572 = arith.maximumf %get3A_496, %get3A_501 : vector<16xf32>
            %max3A_573 = arith.maximumf %get3A_506, %get3A_511 : vector<16xf32>
            %max3A_574 = arith.maximumf %get3A_516, %get3A_521 : vector<16xf32>
            %max3A_575 = arith.maximumf %get3A_526, %get3A_531 : vector<16xf32>
            %max3A_576 = arith.maximumf %get3A_536, %get3A_541 : vector<16xf32>
            %max3A_577 = arith.maximumf %get3A_546, %get3A_551 : vector<16xf32>
            %max3A_578 = arith.maximumf %get3A_556, %get3A_561 : vector<16xf32>
            %max3A_579 = arith.maximumf %get3A_566, %get3A_571 : vector<16xf32>
            %max3A_580 = arith.maximumf %max3A_572, %max3A_573 : vector<16xf32>
            %max3A_581 = arith.maximumf %max3A_574, %max3A_575 : vector<16xf32>
            %max3A_582 = arith.maximumf %max3A_576, %max3A_577 : vector<16xf32>
            %max3A_583 = arith.maximumf %max3A_578, %max3A_579 : vector<16xf32>
            %max3A_584 = arith.maximumf %max3A_580, %max3A_581 : vector<16xf32>
            %max3A_585 = arith.maximumf %max3A_582, %max3A_583 : vector<16xf32>
            %max3A_586 = arith.maximumf %max3A_584, %max3A_585 : vector<16xf32>
            %max3A_587 = arith.maximumf %scan3A_188, %max3A_586 : vector<16xf32>
            %add3A_588 = arith.constant 0 : i32
            %add3A_589 = arith.addi %mul3A_194, %add3A_588 : i32
            %get3A_590 = arith.index_cast %add3A_589 : i32 to index
            %get3A_591 = arith.constant 64 : index
            %get3A_592 = tpu.vector_load %arg8[%get3A_590, %get3A_591] {strides = array<i32>} : memref<400x128xf32, #tpu.memory_space<vmem>>, vector<16xf32>,
            %add3A_593 = arith.constant 1 : i32
            %add3A_594 = arith.addi %mul3A_194, %add3A_593 : i32
            %get3A_595 = arith.index_cast %add3A_594 : i32 to index
            %get3A_596 = arith.constant 64 : index
            %get3A_597 = tpu.vector_load %arg8[%get3A_595, %get3A_596] {strides = array<i32>} : memref<400x128xf32, #tpu.memory_space<vmem>>, vector<16xf32>,
            %add3A_598 = arith.constant 2 : i32
            %add3A_599 = arith.addi %mul3A_194, %add3A_598 : i32
            %get3A_600 = arith.index_cast %add3A_599 : i32 to index
            %get3A_601 = arith.constant 64 : index
            %get3A_602 = tpu.vector_load %arg8[%get3A_600, %get3A_601] {strides = array<i32>} : memref<400x128xf32, #tpu.memory_space<vmem>>, vector<16xf32>,
            %add3A_603 = arith.constant 3 : i32
            %add3A_604 = arith.addi %mul3A_194, %add3A_603 : i32
            %get3A_605 = arith.index_cast %add3A_604 : i32 to index
            %get3A_606 = arith.constant 64 : index
            %get3A_607 = tpu.vector_load %arg8[%get3A_605, %get3A_606] {strides = array<i32>} : memref<400x128xf32, #tpu.memory_space<vmem>>, vector<16xf32>,
            %add3A_608 = arith.constant 4 : i32
            %add3A_609 = arith.addi %mul3A_194, %add3A_608 : i32
            %get3A_610 = arith.index_cast %add3A_609 : i32 to index
            %get3A_611 = arith.constant 64 : index
            %get3A_612 = tpu.vector_load %arg8[%get3A_610, %get3A_611] {strides = array<i32>} : memref<400x128xf32, #tpu.memory_space<vmem>>, vector<16xf32>,
            %add3A_613 = arith.constant 5 : i32
            %add3A_614 = arith.addi %mul3A_194, %add3A_613 : i32
            %get3A_615 = arith.index_cast %add3A_614 : i32 to index
            %get3A_616 = arith.constant 64 : index
            %get3A_617 = tpu.vector_load %arg8[%get3A_615, %get3A_616] {strides = array<i32>} : memref<400x128xf32, #tpu.memory_space<vmem>>, vector<16xf32>,
            %add3A_618 = arith.constant 6 : i32
            %add3A_619 = arith.addi %mul3A_194, %add3A_618 : i32
            %get3A_620 = arith.index_cast %add3A_619 : i32 to index
            %get3A_621 = arith.constant 64 : index
            %get3A_622 = tpu.vector_load %arg8[%get3A_620, %get3A_621] {strides = array<i32>} : memref<400x128xf32, #tpu.memory_space<vmem>>, vector<16xf32>,
            %add3A_623 = arith.constant 7 : i32
            %add3A_624 = arith.addi %mul3A_194, %add3A_623 : i32
            %get3A_625 = arith.index_cast %add3A_624 : i32 to index
            %get3A_626 = arith.constant 64 : index
            %get3A_627 = tpu.vector_load %arg8[%get3A_625, %get3A_626] {strides = array<i32>} : memref<400x128xf32, #tpu.memory_space<vmem>>, vector<16xf32>,
            %add3A_628 = arith.constant 8 : i32
            %add3A_629 = arith.addi %mul3A_194, %add3A_628 : i32
            %get3A_630 = arith.index_cast %add3A_629 : i32 to index
            %get3A_631 = arith.constant 64 : index
            %get3A_632 = tpu.vector_load %arg8[%get3A_630, %get3A_631] {strides = array<i32>} : memref<400x128xf32, #tpu.memory_space<vmem>>, vector<16xf32>,
            %add3A_633 = arith.constant 9 : i32
            %add3A_634 = arith.addi %mul3A_194, %add3A_633 : i32
            %get3A_635 = arith.index_cast %add3A_634 : i32 to index
            %get3A_636 = arith.constant 64 : index
            %get3A_637 = tpu.vector_load %arg8[%get3A_635, %get3A_636] {strides = array<i32>} : memref<400x128xf32, #tpu.memory_space<vmem>>, vector<16xf32>,
            %add3A_638 = arith.constant 10 : i32
            %add3A_639 = arith.addi %mul3A_194, %add3A_638 : i32
            %get3A_640 = arith.index_cast %add3A_639 : i32 to index
            %get3A_641 = arith.constant 64 : index
            %get3A_642 = tpu.vector_load %arg8[%get3A_640, %get3A_641] {strides = array<i32>} : memref<400x128xf32, #tpu.memory_space<vmem>>, vector<16xf32>,
            %add3A_643 = arith.constant 11 : i32
            %add3A_644 = arith.addi %mul3A_194, %add3A_643 : i32
            %get3A_645 = arith.index_cast %add3A_644 : i32 to index
            %get3A_646 = arith.constant 64 : index
            %get3A_647 = tpu.vector_load %arg8[%get3A_645, %get3A_646] {strides = array<i32>} : memref<400x128xf32, #tpu.memory_space<vmem>>, vector<16xf32>,
            %add3A_648 = arith.constant 12 : i32
            %add3A_649 = arith.addi %mul3A_194, %add3A_648 : i32
            %get3A_650 = arith.index_cast %add3A_649 : i32 to index
            %get3A_651 = arith.constant 64 : index
            %get3A_652 = tpu.vector_load %arg8[%get3A_650, %get3A_651] {strides = array<i32>} : memref<400x128xf32, #tpu.memory_space<vmem>>, vector<16xf32>,
            %add3A_653 = arith.constant 13 : i32
            %add3A_654 = arith.addi %mul3A_194, %add3A_653 : i32
            %get3A_655 = arith.index_cast %add3A_654 : i32 to index
            %get3A_656 = arith.constant 64 : index
            %get3A_657 = tpu.vector_load %arg8[%get3A_655, %get3A_656] {strides = array<i32>} : memref<400x128xf32, #tpu.memory_space<vmem>>, vector<16xf32>,
            %add3A_658 = arith.constant 14 : i32
            %add3A_659 = arith.addi %mul3A_194, %add3A_658 : i32
            %get3A_660 = arith.index_cast %add3A_659 : i32 to index
            %get3A_661 = arith.constant 64 : index
            %get3A_662 = tpu.vector_load %arg8[%get3A_660, %get3A_661] {strides = array<i32>} : memref<400x128xf32, #tpu.memory_space<vmem>>, vector<16xf32>,
            %add3A_663 = arith.constant 15 : i32
            %add3A_664 = arith.addi %mul3A_194, %add3A_663 : i32
            %get3A_665 = arith.index_cast %add3A_664 : i32 to index
            %get3A_666 = arith.constant 64 : index
            %get3A_667 = tpu.vector_load %arg8[%get3A_665, %get3A_666] {strides = array<i32>} : memref<400x128xf32, #tpu.memory_space<vmem>>, vector<16xf32>,
            %max3A_668 = arith.maximumf %get3A_592, %get3A_597 : vector<16xf32>
            %max3A_669 = arith.maximumf %get3A_602, %get3A_607 : vector<16xf32>
            %max3A_670 = arith.maximumf %get3A_612, %get3A_617 : vector<16xf32>
            %max3A_671 = arith.maximumf %get3A_622, %get3A_627 : vector<16xf32>
            %max3A_672 = arith.maximumf %get3A_632, %get3A_637 : vector<16xf32>
            %max3A_673 = arith.maximumf %get3A_642, %get3A_647 : vector<16xf32>
            %max3A_674 = arith.maximumf %get3A_652, %get3A_657 : vector<16xf32>
            %max3A_675 = arith.maximumf %get3A_662, %get3A_667 : vector<16xf32>
            %max3A_676 = arith.maximumf %max3A_668, %max3A_669 : vector<16xf32>
            %max3A_677 = arith.maximumf %max3A_670, %max3A_671 : vector<16xf32>
            %max3A_678 = arith.maximumf %max3A_672, %max3A_673 : vector<16xf32>
            %max3A_679 = arith.maximumf %max3A_674, %max3A_675 : vector<16xf32>
            %max3A_680 = arith.maximumf %max3A_676, %max3A_677 : vector<16xf32>
            %max3A_681 = arith.maximumf %max3A_678, %max3A_679 : vector<16xf32>
            %max3A_682 = arith.maximumf %max3A_680, %max3A_681 : vector<16xf32>
            %max3A_683 = arith.maximumf %scan3A_189, %max3A_682 : vector<16xf32>
            %add3A_684 = arith.constant 0 : i32
            %add3A_685 = arith.addi %mul3A_194, %add3A_684 : i32
            %get3A_686 = arith.index_cast %add3A_685 : i32 to index
            %get3A_687 = arith.constant 80 : index
            %get3A_688 = tpu.vector_load %arg8[%get3A_686, %get3A_687] {strides = array<i32>} : memref<400x128xf32, #tpu.memory_space<vmem>>, vector<16xf32>,
            %add3A_689 = arith.constant 1 : i32
            %add3A_690 = arith.addi %mul3A_194, %add3A_689 : i32
            %get3A_691 = arith.index_cast %add3A_690 : i32 to index
            %get3A_692 = arith.constant 80 : index
            %get3A_693 = tpu.vector_load %arg8[%get3A_691, %get3A_692] {strides = array<i32>} : memref<400x128xf32, #tpu.memory_space<vmem>>, vector<16xf32>,
            %add3A_694 = arith.constant 2 : i32
            %add3A_695 = arith.addi %mul3A_194, %add3A_694 : i32
            %get3A_696 = arith.index_cast %add3A_695 : i32 to index
            %get3A_697 = arith.constant 80 : index
            %get3A_698 = tpu.vector_load %arg8[%get3A_696, %get3A_697] {strides = array<i32>} : memref<400x128xf32, #tpu.memory_space<vmem>>, vector<16xf32>,
            %add3A_699 = arith.constant 3 : i32
            %add3A_700 = arith.addi %mul3A_194, %add3A_699 : i32
            %get3A_701 = arith.index_cast %add3A_700 : i32 to index
            %get3A_702 = arith.constant 80 : index
            %get3A_703 = tpu.vector_load %arg8[%get3A_701, %get3A_702] {strides = array<i32>} : memref<400x128xf32, #tpu.memory_space<vmem>>, vector<16xf32>,
            %add3A_704 = arith.constant 4 : i32
            %add3A_705 = arith.addi %mul3A_194, %add3A_704 : i32
            %get3A_706 = arith.index_cast %add3A_705 : i32 to index
            %get3A_707 = arith.constant 80 : index
            %get3A_708 = tpu.vector_load %arg8[%get3A_706, %get3A_707] {strides = array<i32>} : memref<400x128xf32, #tpu.memory_space<vmem>>, vector<16xf32>,
            %add3A_709 = arith.constant 5 : i32
            %add3A_710 = arith.addi %mul3A_194, %add3A_709 : i32
            %get3A_711 = arith.index_cast %add3A_710 : i32 to index
            %get3A_712 = arith.constant 80 : index
            %get3A_713 = tpu.vector_load %arg8[%get3A_711, %get3A_712] {strides = array<i32>} : memref<400x128xf32, #tpu.memory_space<vmem>>, vector<16xf32>,
            %add3A_714 = arith.constant 6 : i32
            %add3A_715 = arith.addi %mul3A_194, %add3A_714 : i32
            %get3A_716 = arith.index_cast %add3A_715 : i32 to index
            %get3A_717 = arith.constant 80 : index
            %get3A_718 = tpu.vector_load %arg8[%get3A_716, %get3A_717] {strides = array<i32>} : memref<400x128xf32, #tpu.memory_space<vmem>>, vector<16xf32>,
            %add3A_719 = arith.constant 7 : i32
            %add3A_720 = arith.addi %mul3A_194, %add3A_719 : i32
            %get3A_721 = arith.index_cast %add3A_720 : i32 to index
            %get3A_722 = arith.constant 80 : index
            %get3A_723 = tpu.vector_load %arg8[%get3A_721, %get3A_722] {strides = array<i32>} : memref<400x128xf32, #tpu.memory_space<vmem>>, vector<16xf32>,
            %add3A_724 = arith.constant 8 : i32
            %add3A_725 = arith.addi %mul3A_194, %add3A_724 : i32
            %get3A_726 = arith.index_cast %add3A_725 : i32 to index
            %get3A_727 = arith.constant 80 : index
            %get3A_728 = tpu.vector_load %arg8[%get3A_726, %get3A_727] {strides = array<i32>} : memref<400x128xf32, #tpu.memory_space<vmem>>, vector<16xf32>,
            %add3A_729 = arith.constant 9 : i32
            %add3A_730 = arith.addi %mul3A_194, %add3A_729 : i32
            %get3A_731 = arith.index_cast %add3A_730 : i32 to index
            %get3A_732 = arith.constant 80 : index
            %get3A_733 = tpu.vector_load %arg8[%get3A_731, %get3A_732] {strides = array<i32>} : memref<400x128xf32, #tpu.memory_space<vmem>>, vector<16xf32>,
            %add3A_734 = arith.constant 10 : i32
            %add3A_735 = arith.addi %mul3A_194, %add3A_734 : i32
            %get3A_736 = arith.index_cast %add3A_735 : i32 to index
            %get3A_737 = arith.constant 80 : index
            %get3A_738 = tpu.vector_load %arg8[%get3A_736, %get3A_737] {strides = array<i32>} : memref<400x128xf32, #tpu.memory_space<vmem>>, vector<16xf32>,
            %add3A_739 = arith.constant 11 : i32
            %add3A_740 = arith.addi %mul3A_194, %add3A_739 : i32
            %get3A_741 = arith.index_cast %add3A_740 : i32 to index
            %get3A_742 = arith.constant 80 : index
            %get3A_743 = tpu.vector_load %arg8[%get3A_741, %get3A_742] {strides = array<i32>} : memref<400x128xf32, #tpu.memory_space<vmem>>, vector<16xf32>,
            %add3A_744 = arith.constant 12 : i32
            %add3A_745 = arith.addi %mul3A_194, %add3A_744 : i32
            %get3A_746 = arith.index_cast %add3A_745 : i32 to index
            %get3A_747 = arith.constant 80 : index
            %get3A_748 = tpu.vector_load %arg8[%get3A_746, %get3A_747] {strides = array<i32>} : memref<400x128xf32, #tpu.memory_space<vmem>>, vector<16xf32>,
            %add3A_749 = arith.constant 13 : i32
            %add3A_750 = arith.addi %mul3A_194, %add3A_749 : i32
            %get3A_751 = arith.index_cast %add3A_750 : i32 to index
            %get3A_752 = arith.constant 80 : index
            %get3A_753 = tpu.vector_load %arg8[%get3A_751, %get3A_752] {strides = array<i32>} : memref<400x128xf32, #tpu.memory_space<vmem>>, vector<16xf32>,
            %add3A_754 = arith.constant 14 : i32
            %add3A_755 = arith.addi %mul3A_194, %add3A_754 : i32
            %get3A_756 = arith.index_cast %add3A_755 : i32 to index
            %get3A_757 = arith.constant 80 : index
            %get3A_758 = tpu.vector_load %arg8[%get3A_756, %get3A_757] {strides = array<i32>} : memref<400x128xf32, #tpu.memory_space<vmem>>, vector<16xf32>,
            %add3A_759 = arith.constant 15 : i32
            %add3A_760 = arith.addi %mul3A_194, %add3A_759 : i32
            %get3A_761 = arith.index_cast %add3A_760 : i32 to index
            %get3A_762 = arith.constant 80 : index
            %get3A_763 = tpu.vector_load %arg8[%get3A_761, %get3A_762] {strides = array<i32>} : memref<400x128xf32, #tpu.memory_space<vmem>>, vector<16xf32>,
            %max3A_764 = arith.maximumf %get3A_688, %get3A_693 : vector<16xf32>
            %max3A_765 = arith.maximumf %get3A_698, %get3A_703 : vector<16xf32>
            %max3A_766 = arith.maximumf %get3A_708, %get3A_713 : vector<16xf32>
            %max3A_767 = arith.maximumf %get3A_718, %get3A_723 : vector<16xf32>
            %max3A_768 = arith.maximumf %get3A_728, %get3A_733 : vector<16xf32>
            %max3A_769 = arith.maximumf %get3A_738, %get3A_743 : vector<16xf32>
            %max3A_770 = arith.maximumf %get3A_748, %get3A_753 : vector<16xf32>
            %max3A_771 = arith.maximumf %get3A_758, %get3A_763 : vector<16xf32>
            %max3A_772 = arith.maximumf %max3A_764, %max3A_765 : vector<16xf32>
            %max3A_773 = arith.maximumf %max3A_766, %max3A_767 : vector<16xf32>
            %max3A_774 = arith.maximumf %max3A_768, %max3A_769 : vector<16xf32>
            %max3A_775 = arith.maximumf %max3A_770, %max3A_771 : vector<16xf32>
            %max3A_776 = arith.maximumf %max3A_772, %max3A_773 : vector<16xf32>
            %max3A_777 = arith.maximumf %max3A_774, %max3A_775 : vector<16xf32>
            %max3A_778 = arith.maximumf %max3A_776, %max3A_777 : vector<16xf32>
            %max3A_779 = arith.maximumf %scan3A_190, %max3A_778 : vector<16xf32>
            %add3A_780 = arith.constant 0 : i32
            %add3A_781 = arith.addi %mul3A_194, %add3A_780 : i32
            %get3A_782 = arith.index_cast %add3A_781 : i32 to index
            %get3A_783 = arith.constant 96 : index
            %get3A_784 = tpu.vector_load %arg8[%get3A_782, %get3A_783] {strides = array<i32>} : memref<400x128xf32, #tpu.memory_space<vmem>>, vector<16xf32>,
            %add3A_785 = arith.constant 1 : i32
            %add3A_786 = arith.addi %mul3A_194, %add3A_785 : i32
            %get3A_787 = arith.index_cast %add3A_786 : i32 to index
            %get3A_788 = arith.constant 96 : index
            %get3A_789 = tpu.vector_load %arg8[%get3A_787, %get3A_788] {strides = array<i32>} : memref<400x128xf32, #tpu.memory_space<vmem>>, vector<16xf32>,
            %add3A_790 = arith.constant 2 : i32
            %add3A_791 = arith.addi %mul3A_194, %add3A_790 : i32
            %get3A_792 = arith.index_cast %add3A_791 : i32 to index
            %get3A_793 = arith.constant 96 : index
            %get3A_794 = tpu.vector_load %arg8[%get3A_792, %get3A_793] {strides = array<i32>} : memref<400x128xf32, #tpu.memory_space<vmem>>, vector<16xf32>,
            %add3A_795 = arith.constant 3 : i32
            %add3A_796 = arith.addi %mul3A_194, %add3A_795 : i32
            %get3A_797 = arith.index_cast %add3A_796 : i32 to index
            %get3A_798 = arith.constant 96 : index
            %get3A_799 = tpu.vector_load %arg8[%get3A_797, %get3A_798] {strides = array<i32>} : memref<400x128xf32, #tpu.memory_space<vmem>>, vector<16xf32>,
            %add3A_800 = arith.constant 4 : i32
            %add3A_801 = arith.addi %mul3A_194, %add3A_800 : i32
            %get3A_802 = arith.index_cast %add3A_801 : i32 to index
            %get3A_803 = arith.constant 96 : index
            %get3A_804 = tpu.vector_load %arg8[%get3A_802, %get3A_803] {strides = array<i32>} : memref<400x128xf32, #tpu.memory_space<vmem>>, vector<16xf32>,
            %add3A_805 = arith.constant 5 : i32
            %add3A_806 = arith.addi %mul3A_194, %add3A_805 : i32
            %get3A_807 = arith.index_cast %add3A_806 : i32 to index
            %get3A_808 = arith.constant 96 : index
            %get3A_809 = tpu.vector_load %arg8[%get3A_807, %get3A_808] {strides = array<i32>} : memref<400x128xf32, #tpu.memory_space<vmem>>, vector<16xf32>,
            %add3A_810 = arith.constant 6 : i32
            %add3A_811 = arith.addi %mul3A_194, %add3A_810 : i32
            %get3A_812 = arith.index_cast %add3A_811 : i32 to index
            %get3A_813 = arith.constant 96 : index
            %get3A_814 = tpu.vector_load %arg8[%get3A_812, %get3A_813] {strides = array<i32>} : memref<400x128xf32, #tpu.memory_space<vmem>>, vector<16xf32>,
            %add3A_815 = arith.constant 7 : i32
            %add3A_816 = arith.addi %mul3A_194, %add3A_815 : i32
            %get3A_817 = arith.index_cast %add3A_816 : i32 to index
            %get3A_818 = arith.constant 96 : index
            %get3A_819 = tpu.vector_load %arg8[%get3A_817, %get3A_818] {strides = array<i32>} : memref<400x128xf32, #tpu.memory_space<vmem>>, vector<16xf32>,
            %add3A_820 = arith.constant 8 : i32
            %add3A_821 = arith.addi %mul3A_194, %add3A_820 : i32
            %get3A_822 = arith.index_cast %add3A_821 : i32 to index
            %get3A_823 = arith.constant 96 : index
            %get3A_824 = tpu.vector_load %arg8[%get3A_822, %get3A_823] {strides = array<i32>} : memref<400x128xf32, #tpu.memory_space<vmem>>, vector<16xf32>,
            %add3A_825 = arith.constant 9 : i32
            %add3A_826 = arith.addi %mul3A_194, %add3A_825 : i32
            %get3A_827 = arith.index_cast %add3A_826 : i32 to index
            %get3A_828 = arith.constant 96 : index
            %get3A_829 = tpu.vector_load %arg8[%get3A_827, %get3A_828] {strides = array<i32>} : memref<400x128xf32, #tpu.memory_space<vmem>>, vector<16xf32>,
            %add3A_830 = arith.constant 10 : i32
            %add3A_831 = arith.addi %mul3A_194, %add3A_830 : i32
            %get3A_832 = arith.index_cast %add3A_831 : i32 to index
            %get3A_833 = arith.constant 96 : index
            %get3A_834 = tpu.vector_load %arg8[%get3A_832, %get3A_833] {strides = array<i32>} : memref<400x128xf32, #tpu.memory_space<vmem>>, vector<16xf32>,
            %add3A_835 = arith.constant 11 : i32
            %add3A_836 = arith.addi %mul3A_194, %add3A_835 : i32
            %get3A_837 = arith.index_cast %add3A_836 : i32 to index
            %get3A_838 = arith.constant 96 : index
            %get3A_839 = tpu.vector_load %arg8[%get3A_837, %get3A_838] {strides = array<i32>} : memref<400x128xf32, #tpu.memory_space<vmem>>, vector<16xf32>,
            %add3A_840 = arith.constant 12 : i32
            %add3A_841 = arith.addi %mul3A_194, %add3A_840 : i32
            %get3A_842 = arith.index_cast %add3A_841 : i32 to index
            %get3A_843 = arith.constant 96 : index
            %get3A_844 = tpu.vector_load %arg8[%get3A_842, %get3A_843] {strides = array<i32>} : memref<400x128xf32, #tpu.memory_space<vmem>>, vector<16xf32>,
            %add3A_845 = arith.constant 13 : i32
            %add3A_846 = arith.addi %mul3A_194, %add3A_845 : i32
            %get3A_847 = arith.index_cast %add3A_846 : i32 to index
            %get3A_848 = arith.constant 96 : index
            %get3A_849 = tpu.vector_load %arg8[%get3A_847, %get3A_848] {strides = array<i32>} : memref<400x128xf32, #tpu.memory_space<vmem>>, vector<16xf32>,
            %add3A_850 = arith.constant 14 : i32
            %add3A_851 = arith.addi %mul3A_194, %add3A_850 : i32
            %get3A_852 = arith.index_cast %add3A_851 : i32 to index
            %get3A_853 = arith.constant 96 : index
            %get3A_854 = tpu.vector_load %arg8[%get3A_852, %get3A_853] {strides = array<i32>} : memref<400x128xf32, #tpu.memory_space<vmem>>, vector<16xf32>,
            %add3A_855 = arith.constant 15 : i32
            %add3A_856 = arith.addi %mul3A_194, %add3A_855 : i32
            %get3A_857 = arith.index_cast %add3A_856 : i32 to index
            %get3A_858 = arith.constant 96 : index
            %get3A_859 = tpu.vector_load %arg8[%get3A_857, %get3A_858] {strides = array<i32>} : memref<400x128xf32, #tpu.memory_space<vmem>>, vector<16xf32>,
            %max3A_860 = arith.maximumf %get3A_784, %get3A_789 : vector<16xf32>
            %max3A_861 = arith.maximumf %get3A_794, %get3A_799 : vector<16xf32>
            %max3A_862 = arith.maximumf %get3A_804, %get3A_809 : vector<16xf32>
            %max3A_863 = arith.maximumf %get3A_814, %get3A_819 : vector<16xf32>
            %max3A_864 = arith.maximumf %get3A_824, %get3A_829 : vector<16xf32>
            %max3A_865 = arith.maximumf %get3A_834, %get3A_839 : vector<16xf32>
            %max3A_866 = arith.maximumf %get3A_844, %get3A_849 : vector<16xf32>
            %max3A_867 = arith.maximumf %get3A_854, %get3A_859 : vector<16xf32>
            %max3A_868 = arith.maximumf %max3A_860, %max3A_861 : vector<16xf32>
            %max3A_869 = arith.maximumf %max3A_862, %max3A_863 : vector<16xf32>
            %max3A_870 = arith.maximumf %max3A_864, %max3A_865 : vector<16xf32>
            %max3A_871 = arith.maximumf %max3A_866, %max3A_867 : vector<16xf32>
            %max3A_872 = arith.maximumf %max3A_868, %max3A_869 : vector<16xf32>
            %max3A_873 = arith.maximumf %max3A_870, %max3A_871 : vector<16xf32>
            %max3A_874 = arith.maximumf %max3A_872, %max3A_873 : vector<16xf32>
            %max3A_875 = arith.maximumf %scan3A_191, %max3A_874 : vector<16xf32>
            %add3A_876 = arith.constant 0 : i32
            %add3A_877 = arith.addi %mul3A_194, %add3A_876 : i32
            %get3A_878 = arith.index_cast %add3A_877 : i32 to index
            %get3A_879 = arith.constant 112 : index
            %get3A_880 = tpu.vector_load %arg8[%get3A_878, %get3A_879] {strides = array<i32>} : memref<400x128xf32, #tpu.memory_space<vmem>>, vector<16xf32>,
            %add3A_881 = arith.constant 1 : i32
            %add3A_882 = arith.addi %mul3A_194, %add3A_881 : i32
            %get3A_883 = arith.index_cast %add3A_882 : i32 to index
            %get3A_884 = arith.constant 112 : index
            %get3A_885 = tpu.vector_load %arg8[%get3A_883, %get3A_884] {strides = array<i32>} : memref<400x128xf32, #tpu.memory_space<vmem>>, vector<16xf32>,
            %add3A_886 = arith.constant 2 : i32
            %add3A_887 = arith.addi %mul3A_194, %add3A_886 : i32
            %get3A_888 = arith.index_cast %add3A_887 : i32 to index
            %get3A_889 = arith.constant 112 : index
            %get3A_890 = tpu.vector_load %arg8[%get3A_888, %get3A_889] {strides = array<i32>} : memref<400x128xf32, #tpu.memory_space<vmem>>, vector<16xf32>,
            %add3A_891 = arith.constant 3 : i32
            %add3A_892 = arith.addi %mul3A_194, %add3A_891 : i32
            %get3A_893 = arith.index_cast %add3A_892 : i32 to index
            %get3A_894 = arith.constant 112 : index
            %get3A_895 = tpu.vector_load %arg8[%get3A_893, %get3A_894] {strides = array<i32>} : memref<400x128xf32, #tpu.memory_space<vmem>>, vector<16xf32>,
            %add3A_896 = arith.constant 4 : i32
            %add3A_897 = arith.addi %mul3A_194, %add3A_896 : i32
            %get3A_898 = arith.index_cast %add3A_897 : i32 to index
            %get3A_899 = arith.constant 112 : index
            %get3A_900 = tpu.vector_load %arg8[%get3A_898, %get3A_899] {strides = array<i32>} : memref<400x128xf32, #tpu.memory_space<vmem>>, vector<16xf32>,
            %add3A_901 = arith.constant 5 : i32
            %add3A_902 = arith.addi %mul3A_194, %add3A_901 : i32
            %get3A_903 = arith.index_cast %add3A_902 : i32 to index
            %get3A_904 = arith.constant 112 : index
            %get3A_905 = tpu.vector_load %arg8[%get3A_903, %get3A_904] {strides = array<i32>} : memref<400x128xf32, #tpu.memory_space<vmem>>, vector<16xf32>,
            %add3A_906 = arith.constant 6 : i32
            %add3A_907 = arith.addi %mul3A_194, %add3A_906 : i32
            %get3A_908 = arith.index_cast %add3A_907 : i32 to index
            %get3A_909 = arith.constant 112 : index
            %get3A_910 = tpu.vector_load %arg8[%get3A_908, %get3A_909] {strides = array<i32>} : memref<400x128xf32, #tpu.memory_space<vmem>>, vector<16xf32>,
            %add3A_911 = arith.constant 7 : i32
            %add3A_912 = arith.addi %mul3A_194, %add3A_911 : i32
            %get3A_913 = arith.index_cast %add3A_912 : i32 to index
            %get3A_914 = arith.constant 112 : index
            %get3A_915 = tpu.vector_load %arg8[%get3A_913, %get3A_914] {strides = array<i32>} : memref<400x128xf32, #tpu.memory_space<vmem>>, vector<16xf32>,
            %add3A_916 = arith.constant 8 : i32
            %add3A_917 = arith.addi %mul3A_194, %add3A_916 : i32
            %get3A_918 = arith.index_cast %add3A_917 : i32 to index
            %get3A_919 = arith.constant 112 : index
            %get3A_920 = tpu.vector_load %arg8[%get3A_918, %get3A_919] {strides = array<i32>} : memref<400x128xf32, #tpu.memory_space<vmem>>, vector<16xf32>,
            %add3A_921 = arith.constant 9 : i32
            %add3A_922 = arith.addi %mul3A_194, %add3A_921 : i32
            %get3A_923 = arith.index_cast %add3A_922 : i32 to index
            %get3A_924 = arith.constant 112 : index
            %get3A_925 = tpu.vector_load %arg8[%get3A_923, %get3A_924] {strides = array<i32>} : memref<400x128xf32, #tpu.memory_space<vmem>>, vector<16xf32>,
            %add3A_926 = arith.constant 10 : i32
            %add3A_927 = arith.addi %mul3A_194, %add3A_926 : i32
            %get3A_928 = arith.index_cast %add3A_927 : i32 to index
            %get3A_929 = arith.constant 112 : index
            %get3A_930 = tpu.vector_load %arg8[%get3A_928, %get3A_929] {strides = array<i32>} : memref<400x128xf32, #tpu.memory_space<vmem>>, vector<16xf32>,
            %add3A_931 = arith.constant 11 : i32
            %add3A_932 = arith.addi %mul3A_194, %add3A_931 : i32
            %get3A_933 = arith.index_cast %add3A_932 : i32 to index
            %get3A_934 = arith.constant 112 : index
            %get3A_935 = tpu.vector_load %arg8[%get3A_933, %get3A_934] {strides = array<i32>} : memref<400x128xf32, #tpu.memory_space<vmem>>, vector<16xf32>,
            %add3A_936 = arith.constant 12 : i32
            %add3A_937 = arith.addi %mul3A_194, %add3A_936 : i32
            %get3A_938 = arith.index_cast %add3A_937 : i32 to index
            %get3A_939 = arith.constant 112 : index
            %get3A_940 = tpu.vector_load %arg8[%get3A_938, %get3A_939] {strides = array<i32>} : memref<400x128xf32, #tpu.memory_space<vmem>>, vector<16xf32>,
            %add3A_941 = arith.constant 13 : i32
            %add3A_942 = arith.addi %mul3A_194, %add3A_941 : i32
            %get3A_943 = arith.index_cast %add3A_942 : i32 to index
            %get3A_944 = arith.constant 112 : index
            %get3A_945 = tpu.vector_load %arg8[%get3A_943, %get3A_944] {strides = array<i32>} : memref<400x128xf32, #tpu.memory_space<vmem>>, vector<16xf32>,
            %add3A_946 = arith.constant 14 : i32
            %add3A_947 = arith.addi %mul3A_194, %add3A_946 : i32
            %get3A_948 = arith.index_cast %add3A_947 : i32 to index
            %get3A_949 = arith.constant 112 : index
            %get3A_950 = tpu.vector_load %arg8[%get3A_948, %get3A_949] {strides = array<i32>} : memref<400x128xf32, #tpu.memory_space<vmem>>, vector<16xf32>,
            %add3A_951 = arith.constant 15 : i32
            %add3A_952 = arith.addi %mul3A_194, %add3A_951 : i32
            %get3A_953 = arith.index_cast %add3A_952 : i32 to index
            %get3A_954 = arith.constant 112 : index
            %get3A_955 = tpu.vector_load %arg8[%get3A_953, %get3A_954] {strides = array<i32>} : memref<400x128xf32, #tpu.memory_space<vmem>>, vector<16xf32>,
            %max3A_956 = arith.maximumf %get3A_880, %get3A_885 : vector<16xf32>
            %max3A_957 = arith.maximumf %get3A_890, %get3A_895 : vector<16xf32>
            %max3A_958 = arith.maximumf %get3A_900, %get3A_905 : vector<16xf32>
            %max3A_959 = arith.maximumf %get3A_910, %get3A_915 : vector<16xf32>
            %max3A_960 = arith.maximumf %get3A_920, %get3A_925 : vector<16xf32>
            %max3A_961 = arith.maximumf %get3A_930, %get3A_935 : vector<16xf32>
            %max3A_962 = arith.maximumf %get3A_940, %get3A_945 : vector<16xf32>
            %max3A_963 = arith.maximumf %get3A_950, %get3A_955 : vector<16xf32>
            %max3A_964 = arith.maximumf %max3A_956, %max3A_957 : vector<16xf32>
            %max3A_965 = arith.maximumf %max3A_958, %max3A_959 : vector<16xf32>
            %max3A_966 = arith.maximumf %max3A_960, %max3A_961 : vector<16xf32>
            %max3A_967 = arith.maximumf %max3A_962, %max3A_963 : vector<16xf32>
            %max3A_968 = arith.maximumf %max3A_964, %max3A_965 : vector<16xf32>
            %max3A_969 = arith.maximumf %max3A_966, %max3A_967 : vector<16xf32>
            %max3A_970 = arith.maximumf %max3A_968, %max3A_969 : vector<16xf32>
            %max3A_971 = arith.maximumf %scan3A_192, %max3A_970 : vector<16xf32>
            scf.yield %scan3A_182, %scan3A_183, %scan3A_184, %max3A_299, %max3A_395, %max3A_491, %max3A_587, %max3A_683, %max3A_779, %max3A_875, %max3A_971 : i32, i32, i32, vector<16xf32>, vector<16xf32>, vector<16xf32>, vector<16xf32>, vector<16xf32>, vector<16xf32>, vector<16xf32>, vector<16xf32>
          } else {
            %sub3A_204 = arith.constant 1 : i32
            %sub3A_205 = vector.broadcast %sub3A_204 : i32 to vector<16xi32>
            %sub3A_206 = arith.subi %iota3A, %sub3A_205 : vector<16xi32>
            %max3A_207 = arith.constant 0 : i32
            %max3A_208 = vector.broadcast %max3A_207 : i32 to vector<16xi32>
            %max3A_209 = arith.maxsi %sub3A_206, %max3A_208 : vector<16xi32>
            %add3A_210 = vector.broadcast %mul3A_194 : i32 to vector<16xi32>
            %add3A_211 = arith.addi %add3A_210, %max3A_209 : vector<16xi32>
            %gather3A = tpu.vector_load_idx %arg6[%add3A_211] : memref<400xi32, #tpu.memory_space<vmem>>[vector<16xi32>], vector<16xi32>,
            %eq3A_212 = arith.constant 0 : i32
            %eq3A_213 = vector.broadcast %eq3A_212 : i32 to vector<16xi32>
            %eq3A_214 = arith.cmpi eq, %iota3A, %eq3A_213 : vector<16xi32>
            %ne3A_215 = vector.broadcast %scan3A_182 : i32 to vector<16xi32>
            %ne3A_216 = arith.cmpi ne, %get3A_196, %ne3A_215 : vector<16xi32>
            %ne3A_217 = arith.cmpi ne, %get3A_196, %gather3A : vector<16xi32>
            %select_n3A_218 = arith.select %eq3A_214, %ne3A_216, %ne3A_217 : vector<16xi1>, vector<16xi1>
            %ge3A_219 = vector.broadcast %select_n3A : i32 to vector<16xi32>
            %ge3A_220 = arith.cmpi sge, %get3A_196, %ge3A_219 : vector<16xi32>
            %le3A_221 = vector.broadcast %select_n3A_18 : i32 to vector<16xi32>
            %le3A_222 = arith.cmpi sle, %get3A_196, %le3A_221 : vector<16xi32>
            %and3A_223 = arith.andi %ge3A_220, %le3A_222 : vector<16xi1>
            %and3A_224 = arith.andi %select_n3A_218, %and3A_223 : vector<16xi1>
            %gt3A_225 = vector.broadcast %select_n3A_18 : i32 to vector<16xi32>
            %gt3A_226 = arith.cmpi sgt, %get3A_196, %gt3A_225 : vector<16xi32>
            %all_reduce_population_count3A = tpu.all_reduce %gt3A_226 {dim = 0 : i64, kind = #tpu.reduction_kind<sum>} : vector<16xi1> -> vector<16xi32>
            %slice3A_227 = vector.extract_strided_slice %all_reduce_population_count3A {offsets = [0], sizes = [1], strides = [1]} : vector<16xi32> to vector<1xi32>
            %squeeze3A_228 = vector.extract %slice3A_227[0] : i32 from vector<1xi32>
            %gt3A_229 = arith.constant 0 : i32
            %gt3A_230 = arith.cmpi sgt, %squeeze3A_228, %gt3A_229 : i32
            %all_reduce_ffs3A = tpu.all_reduce %gt3A_226 {dim = 0 : i64, kind = #tpu.reduction_kind<find_first_set>} : vector<16xi1> -> vector<16xi32>
            %slice3A_231 = vector.extract_strided_slice %all_reduce_ffs3A {offsets = [0], sizes = [1], strides = [1]} : vector<16xi32> to vector<1xi32>
            %squeeze3A_232 = vector.extract %slice3A_231[0] : i32 from vector<1xi32>
            %jit3A_233 = arith.constant 16 : i32
            %select_n3A_234 = arith.select %gt3A_230, %squeeze3A_232, %jit3A_233 : i32
            %all_reduce_population_count3A_235 = tpu.all_reduce %and3A_224 {dim = 0 : i64, kind = #tpu.reduction_kind<sum>} : vector<16xi1> -> vector<16xi32>
            %slice3A_236 = vector.extract_strided_slice %all_reduce_population_count3A_235 {offsets = [0], sizes = [1], strides = [1]} : vector<16xi32> to vector<1xi32>
            %squeeze3A_237 = vector.extract %slice3A_236[0] : i32 from vector<1xi32>
            %eq3A_238 = arith.constant 1 : i32
            %eq3A_239 = arith.cmpi eq, %squeeze3A_237, %eq3A_238 : i32
            %eq3A_240 = arith.constant 0 : i32
            %eq3A_241 = arith.cmpi eq, %squeeze3A_228, %eq3A_240 : i32
            %and3A_242 = arith.andi %eq3A_239, %eq3A_241 : i1
            %convert_element_type3A_243 = arith.extui %and3A_242 : i1 to i32
            %cond3A_244 = arith.constant 0 : i32
            %cond3A_245 = arith.cmpi ne, %convert_element_type3A_243, %cond3A_244 : i32
            %cond3A_246:11 = scf.if %cond3A_245 -> (i32, i32, i32, vector<16xf32>, vector<16xf32>, vector<16xf32>, vector<16xf32>, vector<16xf32>, vector<16xf32>, vector<16xf32>, vector<16xf32>) {
              %all_reduce_ffs3A_247 = tpu.all_reduce %and3A_224 {dim = 0 : i64, kind = #tpu.reduction_kind<find_first_set>} : vector<16xi1> -> vector<16xi32>
              %slice3A_248 = vector.extract_strided_slice %all_reduce_ffs3A_247 {offsets = [0], sizes = [1], strides = [1]} : vector<16xi32> to vector<1xi32>
              %squeeze3A_249 = vector.extract %slice3A_248[0] : i32 from vector<1xi32>
              %ge3A_250 = arith.constant 0 : i32
              %ge3A_251 = arith.cmpi sge, %scan3A_182, %ge3A_250 : i32
              %convert_element_type3A_252 = arith.extui %ge3A_251 : i1 to i32
              %cond3A_253 = arith.constant 0 : i32
              %cond3A_254 = arith.cmpi ne, %convert_element_type3A_252, %cond3A_253 : i32
              %cond3A_255:8 = scf.if %cond3A_254 -> (vector<16xf32>, vector<16xf32>, vector<16xf32>, vector<16xf32>, vector<16xf32>, vector<16xf32>, vector<16xf32>, vector<16xf32>) {
                %while3A_306 = arith.constant 0 : i32
                %while3A_307 = arith.subi %squeeze3A_249, %while3A_306 : i32
                %while3A_308 = arith.addi %while3A_306, %while3A_307 : i32
                %while3A_309 = arith.constant 1 : i32
                %while3A_310 = arith.divsi %while3A_307, %while3A_309 : i32
                %while3A_311 = arith.muli %while3A_310, %while3A_309 : i32
                %while3A_312 = arith.addi %while3A_306, %while3A_311 : i32
                %while3A_313 = arith.constant 1 : i32
                %while3A_314:8 = scf.for %while3A_317 = %while3A_306 to %while3A_312 step %while3A_313 iter_args(%while3A_318 = %scan3A_185, %while3A_319 = %scan3A_186, %while3A_320 = %scan3A_187, %while3A_321 = %scan3A_188, %while3A_322 = %scan3A_189, %while3A_323 = %scan3A_190, %while3A_324 = %scan3A_191, %while3A_325 = %scan3A_192) -> (vector<16xf32>, vector<16xf32>, vector<16xf32>, vector<16xf32>, vector<16xf32>, vector<16xf32>, vector<16xf32>, vector<16xf32>)  : i32 {
                  %add3A_326 = arith.addi %mul3A_194, %while3A_317 : i32
                  %get3A_327 = arith.index_cast %add3A_326 : i32 to index
                  %get3A_328 = arith.constant 0 : index
                  %get3A_329 = tpu.vector_load %arg8[%get3A_327, %get3A_328] {strides = array<i32>} : memref<400x128xf32, #tpu.memory_space<vmem>>, vector<16xf32>,
                  %get3A_330 = arith.index_cast %add3A_326 : i32 to index
                  %get3A_331 = arith.constant 16 : index
                  %get3A_332 = tpu.vector_load %arg8[%get3A_330, %get3A_331] {strides = array<i32>} : memref<400x128xf32, #tpu.memory_space<vmem>>, vector<16xf32>,
                  %get3A_333 = arith.index_cast %add3A_326 : i32 to index
                  %get3A_334 = arith.constant 32 : index
                  %get3A_335 = tpu.vector_load %arg8[%get3A_333, %get3A_334] {strides = array<i32>} : memref<400x128xf32, #tpu.memory_space<vmem>>, vector<16xf32>,
                  %get3A_336 = arith.index_cast %add3A_326 : i32 to index
                  %get3A_337 = arith.constant 48 : index
                  %get3A_338 = tpu.vector_load %arg8[%get3A_336, %get3A_337] {strides = array<i32>} : memref<400x128xf32, #tpu.memory_space<vmem>>, vector<16xf32>,
                  %get3A_339 = arith.index_cast %add3A_326 : i32 to index
                  %get3A_340 = arith.constant 64 : index
                  %get3A_341 = tpu.vector_load %arg8[%get3A_339, %get3A_340] {strides = array<i32>} : memref<400x128xf32, #tpu.memory_space<vmem>>, vector<16xf32>,
                  %get3A_342 = arith.index_cast %add3A_326 : i32 to index
                  %get3A_343 = arith.constant 80 : index
                  %get3A_344 = tpu.vector_load %arg8[%get3A_342, %get3A_343] {strides = array<i32>} : memref<400x128xf32, #tpu.memory_space<vmem>>, vector<16xf32>,
                  %get3A_345 = arith.index_cast %add3A_326 : i32 to index
                  %get3A_346 = arith.constant 96 : index
                  %get3A_347 = tpu.vector_load %arg8[%get3A_345, %get3A_346] {strides = array<i32>} : memref<400x128xf32, #tpu.memory_space<vmem>>, vector<16xf32>,
                  %get3A_348 = arith.index_cast %add3A_326 : i32 to index
                  %get3A_349 = arith.constant 112 : index
                  %get3A_350 = tpu.vector_load %arg8[%get3A_348, %get3A_349] {strides = array<i32>} : memref<400x128xf32, #tpu.memory_space<vmem>>, vector<16xf32>,
                  %max3A_351 = arith.maximumf %while3A_318, %get3A_329 : vector<16xf32>
                  %max3A_352 = arith.maximumf %while3A_319, %get3A_332 : vector<16xf32>
                  %max3A_353 = arith.maximumf %while3A_320, %get3A_335 : vector<16xf32>
                  %max3A_354 = arith.maximumf %while3A_321, %get3A_338 : vector<16xf32>
                  %max3A_355 = arith.maximumf %while3A_322, %get3A_341 : vector<16xf32>
                  %max3A_356 = arith.maximumf %while3A_323, %get3A_344 : vector<16xf32>
                  %max3A_357 = arith.maximumf %while3A_324, %get3A_347 : vector<16xf32>
                  %max3A_358 = arith.maximumf %while3A_325, %get3A_350 : vector<16xf32>
                  scf.yield %max3A_351, %max3A_352, %max3A_353, %max3A_354, %max3A_355, %max3A_356, %max3A_357, %max3A_358 : vector<16xf32>, vector<16xf32>, vector<16xf32>, vector<16xf32>, vector<16xf32>, vector<16xf32>, vector<16xf32>, vector<16xf32>
                }
                %while3A_315 = arith.constant 1 : i32
                %while3A_316:8 = scf.for %while3A_317 = %while3A_312 to %while3A_308 step %while3A_315 iter_args(%while3A_318 = %while3A_314#0, %while3A_319 = %while3A_314#1, %while3A_320 = %while3A_314#2, %while3A_321 = %while3A_314#3, %while3A_322 = %while3A_314#4, %while3A_323 = %while3A_314#5, %while3A_324 = %while3A_314#6, %while3A_325 = %while3A_314#7) -> (vector<16xf32>, vector<16xf32>, vector<16xf32>, vector<16xf32>, vector<16xf32>, vector<16xf32>, vector<16xf32>, vector<16xf32>)  : i32 {
                  %add3A_326 = arith.addi %mul3A_194, %while3A_317 : i32
                  %get3A_327 = arith.index_cast %add3A_326 : i32 to index
                  %get3A_328 = arith.constant 0 : index
                  %get3A_329 = tpu.vector_load %arg8[%get3A_327, %get3A_328] {strides = array<i32>} : memref<400x128xf32, #tpu.memory_space<vmem>>, vector<16xf32>,
                  %get3A_330 = arith.index_cast %add3A_326 : i32 to index
                  %get3A_331 = arith.constant 16 : index
                  %get3A_332 = tpu.vector_load %arg8[%get3A_330, %get3A_331] {strides = array<i32>} : memref<400x128xf32, #tpu.memory_space<vmem>>, vector<16xf32>,
                  %get3A_333 = arith.index_cast %add3A_326 : i32 to index
                  %get3A_334 = arith.constant 32 : index
                  %get3A_335 = tpu.vector_load %arg8[%get3A_333, %get3A_334] {strides = array<i32>} : memref<400x128xf32, #tpu.memory_space<vmem>>, vector<16xf32>,
                  %get3A_336 = arith.index_cast %add3A_326 : i32 to index
                  %get3A_337 = arith.constant 48 : index
                  %get3A_338 = tpu.vector_load %arg8[%get3A_336, %get3A_337] {strides = array<i32>} : memref<400x128xf32, #tpu.memory_space<vmem>>, vector<16xf32>,
                  %get3A_339 = arith.index_cast %add3A_326 : i32 to index
                  %get3A_340 = arith.constant 64 : index
                  %get3A_341 = tpu.vector_load %arg8[%get3A_339, %get3A_340] {strides = array<i32>} : memref<400x128xf32, #tpu.memory_space<vmem>>, vector<16xf32>,
                  %get3A_342 = arith.index_cast %add3A_326 : i32 to index
                  %get3A_343 = arith.constant 80 : index
                  %get3A_344 = tpu.vector_load %arg8[%get3A_342, %get3A_343] {strides = array<i32>} : memref<400x128xf32, #tpu.memory_space<vmem>>, vector<16xf32>,
                  %get3A_345 = arith.index_cast %add3A_326 : i32 to index
                  %get3A_346 = arith.constant 96 : index
                  %get3A_347 = tpu.vector_load %arg8[%get3A_345, %get3A_346] {strides = array<i32>} : memref<400x128xf32, #tpu.memory_space<vmem>>, vector<16xf32>,
                  %get3A_348 = arith.index_cast %add3A_326 : i32 to index
                  %get3A_349 = arith.constant 112 : index
                  %get3A_350 = tpu.vector_load %arg8[%get3A_348, %get3A_349] {strides = array<i32>} : memref<400x128xf32, #tpu.memory_space<vmem>>, vector<16xf32>,
                  %max3A_351 = arith.maximumf %while3A_318, %get3A_329 : vector<16xf32>
                  %max3A_352 = arith.maximumf %while3A_319, %get3A_332 : vector<16xf32>
                  %max3A_353 = arith.maximumf %while3A_320, %get3A_335 : vector<16xf32>
                  %max3A_354 = arith.maximumf %while3A_321, %get3A_338 : vector<16xf32>
                  %max3A_355 = arith.maximumf %while3A_322, %get3A_341 : vector<16xf32>
                  %max3A_356 = arith.maximumf %while3A_323, %get3A_344 : vector<16xf32>
                  %max3A_357 = arith.maximumf %while3A_324, %get3A_347 : vector<16xf32>
                  %max3A_358 = arith.maximumf %while3A_325, %get3A_350 : vector<16xf32>
                  scf.yield %max3A_351, %max3A_352, %max3A_353, %max3A_354, %max3A_355, %max3A_356, %max3A_357, %max3A_358 : vector<16xf32>, vector<16xf32>, vector<16xf32>, vector<16xf32>, vector<16xf32>, vector<16xf32>, vector<16xf32>, vector<16xf32>
                }
                scf.yield %while3A_316#0, %while3A_316#1, %while3A_316#2, %while3A_316#3, %while3A_316#4, %while3A_316#5, %while3A_316#6, %while3A_316#7 : vector<16xf32>, vector<16xf32>, vector<16xf32>, vector<16xf32>, vector<16xf32>, vector<16xf32>, vector<16xf32>, vector<16xf32>
              } else {
                scf.yield %scan3A_185, %scan3A_186, %scan3A_187, %scan3A_188, %scan3A_189, %scan3A_190, %scan3A_191, %scan3A_192 : vector<16xf32>, vector<16xf32>, vector<16xf32>, vector<16xf32>, vector<16xf32>, vector<16xf32>, vector<16xf32>, vector<16xf32>
              }
              %ge3A_256 = arith.constant 0 : i32
              %ge3A_257 = arith.cmpi sge, %scan3A_182, %ge3A_256 : i32
              %convert_element_type3A_258 = arith.extui %ge3A_257 : i1 to i32
              %cond3A_259 = arith.constant 0 : i32
              %cond3A_260 = arith.cmpi ne, %convert_element_type3A_258, %cond3A_259 : i32
              %cond3A_261:2 = scf.if %cond3A_260 -> (i32, i32) {
                %sub3A_306 = arith.subi %scan3A_183, %scan3A_184 : i32
                %sub3A_307 = arith.subi %scan3A_184, %select_n3A : i32
                %shift_right_logical3A_308 = arith.constant 6 : i32
                %shift_right_logical3A_309 = arith.shrui %sub3A_307, %shift_right_logical3A_308 : i32
                %and3A_310 = arith.constant 1 : i32
                %and3A_311 = arith.andi %shift_right_logical3A_309, %and3A_310 : i32
                %mul3A_312 = arith.constant 64 : i32
                %mul3A_313 = arith.muli %and3A_311, %mul3A_312 : i32
                %add3A_314 = arith.addi %sub3A_306, %mul3A_313 : i32
                %swap3A = arith.index_cast %add3A_314 : i32 to index
                %swap3A_315 = arith.constant 0 : index
                %swap3A_316 = tpu.vector_load %arg10[%swap3A, %swap3A_315] {strides = array<i32>} : memref<128x128xf32, #tpu.memory_space<vmem>>, vector<16xf32>,
                tpu.vector_store %arg10[%swap3A, %swap3A_315], %cond3A_255#0 {strides = array<i32>} : memref<128x128xf32, #tpu.memory_space<vmem>>, vector<16xf32>,
                %mul3A_317 = arith.constant 64 : i32
                %mul3A_318 = arith.muli %and3A_311, %mul3A_317 : i32
                %add3A_319 = arith.addi %sub3A_306, %mul3A_318 : i32
                %swap3A_320 = arith.index_cast %add3A_319 : i32 to index
                %swap3A_321 = arith.constant 16 : index
                %swap3A_322 = tpu.vector_load %arg10[%swap3A_320, %swap3A_321] {strides = array<i32>} : memref<128x128xf32, #tpu.memory_space<vmem>>, vector<16xf32>,
                tpu.vector_store %arg10[%swap3A_320, %swap3A_321], %cond3A_255#1 {strides = array<i32>} : memref<128x128xf32, #tpu.memory_space<vmem>>, vector<16xf32>,
                %mul3A_323 = arith.constant 64 : i32
                %mul3A_324 = arith.muli %and3A_311, %mul3A_323 : i32
                %add3A_325 = arith.addi %sub3A_306, %mul3A_324 : i32
                %swap3A_326 = arith.index_cast %add3A_325 : i32 to index
                %swap3A_327 = arith.constant 32 : index
                %swap3A_328 = tpu.vector_load %arg10[%swap3A_326, %swap3A_327] {strides = array<i32>} : memref<128x128xf32, #tpu.memory_space<vmem>>, vector<16xf32>,
                tpu.vector_store %arg10[%swap3A_326, %swap3A_327], %cond3A_255#2 {strides = array<i32>} : memref<128x128xf32, #tpu.memory_space<vmem>>, vector<16xf32>,
                %mul3A_329 = arith.constant 64 : i32
                %mul3A_330 = arith.muli %and3A_311, %mul3A_329 : i32
                %add3A_331 = arith.addi %sub3A_306, %mul3A_330 : i32
                %swap3A_332 = arith.index_cast %add3A_331 : i32 to index
                %swap3A_333 = arith.constant 48 : index
                %swap3A_334 = tpu.vector_load %arg10[%swap3A_332, %swap3A_333] {strides = array<i32>} : memref<128x128xf32, #tpu.memory_space<vmem>>, vector<16xf32>,
                tpu.vector_store %arg10[%swap3A_332, %swap3A_333], %cond3A_255#3 {strides = array<i32>} : memref<128x128xf32, #tpu.memory_space<vmem>>, vector<16xf32>,
                %mul3A_335 = arith.constant 64 : i32
                %mul3A_336 = arith.muli %and3A_311, %mul3A_335 : i32
                %add3A_337 = arith.addi %sub3A_306, %mul3A_336 : i32
                %swap3A_338 = arith.index_cast %add3A_337 : i32 to index
                %swap3A_339 = arith.constant 64 : index
                %swap3A_340 = tpu.vector_load %arg10[%swap3A_338, %swap3A_339] {strides = array<i32>} : memref<128x128xf32, #tpu.memory_space<vmem>>, vector<16xf32>,
                tpu.vector_store %arg10[%swap3A_338, %swap3A_339], %cond3A_255#4 {strides = array<i32>} : memref<128x128xf32, #tpu.memory_space<vmem>>, vector<16xf32>,
                %mul3A_341 = arith.constant 64 : i32
                %mul3A_342 = arith.muli %and3A_311, %mul3A_341 : i32
                %add3A_343 = arith.addi %sub3A_306, %mul3A_342 : i32
                %swap3A_344 = arith.index_cast %add3A_343 : i32 to index
                %swap3A_345 = arith.constant 80 : index
                %swap3A_346 = tpu.vector_load %arg10[%swap3A_344, %swap3A_345] {strides = array<i32>} : memref<128x128xf32, #tpu.memory_space<vmem>>, vector<16xf32>,
                tpu.vector_store %arg10[%swap3A_344, %swap3A_345], %cond3A_255#5 {strides = array<i32>} : memref<128x128xf32, #tpu.memory_space<vmem>>, vector<16xf32>,
                %mul3A_347 = arith.constant 64 : i32
                %mul3A_348 = arith.muli %and3A_311, %mul3A_347 : i32
                %add3A_349 = arith.addi %sub3A_306, %mul3A_348 : i32
                %swap3A_350 = arith.index_cast %add3A_349 : i32 to index
                %swap3A_351 = arith.constant 96 : index
                %swap3A_352 = tpu.vector_load %arg10[%swap3A_350, %swap3A_351] {strides = array<i32>} : memref<128x128xf32, #tpu.memory_space<vmem>>, vector<16xf32>,
                tpu.vector_store %arg10[%swap3A_350, %swap3A_351], %cond3A_255#6 {strides = array<i32>} : memref<128x128xf32, #tpu.memory_space<vmem>>, vector<16xf32>,
                %mul3A_353 = arith.constant 64 : i32
                %mul3A_354 = arith.muli %and3A_311, %mul3A_353 : i32
                %add3A_355 = arith.addi %sub3A_306, %mul3A_354 : i32
                %swap3A_356 = arith.index_cast %add3A_355 : i32 to index
                %swap3A_357 = arith.constant 112 : index
                %swap3A_358 = tpu.vector_load %arg10[%swap3A_356, %swap3A_357] {strides = array<i32>} : memref<128x128xf32, #tpu.memory_space<vmem>>, vector<16xf32>,
                tpu.vector_store %arg10[%swap3A_356, %swap3A_357], %cond3A_255#7 {strides = array<i32>} : memref<128x128xf32, #tpu.memory_space<vmem>>, vector<16xf32>,
                %eq3A_359 = arith.constant 63 : i32
                %eq3A_360 = arith.cmpi eq, %sub3A_306, %eq3A_359 : i32
                %convert_element_type3A_361 = arith.extui %eq3A_360 : i1 to i32
                %cond3A_362 = arith.constant 0 : i32
                %cond3A_363 = arith.cmpi ne, %convert_element_type3A_361, %cond3A_362 : i32
                %cond3A_364 = scf.if %cond3A_363 -> (i32) {
                  %eq3A_367 = arith.constant 0 : i32
                  %eq3A_368 = arith.cmpi eq, %and3A_311, %eq3A_367 : i32
                  %convert_element_type3A_369 = arith.extui %eq3A_368 : i1 to i32
                  %cond3A_370 = arith.constant 0 : i32
                  %cond3A_371 = arith.cmpi ne, %convert_element_type3A_369, %cond3A_370 : i32
                  scf.if %cond3A_371 {
                    %dma_start3A_380 = arith.constant 4 : i32
                    %dma_start3A_381 = arith.constant 0 : i32
                    %dma_start3A_382 = arith.constant 0 : i32
                    %dma_start3A_383 = tpu.memref_slice %arg10[%dma_start3A_381, %dma_start3A_382] : memref<128x128xf32, #tpu.memory_space<vmem>> -> memref<64x128xf32, #tpu.memory_space<vmem>>
                    %dma_start3A_384 = arith.constant 0 : i32
                    %dma_start3A_385 = tpu.memref_slice %arg4[%scan3A_184, %dma_start3A_384] : memref<10000x128xf32, #tpu.memory_space<hbm>> -> memref<64x128xf32, #tpu.memory_space<hbm>>
                    %dma_start3A_386 = tpu.memref_slice %arg11[%dma_start3A_380] : memref<6x!tpu.dma_semaphore, #tpu.memory_space<semaphore_mem>> -> memref<1x!tpu.dma_semaphore, #tpu.memory_space<semaphore_mem>>
                    %dma_start3A_387 = tpu.memref_squeeze %dma_start3A_386 : memref<1x!tpu.dma_semaphore, #tpu.memory_space<semaphore_mem>> -> memref<!tpu.dma_semaphore, #tpu.memory_space<semaphore_mem>>
                    %dma_start3A_388 = arith.constant 0 : i32
                    %dma_start3A_389 = tpu.memref_slice %arg4[%scan3A_184, %dma_start3A_388] : memref<10000x128xf32, #tpu.memory_space<hbm>> -> memref<64x128xf32, #tpu.memory_space<hbm>>
                    %dma_start3A_390 = arith.constant 0 : i32
                    %dma_start3A_391 = arith.constant 0 : i32
                    %dma_start3A_392 = tpu.memref_slice %arg10[%dma_start3A_390, %dma_start3A_391] : memref<128x128xf32, #tpu.memory_space<vmem>> -> memref<64x128xf32, #tpu.memory_space<vmem>>
                    tpu.enqueue_dma source(%dma_start3A_392 : memref<64x128xf32, #tpu.memory_space<vmem>>) target(%dma_start3A_389 : memref<64x128xf32, #tpu.memory_space<hbm>>) target_semaphore(%dma_start3A_387 : memref<!tpu.dma_semaphore, #tpu.memory_space<semaphore_mem>>)
                  } else {
                    %dma_start3A_380 = arith.constant 5 : i32
                    %dma_start3A_381 = arith.constant 64 : i32
                    %dma_start3A_382 = arith.constant 0 : i32
                    %dma_start3A_383 = tpu.memref_slice %arg10[%dma_start3A_381, %dma_start3A_382] : memref<128x128xf32, #tpu.memory_space<vmem>> -> memref<64x128xf32, #tpu.memory_space<vmem>>
                    %dma_start3A_384 = arith.constant 0 : i32
                    %dma_start3A_385 = tpu.memref_slice %arg4[%scan3A_184, %dma_start3A_384] : memref<10000x128xf32, #tpu.memory_space<hbm>> -> memref<64x128xf32, #tpu.memory_space<hbm>>
                    %dma_start3A_386 = tpu.memref_slice %arg11[%dma_start3A_380] : memref<6x!tpu.dma_semaphore, #tpu.memory_space<semaphore_mem>> -> memref<1x!tpu.dma_semaphore, #tpu.memory_space<semaphore_mem>>
                    %dma_start3A_387 = tpu.memref_squeeze %dma_start3A_386 : memref<1x!tpu.dma_semaphore, #tpu.memory_space<semaphore_mem>> -> memref<!tpu.dma_semaphore, #tpu.memory_space<semaphore_mem>>
                    %dma_start3A_388 = arith.constant 0 : i32
                    %dma_start3A_389 = tpu.memref_slice %arg4[%scan3A_184, %dma_start3A_388] : memref<10000x128xf32, #tpu.memory_space<hbm>> -> memref<64x128xf32, #tpu.memory_space<hbm>>
                    %dma_start3A_390 = arith.constant 64 : i32
                    %dma_start3A_391 = arith.constant 0 : i32
                    %dma_start3A_392 = tpu.memref_slice %arg10[%dma_start3A_390, %dma_start3A_391] : memref<128x128xf32, #tpu.memory_space<vmem>> -> memref<64x128xf32, #tpu.memory_space<vmem>>
                    tpu.enqueue_dma source(%dma_start3A_392 : memref<64x128xf32, #tpu.memory_space<vmem>>) target(%dma_start3A_389 : memref<64x128xf32, #tpu.memory_space<hbm>>) target_semaphore(%dma_start3A_387 : memref<!tpu.dma_semaphore, #tpu.memory_space<semaphore_mem>>)
                  }
                  %sub3A_372 = arith.subi %scan3A_184, %select_n3A : i32
                  %ge3A_373 = arith.constant 64 : i32
                  %ge3A_374 = arith.cmpi sge, %sub3A_372, %ge3A_373 : i32
                  %convert_element_type3A_375 = arith.extui %ge3A_374 : i1 to i32
                  %cond3A_376 = arith.constant 0 : i32
                  %cond3A_377 = arith.cmpi ne, %convert_element_type3A_375, %cond3A_376 : i32
                  scf.if %cond3A_377 {
                    %eq3A_380 = arith.constant 0 : i32
                    %eq3A_381 = arith.cmpi eq, %and3A_311, %eq3A_380 : i32
                    %convert_element_type3A_382 = arith.extui %eq3A_381 : i1 to i32
                    %cond3A_383 = arith.constant 0 : i32
                    %cond3A_384 = arith.cmpi ne, %convert_element_type3A_382, %cond3A_383 : i32
                    scf.if %cond3A_384 {
                      %dma_wait3A_385 = arith.constant 5 : i32
                      %dma_wait3A_386 = arith.constant 64 : i32
                      %dma_wait3A_387 = arith.constant 0 : i32
                      %dma_wait3A_388 = tpu.memref_slice %arg10[%dma_wait3A_386, %dma_wait3A_387] : memref<128x128xf32, #tpu.memory_space<vmem>> -> memref<64x128xf32, #tpu.memory_space<vmem>>
                      %dma_wait3A_389 = arith.constant 0 : i32
                      %dma_wait3A_390 = arith.constant 0 : i32
                      %dma_wait3A_391 = tpu.memref_slice %arg4[%dma_wait3A_389, %dma_wait3A_390] : memref<10000x128xf32, #tpu.memory_space<hbm>> -> memref<64x128xf32, #tpu.memory_space<hbm>>
                      %dma_wait3A_392 = tpu.memref_slice %arg11[%dma_wait3A_385] : memref<6x!tpu.dma_semaphore, #tpu.memory_space<semaphore_mem>> -> memref<1x!tpu.dma_semaphore, #tpu.memory_space<semaphore_mem>>
                      %dma_wait3A_393 = tpu.memref_squeeze %dma_wait3A_392 : memref<1x!tpu.dma_semaphore, #tpu.memory_space<semaphore_mem>> -> memref<!tpu.dma_semaphore, #tpu.memory_space<semaphore_mem>>
                      %dma_wait3A_394 = arith.constant 0 : i32
                      %dma_wait3A_395 = arith.constant 0 : i32
                      %dma_wait3A_396 = tpu.memref_slice %arg4[%dma_wait3A_394, %dma_wait3A_395] : memref<10000x128xf32, #tpu.memory_space<hbm>> -> memref<64x128xf32, #tpu.memory_space<hbm>>
                      %dma_wait3A_397 = arith.constant 64 : i32
                      %dma_wait3A_398 = arith.constant 0 : i32
                      %dma_wait3A_399 = tpu.memref_slice %arg10[%dma_wait3A_397, %dma_wait3A_398] : memref<128x128xf32, #tpu.memory_space<vmem>> -> memref<64x128xf32, #tpu.memory_space<vmem>>
                      tpu.wait_dma2 semaphore(%dma_wait3A_393 : memref<!tpu.dma_semaphore, #tpu.memory_space<semaphore_mem>>) src(%dma_wait3A_399 : memref<64x128xf32, #tpu.memory_space<vmem>>) dst(%dma_wait3A_396 : memref<64x128xf32, #tpu.memory_space<hbm>>)
                    } else {
                      %dma_wait3A_385 = arith.constant 4 : i32
                      %dma_wait3A_386 = arith.constant 0 : i32
                      %dma_wait3A_387 = arith.constant 0 : i32
                      %dma_wait3A_388 = tpu.memref_slice %arg10[%dma_wait3A_386, %dma_wait3A_387] : memref<128x128xf32, #tpu.memory_space<vmem>> -> memref<64x128xf32, #tpu.memory_space<vmem>>
                      %dma_wait3A_389 = arith.constant 0 : i32
                      %dma_wait3A_390 = arith.constant 0 : i32
                      %dma_wait3A_391 = tpu.memref_slice %arg4[%dma_wait3A_389, %dma_wait3A_390] : memref<10000x128xf32, #tpu.memory_space<hbm>> -> memref<64x128xf32, #tpu.memory_space<hbm>>
                      %dma_wait3A_392 = tpu.memref_slice %arg11[%dma_wait3A_385] : memref<6x!tpu.dma_semaphore, #tpu.memory_space<semaphore_mem>> -> memref<1x!tpu.dma_semaphore, #tpu.memory_space<semaphore_mem>>
                      %dma_wait3A_393 = tpu.memref_squeeze %dma_wait3A_392 : memref<1x!tpu.dma_semaphore, #tpu.memory_space<semaphore_mem>> -> memref<!tpu.dma_semaphore, #tpu.memory_space<semaphore_mem>>
                      %dma_wait3A_394 = arith.constant 0 : i32
                      %dma_wait3A_395 = arith.constant 0 : i32
                      %dma_wait3A_396 = tpu.memref_slice %arg4[%dma_wait3A_394, %dma_wait3A_395] : memref<10000x128xf32, #tpu.memory_space<hbm>> -> memref<64x128xf32, #tpu.memory_space<hbm>>
                      %dma_wait3A_397 = arith.constant 0 : i32
                      %dma_wait3A_398 = arith.constant 0 : i32
                      %dma_wait3A_399 = tpu.memref_slice %arg10[%dma_wait3A_397, %dma_wait3A_398] : memref<128x128xf32, #tpu.memory_space<vmem>> -> memref<64x128xf32, #tpu.memory_space<vmem>>
                      tpu.wait_dma2 semaphore(%dma_wait3A_393 : memref<!tpu.dma_semaphore, #tpu.memory_space<semaphore_mem>>) src(%dma_wait3A_399 : memref<64x128xf32, #tpu.memory_space<vmem>>) dst(%dma_wait3A_396 : memref<64x128xf32, #tpu.memory_space<hbm>>)
                    }
                  } else {
                  }
                  %add3A_378 = arith.constant 64 : i32
                  %add3A_379 = arith.addi %scan3A_184, %add3A_378 : i32
                  scf.yield %add3A_379 : i32
                } else {
                  scf.yield %scan3A_184 : i32
                }
                %add3A_365 = arith.constant 1 : i32
                %add3A_366 = arith.addi %scan3A_183, %add3A_365 : i32
                scf.yield %add3A_366, %cond3A_364 : i32, i32
              } else {
                scf.yield %scan3A_183, %scan3A_184 : i32, i32
              }
              %add3A_262 = arith.addi %mul3A_194, %squeeze3A_249 : i32
              %broadcast_in_dim3A_263 = vector.broadcast %add3A_262 : i32 to vector<16xi32>
              %gather3A_264 = tpu.vector_load_idx %arg6[%broadcast_in_dim3A_263] : memref<400xi32, #tpu.memory_space<vmem>>[vector<16xi32>], vector<16xi32>,
              %slice3A_265 = vector.extract_strided_slice %gather3A_264 {offsets = [0], sizes = [1], strides = [1]} : vector<16xi32> to vector<1xi32>
              %squeeze3A_266 = vector.extract %slice3A_265[0] : i32 from vector<1xi32>
              %while3A_267:2 = scf.while (%while3A_306 = %cond3A_261#0, %while3A_307 = %cond3A_261#1) : (i32, i32) -> (i32, i32) {
                %lt3A_308 = arith.cmpi slt, %while3A_306, %squeeze3A_266 : i32
                scf.condition(%lt3A_308) %while3A_306, %while3A_307 : i32, i32
              } do {
              ^bb0(%while3A_306: i32, %while3A_307: i32):
                %sub3A_308 = arith.subi %while3A_306, %while3A_307 : i32
                %sub3A_309 = arith.subi %while3A_307, %select_n3A : i32
                %shift_right_logical3A_310 = arith.constant 6 : i32
                %shift_right_logical3A_311 = arith.shrui %sub3A_309, %shift_right_logical3A_310 : i32
                %and3A_312 = arith.constant 1 : i32
                %and3A_313 = arith.andi %shift_right_logical3A_311, %and3A_312 : i32
                %mul3A_314 = arith.constant 64 : i32
                %mul3A_315 = arith.muli %and3A_313, %mul3A_314 : i32
                %add3A_316 = arith.addi %sub3A_308, %mul3A_315 : i32
                %swap3A = arith.index_cast %add3A_316 : i32 to index
                %swap3A_317 = arith.constant 0 : index
                %swap3A_318 = tpu.vector_load %arg10[%swap3A, %swap3A_317] {strides = array<i32>} : memref<128x128xf32, #tpu.memory_space<vmem>>, vector<16xf32>,
                tpu.vector_store %arg10[%swap3A, %swap3A_317], %broadcast_in_dim3A_19 {strides = array<i32>} : memref<128x128xf32, #tpu.memory_space<vmem>>, vector<16xf32>,
                %mul3A_319 = arith.constant 64 : i32
                %mul3A_320 = arith.muli %and3A_313, %mul3A_319 : i32
                %add3A_321 = arith.addi %sub3A_308, %mul3A_320 : i32
                %swap3A_322 = arith.index_cast %add3A_321 : i32 to index
                %swap3A_323 = arith.constant 16 : index
                %swap3A_324 = tpu.vector_load %arg10[%swap3A_322, %swap3A_323] {strides = array<i32>} : memref<128x128xf32, #tpu.memory_space<vmem>>, vector<16xf32>,
                tpu.vector_store %arg10[%swap3A_322, %swap3A_323], %broadcast_in_dim3A_19 {strides = array<i32>} : memref<128x128xf32, #tpu.memory_space<vmem>>, vector<16xf32>,
                %mul3A_325 = arith.constant 64 : i32
                %mul3A_326 = arith.muli %and3A_313, %mul3A_325 : i32
                %add3A_327 = arith.addi %sub3A_308, %mul3A_326 : i32
                %swap3A_328 = arith.index_cast %add3A_327 : i32 to index
                %swap3A_329 = arith.constant 32 : index
                %swap3A_330 = tpu.vector_load %arg10[%swap3A_328, %swap3A_329] {strides = array<i32>} : memref<128x128xf32, #tpu.memory_space<vmem>>, vector<16xf32>,
                tpu.vector_store %arg10[%swap3A_328, %swap3A_329], %broadcast_in_dim3A_19 {strides = array<i32>} : memref<128x128xf32, #tpu.memory_space<vmem>>, vector<16xf32>,
                %mul3A_331 = arith.constant 64 : i32
                %mul3A_332 = arith.muli %and3A_313, %mul3A_331 : i32
                %add3A_333 = arith.addi %sub3A_308, %mul3A_332 : i32
                %swap3A_334 = arith.index_cast %add3A_333 : i32 to index
                %swap3A_335 = arith.constant 48 : index
                %swap3A_336 = tpu.vector_load %arg10[%swap3A_334, %swap3A_335] {strides = array<i32>} : memref<128x128xf32, #tpu.memory_space<vmem>>, vector<16xf32>,
                tpu.vector_store %arg10[%swap3A_334, %swap3A_335], %broadcast_in_dim3A_19 {strides = array<i32>} : memref<128x128xf32, #tpu.memory_space<vmem>>, vector<16xf32>,
                %mul3A_337 = arith.constant 64 : i32
                %mul3A_338 = arith.muli %and3A_313, %mul3A_337 : i32
                %add3A_339 = arith.addi %sub3A_308, %mul3A_338 : i32
                %swap3A_340 = arith.index_cast %add3A_339 : i32 to index
                %swap3A_341 = arith.constant 64 : index
                %swap3A_342 = tpu.vector_load %arg10[%swap3A_340, %swap3A_341] {strides = array<i32>} : memref<128x128xf32, #tpu.memory_space<vmem>>, vector<16xf32>,
                tpu.vector_store %arg10[%swap3A_340, %swap3A_341], %broadcast_in_dim3A_19 {strides = array<i32>} : memref<128x128xf32, #tpu.memory_space<vmem>>, vector<16xf32>,
                %mul3A_343 = arith.constant 64 : i32
                %mul3A_344 = arith.muli %and3A_313, %mul3A_343 : i32
                %add3A_345 = arith.addi %sub3A_308, %mul3A_344 : i32
                %swap3A_346 = arith.index_cast %add3A_345 : i32 to index
                %swap3A_347 = arith.constant 80 : index
                %swap3A_348 = tpu.vector_load %arg10[%swap3A_346, %swap3A_347] {strides = array<i32>} : memref<128x128xf32, #tpu.memory_space<vmem>>, vector<16xf32>,
                tpu.vector_store %arg10[%swap3A_346, %swap3A_347], %broadcast_in_dim3A_19 {strides = array<i32>} : memref<128x128xf32, #tpu.memory_space<vmem>>, vector<16xf32>,
                %mul3A_349 = arith.constant 64 : i32
                %mul3A_350 = arith.muli %and3A_313, %mul3A_349 : i32
                %add3A_351 = arith.addi %sub3A_308, %mul3A_350 : i32
                %swap3A_352 = arith.index_cast %add3A_351 : i32 to index
                %swap3A_353 = arith.constant 96 : index
                %swap3A_354 = tpu.vector_load %arg10[%swap3A_352, %swap3A_353] {strides = array<i32>} : memref<128x128xf32, #tpu.memory_space<vmem>>, vector<16xf32>,
                tpu.vector_store %arg10[%swap3A_352, %swap3A_353], %broadcast_in_dim3A_19 {strides = array<i32>} : memref<128x128xf32, #tpu.memory_space<vmem>>, vector<16xf32>,
                %mul3A_355 = arith.constant 64 : i32
                %mul3A_356 = arith.muli %and3A_313, %mul3A_355 : i32
                %add3A_357 = arith.addi %sub3A_308, %mul3A_356 : i32
                %swap3A_358 = arith.index_cast %add3A_357 : i32 to index
                %swap3A_359 = arith.constant 112 : index
                %swap3A_360 = tpu.vector_load %arg10[%swap3A_358, %swap3A_359] {strides = array<i32>} : memref<128x128xf32, #tpu.memory_space<vmem>>, vector<16xf32>,
                tpu.vector_store %arg10[%swap3A_358, %swap3A_359], %broadcast_in_dim3A_19 {strides = array<i32>} : memref<128x128xf32, #tpu.memory_space<vmem>>, vector<16xf32>,
                %eq3A_361 = arith.constant 63 : i32
                %eq3A_362 = arith.cmpi eq, %sub3A_308, %eq3A_361 : i32
                %convert_element_type3A_363 = arith.extui %eq3A_362 : i1 to i32
                %cond3A_364 = arith.constant 0 : i32
                %cond3A_365 = arith.cmpi ne, %convert_element_type3A_363, %cond3A_364 : i32
                %cond3A_366 = scf.if %cond3A_365 -> (i32) {
                  %eq3A_369 = arith.constant 0 : i32
                  %eq3A_370 = arith.cmpi eq, %and3A_313, %eq3A_369 : i32
                  %convert_element_type3A_371 = arith.extui %eq3A_370 : i1 to i32
                  %cond3A_372 = arith.constant 0 : i32
                  %cond3A_373 = arith.cmpi ne, %convert_element_type3A_371, %cond3A_372 : i32
                  scf.if %cond3A_373 {
                    %dma_start3A_382 = arith.constant 4 : i32
                    %dma_start3A_383 = arith.constant 0 : i32
                    %dma_start3A_384 = arith.constant 0 : i32
                    %dma_start3A_385 = tpu.memref_slice %arg10[%dma_start3A_383, %dma_start3A_384] : memref<128x128xf32, #tpu.memory_space<vmem>> -> memref<64x128xf32, #tpu.memory_space<vmem>>
                    %dma_start3A_386 = arith.constant 0 : i32
                    %dma_start3A_387 = tpu.memref_slice %arg4[%while3A_307, %dma_start3A_386] : memref<10000x128xf32, #tpu.memory_space<hbm>> -> memref<64x128xf32, #tpu.memory_space<hbm>>
                    %dma_start3A_388 = tpu.memref_slice %arg11[%dma_start3A_382] : memref<6x!tpu.dma_semaphore, #tpu.memory_space<semaphore_mem>> -> memref<1x!tpu.dma_semaphore, #tpu.memory_space<semaphore_mem>>
                    %dma_start3A_389 = tpu.memref_squeeze %dma_start3A_388 : memref<1x!tpu.dma_semaphore, #tpu.memory_space<semaphore_mem>> -> memref<!tpu.dma_semaphore, #tpu.memory_space<semaphore_mem>>
                    %dma_start3A_390 = arith.constant 0 : i32
                    %dma_start3A_391 = tpu.memref_slice %arg4[%while3A_307, %dma_start3A_390] : memref<10000x128xf32, #tpu.memory_space<hbm>> -> memref<64x128xf32, #tpu.memory_space<hbm>>
                    %dma_start3A_392 = arith.constant 0 : i32
                    %dma_start3A_393 = arith.constant 0 : i32
                    %dma_start3A_394 = tpu.memref_slice %arg10[%dma_start3A_392, %dma_start3A_393] : memref<128x128xf32, #tpu.memory_space<vmem>> -> memref<64x128xf32, #tpu.memory_space<vmem>>
                    tpu.enqueue_dma source(%dma_start3A_394 : memref<64x128xf32, #tpu.memory_space<vmem>>) target(%dma_start3A_391 : memref<64x128xf32, #tpu.memory_space<hbm>>) target_semaphore(%dma_start3A_389 : memref<!tpu.dma_semaphore, #tpu.memory_space<semaphore_mem>>)
                  } else {
                    %dma_start3A_382 = arith.constant 5 : i32
                    %dma_start3A_383 = arith.constant 64 : i32
                    %dma_start3A_384 = arith.constant 0 : i32
                    %dma_start3A_385 = tpu.memref_slice %arg10[%dma_start3A_383, %dma_start3A_384] : memref<128x128xf32, #tpu.memory_space<vmem>> -> memref<64x128xf32, #tpu.memory_space<vmem>>
                    %dma_start3A_386 = arith.constant 0 : i32
                    %dma_start3A_387 = tpu.memref_slice %arg4[%while3A_307, %dma_start3A_386] : memref<10000x128xf32, #tpu.memory_space<hbm>> -> memref<64x128xf32, #tpu.memory_space<hbm>>
                    %dma_start3A_388 = tpu.memref_slice %arg11[%dma_start3A_382] : memref<6x!tpu.dma_semaphore, #tpu.memory_space<semaphore_mem>> -> memref<1x!tpu.dma_semaphore, #tpu.memory_space<semaphore_mem>>
                    %dma_start3A_389 = tpu.memref_squeeze %dma_start3A_388 : memref<1x!tpu.dma_semaphore, #tpu.memory_space<semaphore_mem>> -> memref<!tpu.dma_semaphore, #tpu.memory_space<semaphore_mem>>
                    %dma_start3A_390 = arith.constant 0 : i32
                    %dma_start3A_391 = tpu.memref_slice %arg4[%while3A_307, %dma_start3A_390] : memref<10000x128xf32, #tpu.memory_space<hbm>> -> memref<64x128xf32, #tpu.memory_space<hbm>>
                    %dma_start3A_392 = arith.constant 64 : i32
                    %dma_start3A_393 = arith.constant 0 : i32
                    %dma_start3A_394 = tpu.memref_slice %arg10[%dma_start3A_392, %dma_start3A_393] : memref<128x128xf32, #tpu.memory_space<vmem>> -> memref<64x128xf32, #tpu.memory_space<vmem>>
                    tpu.enqueue_dma source(%dma_start3A_394 : memref<64x128xf32, #tpu.memory_space<vmem>>) target(%dma_start3A_391 : memref<64x128xf32, #tpu.memory_space<hbm>>) target_semaphore(%dma_start3A_389 : memref<!tpu.dma_semaphore, #tpu.memory_space<semaphore_mem>>)
                  }
                  %sub3A_374 = arith.subi %while3A_307, %select_n3A : i32
                  %ge3A_375 = arith.constant 64 : i32
                  %ge3A_376 = arith.cmpi sge, %sub3A_374, %ge3A_375 : i32
                  %convert_element_type3A_377 = arith.extui %ge3A_376 : i1 to i32
                  %cond3A_378 = arith.constant 0 : i32
                  %cond3A_379 = arith.cmpi ne, %convert_element_type3A_377, %cond3A_378 : i32
                  scf.if %cond3A_379 {
                    %eq3A_382 = arith.constant 0 : i32
                    %eq3A_383 = arith.cmpi eq, %and3A_313, %eq3A_382 : i32
                    %convert_element_type3A_384 = arith.extui %eq3A_383 : i1 to i32
                    %cond3A_385 = arith.constant 0 : i32
                    %cond3A_386 = arith.cmpi ne, %convert_element_type3A_384, %cond3A_385 : i32
                    scf.if %cond3A_386 {
                      %dma_wait3A_387 = arith.constant 5 : i32
                      %dma_wait3A_388 = arith.constant 64 : i32
                      %dma_wait3A_389 = arith.constant 0 : i32
                      %dma_wait3A_390 = tpu.memref_slice %arg10[%dma_wait3A_388, %dma_wait3A_389] : memref<128x128xf32, #tpu.memory_space<vmem>> -> memref<64x128xf32, #tpu.memory_space<vmem>>
                      %dma_wait3A_391 = arith.constant 0 : i32
                      %dma_wait3A_392 = arith.constant 0 : i32
                      %dma_wait3A_393 = tpu.memref_slice %arg4[%dma_wait3A_391, %dma_wait3A_392] : memref<10000x128xf32, #tpu.memory_space<hbm>> -> memref<64x128xf32, #tpu.memory_space<hbm>>
                      %dma_wait3A_394 = tpu.memref_slice %arg11[%dma_wait3A_387] : memref<6x!tpu.dma_semaphore, #tpu.memory_space<semaphore_mem>> -> memref<1x!tpu.dma_semaphore, #tpu.memory_space<semaphore_mem>>
                      %dma_wait3A_395 = tpu.memref_squeeze %dma_wait3A_394 : memref<1x!tpu.dma_semaphore, #tpu.memory_space<semaphore_mem>> -> memref<!tpu.dma_semaphore, #tpu.memory_space<semaphore_mem>>
                      %dma_wait3A_396 = arith.constant 0 : i32
                      %dma_wait3A_397 = arith.constant 0 : i32
                      %dma_wait3A_398 = tpu.memref_slice %arg4[%dma_wait3A_396, %dma_wait3A_397] : memref<10000x128xf32, #tpu.memory_space<hbm>> -> memref<64x128xf32, #tpu.memory_space<hbm>>
                      %dma_wait3A_399 = arith.constant 64 : i32
                      %dma_wait3A_400 = arith.constant 0 : i32
                      %dma_wait3A_401 = tpu.memref_slice %arg10[%dma_wait3A_399, %dma_wait3A_400] : memref<128x128xf32, #tpu.memory_space<vmem>> -> memref<64x128xf32, #tpu.memory_space<vmem>>
                      tpu.wait_dma2 semaphore(%dma_wait3A_395 : memref<!tpu.dma_semaphore, #tpu.memory_space<semaphore_mem>>) src(%dma_wait3A_401 : memref<64x128xf32, #tpu.memory_space<vmem>>) dst(%dma_wait3A_398 : memref<64x128xf32, #tpu.memory_space<hbm>>)
                    } else {
                      %dma_wait3A_387 = arith.constant 4 : i32
                      %dma_wait3A_388 = arith.constant 0 : i32
                      %dma_wait3A_389 = arith.constant 0 : i32
                      %dma_wait3A_390 = tpu.memref_slice %arg10[%dma_wait3A_388, %dma_wait3A_389] : memref<128x128xf32, #tpu.memory_space<vmem>> -> memref<64x128xf32, #tpu.memory_space<vmem>>
                      %dma_wait3A_391 = arith.constant 0 : i32
                      %dma_wait3A_392 = arith.constant 0 : i32
                      %dma_wait3A_393 = tpu.memref_slice %arg4[%dma_wait3A_391, %dma_wait3A_392] : memref<10000x128xf32, #tpu.memory_space<hbm>> -> memref<64x128xf32, #tpu.memory_space<hbm>>
                      %dma_wait3A_394 = tpu.memref_slice %arg11[%dma_wait3A_387] : memref<6x!tpu.dma_semaphore, #tpu.memory_space<semaphore_mem>> -> memref<1x!tpu.dma_semaphore, #tpu.memory_space<semaphore_mem>>
                      %dma_wait3A_395 = tpu.memref_squeeze %dma_wait3A_394 : memref<1x!tpu.dma_semaphore, #tpu.memory_space<semaphore_mem>> -> memref<!tpu.dma_semaphore, #tpu.memory_space<semaphore_mem>>
                      %dma_wait3A_396 = arith.constant 0 : i32
                      %dma_wait3A_397 = arith.constant 0 : i32
                      %dma_wait3A_398 = tpu.memref_slice %arg4[%dma_wait3A_396, %dma_wait3A_397] : memref<10000x128xf32, #tpu.memory_space<hbm>> -> memref<64x128xf32, #tpu.memory_space<hbm>>
                      %dma_wait3A_399 = arith.constant 0 : i32
                      %dma_wait3A_400 = arith.constant 0 : i32
                      %dma_wait3A_401 = tpu.memref_slice %arg10[%dma_wait3A_399, %dma_wait3A_400] : memref<128x128xf32, #tpu.memory_space<vmem>> -> memref<64x128xf32, #tpu.memory_space<vmem>>
                      tpu.wait_dma2 semaphore(%dma_wait3A_395 : memref<!tpu.dma_semaphore, #tpu.memory_space<semaphore_mem>>) src(%dma_wait3A_401 : memref<64x128xf32, #tpu.memory_space<vmem>>) dst(%dma_wait3A_398 : memref<64x128xf32, #tpu.memory_space<hbm>>)
                    }
                  } else {
                  }
                  %add3A_380 = arith.constant 64 : i32
                  %add3A_381 = arith.addi %while3A_307, %add3A_380 : i32
                  scf.yield %add3A_381 : i32
                } else {
                  scf.yield %while3A_307 : i32
                }
                %add3A_367 = arith.constant 1 : i32
                %add3A_368 = arith.addi %while3A_306, %add3A_367 : i32
                scf.yield %add3A_368, %cond3A_366 : i32, i32
              }
              %add3A_268 = arith.addi %mul3A_194, %squeeze3A_249 : i32
              %get3A_269 = arith.index_cast %add3A_268 : i32 to index
              %get3A_270 = arith.constant 0 : index
              %get3A_271 = tpu.vector_load %arg8[%get3A_269, %get3A_270] {strides = array<i32>} : memref<400x128xf32, #tpu.memory_space<vmem>>, vector<16xf32>,
              %get3A_272 = arith.index_cast %add3A_268 : i32 to index
              %get3A_273 = arith.constant 16 : index
              %get3A_274 = tpu.vector_load %arg8[%get3A_272, %get3A_273] {strides = array<i32>} : memref<400x128xf32, #tpu.memory_space<vmem>>, vector<16xf32>,
              %get3A_275 = arith.index_cast %add3A_268 : i32 to index
              %get3A_276 = arith.constant 32 : index
              %get3A_277 = tpu.vector_load %arg8[%get3A_275, %get3A_276] {strides = array<i32>} : memref<400x128xf32, #tpu.memory_space<vmem>>, vector<16xf32>,
              %get3A_278 = arith.index_cast %add3A_268 : i32 to index
              %get3A_279 = arith.constant 48 : index
              %get3A_280 = tpu.vector_load %arg8[%get3A_278, %get3A_279] {strides = array<i32>} : memref<400x128xf32, #tpu.memory_space<vmem>>, vector<16xf32>,
              %get3A_281 = arith.index_cast %add3A_268 : i32 to index
              %get3A_282 = arith.constant 64 : index
              %get3A_283 = tpu.vector_load %arg8[%get3A_281, %get3A_282] {strides = array<i32>} : memref<400x128xf32, #tpu.memory_space<vmem>>, vector<16xf32>,
              %get3A_284 = arith.index_cast %add3A_268 : i32 to index
              %get3A_285 = arith.constant 80 : index
              %get3A_286 = tpu.vector_load %arg8[%get3A_284, %get3A_285] {strides = array<i32>} : memref<400x128xf32, #tpu.memory_space<vmem>>, vector<16xf32>,
              %get3A_287 = arith.index_cast %add3A_268 : i32 to index
              %get3A_288 = arith.constant 96 : index
              %get3A_289 = tpu.vector_load %arg8[%get3A_287, %get3A_288] {strides = array<i32>} : memref<400x128xf32, #tpu.memory_space<vmem>>, vector<16xf32>,
              %get3A_290 = arith.index_cast %add3A_268 : i32 to index
              %get3A_291 = arith.constant 112 : index
              %get3A_292 = tpu.vector_load %arg8[%get3A_290, %get3A_291] {strides = array<i32>} : memref<400x128xf32, #tpu.memory_space<vmem>>, vector<16xf32>,
              %add3A_293 = arith.constant 1 : i32
              %add3A_294 = arith.addi %squeeze3A_249, %add3A_293 : i32
              %while3A_295 = arith.constant 16 : i32
              %while3A_296 = arith.subi %while3A_295, %add3A_294 : i32
              %while3A_297 = arith.addi %add3A_294, %while3A_296 : i32
              %while3A_298 = arith.constant 1 : i32
              %while3A_299 = arith.divsi %while3A_296, %while3A_298 : i32
              %while3A_300 = arith.muli %while3A_299, %while3A_298 : i32
              %while3A_301 = arith.addi %add3A_294, %while3A_300 : i32
              %while3A_302 = arith.constant 1 : i32
              %while3A_303:8 = scf.for %while3A_306 = %add3A_294 to %while3A_301 step %while3A_302 iter_args(%while3A_307 = %get3A_271, %while3A_308 = %get3A_274, %while3A_309 = %get3A_277, %while3A_310 = %get3A_280, %while3A_311 = %get3A_283, %while3A_312 = %get3A_286, %while3A_313 = %get3A_289, %while3A_314 = %get3A_292) -> (vector<16xf32>, vector<16xf32>, vector<16xf32>, vector<16xf32>, vector<16xf32>, vector<16xf32>, vector<16xf32>, vector<16xf32>)  : i32 {
                %add3A_315 = arith.addi %mul3A_194, %while3A_306 : i32
                %get3A_316 = arith.index_cast %add3A_315 : i32 to index
                %get3A_317 = arith.constant 0 : index
                %get3A_318 = tpu.vector_load %arg8[%get3A_316, %get3A_317] {strides = array<i32>} : memref<400x128xf32, #tpu.memory_space<vmem>>, vector<16xf32>,
                %get3A_319 = arith.index_cast %add3A_315 : i32 to index
                %get3A_320 = arith.constant 16 : index
                %get3A_321 = tpu.vector_load %arg8[%get3A_319, %get3A_320] {strides = array<i32>} : memref<400x128xf32, #tpu.memory_space<vmem>>, vector<16xf32>,
                %get3A_322 = arith.index_cast %add3A_315 : i32 to index
                %get3A_323 = arith.constant 32 : index
                %get3A_324 = tpu.vector_load %arg8[%get3A_322, %get3A_323] {strides = array<i32>} : memref<400x128xf32, #tpu.memory_space<vmem>>, vector<16xf32>,
                %get3A_325 = arith.index_cast %add3A_315 : i32 to index
                %get3A_326 = arith.constant 48 : index
                %get3A_327 = tpu.vector_load %arg8[%get3A_325, %get3A_326] {strides = array<i32>} : memref<400x128xf32, #tpu.memory_space<vmem>>, vector<16xf32>,
                %get3A_328 = arith.index_cast %add3A_315 : i32 to index
                %get3A_329 = arith.constant 64 : index
                %get3A_330 = tpu.vector_load %arg8[%get3A_328, %get3A_329] {strides = array<i32>} : memref<400x128xf32, #tpu.memory_space<vmem>>, vector<16xf32>,
                %get3A_331 = arith.index_cast %add3A_315 : i32 to index
                %get3A_332 = arith.constant 80 : index
                %get3A_333 = tpu.vector_load %arg8[%get3A_331, %get3A_332] {strides = array<i32>} : memref<400x128xf32, #tpu.memory_space<vmem>>, vector<16xf32>,
                %get3A_334 = arith.index_cast %add3A_315 : i32 to index
                %get3A_335 = arith.constant 96 : index
                %get3A_336 = tpu.vector_load %arg8[%get3A_334, %get3A_335] {strides = array<i32>} : memref<400x128xf32, #tpu.memory_space<vmem>>, vector<16xf32>,
                %get3A_337 = arith.index_cast %add3A_315 : i32 to index
                %get3A_338 = arith.constant 112 : index
                %get3A_339 = tpu.vector_load %arg8[%get3A_337, %get3A_338] {strides = array<i32>} : memref<400x128xf32, #tpu.memory_space<vmem>>, vector<16xf32>,
                %max3A_340 = arith.maximumf %while3A_307, %get3A_318 : vector<16xf32>
                %max3A_341 = arith.maximumf %while3A_308, %get3A_321 : vector<16xf32>
                %max3A_342 = arith.maximumf %while3A_309, %get3A_324 : vector<16xf32>
                %max3A_343 = arith.maximumf %while3A_310, %get3A_327 : vector<16xf32>
                %max3A_344 = arith.maximumf %while3A_311, %get3A_330 : vector<16xf32>
                %max3A_345 = arith.maximumf %while3A_312, %get3A_333 : vector<16xf32>
                %max3A_346 = arith.maximumf %while3A_313, %get3A_336 : vector<16xf32>
                %max3A_347 = arith.maximumf %while3A_314, %get3A_339 : vector<16xf32>
                scf.yield %max3A_340, %max3A_341, %max3A_342, %max3A_343, %max3A_344, %max3A_345, %max3A_346, %max3A_347 : vector<16xf32>, vector<16xf32>, vector<16xf32>, vector<16xf32>, vector<16xf32>, vector<16xf32>, vector<16xf32>, vector<16xf32>
              }
              %while3A_304 = arith.constant 1 : i32
              %while3A_305:8 = scf.for %while3A_306 = %while3A_301 to %while3A_297 step %while3A_304 iter_args(%while3A_307 = %while3A_303#0, %while3A_308 = %while3A_303#1, %while3A_309 = %while3A_303#2, %while3A_310 = %while3A_303#3, %while3A_311 = %while3A_303#4, %while3A_312 = %while3A_303#5, %while3A_313 = %while3A_303#6, %while3A_314 = %while3A_303#7) -> (vector<16xf32>, vector<16xf32>, vector<16xf32>, vector<16xf32>, vector<16xf32>, vector<16xf32>, vector<16xf32>, vector<16xf32>)  : i32 {
                %add3A_315 = arith.addi %mul3A_194, %while3A_306 : i32
                %get3A_316 = arith.index_cast %add3A_315 : i32 to index
                %get3A_317 = arith.constant 0 : index
                %get3A_318 = tpu.vector_load %arg8[%get3A_316, %get3A_317] {strides = array<i32>} : memref<400x128xf32, #tpu.memory_space<vmem>>, vector<16xf32>,
                %get3A_319 = arith.index_cast %add3A_315 : i32 to index
                %get3A_320 = arith.constant 16 : index
                %get3A_321 = tpu.vector_load %arg8[%get3A_319, %get3A_320] {strides = array<i32>} : memref<400x128xf32, #tpu.memory_space<vmem>>, vector<16xf32>,
                %get3A_322 = arith.index_cast %add3A_315 : i32 to index
                %get3A_323 = arith.constant 32 : index
                %get3A_324 = tpu.vector_load %arg8[%get3A_322, %get3A_323] {strides = array<i32>} : memref<400x128xf32, #tpu.memory_space<vmem>>, vector<16xf32>,
                %get3A_325 = arith.index_cast %add3A_315 : i32 to index
                %get3A_326 = arith.constant 48 : index
                %get3A_327 = tpu.vector_load %arg8[%get3A_325, %get3A_326] {strides = array<i32>} : memref<400x128xf32, #tpu.memory_space<vmem>>, vector<16xf32>,
                %get3A_328 = arith.index_cast %add3A_315 : i32 to index
                %get3A_329 = arith.constant 64 : index
                %get3A_330 = tpu.vector_load %arg8[%get3A_328, %get3A_329] {strides = array<i32>} : memref<400x128xf32, #tpu.memory_space<vmem>>, vector<16xf32>,
                %get3A_331 = arith.index_cast %add3A_315 : i32 to index
                %get3A_332 = arith.constant 80 : index
                %get3A_333 = tpu.vector_load %arg8[%get3A_331, %get3A_332] {strides = array<i32>} : memref<400x128xf32, #tpu.memory_space<vmem>>, vector<16xf32>,
                %get3A_334 = arith.index_cast %add3A_315 : i32 to index
                %get3A_335 = arith.constant 96 : index
                %get3A_336 = tpu.vector_load %arg8[%get3A_334, %get3A_335] {strides = array<i32>} : memref<400x128xf32, #tpu.memory_space<vmem>>, vector<16xf32>,
                %get3A_337 = arith.index_cast %add3A_315 : i32 to index
                %get3A_338 = arith.constant 112 : index
                %get3A_339 = tpu.vector_load %arg8[%get3A_337, %get3A_338] {strides = array<i32>} : memref<400x128xf32, #tpu.memory_space<vmem>>, vector<16xf32>,
                %max3A_340 = arith.maximumf %while3A_307, %get3A_318 : vector<16xf32>
                %max3A_341 = arith.maximumf %while3A_308, %get3A_321 : vector<16xf32>
                %max3A_342 = arith.maximumf %while3A_309, %get3A_324 : vector<16xf32>
                %max3A_343 = arith.maximumf %while3A_310, %get3A_327 : vector<16xf32>
                %max3A_344 = arith.maximumf %while3A_311, %get3A_330 : vector<16xf32>
                %max3A_345 = arith.maximumf %while3A_312, %get3A_333 : vector<16xf32>
                %max3A_346 = arith.maximumf %while3A_313, %get3A_336 : vector<16xf32>
                %max3A_347 = arith.maximumf %while3A_314, %get3A_339 : vector<16xf32>
                scf.yield %max3A_340, %max3A_341, %max3A_342, %max3A_343, %max3A_344, %max3A_345, %max3A_346, %max3A_347 : vector<16xf32>, vector<16xf32>, vector<16xf32>, vector<16xf32>, vector<16xf32>, vector<16xf32>, vector<16xf32>, vector<16xf32>
              }
              scf.yield %squeeze3A_266, %while3A_267#0, %while3A_267#1, %while3A_305#0, %while3A_305#1, %while3A_305#2, %while3A_305#3, %while3A_305#4, %while3A_305#5, %while3A_305#6, %while3A_305#7 : i32, i32, i32, vector<16xf32>, vector<16xf32>, vector<16xf32>, vector<16xf32>, vector<16xf32>, vector<16xf32>, vector<16xf32>, vector<16xf32>
            } else {
              %while3A_247 = arith.constant 0 : i32
              %while3A_248:12 = scf.while (%while3A_249 = %while3A_247, %while3A_250 = %scan3A_182, %while3A_251 = %scan3A_183, %while3A_252 = %scan3A_184, %while3A_253 = %scan3A_185, %while3A_254 = %scan3A_186, %while3A_255 = %scan3A_187, %while3A_256 = %scan3A_188, %while3A_257 = %scan3A_189, %while3A_258 = %scan3A_190, %while3A_259 = %scan3A_191, %while3A_260 = %scan3A_192) : (i32, i32, i32, i32, vector<16xf32>, vector<16xf32>, vector<16xf32>, vector<16xf32>, vector<16xf32>, vector<16xf32>, vector<16xf32>, vector<16xf32>) -> (i32, i32, i32, i32, vector<16xf32>, vector<16xf32>, vector<16xf32>, vector<16xf32>, vector<16xf32>, vector<16xf32>, vector<16xf32>, vector<16xf32>) {
                %lt3A_261 = arith.cmpi slt, %while3A_249, %select_n3A_234 : i32
                scf.condition(%lt3A_261) %while3A_249, %while3A_250, %while3A_251, %while3A_252, %while3A_253, %while3A_254, %while3A_255, %while3A_256, %while3A_257, %while3A_258, %while3A_259, %while3A_260 : i32, i32, i32, i32, vector<16xf32>, vector<16xf32>, vector<16xf32>, vector<16xf32>, vector<16xf32>, vector<16xf32>, vector<16xf32>, vector<16xf32>
              } do {
              ^bb0(%while3A_249: i32, %while3A_250: i32, %while3A_251: i32, %while3A_252: i32, %while3A_253: vector<16xf32>, %while3A_254: vector<16xf32>, %while3A_255: vector<16xf32>, %while3A_256: vector<16xf32>, %while3A_257: vector<16xf32>, %while3A_258: vector<16xf32>, %while3A_259: vector<16xf32>, %while3A_260: vector<16xf32>):
                %ge3A_261 = vector.broadcast %while3A_249 : i32 to vector<16xi32>
                %ge3A_262 = arith.cmpi sge, %iota3A, %ge3A_261 : vector<16xi32>
                %and3A_263 = arith.andi %and3A_224, %ge3A_262 : vector<16xi1>
                %all_reduce_population_count3A_264 = tpu.all_reduce %and3A_263 {dim = 0 : i64, kind = #tpu.reduction_kind<sum>} : vector<16xi1> -> vector<16xi32>
                %slice3A_265 = vector.extract_strided_slice %all_reduce_population_count3A_264 {offsets = [0], sizes = [1], strides = [1]} : vector<16xi32> to vector<1xi32>
                %squeeze3A_266 = vector.extract %slice3A_265[0] : i32 from vector<1xi32>
                %gt3A_267 = arith.constant 0 : i32
                %gt3A_268 = arith.cmpi sgt, %squeeze3A_266, %gt3A_267 : i32
                %all_reduce_ffs3A_269 = tpu.all_reduce %and3A_263 {dim = 0 : i64, kind = #tpu.reduction_kind<find_first_set>} : vector<16xi1> -> vector<16xi32>
                %slice3A_270 = vector.extract_strided_slice %all_reduce_ffs3A_269 {offsets = [0], sizes = [1], strides = [1]} : vector<16xi32> to vector<1xi32>
                %squeeze3A_271 = vector.extract %slice3A_270[0] : i32 from vector<1xi32>
                %jit3A_272 = arith.constant 16 : i32
                %select_n3A_273 = arith.select %gt3A_268, %squeeze3A_271, %jit3A_272 : i32
                %min3A_274 = arith.minsi %select_n3A_273, %select_n3A_234 : i32
                %ge3A_275 = arith.constant 0 : i32
                %ge3A_276 = arith.cmpi sge, %while3A_250, %ge3A_275 : i32
                %convert_element_type3A_277 = arith.extui %ge3A_276 : i1 to i32
                %cond3A_278 = arith.constant 0 : i32
                %cond3A_279 = arith.cmpi ne, %convert_element_type3A_277, %cond3A_278 : i32
                %cond3A_280:8 = scf.if %cond3A_279 -> (vector<16xf32>, vector<16xf32>, vector<16xf32>, vector<16xf32>, vector<16xf32>, vector<16xf32>, vector<16xf32>, vector<16xf32>) {
                  %while3A_288 = arith.subi %min3A_274, %while3A_249 : i32
                  %while3A_289 = arith.addi %while3A_249, %while3A_288 : i32
                  %while3A_290 = arith.constant 1 : i32
                  %while3A_291 = arith.divsi %while3A_288, %while3A_290 : i32
                  %while3A_292 = arith.muli %while3A_291, %while3A_290 : i32
                  %while3A_293 = arith.addi %while3A_249, %while3A_292 : i32
                  %while3A_294 = arith.constant 1 : i32
                  %while3A_295:8 = scf.for %while3A_298 = %while3A_249 to %while3A_293 step %while3A_294 iter_args(%while3A_299 = %while3A_253, %while3A_300 = %while3A_254, %while3A_301 = %while3A_255, %while3A_302 = %while3A_256, %while3A_303 = %while3A_257, %while3A_304 = %while3A_258, %while3A_305 = %while3A_259, %while3A_306 = %while3A_260) -> (vector<16xf32>, vector<16xf32>, vector<16xf32>, vector<16xf32>, vector<16xf32>, vector<16xf32>, vector<16xf32>, vector<16xf32>)  : i32 {
                    %add3A_307 = arith.addi %mul3A_194, %while3A_298 : i32
                    %get3A_308 = arith.index_cast %add3A_307 : i32 to index
                    %get3A_309 = arith.constant 0 : index
                    %get3A_310 = tpu.vector_load %arg8[%get3A_308, %get3A_309] {strides = array<i32>} : memref<400x128xf32, #tpu.memory_space<vmem>>, vector<16xf32>,
                    %get3A_311 = arith.index_cast %add3A_307 : i32 to index
                    %get3A_312 = arith.constant 16 : index
                    %get3A_313 = tpu.vector_load %arg8[%get3A_311, %get3A_312] {strides = array<i32>} : memref<400x128xf32, #tpu.memory_space<vmem>>, vector<16xf32>,
                    %get3A_314 = arith.index_cast %add3A_307 : i32 to index
                    %get3A_315 = arith.constant 32 : index
                    %get3A_316 = tpu.vector_load %arg8[%get3A_314, %get3A_315] {strides = array<i32>} : memref<400x128xf32, #tpu.memory_space<vmem>>, vector<16xf32>,
                    %get3A_317 = arith.index_cast %add3A_307 : i32 to index
                    %get3A_318 = arith.constant 48 : index
                    %get3A_319 = tpu.vector_load %arg8[%get3A_317, %get3A_318] {strides = array<i32>} : memref<400x128xf32, #tpu.memory_space<vmem>>, vector<16xf32>,
                    %get3A_320 = arith.index_cast %add3A_307 : i32 to index
                    %get3A_321 = arith.constant 64 : index
                    %get3A_322 = tpu.vector_load %arg8[%get3A_320, %get3A_321] {strides = array<i32>} : memref<400x128xf32, #tpu.memory_space<vmem>>, vector<16xf32>,
                    %get3A_323 = arith.index_cast %add3A_307 : i32 to index
                    %get3A_324 = arith.constant 80 : index
                    %get3A_325 = tpu.vector_load %arg8[%get3A_323, %get3A_324] {strides = array<i32>} : memref<400x128xf32, #tpu.memory_space<vmem>>, vector<16xf32>,
                    %get3A_326 = arith.index_cast %add3A_307 : i32 to index
                    %get3A_327 = arith.constant 96 : index
                    %get3A_328 = tpu.vector_load %arg8[%get3A_326, %get3A_327] {strides = array<i32>} : memref<400x128xf32, #tpu.memory_space<vmem>>, vector<16xf32>,
                    %get3A_329 = arith.index_cast %add3A_307 : i32 to index
                    %get3A_330 = arith.constant 112 : index
                    %get3A_331 = tpu.vector_load %arg8[%get3A_329, %get3A_330] {strides = array<i32>} : memref<400x128xf32, #tpu.memory_space<vmem>>, vector<16xf32>,
                    %max3A_332 = arith.maximumf %while3A_299, %get3A_310 : vector<16xf32>
                    %max3A_333 = arith.maximumf %while3A_300, %get3A_313 : vector<16xf32>
                    %max3A_334 = arith.maximumf %while3A_301, %get3A_316 : vector<16xf32>
                    %max3A_335 = arith.maximumf %while3A_302, %get3A_319 : vector<16xf32>
                    %max3A_336 = arith.maximumf %while3A_303, %get3A_322 : vector<16xf32>
                    %max3A_337 = arith.maximumf %while3A_304, %get3A_325 : vector<16xf32>
                    %max3A_338 = arith.maximumf %while3A_305, %get3A_328 : vector<16xf32>
                    %max3A_339 = arith.maximumf %while3A_306, %get3A_331 : vector<16xf32>
                    scf.yield %max3A_332, %max3A_333, %max3A_334, %max3A_335, %max3A_336, %max3A_337, %max3A_338, %max3A_339 : vector<16xf32>, vector<16xf32>, vector<16xf32>, vector<16xf32>, vector<16xf32>, vector<16xf32>, vector<16xf32>, vector<16xf32>
                  }
                  %while3A_296 = arith.constant 1 : i32
                  %while3A_297:8 = scf.for %while3A_298 = %while3A_293 to %while3A_289 step %while3A_296 iter_args(%while3A_299 = %while3A_295#0, %while3A_300 = %while3A_295#1, %while3A_301 = %while3A_295#2, %while3A_302 = %while3A_295#3, %while3A_303 = %while3A_295#4, %while3A_304 = %while3A_295#5, %while3A_305 = %while3A_295#6, %while3A_306 = %while3A_295#7) -> (vector<16xf32>, vector<16xf32>, vector<16xf32>, vector<16xf32>, vector<16xf32>, vector<16xf32>, vector<16xf32>, vector<16xf32>)  : i32 {
                    %add3A_307 = arith.addi %mul3A_194, %while3A_298 : i32
                    %get3A_308 = arith.index_cast %add3A_307 : i32 to index
                    %get3A_309 = arith.constant 0 : index
                    %get3A_310 = tpu.vector_load %arg8[%get3A_308, %get3A_309] {strides = array<i32>} : memref<400x128xf32, #tpu.memory_space<vmem>>, vector<16xf32>,
                    %get3A_311 = arith.index_cast %add3A_307 : i32 to index
                    %get3A_312 = arith.constant 16 : index
                    %get3A_313 = tpu.vector_load %arg8[%get3A_311, %get3A_312] {strides = array<i32>} : memref<400x128xf32, #tpu.memory_space<vmem>>, vector<16xf32>,
                    %get3A_314 = arith.index_cast %add3A_307 : i32 to index
                    %get3A_315 = arith.constant 32 : index
                    %get3A_316 = tpu.vector_load %arg8[%get3A_314, %get3A_315] {strides = array<i32>} : memref<400x128xf32, #tpu.memory_space<vmem>>, vector<16xf32>,
                    %get3A_317 = arith.index_cast %add3A_307 : i32 to index
                    %get3A_318 = arith.constant 48 : index
                    %get3A_319 = tpu.vector_load %arg8[%get3A_317, %get3A_318] {strides = array<i32>} : memref<400x128xf32, #tpu.memory_space<vmem>>, vector<16xf32>,
                    %get3A_320 = arith.index_cast %add3A_307 : i32 to index
                    %get3A_321 = arith.constant 64 : index
                    %get3A_322 = tpu.vector_load %arg8[%get3A_320, %get3A_321] {strides = array<i32>} : memref<400x128xf32, #tpu.memory_space<vmem>>, vector<16xf32>,
                    %get3A_323 = arith.index_cast %add3A_307 : i32 to index
                    %get3A_324 = arith.constant 80 : index
                    %get3A_325 = tpu.vector_load %arg8[%get3A_323, %get3A_324] {strides = array<i32>} : memref<400x128xf32, #tpu.memory_space<vmem>>, vector<16xf32>,
                    %get3A_326 = arith.index_cast %add3A_307 : i32 to index
                    %get3A_327 = arith.constant 96 : index
                    %get3A_328 = tpu.vector_load %arg8[%get3A_326, %get3A_327] {strides = array<i32>} : memref<400x128xf32, #tpu.memory_space<vmem>>, vector<16xf32>,
                    %get3A_329 = arith.index_cast %add3A_307 : i32 to index
                    %get3A_330 = arith.constant 112 : index
                    %get3A_331 = tpu.vector_load %arg8[%get3A_329, %get3A_330] {strides = array<i32>} : memref<400x128xf32, #tpu.memory_space<vmem>>, vector<16xf32>,
                    %max3A_332 = arith.maximumf %while3A_299, %get3A_310 : vector<16xf32>
                    %max3A_333 = arith.maximumf %while3A_300, %get3A_313 : vector<16xf32>
                    %max3A_334 = arith.maximumf %while3A_301, %get3A_316 : vector<16xf32>
                    %max3A_335 = arith.maximumf %while3A_302, %get3A_319 : vector<16xf32>
                    %max3A_336 = arith.maximumf %while3A_303, %get3A_322 : vector<16xf32>
                    %max3A_337 = arith.maximumf %while3A_304, %get3A_325 : vector<16xf32>
                    %max3A_338 = arith.maximumf %while3A_305, %get3A_328 : vector<16xf32>
                    %max3A_339 = arith.maximumf %while3A_306, %get3A_331 : vector<16xf32>
                    scf.yield %max3A_332, %max3A_333, %max3A_334, %max3A_335, %max3A_336, %max3A_337, %max3A_338, %max3A_339 : vector<16xf32>, vector<16xf32>, vector<16xf32>, vector<16xf32>, vector<16xf32>, vector<16xf32>, vector<16xf32>, vector<16xf32>
                  }
                  scf.yield %while3A_297#0, %while3A_297#1, %while3A_297#2, %while3A_297#3, %while3A_297#4, %while3A_297#5, %while3A_297#6, %while3A_297#7 : vector<16xf32>, vector<16xf32>, vector<16xf32>, vector<16xf32>, vector<16xf32>, vector<16xf32>, vector<16xf32>, vector<16xf32>
                } else {
                  scf.yield %while3A_253, %while3A_254, %while3A_255, %while3A_256, %while3A_257, %while3A_258, %while3A_259, %while3A_260 : vector<16xf32>, vector<16xf32>, vector<16xf32>, vector<16xf32>, vector<16xf32>, vector<16xf32>, vector<16xf32>, vector<16xf32>
                }
                %lt3A_281 = arith.cmpi slt, %min3A_274, %select_n3A_234 : i32
                %convert_element_type3A_282 = arith.extui %lt3A_281 : i1 to i32
                %cond3A_283 = arith.constant 0 : i32
                %cond3A_284 = arith.cmpi ne, %convert_element_type3A_282, %cond3A_283 : i32
                %cond3A_285:11 = scf.if %cond3A_284 -> (i32, i32, i32, vector<16xf32>, vector<16xf32>, vector<16xf32>, vector<16xf32>, vector<16xf32>, vector<16xf32>, vector<16xf32>, vector<16xf32>) {
                  %ge3A_288 = arith.constant 0 : i32
                  %ge3A_289 = arith.cmpi sge, %while3A_250, %ge3A_288 : i32
                  %convert_element_type3A_290 = arith.extui %ge3A_289 : i1 to i32
                  %cond3A_291 = arith.constant 0 : i32
                  %cond3A_292 = arith.cmpi ne, %convert_element_type3A_290, %cond3A_291 : i32
                  %cond3A_293:2 = scf.if %cond3A_292 -> (i32, i32) {
                    %sub3A_325 = arith.subi %while3A_251, %while3A_252 : i32
                    %sub3A_326 = arith.subi %while3A_252, %select_n3A : i32
                    %shift_right_logical3A_327 = arith.constant 6 : i32
                    %shift_right_logical3A_328 = arith.shrui %sub3A_326, %shift_right_logical3A_327 : i32
                    %and3A_329 = arith.constant 1 : i32
                    %and3A_330 = arith.andi %shift_right_logical3A_328, %and3A_329 : i32
                    %mul3A_331 = arith.constant 64 : i32
                    %mul3A_332 = arith.muli %and3A_330, %mul3A_331 : i32
                    %add3A_333 = arith.addi %sub3A_325, %mul3A_332 : i32
                    %swap3A = arith.index_cast %add3A_333 : i32 to index
                    %swap3A_334 = arith.constant 0 : index
                    %swap3A_335 = tpu.vector_load %arg10[%swap3A, %swap3A_334] {strides = array<i32>} : memref<128x128xf32, #tpu.memory_space<vmem>>, vector<16xf32>,
                    tpu.vector_store %arg10[%swap3A, %swap3A_334], %cond3A_280#0 {strides = array<i32>} : memref<128x128xf32, #tpu.memory_space<vmem>>, vector<16xf32>,
                    %mul3A_336 = arith.constant 64 : i32
                    %mul3A_337 = arith.muli %and3A_330, %mul3A_336 : i32
                    %add3A_338 = arith.addi %sub3A_325, %mul3A_337 : i32
                    %swap3A_339 = arith.index_cast %add3A_338 : i32 to index
                    %swap3A_340 = arith.constant 16 : index
                    %swap3A_341 = tpu.vector_load %arg10[%swap3A_339, %swap3A_340] {strides = array<i32>} : memref<128x128xf32, #tpu.memory_space<vmem>>, vector<16xf32>,
                    tpu.vector_store %arg10[%swap3A_339, %swap3A_340], %cond3A_280#1 {strides = array<i32>} : memref<128x128xf32, #tpu.memory_space<vmem>>, vector<16xf32>,
                    %mul3A_342 = arith.constant 64 : i32
                    %mul3A_343 = arith.muli %and3A_330, %mul3A_342 : i32
                    %add3A_344 = arith.addi %sub3A_325, %mul3A_343 : i32
                    %swap3A_345 = arith.index_cast %add3A_344 : i32 to index
                    %swap3A_346 = arith.constant 32 : index
                    %swap3A_347 = tpu.vector_load %arg10[%swap3A_345, %swap3A_346] {strides = array<i32>} : memref<128x128xf32, #tpu.memory_space<vmem>>, vector<16xf32>,
                    tpu.vector_store %arg10[%swap3A_345, %swap3A_346], %cond3A_280#2 {strides = array<i32>} : memref<128x128xf32, #tpu.memory_space<vmem>>, vector<16xf32>,
                    %mul3A_348 = arith.constant 64 : i32
                    %mul3A_349 = arith.muli %and3A_330, %mul3A_348 : i32
                    %add3A_350 = arith.addi %sub3A_325, %mul3A_349 : i32
                    %swap3A_351 = arith.index_cast %add3A_350 : i32 to index
                    %swap3A_352 = arith.constant 48 : index
                    %swap3A_353 = tpu.vector_load %arg10[%swap3A_351, %swap3A_352] {strides = array<i32>} : memref<128x128xf32, #tpu.memory_space<vmem>>, vector<16xf32>,
                    tpu.vector_store %arg10[%swap3A_351, %swap3A_352], %cond3A_280#3 {strides = array<i32>} : memref<128x128xf32, #tpu.memory_space<vmem>>, vector<16xf32>,
                    %mul3A_354 = arith.constant 64 : i32
                    %mul3A_355 = arith.muli %and3A_330, %mul3A_354 : i32
                    %add3A_356 = arith.addi %sub3A_325, %mul3A_355 : i32
                    %swap3A_357 = arith.index_cast %add3A_356 : i32 to index
                    %swap3A_358 = arith.constant 64 : index
                    %swap3A_359 = tpu.vector_load %arg10[%swap3A_357, %swap3A_358] {strides = array<i32>} : memref<128x128xf32, #tpu.memory_space<vmem>>, vector<16xf32>,
                    tpu.vector_store %arg10[%swap3A_357, %swap3A_358], %cond3A_280#4 {strides = array<i32>} : memref<128x128xf32, #tpu.memory_space<vmem>>, vector<16xf32>,
                    %mul3A_360 = arith.constant 64 : i32
                    %mul3A_361 = arith.muli %and3A_330, %mul3A_360 : i32
                    %add3A_362 = arith.addi %sub3A_325, %mul3A_361 : i32
                    %swap3A_363 = arith.index_cast %add3A_362 : i32 to index
                    %swap3A_364 = arith.constant 80 : index
                    %swap3A_365 = tpu.vector_load %arg10[%swap3A_363, %swap3A_364] {strides = array<i32>} : memref<128x128xf32, #tpu.memory_space<vmem>>, vector<16xf32>,
                    tpu.vector_store %arg10[%swap3A_363, %swap3A_364], %cond3A_280#5 {strides = array<i32>} : memref<128x128xf32, #tpu.memory_space<vmem>>, vector<16xf32>,
                    %mul3A_366 = arith.constant 64 : i32
                    %mul3A_367 = arith.muli %and3A_330, %mul3A_366 : i32
                    %add3A_368 = arith.addi %sub3A_325, %mul3A_367 : i32
                    %swap3A_369 = arith.index_cast %add3A_368 : i32 to index
                    %swap3A_370 = arith.constant 96 : index
                    %swap3A_371 = tpu.vector_load %arg10[%swap3A_369, %swap3A_370] {strides = array<i32>} : memref<128x128xf32, #tpu.memory_space<vmem>>, vector<16xf32>,
                    tpu.vector_store %arg10[%swap3A_369, %swap3A_370], %cond3A_280#6 {strides = array<i32>} : memref<128x128xf32, #tpu.memory_space<vmem>>, vector<16xf32>,
                    %mul3A_372 = arith.constant 64 : i32
                    %mul3A_373 = arith.muli %and3A_330, %mul3A_372 : i32
                    %add3A_374 = arith.addi %sub3A_325, %mul3A_373 : i32
                    %swap3A_375 = arith.index_cast %add3A_374 : i32 to index
                    %swap3A_376 = arith.constant 112 : index
                    %swap3A_377 = tpu.vector_load %arg10[%swap3A_375, %swap3A_376] {strides = array<i32>} : memref<128x128xf32, #tpu.memory_space<vmem>>, vector<16xf32>,
                    tpu.vector_store %arg10[%swap3A_375, %swap3A_376], %cond3A_280#7 {strides = array<i32>} : memref<128x128xf32, #tpu.memory_space<vmem>>, vector<16xf32>,
                    %eq3A_378 = arith.constant 63 : i32
                    %eq3A_379 = arith.cmpi eq, %sub3A_325, %eq3A_378 : i32
                    %convert_element_type3A_380 = arith.extui %eq3A_379 : i1 to i32
                    %cond3A_381 = arith.constant 0 : i32
                    %cond3A_382 = arith.cmpi ne, %convert_element_type3A_380, %cond3A_381 : i32
                    %cond3A_383 = scf.if %cond3A_382 -> (i32) {
                      %eq3A_386 = arith.constant 0 : i32
                      %eq3A_387 = arith.cmpi eq, %and3A_330, %eq3A_386 : i32
                      %convert_element_type3A_388 = arith.extui %eq3A_387 : i1 to i32
                      %cond3A_389 = arith.constant 0 : i32
                      %cond3A_390 = arith.cmpi ne, %convert_element_type3A_388, %cond3A_389 : i32
                      scf.if %cond3A_390 {
                        %dma_start3A_399 = arith.constant 4 : i32
                        %dma_start3A_400 = arith.constant 0 : i32
                        %dma_start3A_401 = arith.constant 0 : i32
                        %dma_start3A_402 = tpu.memref_slice %arg10[%dma_start3A_400, %dma_start3A_401] : memref<128x128xf32, #tpu.memory_space<vmem>> -> memref<64x128xf32, #tpu.memory_space<vmem>>
                        %dma_start3A_403 = arith.constant 0 : i32
                        %dma_start3A_404 = tpu.memref_slice %arg4[%while3A_252, %dma_start3A_403] : memref<10000x128xf32, #tpu.memory_space<hbm>> -> memref<64x128xf32, #tpu.memory_space<hbm>>
                        %dma_start3A_405 = tpu.memref_slice %arg11[%dma_start3A_399] : memref<6x!tpu.dma_semaphore, #tpu.memory_space<semaphore_mem>> -> memref<1x!tpu.dma_semaphore, #tpu.memory_space<semaphore_mem>>
                        %dma_start3A_406 = tpu.memref_squeeze %dma_start3A_405 : memref<1x!tpu.dma_semaphore, #tpu.memory_space<semaphore_mem>> -> memref<!tpu.dma_semaphore, #tpu.memory_space<semaphore_mem>>
                        %dma_start3A_407 = arith.constant 0 : i32
                        %dma_start3A_408 = tpu.memref_slice %arg4[%while3A_252, %dma_start3A_407] : memref<10000x128xf32, #tpu.memory_space<hbm>> -> memref<64x128xf32, #tpu.memory_space<hbm>>
                        %dma_start3A_409 = arith.constant 0 : i32
                        %dma_start3A_410 = arith.constant 0 : i32
                        %dma_start3A_411 = tpu.memref_slice %arg10[%dma_start3A_409, %dma_start3A_410] : memref<128x128xf32, #tpu.memory_space<vmem>> -> memref<64x128xf32, #tpu.memory_space<vmem>>
                        tpu.enqueue_dma source(%dma_start3A_411 : memref<64x128xf32, #tpu.memory_space<vmem>>) target(%dma_start3A_408 : memref<64x128xf32, #tpu.memory_space<hbm>>) target_semaphore(%dma_start3A_406 : memref<!tpu.dma_semaphore, #tpu.memory_space<semaphore_mem>>)
                      } else {
                        %dma_start3A_399 = arith.constant 5 : i32
                        %dma_start3A_400 = arith.constant 64 : i32
                        %dma_start3A_401 = arith.constant 0 : i32
                        %dma_start3A_402 = tpu.memref_slice %arg10[%dma_start3A_400, %dma_start3A_401] : memref<128x128xf32, #tpu.memory_space<vmem>> -> memref<64x128xf32, #tpu.memory_space<vmem>>
                        %dma_start3A_403 = arith.constant 0 : i32
                        %dma_start3A_404 = tpu.memref_slice %arg4[%while3A_252, %dma_start3A_403] : memref<10000x128xf32, #tpu.memory_space<hbm>> -> memref<64x128xf32, #tpu.memory_space<hbm>>
                        %dma_start3A_405 = tpu.memref_slice %arg11[%dma_start3A_399] : memref<6x!tpu.dma_semaphore, #tpu.memory_space<semaphore_mem>> -> memref<1x!tpu.dma_semaphore, #tpu.memory_space<semaphore_mem>>
                        %dma_start3A_406 = tpu.memref_squeeze %dma_start3A_405 : memref<1x!tpu.dma_semaphore, #tpu.memory_space<semaphore_mem>> -> memref<!tpu.dma_semaphore, #tpu.memory_space<semaphore_mem>>
                        %dma_start3A_407 = arith.constant 0 : i32
                        %dma_start3A_408 = tpu.memref_slice %arg4[%while3A_252, %dma_start3A_407] : memref<10000x128xf32, #tpu.memory_space<hbm>> -> memref<64x128xf32, #tpu.memory_space<hbm>>
                        %dma_start3A_409 = arith.constant 64 : i32
                        %dma_start3A_410 = arith.constant 0 : i32
                        %dma_start3A_411 = tpu.memref_slice %arg10[%dma_start3A_409, %dma_start3A_410] : memref<128x128xf32, #tpu.memory_space<vmem>> -> memref<64x128xf32, #tpu.memory_space<vmem>>
                        tpu.enqueue_dma source(%dma_start3A_411 : memref<64x128xf32, #tpu.memory_space<vmem>>) target(%dma_start3A_408 : memref<64x128xf32, #tpu.memory_space<hbm>>) target_semaphore(%dma_start3A_406 : memref<!tpu.dma_semaphore, #tpu.memory_space<semaphore_mem>>)
                      }
                      %sub3A_391 = arith.subi %while3A_252, %select_n3A : i32
                      %ge3A_392 = arith.constant 64 : i32
                      %ge3A_393 = arith.cmpi sge, %sub3A_391, %ge3A_392 : i32
                      %convert_element_type3A_394 = arith.extui %ge3A_393 : i1 to i32
                      %cond3A_395 = arith.constant 0 : i32
                      %cond3A_396 = arith.cmpi ne, %convert_element_type3A_394, %cond3A_395 : i32
                      scf.if %cond3A_396 {
                        %eq3A_399 = arith.constant 0 : i32
                        %eq3A_400 = arith.cmpi eq, %and3A_330, %eq3A_399 : i32
                        %convert_element_type3A_401 = arith.extui %eq3A_400 : i1 to i32
                        %cond3A_402 = arith.constant 0 : i32
                        %cond3A_403 = arith.cmpi ne, %convert_element_type3A_401, %cond3A_402 : i32
                        scf.if %cond3A_403 {
                          %dma_wait3A_404 = arith.constant 5 : i32
                          %dma_wait3A_405 = arith.constant 64 : i32
                          %dma_wait3A_406 = arith.constant 0 : i32
                          %dma_wait3A_407 = tpu.memref_slice %arg10[%dma_wait3A_405, %dma_wait3A_406] : memref<128x128xf32, #tpu.memory_space<vmem>> -> memref<64x128xf32, #tpu.memory_space<vmem>>
                          %dma_wait3A_408 = arith.constant 0 : i32
                          %dma_wait3A_409 = arith.constant 0 : i32
                          %dma_wait3A_410 = tpu.memref_slice %arg4[%dma_wait3A_408, %dma_wait3A_409] : memref<10000x128xf32, #tpu.memory_space<hbm>> -> memref<64x128xf32, #tpu.memory_space<hbm>>
                          %dma_wait3A_411 = tpu.memref_slice %arg11[%dma_wait3A_404] : memref<6x!tpu.dma_semaphore, #tpu.memory_space<semaphore_mem>> -> memref<1x!tpu.dma_semaphore, #tpu.memory_space<semaphore_mem>>
                          %dma_wait3A_412 = tpu.memref_squeeze %dma_wait3A_411 : memref<1x!tpu.dma_semaphore, #tpu.memory_space<semaphore_mem>> -> memref<!tpu.dma_semaphore, #tpu.memory_space<semaphore_mem>>
                          %dma_wait3A_413 = arith.constant 0 : i32
                          %dma_wait3A_414 = arith.constant 0 : i32
                          %dma_wait3A_415 = tpu.memref_slice %arg4[%dma_wait3A_413, %dma_wait3A_414] : memref<10000x128xf32, #tpu.memory_space<hbm>> -> memref<64x128xf32, #tpu.memory_space<hbm>>
                          %dma_wait3A_416 = arith.constant 64 : i32
                          %dma_wait3A_417 = arith.constant 0 : i32
                          %dma_wait3A_418 = tpu.memref_slice %arg10[%dma_wait3A_416, %dma_wait3A_417] : memref<128x128xf32, #tpu.memory_space<vmem>> -> memref<64x128xf32, #tpu.memory_space<vmem>>
                          tpu.wait_dma2 semaphore(%dma_wait3A_412 : memref<!tpu.dma_semaphore, #tpu.memory_space<semaphore_mem>>) src(%dma_wait3A_418 : memref<64x128xf32, #tpu.memory_space<vmem>>) dst(%dma_wait3A_415 : memref<64x128xf32, #tpu.memory_space<hbm>>)
                        } else {
                          %dma_wait3A_404 = arith.constant 4 : i32
                          %dma_wait3A_405 = arith.constant 0 : i32
                          %dma_wait3A_406 = arith.constant 0 : i32
                          %dma_wait3A_407 = tpu.memref_slice %arg10[%dma_wait3A_405, %dma_wait3A_406] : memref<128x128xf32, #tpu.memory_space<vmem>> -> memref<64x128xf32, #tpu.memory_space<vmem>>
                          %dma_wait3A_408 = arith.constant 0 : i32
                          %dma_wait3A_409 = arith.constant 0 : i32
                          %dma_wait3A_410 = tpu.memref_slice %arg4[%dma_wait3A_408, %dma_wait3A_409] : memref<10000x128xf32, #tpu.memory_space<hbm>> -> memref<64x128xf32, #tpu.memory_space<hbm>>
                          %dma_wait3A_411 = tpu.memref_slice %arg11[%dma_wait3A_404] : memref<6x!tpu.dma_semaphore, #tpu.memory_space<semaphore_mem>> -> memref<1x!tpu.dma_semaphore, #tpu.memory_space<semaphore_mem>>
                          %dma_wait3A_412 = tpu.memref_squeeze %dma_wait3A_411 : memref<1x!tpu.dma_semaphore, #tpu.memory_space<semaphore_mem>> -> memref<!tpu.dma_semaphore, #tpu.memory_space<semaphore_mem>>
                          %dma_wait3A_413 = arith.constant 0 : i32
                          %dma_wait3A_414 = arith.constant 0 : i32
                          %dma_wait3A_415 = tpu.memref_slice %arg4[%dma_wait3A_413, %dma_wait3A_414] : memref<10000x128xf32, #tpu.memory_space<hbm>> -> memref<64x128xf32, #tpu.memory_space<hbm>>
                          %dma_wait3A_416 = arith.constant 0 : i32
                          %dma_wait3A_417 = arith.constant 0 : i32
                          %dma_wait3A_418 = tpu.memref_slice %arg10[%dma_wait3A_416, %dma_wait3A_417] : memref<128x128xf32, #tpu.memory_space<vmem>> -> memref<64x128xf32, #tpu.memory_space<vmem>>
                          tpu.wait_dma2 semaphore(%dma_wait3A_412 : memref<!tpu.dma_semaphore, #tpu.memory_space<semaphore_mem>>) src(%dma_wait3A_418 : memref<64x128xf32, #tpu.memory_space<vmem>>) dst(%dma_wait3A_415 : memref<64x128xf32, #tpu.memory_space<hbm>>)
                        }
                      } else {
                      }
                      %add3A_397 = arith.constant 64 : i32
                      %add3A_398 = arith.addi %while3A_252, %add3A_397 : i32
                      scf.yield %add3A_398 : i32
                    } else {
                      scf.yield %while3A_252 : i32
                    }
                    %add3A_384 = arith.constant 1 : i32
                    %add3A_385 = arith.addi %while3A_251, %add3A_384 : i32
                    scf.yield %add3A_385, %cond3A_383 : i32, i32
                  } else {
                    scf.yield %while3A_251, %while3A_252 : i32, i32
                  }
                  %add3A_294 = arith.addi %mul3A_194, %min3A_274 : i32
                  %broadcast_in_dim3A_295 = vector.broadcast %add3A_294 : i32 to vector<16xi32>
                  %gather3A_296 = tpu.vector_load_idx %arg6[%broadcast_in_dim3A_295] : memref<400xi32, #tpu.memory_space<vmem>>[vector<16xi32>], vector<16xi32>,
                  %slice3A_297 = vector.extract_strided_slice %gather3A_296 {offsets = [0], sizes = [1], strides = [1]} : vector<16xi32> to vector<1xi32>
                  %squeeze3A_298 = vector.extract %slice3A_297[0] : i32 from vector<1xi32>
                  %while3A_299:2 = scf.while (%while3A_325 = %cond3A_293#0, %while3A_326 = %cond3A_293#1) : (i32, i32) -> (i32, i32) {
                    %lt3A_327 = arith.cmpi slt, %while3A_325, %squeeze3A_298 : i32
                    scf.condition(%lt3A_327) %while3A_325, %while3A_326 : i32, i32
                  } do {
                  ^bb0(%while3A_325: i32, %while3A_326: i32):
                    %sub3A_327 = arith.subi %while3A_325, %while3A_326 : i32
                    %sub3A_328 = arith.subi %while3A_326, %select_n3A : i32
                    %shift_right_logical3A_329 = arith.constant 6 : i32
                    %shift_right_logical3A_330 = arith.shrui %sub3A_328, %shift_right_logical3A_329 : i32
                    %and3A_331 = arith.constant 1 : i32
                    %and3A_332 = arith.andi %shift_right_logical3A_330, %and3A_331 : i32
                    %mul3A_333 = arith.constant 64 : i32
                    %mul3A_334 = arith.muli %and3A_332, %mul3A_333 : i32
                    %add3A_335 = arith.addi %sub3A_327, %mul3A_334 : i32
                    %swap3A = arith.index_cast %add3A_335 : i32 to index
                    %swap3A_336 = arith.constant 0 : index
                    %swap3A_337 = tpu.vector_load %arg10[%swap3A, %swap3A_336] {strides = array<i32>} : memref<128x128xf32, #tpu.memory_space<vmem>>, vector<16xf32>,
                    tpu.vector_store %arg10[%swap3A, %swap3A_336], %broadcast_in_dim3A_19 {strides = array<i32>} : memref<128x128xf32, #tpu.memory_space<vmem>>, vector<16xf32>,
                    %mul3A_338 = arith.constant 64 : i32
                    %mul3A_339 = arith.muli %and3A_332, %mul3A_338 : i32
                    %add3A_340 = arith.addi %sub3A_327, %mul3A_339 : i32
                    %swap3A_341 = arith.index_cast %add3A_340 : i32 to index
                    %swap3A_342 = arith.constant 16 : index
                    %swap3A_343 = tpu.vector_load %arg10[%swap3A_341, %swap3A_342] {strides = array<i32>} : memref<128x128xf32, #tpu.memory_space<vmem>>, vector<16xf32>,
                    tpu.vector_store %arg10[%swap3A_341, %swap3A_342], %broadcast_in_dim3A_19 {strides = array<i32>} : memref<128x128xf32, #tpu.memory_space<vmem>>, vector<16xf32>,
                    %mul3A_344 = arith.constant 64 : i32
                    %mul3A_345 = arith.muli %and3A_332, %mul3A_344 : i32
                    %add3A_346 = arith.addi %sub3A_327, %mul3A_345 : i32
                    %swap3A_347 = arith.index_cast %add3A_346 : i32 to index
                    %swap3A_348 = arith.constant 32 : index
                    %swap3A_349 = tpu.vector_load %arg10[%swap3A_347, %swap3A_348] {strides = array<i32>} : memref<128x128xf32, #tpu.memory_space<vmem>>, vector<16xf32>,
                    tpu.vector_store %arg10[%swap3A_347, %swap3A_348], %broadcast_in_dim3A_19 {strides = array<i32>} : memref<128x128xf32, #tpu.memory_space<vmem>>, vector<16xf32>,
                    %mul3A_350 = arith.constant 64 : i32
                    %mul3A_351 = arith.muli %and3A_332, %mul3A_350 : i32
                    %add3A_352 = arith.addi %sub3A_327, %mul3A_351 : i32
                    %swap3A_353 = arith.index_cast %add3A_352 : i32 to index
                    %swap3A_354 = arith.constant 48 : index
                    %swap3A_355 = tpu.vector_load %arg10[%swap3A_353, %swap3A_354] {strides = array<i32>} : memref<128x128xf32, #tpu.memory_space<vmem>>, vector<16xf32>,
                    tpu.vector_store %arg10[%swap3A_353, %swap3A_354], %broadcast_in_dim3A_19 {strides = array<i32>} : memref<128x128xf32, #tpu.memory_space<vmem>>, vector<16xf32>,
                    %mul3A_356 = arith.constant 64 : i32
                    %mul3A_357 = arith.muli %and3A_332, %mul3A_356 : i32
                    %add3A_358 = arith.addi %sub3A_327, %mul3A_357 : i32
                    %swap3A_359 = arith.index_cast %add3A_358 : i32 to index
                    %swap3A_360 = arith.constant 64 : index
                    %swap3A_361 = tpu.vector_load %arg10[%swap3A_359, %swap3A_360] {strides = array<i32>} : memref<128x128xf32, #tpu.memory_space<vmem>>, vector<16xf32>,
                    tpu.vector_store %arg10[%swap3A_359, %swap3A_360], %broadcast_in_dim3A_19 {strides = array<i32>} : memref<128x128xf32, #tpu.memory_space<vmem>>, vector<16xf32>,
                    %mul3A_362 = arith.constant 64 : i32
                    %mul3A_363 = arith.muli %and3A_332, %mul3A_362 : i32
                    %add3A_364 = arith.addi %sub3A_327, %mul3A_363 : i32
                    %swap3A_365 = arith.index_cast %add3A_364 : i32 to index
                    %swap3A_366 = arith.constant 80 : index
                    %swap3A_367 = tpu.vector_load %arg10[%swap3A_365, %swap3A_366] {strides = array<i32>} : memref<128x128xf32, #tpu.memory_space<vmem>>, vector<16xf32>,
                    tpu.vector_store %arg10[%swap3A_365, %swap3A_366], %broadcast_in_dim3A_19 {strides = array<i32>} : memref<128x128xf32, #tpu.memory_space<vmem>>, vector<16xf32>,
                    %mul3A_368 = arith.constant 64 : i32
                    %mul3A_369 = arith.muli %and3A_332, %mul3A_368 : i32
                    %add3A_370 = arith.addi %sub3A_327, %mul3A_369 : i32
                    %swap3A_371 = arith.index_cast %add3A_370 : i32 to index
                    %swap3A_372 = arith.constant 96 : index
                    %swap3A_373 = tpu.vector_load %arg10[%swap3A_371, %swap3A_372] {strides = array<i32>} : memref<128x128xf32, #tpu.memory_space<vmem>>, vector<16xf32>,
                    tpu.vector_store %arg10[%swap3A_371, %swap3A_372], %broadcast_in_dim3A_19 {strides = array<i32>} : memref<128x128xf32, #tpu.memory_space<vmem>>, vector<16xf32>,
                    %mul3A_374 = arith.constant 64 : i32
                    %mul3A_375 = arith.muli %and3A_332, %mul3A_374 : i32
                    %add3A_376 = arith.addi %sub3A_327, %mul3A_375 : i32
                    %swap3A_377 = arith.index_cast %add3A_376 : i32 to index
                    %swap3A_378 = arith.constant 112 : index
                    %swap3A_379 = tpu.vector_load %arg10[%swap3A_377, %swap3A_378] {strides = array<i32>} : memref<128x128xf32, #tpu.memory_space<vmem>>, vector<16xf32>,
                    tpu.vector_store %arg10[%swap3A_377, %swap3A_378], %broadcast_in_dim3A_19 {strides = array<i32>} : memref<128x128xf32, #tpu.memory_space<vmem>>, vector<16xf32>,
                    %eq3A_380 = arith.constant 63 : i32
                    %eq3A_381 = arith.cmpi eq, %sub3A_327, %eq3A_380 : i32
                    %convert_element_type3A_382 = arith.extui %eq3A_381 : i1 to i32
                    %cond3A_383 = arith.constant 0 : i32
                    %cond3A_384 = arith.cmpi ne, %convert_element_type3A_382, %cond3A_383 : i32
                    %cond3A_385 = scf.if %cond3A_384 -> (i32) {
                      %eq3A_388 = arith.constant 0 : i32
                      %eq3A_389 = arith.cmpi eq, %and3A_332, %eq3A_388 : i32
                      %convert_element_type3A_390 = arith.extui %eq3A_389 : i1 to i32
                      %cond3A_391 = arith.constant 0 : i32
                      %cond3A_392 = arith.cmpi ne, %convert_element_type3A_390, %cond3A_391 : i32
                      scf.if %cond3A_392 {
                        %dma_start3A_401 = arith.constant 4 : i32
                        %dma_start3A_402 = arith.constant 0 : i32
                        %dma_start3A_403 = arith.constant 0 : i32
                        %dma_start3A_404 = tpu.memref_slice %arg10[%dma_start3A_402, %dma_start3A_403] : memref<128x128xf32, #tpu.memory_space<vmem>> -> memref<64x128xf32, #tpu.memory_space<vmem>>
                        %dma_start3A_405 = arith.constant 0 : i32
                        %dma_start3A_406 = tpu.memref_slice %arg4[%while3A_326, %dma_start3A_405] : memref<10000x128xf32, #tpu.memory_space<hbm>> -> memref<64x128xf32, #tpu.memory_space<hbm>>
                        %dma_start3A_407 = tpu.memref_slice %arg11[%dma_start3A_401] : memref<6x!tpu.dma_semaphore, #tpu.memory_space<semaphore_mem>> -> memref<1x!tpu.dma_semaphore, #tpu.memory_space<semaphore_mem>>
                        %dma_start3A_408 = tpu.memref_squeeze %dma_start3A_407 : memref<1x!tpu.dma_semaphore, #tpu.memory_space<semaphore_mem>> -> memref<!tpu.dma_semaphore, #tpu.memory_space<semaphore_mem>>
                        %dma_start3A_409 = arith.constant 0 : i32
                        %dma_start3A_410 = tpu.memref_slice %arg4[%while3A_326, %dma_start3A_409] : memref<10000x128xf32, #tpu.memory_space<hbm>> -> memref<64x128xf32, #tpu.memory_space<hbm>>
                        %dma_start3A_411 = arith.constant 0 : i32
                        %dma_start3A_412 = arith.constant 0 : i32
                        %dma_start3A_413 = tpu.memref_slice %arg10[%dma_start3A_411, %dma_start3A_412] : memref<128x128xf32, #tpu.memory_space<vmem>> -> memref<64x128xf32, #tpu.memory_space<vmem>>
                        tpu.enqueue_dma source(%dma_start3A_413 : memref<64x128xf32, #tpu.memory_space<vmem>>) target(%dma_start3A_410 : memref<64x128xf32, #tpu.memory_space<hbm>>) target_semaphore(%dma_start3A_408 : memref<!tpu.dma_semaphore, #tpu.memory_space<semaphore_mem>>)
                      } else {
                        %dma_start3A_401 = arith.constant 5 : i32
                        %dma_start3A_402 = arith.constant 64 : i32
                        %dma_start3A_403 = arith.constant 0 : i32
                        %dma_start3A_404 = tpu.memref_slice %arg10[%dma_start3A_402, %dma_start3A_403] : memref<128x128xf32, #tpu.memory_space<vmem>> -> memref<64x128xf32, #tpu.memory_space<vmem>>
                        %dma_start3A_405 = arith.constant 0 : i32
                        %dma_start3A_406 = tpu.memref_slice %arg4[%while3A_326, %dma_start3A_405] : memref<10000x128xf32, #tpu.memory_space<hbm>> -> memref<64x128xf32, #tpu.memory_space<hbm>>
                        %dma_start3A_407 = tpu.memref_slice %arg11[%dma_start3A_401] : memref<6x!tpu.dma_semaphore, #tpu.memory_space<semaphore_mem>> -> memref<1x!tpu.dma_semaphore, #tpu.memory_space<semaphore_mem>>
                        %dma_start3A_408 = tpu.memref_squeeze %dma_start3A_407 : memref<1x!tpu.dma_semaphore, #tpu.memory_space<semaphore_mem>> -> memref<!tpu.dma_semaphore, #tpu.memory_space<semaphore_mem>>
                        %dma_start3A_409 = arith.constant 0 : i32
                        %dma_start3A_410 = tpu.memref_slice %arg4[%while3A_326, %dma_start3A_409] : memref<10000x128xf32, #tpu.memory_space<hbm>> -> memref<64x128xf32, #tpu.memory_space<hbm>>
                        %dma_start3A_411 = arith.constant 64 : i32
                        %dma_start3A_412 = arith.constant 0 : i32
                        %dma_start3A_413 = tpu.memref_slice %arg10[%dma_start3A_411, %dma_start3A_412] : memref<128x128xf32, #tpu.memory_space<vmem>> -> memref<64x128xf32, #tpu.memory_space<vmem>>
                        tpu.enqueue_dma source(%dma_start3A_413 : memref<64x128xf32, #tpu.memory_space<vmem>>) target(%dma_start3A_410 : memref<64x128xf32, #tpu.memory_space<hbm>>) target_semaphore(%dma_start3A_408 : memref<!tpu.dma_semaphore, #tpu.memory_space<semaphore_mem>>)
                      }
                      %sub3A_393 = arith.subi %while3A_326, %select_n3A : i32
                      %ge3A_394 = arith.constant 64 : i32
                      %ge3A_395 = arith.cmpi sge, %sub3A_393, %ge3A_394 : i32
                      %convert_element_type3A_396 = arith.extui %ge3A_395 : i1 to i32
                      %cond3A_397 = arith.constant 0 : i32
                      %cond3A_398 = arith.cmpi ne, %convert_element_type3A_396, %cond3A_397 : i32
                      scf.if %cond3A_398 {
                        %eq3A_401 = arith.constant 0 : i32
                        %eq3A_402 = arith.cmpi eq, %and3A_332, %eq3A_401 : i32
                        %convert_element_type3A_403 = arith.extui %eq3A_402 : i1 to i32
                        %cond3A_404 = arith.constant 0 : i32
                        %cond3A_405 = arith.cmpi ne, %convert_element_type3A_403, %cond3A_404 : i32
                        scf.if %cond3A_405 {
                          %dma_wait3A_406 = arith.constant 5 : i32
                          %dma_wait3A_407 = arith.constant 64 : i32
                          %dma_wait3A_408 = arith.constant 0 : i32
                          %dma_wait3A_409 = tpu.memref_slice %arg10[%dma_wait3A_407, %dma_wait3A_408] : memref<128x128xf32, #tpu.memory_space<vmem>> -> memref<64x128xf32, #tpu.memory_space<vmem>>
                          %dma_wait3A_410 = arith.constant 0 : i32
                          %dma_wait3A_411 = arith.constant 0 : i32
                          %dma_wait3A_412 = tpu.memref_slice %arg4[%dma_wait3A_410, %dma_wait3A_411] : memref<10000x128xf32, #tpu.memory_space<hbm>> -> memref<64x128xf32, #tpu.memory_space<hbm>>
                          %dma_wait3A_413 = tpu.memref_slice %arg11[%dma_wait3A_406] : memref<6x!tpu.dma_semaphore, #tpu.memory_space<semaphore_mem>> -> memref<1x!tpu.dma_semaphore, #tpu.memory_space<semaphore_mem>>
                          %dma_wait3A_414 = tpu.memref_squeeze %dma_wait3A_413 : memref<1x!tpu.dma_semaphore, #tpu.memory_space<semaphore_mem>> -> memref<!tpu.dma_semaphore, #tpu.memory_space<semaphore_mem>>
                          %dma_wait3A_415 = arith.constant 0 : i32
                          %dma_wait3A_416 = arith.constant 0 : i32
                          %dma_wait3A_417 = tpu.memref_slice %arg4[%dma_wait3A_415, %dma_wait3A_416] : memref<10000x128xf32, #tpu.memory_space<hbm>> -> memref<64x128xf32, #tpu.memory_space<hbm>>
                          %dma_wait3A_418 = arith.constant 64 : i32
                          %dma_wait3A_419 = arith.constant 0 : i32
                          %dma_wait3A_420 = tpu.memref_slice %arg10[%dma_wait3A_418, %dma_wait3A_419] : memref<128x128xf32, #tpu.memory_space<vmem>> -> memref<64x128xf32, #tpu.memory_space<vmem>>
                          tpu.wait_dma2 semaphore(%dma_wait3A_414 : memref<!tpu.dma_semaphore, #tpu.memory_space<semaphore_mem>>) src(%dma_wait3A_420 : memref<64x128xf32, #tpu.memory_space<vmem>>) dst(%dma_wait3A_417 : memref<64x128xf32, #tpu.memory_space<hbm>>)
                        } else {
                          %dma_wait3A_406 = arith.constant 4 : i32
                          %dma_wait3A_407 = arith.constant 0 : i32
                          %dma_wait3A_408 = arith.constant 0 : i32
                          %dma_wait3A_409 = tpu.memref_slice %arg10[%dma_wait3A_407, %dma_wait3A_408] : memref<128x128xf32, #tpu.memory_space<vmem>> -> memref<64x128xf32, #tpu.memory_space<vmem>>
                          %dma_wait3A_410 = arith.constant 0 : i32
                          %dma_wait3A_411 = arith.constant 0 : i32
                          %dma_wait3A_412 = tpu.memref_slice %arg4[%dma_wait3A_410, %dma_wait3A_411] : memref<10000x128xf32, #tpu.memory_space<hbm>> -> memref<64x128xf32, #tpu.memory_space<hbm>>
                          %dma_wait3A_413 = tpu.memref_slice %arg11[%dma_wait3A_406] : memref<6x!tpu.dma_semaphore, #tpu.memory_space<semaphore_mem>> -> memref<1x!tpu.dma_semaphore, #tpu.memory_space<semaphore_mem>>
                          %dma_wait3A_414 = tpu.memref_squeeze %dma_wait3A_413 : memref<1x!tpu.dma_semaphore, #tpu.memory_space<semaphore_mem>> -> memref<!tpu.dma_semaphore, #tpu.memory_space<semaphore_mem>>
                          %dma_wait3A_415 = arith.constant 0 : i32
                          %dma_wait3A_416 = arith.constant 0 : i32
                          %dma_wait3A_417 = tpu.memref_slice %arg4[%dma_wait3A_415, %dma_wait3A_416] : memref<10000x128xf32, #tpu.memory_space<hbm>> -> memref<64x128xf32, #tpu.memory_space<hbm>>
                          %dma_wait3A_418 = arith.constant 0 : i32
                          %dma_wait3A_419 = arith.constant 0 : i32
                          %dma_wait3A_420 = tpu.memref_slice %arg10[%dma_wait3A_418, %dma_wait3A_419] : memref<128x128xf32, #tpu.memory_space<vmem>> -> memref<64x128xf32, #tpu.memory_space<vmem>>
                          tpu.wait_dma2 semaphore(%dma_wait3A_414 : memref<!tpu.dma_semaphore, #tpu.memory_space<semaphore_mem>>) src(%dma_wait3A_420 : memref<64x128xf32, #tpu.memory_space<vmem>>) dst(%dma_wait3A_417 : memref<64x128xf32, #tpu.memory_space<hbm>>)
                        }
                      } else {
                      }
                      %add3A_399 = arith.constant 64 : i32
                      %add3A_400 = arith.addi %while3A_326, %add3A_399 : i32
                      scf.yield %add3A_400 : i32
                    } else {
                      scf.yield %while3A_326 : i32
                    }
                    %add3A_386 = arith.constant 1 : i32
                    %add3A_387 = arith.addi %while3A_325, %add3A_386 : i32
                    scf.yield %add3A_387, %cond3A_385 : i32, i32
                  }
                  %add3A_300 = arith.addi %mul3A_194, %min3A_274 : i32
                  %get3A_301 = arith.index_cast %add3A_300 : i32 to index
                  %get3A_302 = arith.constant 0 : index
                  %get3A_303 = tpu.vector_load %arg8[%get3A_301, %get3A_302] {strides = array<i32>} : memref<400x128xf32, #tpu.memory_space<vmem>>, vector<16xf32>,
                  %get3A_304 = arith.index_cast %add3A_300 : i32 to index
                  %get3A_305 = arith.constant 16 : index
                  %get3A_306 = tpu.vector_load %arg8[%get3A_304, %get3A_305] {strides = array<i32>} : memref<400x128xf32, #tpu.memory_space<vmem>>, vector<16xf32>,
                  %get3A_307 = arith.index_cast %add3A_300 : i32 to index
                  %get3A_308 = arith.constant 32 : index
                  %get3A_309 = tpu.vector_load %arg8[%get3A_307, %get3A_308] {strides = array<i32>} : memref<400x128xf32, #tpu.memory_space<vmem>>, vector<16xf32>,
                  %get3A_310 = arith.index_cast %add3A_300 : i32 to index
                  %get3A_311 = arith.constant 48 : index
                  %get3A_312 = tpu.vector_load %arg8[%get3A_310, %get3A_311] {strides = array<i32>} : memref<400x128xf32, #tpu.memory_space<vmem>>, vector<16xf32>,
                  %get3A_313 = arith.index_cast %add3A_300 : i32 to index
                  %get3A_314 = arith.constant 64 : index
                  %get3A_315 = tpu.vector_load %arg8[%get3A_313, %get3A_314] {strides = array<i32>} : memref<400x128xf32, #tpu.memory_space<vmem>>, vector<16xf32>,
                  %get3A_316 = arith.index_cast %add3A_300 : i32 to index
                  %get3A_317 = arith.constant 80 : index
                  %get3A_318 = tpu.vector_load %arg8[%get3A_316, %get3A_317] {strides = array<i32>} : memref<400x128xf32, #tpu.memory_space<vmem>>, vector<16xf32>,
                  %get3A_319 = arith.index_cast %add3A_300 : i32 to index
                  %get3A_320 = arith.constant 96 : index
                  %get3A_321 = tpu.vector_load %arg8[%get3A_319, %get3A_320] {strides = array<i32>} : memref<400x128xf32, #tpu.memory_space<vmem>>, vector<16xf32>,
                  %get3A_322 = arith.index_cast %add3A_300 : i32 to index
                  %get3A_323 = arith.constant 112 : index
                  %get3A_324 = tpu.vector_load %arg8[%get3A_322, %get3A_323] {strides = array<i32>} : memref<400x128xf32, #tpu.memory_space<vmem>>, vector<16xf32>,
                  scf.yield %squeeze3A_298, %while3A_299#0, %while3A_299#1, %get3A_303, %get3A_306, %get3A_309, %get3A_312, %get3A_315, %get3A_318, %get3A_321, %get3A_324 : i32, i32, i32, vector<16xf32>, vector<16xf32>, vector<16xf32>, vector<16xf32>, vector<16xf32>, vector<16xf32>, vector<16xf32>, vector<16xf32>
                } else {
                  scf.yield %while3A_250, %while3A_251, %while3A_252, %cond3A_280#0, %cond3A_280#1, %cond3A_280#2, %cond3A_280#3, %cond3A_280#4, %cond3A_280#5, %cond3A_280#6, %cond3A_280#7 : i32, i32, i32, vector<16xf32>, vector<16xf32>, vector<16xf32>, vector<16xf32>, vector<16xf32>, vector<16xf32>, vector<16xf32>, vector<16xf32>
                }
                %add3A_286 = arith.constant 1 : i32
                %add3A_287 = arith.addi %min3A_274, %add3A_286 : i32
                scf.yield %add3A_287, %cond3A_285#0, %cond3A_285#1, %cond3A_285#2, %cond3A_285#3, %cond3A_285#4, %cond3A_285#5, %cond3A_285#6, %cond3A_285#7, %cond3A_285#8, %cond3A_285#9, %cond3A_285#10 : i32, i32, i32, i32, vector<16xf32>, vector<16xf32>, vector<16xf32>, vector<16xf32>, vector<16xf32>, vector<16xf32>, vector<16xf32>, vector<16xf32>
              }
              scf.yield %while3A_248#1, %while3A_248#2, %while3A_248#3, %while3A_248#4, %while3A_248#5, %while3A_248#6, %while3A_248#7, %while3A_248#8, %while3A_248#9, %while3A_248#10, %while3A_248#11 : i32, i32, i32, vector<16xf32>, vector<16xf32>, vector<16xf32>, vector<16xf32>, vector<16xf32>, vector<16xf32>, vector<16xf32>, vector<16xf32>
            }
            scf.yield %cond3A_246#0, %cond3A_246#1, %cond3A_246#2, %cond3A_246#3, %cond3A_246#4, %cond3A_246#5, %cond3A_246#6, %cond3A_246#7, %cond3A_246#8, %cond3A_246#9, %cond3A_246#10 : i32, i32, i32, vector<16xf32>, vector<16xf32>, vector<16xf32>, vector<16xf32>, vector<16xf32>, vector<16xf32>, vector<16xf32>, vector<16xf32>
          }
          scf.yield %cond3A_203#0, %cond3A_203#1, %cond3A_203#2, %cond3A_203#3, %cond3A_203#4, %cond3A_203#5, %cond3A_203#6, %cond3A_203#7, %cond3A_203#8, %cond3A_203#9, %cond3A_203#10 : i32, i32, i32, vector<16xf32>, vector<16xf32>, vector<16xf32>, vector<16xf32>, vector<16xf32>, vector<16xf32>, vector<16xf32>, vector<16xf32>
        }
        %scan3A_171 = arith.constant 25 : i32
        %get3A_172 = arith.constant 384 : index
        %get3A_173 = tpu.vector_load %arg6[%get3A_172] {strides = array<i32>} : memref<400xi32, #tpu.memory_space<vmem>>, vector<16xi32>,
        %slice3A_174 = vector.extract_strided_slice %get3A_173 {offsets = [15], sizes = [1], strides = [1]} : vector<16xi32> to vector<1xi32>
        %squeeze3A_175 = vector.extract %slice3A_174[0] : i32 from vector<1xi32>
        %le3A = arith.cmpi sle, %squeeze3A_175, %select_n3A_18 : i32
        %add3A_176 = arith.constant 1 : i32
        %add3A_177 = arith.addi %add3A_123, %add3A_176 : i32
        %lt3A_178 = arith.constant 800 : i32
        %lt3A_179 = arith.cmpi slt, %add3A_177, %lt3A_178 : i32
        %and3A_180 = arith.andi %le3A, %lt3A_179 : i1
        scf.yield %and3A_180, %scan3A_170#0, %scan3A_170#1, %scan3A_170#2, %scan3A_170#3, %scan3A_170#4, %scan3A_170#5, %scan3A_170#6, %scan3A_170#7, %scan3A_170#8, %scan3A_170#9, %scan3A_170#10 : i1, i32, i32, i32, vector<16xf32>, vector<16xf32>, vector<16xf32>, vector<16xf32>, vector<16xf32>, vector<16xf32>, vector<16xf32>, vector<16xf32>
      }
      %add3A_132 = arith.constant 1 : i32
      %add3A_133 = arith.addi %while3A_110, %add3A_132 : i32
      scf.yield %add3A_133, %cond3A_131#0, %cond3A_131#1, %cond3A_131#2, %cond3A_131#3, %cond3A_131#4, %cond3A_131#5, %cond3A_131#6, %cond3A_131#7, %cond3A_131#8, %cond3A_131#9, %cond3A_131#10, %cond3A_131#11 : i32, i1, i32, i32, i32, vector<16xf32>, vector<16xf32>, vector<16xf32>, vector<16xf32>, vector<16xf32>, vector<16xf32>, vector<16xf32>, vector<16xf32>
    }
    %and3A = arith.constant 1 : i32
    %and3A_39 = arith.andi %while3A_38#0, %and3A : i32
    %eq3A = arith.constant 0 : i32
    %eq3A_40 = arith.cmpi eq, %and3A_39, %eq3A : i32
    %convert_element_type3A = arith.extui %eq3A_40 : i1 to i32
    %cond3A = arith.constant 0 : i32
    %cond3A_41 = arith.cmpi ne, %convert_element_type3A, %cond3A : i32
    scf.if %cond3A_41 {
      %dma_wait3A = arith.constant 0 : i32
      %dma_wait3A_110 = arith.constant 0 : i32
      %dma_wait3A_111 = tpu.memref_slice %arg3[%dma_wait3A_110] : memref<320000xi32, #tpu.memory_space<hbm>> -> memref<400xi32, #tpu.memory_space<hbm>>
      %dma_wait3A_112 = tpu.memref_slice %arg11[%dma_wait3A] : memref<6x!tpu.dma_semaphore, #tpu.memory_space<semaphore_mem>> -> memref<1x!tpu.dma_semaphore, #tpu.memory_space<semaphore_mem>>
      %dma_wait3A_113 = tpu.memref_squeeze %dma_wait3A_112 : memref<1x!tpu.dma_semaphore, #tpu.memory_space<semaphore_mem>> -> memref<!tpu.dma_semaphore, #tpu.memory_space<semaphore_mem>>
      %dma_wait3A_114 = arith.constant 0 : i32
      %dma_wait3A_115 = tpu.memref_slice %arg3[%dma_wait3A_114] : memref<320000xi32, #tpu.memory_space<hbm>> -> memref<400xi32, #tpu.memory_space<hbm>>
      tpu.wait_dma2 semaphore(%dma_wait3A_113 : memref<!tpu.dma_semaphore, #tpu.memory_space<semaphore_mem>>) src(%dma_wait3A_115 : memref<400xi32, #tpu.memory_space<hbm>>) dst(%arg5 : memref<400xi32, #tpu.memory_space<vmem>>)
      %dma_wait3A_116 = arith.constant 2 : i32
      %dma_wait3A_117 = arith.constant 0 : i32
      %dma_wait3A_118 = arith.constant 0 : i32
      %dma_wait3A_119 = tpu.memref_slice %arg2[%dma_wait3A_117, %dma_wait3A_118] : memref<320000x128xf32, #tpu.memory_space<hbm>> -> memref<400x128xf32, #tpu.memory_space<hbm>>
      %dma_wait3A_120 = tpu.memref_slice %arg11[%dma_wait3A_116] : memref<6x!tpu.dma_semaphore, #tpu.memory_space<semaphore_mem>> -> memref<1x!tpu.dma_semaphore, #tpu.memory_space<semaphore_mem>>
      %dma_wait3A_121 = tpu.memref_squeeze %dma_wait3A_120 : memref<1x!tpu.dma_semaphore, #tpu.memory_space<semaphore_mem>> -> memref<!tpu.dma_semaphore, #tpu.memory_space<semaphore_mem>>
      %dma_wait3A_122 = arith.constant 0 : i32
      %dma_wait3A_123 = arith.constant 0 : i32
      %dma_wait3A_124 = tpu.memref_slice %arg2[%dma_wait3A_122, %dma_wait3A_123] : memref<320000x128xf32, #tpu.memory_space<hbm>> -> memref<400x128xf32, #tpu.memory_space<hbm>>
      tpu.wait_dma2 semaphore(%dma_wait3A_121 : memref<!tpu.dma_semaphore, #tpu.memory_space<semaphore_mem>>) src(%dma_wait3A_124 : memref<400x128xf32, #tpu.memory_space<hbm>>) dst(%arg7 : memref<400x128xf32, #tpu.memory_space<vmem>>)
    } else {
      %dma_wait3A = arith.constant 1 : i32
      %dma_wait3A_110 = arith.constant 0 : i32
      %dma_wait3A_111 = tpu.memref_slice %arg3[%dma_wait3A_110] : memref<320000xi32, #tpu.memory_space<hbm>> -> memref<400xi32, #tpu.memory_space<hbm>>
      %dma_wait3A_112 = tpu.memref_slice %arg11[%dma_wait3A] : memref<6x!tpu.dma_semaphore, #tpu.memory_space<semaphore_mem>> -> memref<1x!tpu.dma_semaphore, #tpu.memory_space<semaphore_mem>>
      %dma_wait3A_113 = tpu.memref_squeeze %dma_wait3A_112 : memref<1x!tpu.dma_semaphore, #tpu.memory_space<semaphore_mem>> -> memref<!tpu.dma_semaphore, #tpu.memory_space<semaphore_mem>>
      %dma_wait3A_114 = arith.constant 0 : i32
      %dma_wait3A_115 = tpu.memref_slice %arg3[%dma_wait3A_114] : memref<320000xi32, #tpu.memory_space<hbm>> -> memref<400xi32, #tpu.memory_space<hbm>>
      tpu.wait_dma2 semaphore(%dma_wait3A_113 : memref<!tpu.dma_semaphore, #tpu.memory_space<semaphore_mem>>) src(%dma_wait3A_115 : memref<400xi32, #tpu.memory_space<hbm>>) dst(%arg6 : memref<400xi32, #tpu.memory_space<vmem>>)
      %dma_wait3A_116 = arith.constant 3 : i32
      %dma_wait3A_117 = arith.constant 0 : i32
      %dma_wait3A_118 = arith.constant 0 : i32
      %dma_wait3A_119 = tpu.memref_slice %arg2[%dma_wait3A_117, %dma_wait3A_118] : memref<320000x128xf32, #tpu.memory_space<hbm>> -> memref<400x128xf32, #tpu.memory_space<hbm>>
      %dma_wait3A_120 = tpu.memref_slice %arg11[%dma_wait3A_116] : memref<6x!tpu.dma_semaphore, #tpu.memory_space<semaphore_mem>> -> memref<1x!tpu.dma_semaphore, #tpu.memory_space<semaphore_mem>>
      %dma_wait3A_121 = tpu.memref_squeeze %dma_wait3A_120 : memref<1x!tpu.dma_semaphore, #tpu.memory_space<semaphore_mem>> -> memref<!tpu.dma_semaphore, #tpu.memory_space<semaphore_mem>>
      %dma_wait3A_122 = arith.constant 0 : i32
      %dma_wait3A_123 = arith.constant 0 : i32
      %dma_wait3A_124 = tpu.memref_slice %arg2[%dma_wait3A_122, %dma_wait3A_123] : memref<320000x128xf32, #tpu.memory_space<hbm>> -> memref<400x128xf32, #tpu.memory_space<hbm>>
      tpu.wait_dma2 semaphore(%dma_wait3A_121 : memref<!tpu.dma_semaphore, #tpu.memory_space<semaphore_mem>>) src(%dma_wait3A_124 : memref<400x128xf32, #tpu.memory_space<hbm>>) dst(%arg8 : memref<400x128xf32, #tpu.memory_space<vmem>>)
    }
    %ge3A = arith.constant 0 : i32
    %ge3A_42 = arith.cmpi sge, %while3A_38#2, %ge3A : i32
    %convert_element_type3A_43 = arith.extui %ge3A_42 : i1 to i32
    %cond3A_44 = arith.constant 0 : i32
    %cond3A_45 = arith.cmpi ne, %convert_element_type3A_43, %cond3A_44 : i32
    %cond3A_46:2 = scf.if %cond3A_45 -> (i32, i32) {
      %sub3A_110 = arith.subi %while3A_38#3, %while3A_38#4 : i32
      %sub3A_111 = arith.subi %while3A_38#4, %select_n3A : i32
      %shift_right_logical3A_112 = arith.constant 6 : i32
      %shift_right_logical3A_113 = arith.shrui %sub3A_111, %shift_right_logical3A_112 : i32
      %and3A_114 = arith.constant 1 : i32
      %and3A_115 = arith.andi %shift_right_logical3A_113, %and3A_114 : i32
      %mul3A_116 = arith.constant 64 : i32
      %mul3A_117 = arith.muli %and3A_115, %mul3A_116 : i32
      %add3A_118 = arith.addi %sub3A_110, %mul3A_117 : i32
      %swap3A = arith.index_cast %add3A_118 : i32 to index
      %swap3A_119 = arith.constant 0 : index
      %swap3A_120 = tpu.vector_load %arg10[%swap3A, %swap3A_119] {strides = array<i32>} : memref<128x128xf32, #tpu.memory_space<vmem>>, vector<16xf32>,
      tpu.vector_store %arg10[%swap3A, %swap3A_119], %while3A_38#5 {strides = array<i32>} : memref<128x128xf32, #tpu.memory_space<vmem>>, vector<16xf32>,
      %mul3A_121 = arith.constant 64 : i32
      %mul3A_122 = arith.muli %and3A_115, %mul3A_121 : i32
      %add3A_123 = arith.addi %sub3A_110, %mul3A_122 : i32
      %swap3A_124 = arith.index_cast %add3A_123 : i32 to index
      %swap3A_125 = arith.constant 16 : index
      %swap3A_126 = tpu.vector_load %arg10[%swap3A_124, %swap3A_125] {strides = array<i32>} : memref<128x128xf32, #tpu.memory_space<vmem>>, vector<16xf32>,
      tpu.vector_store %arg10[%swap3A_124, %swap3A_125], %while3A_38#6 {strides = array<i32>} : memref<128x128xf32, #tpu.memory_space<vmem>>, vector<16xf32>,
      %mul3A_127 = arith.constant 64 : i32
      %mul3A_128 = arith.muli %and3A_115, %mul3A_127 : i32
      %add3A_129 = arith.addi %sub3A_110, %mul3A_128 : i32
      %swap3A_130 = arith.index_cast %add3A_129 : i32 to index
      %swap3A_131 = arith.constant 32 : index
      %swap3A_132 = tpu.vector_load %arg10[%swap3A_130, %swap3A_131] {strides = array<i32>} : memref<128x128xf32, #tpu.memory_space<vmem>>, vector<16xf32>,
      tpu.vector_store %arg10[%swap3A_130, %swap3A_131], %while3A_38#7 {strides = array<i32>} : memref<128x128xf32, #tpu.memory_space<vmem>>, vector<16xf32>,
      %mul3A_133 = arith.constant 64 : i32
      %mul3A_134 = arith.muli %and3A_115, %mul3A_133 : i32
      %add3A_135 = arith.addi %sub3A_110, %mul3A_134 : i32
      %swap3A_136 = arith.index_cast %add3A_135 : i32 to index
      %swap3A_137 = arith.constant 48 : index
      %swap3A_138 = tpu.vector_load %arg10[%swap3A_136, %swap3A_137] {strides = array<i32>} : memref<128x128xf32, #tpu.memory_space<vmem>>, vector<16xf32>,
      tpu.vector_store %arg10[%swap3A_136, %swap3A_137], %while3A_38#8 {strides = array<i32>} : memref<128x128xf32, #tpu.memory_space<vmem>>, vector<16xf32>,
      %mul3A_139 = arith.constant 64 : i32
      %mul3A_140 = arith.muli %and3A_115, %mul3A_139 : i32
      %add3A_141 = arith.addi %sub3A_110, %mul3A_140 : i32
      %swap3A_142 = arith.index_cast %add3A_141 : i32 to index
      %swap3A_143 = arith.constant 64 : index
      %swap3A_144 = tpu.vector_load %arg10[%swap3A_142, %swap3A_143] {strides = array<i32>} : memref<128x128xf32, #tpu.memory_space<vmem>>, vector<16xf32>,
      tpu.vector_store %arg10[%swap3A_142, %swap3A_143], %while3A_38#9 {strides = array<i32>} : memref<128x128xf32, #tpu.memory_space<vmem>>, vector<16xf32>,
      %mul3A_145 = arith.constant 64 : i32
      %mul3A_146 = arith.muli %and3A_115, %mul3A_145 : i32
      %add3A_147 = arith.addi %sub3A_110, %mul3A_146 : i32
      %swap3A_148 = arith.index_cast %add3A_147 : i32 to index
      %swap3A_149 = arith.constant 80 : index
      %swap3A_150 = tpu.vector_load %arg10[%swap3A_148, %swap3A_149] {strides = array<i32>} : memref<128x128xf32, #tpu.memory_space<vmem>>, vector<16xf32>,
      tpu.vector_store %arg10[%swap3A_148, %swap3A_149], %while3A_38#10 {strides = array<i32>} : memref<128x128xf32, #tpu.memory_space<vmem>>, vector<16xf32>,
      %mul3A_151 = arith.constant 64 : i32
      %mul3A_152 = arith.muli %and3A_115, %mul3A_151 : i32
      %add3A_153 = arith.addi %sub3A_110, %mul3A_152 : i32
      %swap3A_154 = arith.index_cast %add3A_153 : i32 to index
      %swap3A_155 = arith.constant 96 : index
      %swap3A_156 = tpu.vector_load %arg10[%swap3A_154, %swap3A_155] {strides = array<i32>} : memref<128x128xf32, #tpu.memory_space<vmem>>, vector<16xf32>,
      tpu.vector_store %arg10[%swap3A_154, %swap3A_155], %while3A_38#11 {strides = array<i32>} : memref<128x128xf32, #tpu.memory_space<vmem>>, vector<16xf32>,
      %mul3A_157 = arith.constant 64 : i32
      %mul3A_158 = arith.muli %and3A_115, %mul3A_157 : i32
      %add3A_159 = arith.addi %sub3A_110, %mul3A_158 : i32
      %swap3A_160 = arith.index_cast %add3A_159 : i32 to index
      %swap3A_161 = arith.constant 112 : index
      %swap3A_162 = tpu.vector_load %arg10[%swap3A_160, %swap3A_161] {strides = array<i32>} : memref<128x128xf32, #tpu.memory_space<vmem>>, vector<16xf32>,
      tpu.vector_store %arg10[%swap3A_160, %swap3A_161], %while3A_38#12 {strides = array<i32>} : memref<128x128xf32, #tpu.memory_space<vmem>>, vector<16xf32>,
      %eq3A_163 = arith.constant 63 : i32
      %eq3A_164 = arith.cmpi eq, %sub3A_110, %eq3A_163 : i32
      %convert_element_type3A_165 = arith.extui %eq3A_164 : i1 to i32
      %cond3A_166 = arith.constant 0 : i32
      %cond3A_167 = arith.cmpi ne, %convert_element_type3A_165, %cond3A_166 : i32
      %cond3A_168 = scf.if %cond3A_167 -> (i32) {
        %eq3A_171 = arith.constant 0 : i32
        %eq3A_172 = arith.cmpi eq, %and3A_115, %eq3A_171 : i32
        %convert_element_type3A_173 = arith.extui %eq3A_172 : i1 to i32
        %cond3A_174 = arith.constant 0 : i32
        %cond3A_175 = arith.cmpi ne, %convert_element_type3A_173, %cond3A_174 : i32
        scf.if %cond3A_175 {
          %dma_start3A_184 = arith.constant 4 : i32
          %dma_start3A_185 = arith.constant 0 : i32
          %dma_start3A_186 = arith.constant 0 : i32
          %dma_start3A_187 = tpu.memref_slice %arg10[%dma_start3A_185, %dma_start3A_186] : memref<128x128xf32, #tpu.memory_space<vmem>> -> memref<64x128xf32, #tpu.memory_space<vmem>>
          %dma_start3A_188 = arith.constant 0 : i32
          %dma_start3A_189 = tpu.memref_slice %arg4[%while3A_38#4, %dma_start3A_188] : memref<10000x128xf32, #tpu.memory_space<hbm>> -> memref<64x128xf32, #tpu.memory_space<hbm>>
          %dma_start3A_190 = tpu.memref_slice %arg11[%dma_start3A_184] : memref<6x!tpu.dma_semaphore, #tpu.memory_space<semaphore_mem>> -> memref<1x!tpu.dma_semaphore, #tpu.memory_space<semaphore_mem>>
          %dma_start3A_191 = tpu.memref_squeeze %dma_start3A_190 : memref<1x!tpu.dma_semaphore, #tpu.memory_space<semaphore_mem>> -> memref<!tpu.dma_semaphore, #tpu.memory_space<semaphore_mem>>
          %dma_start3A_192 = arith.constant 0 : i32
          %dma_start3A_193 = tpu.memref_slice %arg4[%while3A_38#4, %dma_start3A_192] : memref<10000x128xf32, #tpu.memory_space<hbm>> -> memref<64x128xf32, #tpu.memory_space<hbm>>
          %dma_start3A_194 = arith.constant 0 : i32
          %dma_start3A_195 = arith.constant 0 : i32
          %dma_start3A_196 = tpu.memref_slice %arg10[%dma_start3A_194, %dma_start3A_195] : memref<128x128xf32, #tpu.memory_space<vmem>> -> memref<64x128xf32, #tpu.memory_space<vmem>>
          tpu.enqueue_dma source(%dma_start3A_196 : memref<64x128xf32, #tpu.memory_space<vmem>>) target(%dma_start3A_193 : memref<64x128xf32, #tpu.memory_space<hbm>>) target_semaphore(%dma_start3A_191 : memref<!tpu.dma_semaphore, #tpu.memory_space<semaphore_mem>>)
        } else {
          %dma_start3A_184 = arith.constant 5 : i32
          %dma_start3A_185 = arith.constant 64 : i32
          %dma_start3A_186 = arith.constant 0 : i32
          %dma_start3A_187 = tpu.memref_slice %arg10[%dma_start3A_185, %dma_start3A_186] : memref<128x128xf32, #tpu.memory_space<vmem>> -> memref<64x128xf32, #tpu.memory_space<vmem>>
          %dma_start3A_188 = arith.constant 0 : i32
          %dma_start3A_189 = tpu.memref_slice %arg4[%while3A_38#4, %dma_start3A_188] : memref<10000x128xf32, #tpu.memory_space<hbm>> -> memref<64x128xf32, #tpu.memory_space<hbm>>
          %dma_start3A_190 = tpu.memref_slice %arg11[%dma_start3A_184] : memref<6x!tpu.dma_semaphore, #tpu.memory_space<semaphore_mem>> -> memref<1x!tpu.dma_semaphore, #tpu.memory_space<semaphore_mem>>
          %dma_start3A_191 = tpu.memref_squeeze %dma_start3A_190 : memref<1x!tpu.dma_semaphore, #tpu.memory_space<semaphore_mem>> -> memref<!tpu.dma_semaphore, #tpu.memory_space<semaphore_mem>>
          %dma_start3A_192 = arith.constant 0 : i32
          %dma_start3A_193 = tpu.memref_slice %arg4[%while3A_38#4, %dma_start3A_192] : memref<10000x128xf32, #tpu.memory_space<hbm>> -> memref<64x128xf32, #tpu.memory_space<hbm>>
          %dma_start3A_194 = arith.constant 64 : i32
          %dma_start3A_195 = arith.constant 0 : i32
          %dma_start3A_196 = tpu.memref_slice %arg10[%dma_start3A_194, %dma_start3A_195] : memref<128x128xf32, #tpu.memory_space<vmem>> -> memref<64x128xf32, #tpu.memory_space<vmem>>
          tpu.enqueue_dma source(%dma_start3A_196 : memref<64x128xf32, #tpu.memory_space<vmem>>) target(%dma_start3A_193 : memref<64x128xf32, #tpu.memory_space<hbm>>) target_semaphore(%dma_start3A_191 : memref<!tpu.dma_semaphore, #tpu.memory_space<semaphore_mem>>)
        }
        %sub3A_176 = arith.subi %while3A_38#4, %select_n3A : i32
        %ge3A_177 = arith.constant 64 : i32
        %ge3A_178 = arith.cmpi sge, %sub3A_176, %ge3A_177 : i32
        %convert_element_type3A_179 = arith.extui %ge3A_178 : i1 to i32
        %cond3A_180 = arith.constant 0 : i32
        %cond3A_181 = arith.cmpi ne, %convert_element_type3A_179, %cond3A_180 : i32
        scf.if %cond3A_181 {
          %eq3A_184 = arith.constant 0 : i32
          %eq3A_185 = arith.cmpi eq, %and3A_115, %eq3A_184 : i32
          %convert_element_type3A_186 = arith.extui %eq3A_185 : i1 to i32
          %cond3A_187 = arith.constant 0 : i32
          %cond3A_188 = arith.cmpi ne, %convert_element_type3A_186, %cond3A_187 : i32
          scf.if %cond3A_188 {
            %dma_wait3A = arith.constant 5 : i32
            %dma_wait3A_189 = arith.constant 64 : i32
            %dma_wait3A_190 = arith.constant 0 : i32
            %dma_wait3A_191 = tpu.memref_slice %arg10[%dma_wait3A_189, %dma_wait3A_190] : memref<128x128xf32, #tpu.memory_space<vmem>> -> memref<64x128xf32, #tpu.memory_space<vmem>>
            %dma_wait3A_192 = arith.constant 0 : i32
            %dma_wait3A_193 = arith.constant 0 : i32
            %dma_wait3A_194 = tpu.memref_slice %arg4[%dma_wait3A_192, %dma_wait3A_193] : memref<10000x128xf32, #tpu.memory_space<hbm>> -> memref<64x128xf32, #tpu.memory_space<hbm>>
            %dma_wait3A_195 = tpu.memref_slice %arg11[%dma_wait3A] : memref<6x!tpu.dma_semaphore, #tpu.memory_space<semaphore_mem>> -> memref<1x!tpu.dma_semaphore, #tpu.memory_space<semaphore_mem>>
            %dma_wait3A_196 = tpu.memref_squeeze %dma_wait3A_195 : memref<1x!tpu.dma_semaphore, #tpu.memory_space<semaphore_mem>> -> memref<!tpu.dma_semaphore, #tpu.memory_space<semaphore_mem>>
            %dma_wait3A_197 = arith.constant 0 : i32
            %dma_wait3A_198 = arith.constant 0 : i32
            %dma_wait3A_199 = tpu.memref_slice %arg4[%dma_wait3A_197, %dma_wait3A_198] : memref<10000x128xf32, #tpu.memory_space<hbm>> -> memref<64x128xf32, #tpu.memory_space<hbm>>
            %dma_wait3A_200 = arith.constant 64 : i32
            %dma_wait3A_201 = arith.constant 0 : i32
            %dma_wait3A_202 = tpu.memref_slice %arg10[%dma_wait3A_200, %dma_wait3A_201] : memref<128x128xf32, #tpu.memory_space<vmem>> -> memref<64x128xf32, #tpu.memory_space<vmem>>
            tpu.wait_dma2 semaphore(%dma_wait3A_196 : memref<!tpu.dma_semaphore, #tpu.memory_space<semaphore_mem>>) src(%dma_wait3A_202 : memref<64x128xf32, #tpu.memory_space<vmem>>) dst(%dma_wait3A_199 : memref<64x128xf32, #tpu.memory_space<hbm>>)
          } else {
            %dma_wait3A = arith.constant 4 : i32
            %dma_wait3A_189 = arith.constant 0 : i32
            %dma_wait3A_190 = arith.constant 0 : i32
            %dma_wait3A_191 = tpu.memref_slice %arg10[%dma_wait3A_189, %dma_wait3A_190] : memref<128x128xf32, #tpu.memory_space<vmem>> -> memref<64x128xf32, #tpu.memory_space<vmem>>
            %dma_wait3A_192 = arith.constant 0 : i32
            %dma_wait3A_193 = arith.constant 0 : i32
            %dma_wait3A_194 = tpu.memref_slice %arg4[%dma_wait3A_192, %dma_wait3A_193] : memref<10000x128xf32, #tpu.memory_space<hbm>> -> memref<64x128xf32, #tpu.memory_space<hbm>>
            %dma_wait3A_195 = tpu.memref_slice %arg11[%dma_wait3A] : memref<6x!tpu.dma_semaphore, #tpu.memory_space<semaphore_mem>> -> memref<1x!tpu.dma_semaphore, #tpu.memory_space<semaphore_mem>>
            %dma_wait3A_196 = tpu.memref_squeeze %dma_wait3A_195 : memref<1x!tpu.dma_semaphore, #tpu.memory_space<semaphore_mem>> -> memref<!tpu.dma_semaphore, #tpu.memory_space<semaphore_mem>>
            %dma_wait3A_197 = arith.constant 0 : i32
            %dma_wait3A_198 = arith.constant 0 : i32
            %dma_wait3A_199 = tpu.memref_slice %arg4[%dma_wait3A_197, %dma_wait3A_198] : memref<10000x128xf32, #tpu.memory_space<hbm>> -> memref<64x128xf32, #tpu.memory_space<hbm>>
            %dma_wait3A_200 = arith.constant 0 : i32
            %dma_wait3A_201 = arith.constant 0 : i32
            %dma_wait3A_202 = tpu.memref_slice %arg10[%dma_wait3A_200, %dma_wait3A_201] : memref<128x128xf32, #tpu.memory_space<vmem>> -> memref<64x128xf32, #tpu.memory_space<vmem>>
            tpu.wait_dma2 semaphore(%dma_wait3A_196 : memref<!tpu.dma_semaphore, #tpu.memory_space<semaphore_mem>>) src(%dma_wait3A_202 : memref<64x128xf32, #tpu.memory_space<vmem>>) dst(%dma_wait3A_199 : memref<64x128xf32, #tpu.memory_space<hbm>>)
          }
        } else {
        }
        %add3A_182 = arith.constant 64 : i32
        %add3A_183 = arith.addi %while3A_38#4, %add3A_182 : i32
        scf.yield %add3A_183 : i32
      } else {
        scf.yield %while3A_38#4 : i32
      }
      %add3A_169 = arith.constant 1 : i32
      %add3A_170 = arith.addi %while3A_38#3, %add3A_169 : i32
      scf.yield %add3A_170, %cond3A_168 : i32, i32
    } else {
      scf.yield %while3A_38#3, %while3A_38#4 : i32, i32
    }
    %add3A_47 = arith.constant 1 : i32
    %add3A_48 = arith.addi %select_n3A_18, %add3A_47 : i32
    %while3A_49:2 = scf.while (%while3A_110 = %cond3A_46#0, %while3A_111 = %cond3A_46#1) : (i32, i32) -> (i32, i32) {
      %lt3A_112 = arith.cmpi slt, %while3A_110, %add3A_48 : i32
      scf.condition(%lt3A_112) %while3A_110, %while3A_111 : i32, i32
    } do {
    ^bb0(%while3A_110: i32, %while3A_111: i32):
      %sub3A_112 = arith.subi %while3A_110, %while3A_111 : i32
      %sub3A_113 = arith.subi %while3A_111, %select_n3A : i32
      %shift_right_logical3A_114 = arith.constant 6 : i32
      %shift_right_logical3A_115 = arith.shrui %sub3A_113, %shift_right_logical3A_114 : i32
      %and3A_116 = arith.constant 1 : i32
      %and3A_117 = arith.andi %shift_right_logical3A_115, %and3A_116 : i32
      %mul3A_118 = arith.constant 64 : i32
      %mul3A_119 = arith.muli %and3A_117, %mul3A_118 : i32
      %add3A_120 = arith.addi %sub3A_112, %mul3A_119 : i32
      %swap3A = arith.index_cast %add3A_120 : i32 to index
      %swap3A_121 = arith.constant 0 : index
      %swap3A_122 = tpu.vector_load %arg10[%swap3A, %swap3A_121] {strides = array<i32>} : memref<128x128xf32, #tpu.memory_space<vmem>>, vector<16xf32>,
      tpu.vector_store %arg10[%swap3A, %swap3A_121], %broadcast_in_dim3A_19 {strides = array<i32>} : memref<128x128xf32, #tpu.memory_space<vmem>>, vector<16xf32>,
      %mul3A_123 = arith.constant 64 : i32
      %mul3A_124 = arith.muli %and3A_117, %mul3A_123 : i32
      %add3A_125 = arith.addi %sub3A_112, %mul3A_124 : i32
      %swap3A_126 = arith.index_cast %add3A_125 : i32 to index
      %swap3A_127 = arith.constant 16 : index
      %swap3A_128 = tpu.vector_load %arg10[%swap3A_126, %swap3A_127] {strides = array<i32>} : memref<128x128xf32, #tpu.memory_space<vmem>>, vector<16xf32>,
      tpu.vector_store %arg10[%swap3A_126, %swap3A_127], %broadcast_in_dim3A_19 {strides = array<i32>} : memref<128x128xf32, #tpu.memory_space<vmem>>, vector<16xf32>,
      %mul3A_129 = arith.constant 64 : i32
      %mul3A_130 = arith.muli %and3A_117, %mul3A_129 : i32
      %add3A_131 = arith.addi %sub3A_112, %mul3A_130 : i32
      %swap3A_132 = arith.index_cast %add3A_131 : i32 to index
      %swap3A_133 = arith.constant 32 : index
      %swap3A_134 = tpu.vector_load %arg10[%swap3A_132, %swap3A_133] {strides = array<i32>} : memref<128x128xf32, #tpu.memory_space<vmem>>, vector<16xf32>,
      tpu.vector_store %arg10[%swap3A_132, %swap3A_133], %broadcast_in_dim3A_19 {strides = array<i32>} : memref<128x128xf32, #tpu.memory_space<vmem>>, vector<16xf32>,
      %mul3A_135 = arith.constant 64 : i32
      %mul3A_136 = arith.muli %and3A_117, %mul3A_135 : i32
      %add3A_137 = arith.addi %sub3A_112, %mul3A_136 : i32
      %swap3A_138 = arith.index_cast %add3A_137 : i32 to index
      %swap3A_139 = arith.constant 48 : index
      %swap3A_140 = tpu.vector_load %arg10[%swap3A_138, %swap3A_139] {strides = array<i32>} : memref<128x128xf32, #tpu.memory_space<vmem>>, vector<16xf32>,
      tpu.vector_store %arg10[%swap3A_138, %swap3A_139], %broadcast_in_dim3A_19 {strides = array<i32>} : memref<128x128xf32, #tpu.memory_space<vmem>>, vector<16xf32>,
      %mul3A_141 = arith.constant 64 : i32
      %mul3A_142 = arith.muli %and3A_117, %mul3A_141 : i32
      %add3A_143 = arith.addi %sub3A_112, %mul3A_142 : i32
      %swap3A_144 = arith.index_cast %add3A_143 : i32 to index
      %swap3A_145 = arith.constant 64 : index
      %swap3A_146 = tpu.vector_load %arg10[%swap3A_144, %swap3A_145] {strides = array<i32>} : memref<128x128xf32, #tpu.memory_space<vmem>>, vector<16xf32>,
      tpu.vector_store %arg10[%swap3A_144, %swap3A_145], %broadcast_in_dim3A_19 {strides = array<i32>} : memref<128x128xf32, #tpu.memory_space<vmem>>, vector<16xf32>,
      %mul3A_147 = arith.constant 64 : i32
      %mul3A_148 = arith.muli %and3A_117, %mul3A_147 : i32
      %add3A_149 = arith.addi %sub3A_112, %mul3A_148 : i32
      %swap3A_150 = arith.index_cast %add3A_149 : i32 to index
      %swap3A_151 = arith.constant 80 : index
      %swap3A_152 = tpu.vector_load %arg10[%swap3A_150, %swap3A_151] {strides = array<i32>} : memref<128x128xf32, #tpu.memory_space<vmem>>, vector<16xf32>,
      tpu.vector_store %arg10[%swap3A_150, %swap3A_151], %broadcast_in_dim3A_19 {strides = array<i32>} : memref<128x128xf32, #tpu.memory_space<vmem>>, vector<16xf32>,
      %mul3A_153 = arith.constant 64 : i32
      %mul3A_154 = arith.muli %and3A_117, %mul3A_153 : i32
      %add3A_155 = arith.addi %sub3A_112, %mul3A_154 : i32
      %swap3A_156 = arith.index_cast %add3A_155 : i32 to index
      %swap3A_157 = arith.constant 96 : index
      %swap3A_158 = tpu.vector_load %arg10[%swap3A_156, %swap3A_157] {strides = array<i32>} : memref<128x128xf32, #tpu.memory_space<vmem>>, vector<16xf32>,
      tpu.vector_store %arg10[%swap3A_156, %swap3A_157], %broadcast_in_dim3A_19 {strides = array<i32>} : memref<128x128xf32, #tpu.memory_space<vmem>>, vector<16xf32>,
      %mul3A_159 = arith.constant 64 : i32
      %mul3A_160 = arith.muli %and3A_117, %mul3A_159 : i32
      %add3A_161 = arith.addi %sub3A_112, %mul3A_160 : i32
      %swap3A_162 = arith.index_cast %add3A_161 : i32 to index
      %swap3A_163 = arith.constant 112 : index
      %swap3A_164 = tpu.vector_load %arg10[%swap3A_162, %swap3A_163] {strides = array<i32>} : memref<128x128xf32, #tpu.memory_space<vmem>>, vector<16xf32>,
      tpu.vector_store %arg10[%swap3A_162, %swap3A_163], %broadcast_in_dim3A_19 {strides = array<i32>} : memref<128x128xf32, #tpu.memory_space<vmem>>, vector<16xf32>,
      %eq3A_165 = arith.constant 63 : i32
      %eq3A_166 = arith.cmpi eq, %sub3A_112, %eq3A_165 : i32
      %convert_element_type3A_167 = arith.extui %eq3A_166 : i1 to i32
      %cond3A_168 = arith.constant 0 : i32
      %cond3A_169 = arith.cmpi ne, %convert_element_type3A_167, %cond3A_168 : i32
      %cond3A_170 = scf.if %cond3A_169 -> (i32) {
        %eq3A_173 = arith.constant 0 : i32
        %eq3A_174 = arith.cmpi eq, %and3A_117, %eq3A_173 : i32
        %convert_element_type3A_175 = arith.extui %eq3A_174 : i1 to i32
        %cond3A_176 = arith.constant 0 : i32
        %cond3A_177 = arith.cmpi ne, %convert_element_type3A_175, %cond3A_176 : i32
        scf.if %cond3A_177 {
          %dma_start3A_186 = arith.constant 4 : i32
          %dma_start3A_187 = arith.constant 0 : i32
          %dma_start3A_188 = arith.constant 0 : i32
          %dma_start3A_189 = tpu.memref_slice %arg10[%dma_start3A_187, %dma_start3A_188] : memref<128x128xf32, #tpu.memory_space<vmem>> -> memref<64x128xf32, #tpu.memory_space<vmem>>
          %dma_start3A_190 = arith.constant 0 : i32
          %dma_start3A_191 = tpu.memref_slice %arg4[%while3A_111, %dma_start3A_190] : memref<10000x128xf32, #tpu.memory_space<hbm>> -> memref<64x128xf32, #tpu.memory_space<hbm>>
          %dma_start3A_192 = tpu.memref_slice %arg11[%dma_start3A_186] : memref<6x!tpu.dma_semaphore, #tpu.memory_space<semaphore_mem>> -> memref<1x!tpu.dma_semaphore, #tpu.memory_space<semaphore_mem>>
          %dma_start3A_193 = tpu.memref_squeeze %dma_start3A_192 : memref<1x!tpu.dma_semaphore, #tpu.memory_space<semaphore_mem>> -> memref<!tpu.dma_semaphore, #tpu.memory_space<semaphore_mem>>
          %dma_start3A_194 = arith.constant 0 : i32
          %dma_start3A_195 = tpu.memref_slice %arg4[%while3A_111, %dma_start3A_194] : memref<10000x128xf32, #tpu.memory_space<hbm>> -> memref<64x128xf32, #tpu.memory_space<hbm>>
          %dma_start3A_196 = arith.constant 0 : i32
          %dma_start3A_197 = arith.constant 0 : i32
          %dma_start3A_198 = tpu.memref_slice %arg10[%dma_start3A_196, %dma_start3A_197] : memref<128x128xf32, #tpu.memory_space<vmem>> -> memref<64x128xf32, #tpu.memory_space<vmem>>
          tpu.enqueue_dma source(%dma_start3A_198 : memref<64x128xf32, #tpu.memory_space<vmem>>) target(%dma_start3A_195 : memref<64x128xf32, #tpu.memory_space<hbm>>) target_semaphore(%dma_start3A_193 : memref<!tpu.dma_semaphore, #tpu.memory_space<semaphore_mem>>)
        } else {
          %dma_start3A_186 = arith.constant 5 : i32
          %dma_start3A_187 = arith.constant 64 : i32
          %dma_start3A_188 = arith.constant 0 : i32
          %dma_start3A_189 = tpu.memref_slice %arg10[%dma_start3A_187, %dma_start3A_188] : memref<128x128xf32, #tpu.memory_space<vmem>> -> memref<64x128xf32, #tpu.memory_space<vmem>>
          %dma_start3A_190 = arith.constant 0 : i32
          %dma_start3A_191 = tpu.memref_slice %arg4[%while3A_111, %dma_start3A_190] : memref<10000x128xf32, #tpu.memory_space<hbm>> -> memref<64x128xf32, #tpu.memory_space<hbm>>
          %dma_start3A_192 = tpu.memref_slice %arg11[%dma_start3A_186] : memref<6x!tpu.dma_semaphore, #tpu.memory_space<semaphore_mem>> -> memref<1x!tpu.dma_semaphore, #tpu.memory_space<semaphore_mem>>
          %dma_start3A_193 = tpu.memref_squeeze %dma_start3A_192 : memref<1x!tpu.dma_semaphore, #tpu.memory_space<semaphore_mem>> -> memref<!tpu.dma_semaphore, #tpu.memory_space<semaphore_mem>>
          %dma_start3A_194 = arith.constant 0 : i32
          %dma_start3A_195 = tpu.memref_slice %arg4[%while3A_111, %dma_start3A_194] : memref<10000x128xf32, #tpu.memory_space<hbm>> -> memref<64x128xf32, #tpu.memory_space<hbm>>
          %dma_start3A_196 = arith.constant 64 : i32
          %dma_start3A_197 = arith.constant 0 : i32
          %dma_start3A_198 = tpu.memref_slice %arg10[%dma_start3A_196, %dma_start3A_197] : memref<128x128xf32, #tpu.memory_space<vmem>> -> memref<64x128xf32, #tpu.memory_space<vmem>>
          tpu.enqueue_dma source(%dma_start3A_198 : memref<64x128xf32, #tpu.memory_space<vmem>>) target(%dma_start3A_195 : memref<64x128xf32, #tpu.memory_space<hbm>>) target_semaphore(%dma_start3A_193 : memref<!tpu.dma_semaphore, #tpu.memory_space<semaphore_mem>>)
        }
        %sub3A_178 = arith.subi %while3A_111, %select_n3A : i32
        %ge3A_179 = arith.constant 64 : i32
        %ge3A_180 = arith.cmpi sge, %sub3A_178, %ge3A_179 : i32
        %convert_element_type3A_181 = arith.extui %ge3A_180 : i1 to i32
        %cond3A_182 = arith.constant 0 : i32
        %cond3A_183 = arith.cmpi ne, %convert_element_type3A_181, %cond3A_182 : i32
        scf.if %cond3A_183 {
          %eq3A_186 = arith.constant 0 : i32
          %eq3A_187 = arith.cmpi eq, %and3A_117, %eq3A_186 : i32
          %convert_element_type3A_188 = arith.extui %eq3A_187 : i1 to i32
          %cond3A_189 = arith.constant 0 : i32
          %cond3A_190 = arith.cmpi ne, %convert_element_type3A_188, %cond3A_189 : i32
          scf.if %cond3A_190 {
            %dma_wait3A = arith.constant 5 : i32
            %dma_wait3A_191 = arith.constant 64 : i32
            %dma_wait3A_192 = arith.constant 0 : i32
            %dma_wait3A_193 = tpu.memref_slice %arg10[%dma_wait3A_191, %dma_wait3A_192] : memref<128x128xf32, #tpu.memory_space<vmem>> -> memref<64x128xf32, #tpu.memory_space<vmem>>
            %dma_wait3A_194 = arith.constant 0 : i32
            %dma_wait3A_195 = arith.constant 0 : i32
            %dma_wait3A_196 = tpu.memref_slice %arg4[%dma_wait3A_194, %dma_wait3A_195] : memref<10000x128xf32, #tpu.memory_space<hbm>> -> memref<64x128xf32, #tpu.memory_space<hbm>>
            %dma_wait3A_197 = tpu.memref_slice %arg11[%dma_wait3A] : memref<6x!tpu.dma_semaphore, #tpu.memory_space<semaphore_mem>> -> memref<1x!tpu.dma_semaphore, #tpu.memory_space<semaphore_mem>>
            %dma_wait3A_198 = tpu.memref_squeeze %dma_wait3A_197 : memref<1x!tpu.dma_semaphore, #tpu.memory_space<semaphore_mem>> -> memref<!tpu.dma_semaphore, #tpu.memory_space<semaphore_mem>>
            %dma_wait3A_199 = arith.constant 0 : i32
            %dma_wait3A_200 = arith.constant 0 : i32
            %dma_wait3A_201 = tpu.memref_slice %arg4[%dma_wait3A_199, %dma_wait3A_200] : memref<10000x128xf32, #tpu.memory_space<hbm>> -> memref<64x128xf32, #tpu.memory_space<hbm>>
            %dma_wait3A_202 = arith.constant 64 : i32
            %dma_wait3A_203 = arith.constant 0 : i32
            %dma_wait3A_204 = tpu.memref_slice %arg10[%dma_wait3A_202, %dma_wait3A_203] : memref<128x128xf32, #tpu.memory_space<vmem>> -> memref<64x128xf32, #tpu.memory_space<vmem>>
            tpu.wait_dma2 semaphore(%dma_wait3A_198 : memref<!tpu.dma_semaphore, #tpu.memory_space<semaphore_mem>>) src(%dma_wait3A_204 : memref<64x128xf32, #tpu.memory_space<vmem>>) dst(%dma_wait3A_201 : memref<64x128xf32, #tpu.memory_space<hbm>>)
          } else {
            %dma_wait3A = arith.constant 4 : i32
            %dma_wait3A_191 = arith.constant 0 : i32
            %dma_wait3A_192 = arith.constant 0 : i32
            %dma_wait3A_193 = tpu.memref_slice %arg10[%dma_wait3A_191, %dma_wait3A_192] : memref<128x128xf32, #tpu.memory_space<vmem>> -> memref<64x128xf32, #tpu.memory_space<vmem>>
            %dma_wait3A_194 = arith.constant 0 : i32
            %dma_wait3A_195 = arith.constant 0 : i32
            %dma_wait3A_196 = tpu.memref_slice %arg4[%dma_wait3A_194, %dma_wait3A_195] : memref<10000x128xf32, #tpu.memory_space<hbm>> -> memref<64x128xf32, #tpu.memory_space<hbm>>
            %dma_wait3A_197 = tpu.memref_slice %arg11[%dma_wait3A] : memref<6x!tpu.dma_semaphore, #tpu.memory_space<semaphore_mem>> -> memref<1x!tpu.dma_semaphore, #tpu.memory_space<semaphore_mem>>
            %dma_wait3A_198 = tpu.memref_squeeze %dma_wait3A_197 : memref<1x!tpu.dma_semaphore, #tpu.memory_space<semaphore_mem>> -> memref<!tpu.dma_semaphore, #tpu.memory_space<semaphore_mem>>
            %dma_wait3A_199 = arith.constant 0 : i32
            %dma_wait3A_200 = arith.constant 0 : i32
            %dma_wait3A_201 = tpu.memref_slice %arg4[%dma_wait3A_199, %dma_wait3A_200] : memref<10000x128xf32, #tpu.memory_space<hbm>> -> memref<64x128xf32, #tpu.memory_space<hbm>>
            %dma_wait3A_202 = arith.constant 0 : i32
            %dma_wait3A_203 = arith.constant 0 : i32
            %dma_wait3A_204 = tpu.memref_slice %arg10[%dma_wait3A_202, %dma_wait3A_203] : memref<128x128xf32, #tpu.memory_space<vmem>> -> memref<64x128xf32, #tpu.memory_space<vmem>>
            tpu.wait_dma2 semaphore(%dma_wait3A_198 : memref<!tpu.dma_semaphore, #tpu.memory_space<semaphore_mem>>) src(%dma_wait3A_204 : memref<64x128xf32, #tpu.memory_space<vmem>>) dst(%dma_wait3A_201 : memref<64x128xf32, #tpu.memory_space<hbm>>)
          }
        } else {
        }
        %add3A_184 = arith.constant 64 : i32
        %add3A_185 = arith.addi %while3A_111, %add3A_184 : i32
        scf.yield %add3A_185 : i32
      } else {
        scf.yield %while3A_111 : i32
      }
      %add3A_171 = arith.constant 1 : i32
      %add3A_172 = arith.addi %while3A_110, %add3A_171 : i32
      scf.yield %add3A_172, %cond3A_170 : i32, i32
    }
    %sub3A_50 = arith.subi %while3A_49#1, %select_n3A : i32
    %shift_right_logical3A = arith.constant 6 : i32
    %shift_right_logical3A_51 = arith.shrui %sub3A_50, %shift_right_logical3A : i32
    %ge3A_52 = arith.constant 1 : i32
    %ge3A_53 = arith.cmpi sge, %shift_right_logical3A_51, %ge3A_52 : i32
    %convert_element_type3A_54 = arith.extui %ge3A_53 : i1 to i32
    %cond3A_55 = arith.constant 0 : i32
    %cond3A_56 = arith.cmpi ne, %convert_element_type3A_54, %cond3A_55 : i32
    scf.if %cond3A_56 {
      %sub3A_110 = arith.constant 1 : i32
      %sub3A_111 = arith.subi %shift_right_logical3A_51, %sub3A_110 : i32
      %and3A_112 = arith.constant 1 : i32
      %and3A_113 = arith.andi %sub3A_111, %and3A_112 : i32
      %eq3A_114 = arith.constant 0 : i32
      %eq3A_115 = arith.cmpi eq, %and3A_113, %eq3A_114 : i32
      %convert_element_type3A_116 = arith.extui %eq3A_115 : i1 to i32
      %cond3A_117 = arith.constant 0 : i32
      %cond3A_118 = arith.cmpi ne, %convert_element_type3A_116, %cond3A_117 : i32
      scf.if %cond3A_118 {
        %dma_wait3A = arith.constant 4 : i32
        %dma_wait3A_119 = arith.constant 0 : i32
        %dma_wait3A_120 = arith.constant 0 : i32
        %dma_wait3A_121 = tpu.memref_slice %arg10[%dma_wait3A_119, %dma_wait3A_120] : memref<128x128xf32, #tpu.memory_space<vmem>> -> memref<64x128xf32, #tpu.memory_space<vmem>>
        %dma_wait3A_122 = arith.constant 0 : i32
        %dma_wait3A_123 = arith.constant 0 : i32
        %dma_wait3A_124 = tpu.memref_slice %arg4[%dma_wait3A_122, %dma_wait3A_123] : memref<10000x128xf32, #tpu.memory_space<hbm>> -> memref<64x128xf32, #tpu.memory_space<hbm>>
        %dma_wait3A_125 = tpu.memref_slice %arg11[%dma_wait3A] : memref<6x!tpu.dma_semaphore, #tpu.memory_space<semaphore_mem>> -> memref<1x!tpu.dma_semaphore, #tpu.memory_space<semaphore_mem>>
        %dma_wait3A_126 = tpu.memref_squeeze %dma_wait3A_125 : memref<1x!tpu.dma_semaphore, #tpu.memory_space<semaphore_mem>> -> memref<!tpu.dma_semaphore, #tpu.memory_space<semaphore_mem>>
        %dma_wait3A_127 = arith.constant 0 : i32
        %dma_wait3A_128 = arith.constant 0 : i32
        %dma_wait3A_129 = tpu.memref_slice %arg4[%dma_wait3A_127, %dma_wait3A_128] : memref<10000x128xf32, #tpu.memory_space<hbm>> -> memref<64x128xf32, #tpu.memory_space<hbm>>
        %dma_wait3A_130 = arith.constant 0 : i32
        %dma_wait3A_131 = arith.constant 0 : i32
        %dma_wait3A_132 = tpu.memref_slice %arg10[%dma_wait3A_130, %dma_wait3A_131] : memref<128x128xf32, #tpu.memory_space<vmem>> -> memref<64x128xf32, #tpu.memory_space<vmem>>
        tpu.wait_dma2 semaphore(%dma_wait3A_126 : memref<!tpu.dma_semaphore, #tpu.memory_space<semaphore_mem>>) src(%dma_wait3A_132 : memref<64x128xf32, #tpu.memory_space<vmem>>) dst(%dma_wait3A_129 : memref<64x128xf32, #tpu.memory_space<hbm>>)
      } else {
        %dma_wait3A = arith.constant 5 : i32
        %dma_wait3A_119 = arith.constant 64 : i32
        %dma_wait3A_120 = arith.constant 0 : i32
        %dma_wait3A_121 = tpu.memref_slice %arg10[%dma_wait3A_119, %dma_wait3A_120] : memref<128x128xf32, #tpu.memory_space<vmem>> -> memref<64x128xf32, #tpu.memory_space<vmem>>
        %dma_wait3A_122 = arith.constant 0 : i32
        %dma_wait3A_123 = arith.constant 0 : i32
        %dma_wait3A_124 = tpu.memref_slice %arg4[%dma_wait3A_122, %dma_wait3A_123] : memref<10000x128xf32, #tpu.memory_space<hbm>> -> memref<64x128xf32, #tpu.memory_space<hbm>>
        %dma_wait3A_125 = tpu.memref_slice %arg11[%dma_wait3A] : memref<6x!tpu.dma_semaphore, #tpu.memory_space<semaphore_mem>> -> memref<1x!tpu.dma_semaphore, #tpu.memory_space<semaphore_mem>>
        %dma_wait3A_126 = tpu.memref_squeeze %dma_wait3A_125 : memref<1x!tpu.dma_semaphore, #tpu.memory_space<semaphore_mem>> -> memref<!tpu.dma_semaphore, #tpu.memory_space<semaphore_mem>>
        %dma_wait3A_127 = arith.constant 0 : i32
        %dma_wait3A_128 = arith.constant 0 : i32
        %dma_wait3A_129 = tpu.memref_slice %arg4[%dma_wait3A_127, %dma_wait3A_128] : memref<10000x128xf32, #tpu.memory_space<hbm>> -> memref<64x128xf32, #tpu.memory_space<hbm>>
        %dma_wait3A_130 = arith.constant 64 : i32
        %dma_wait3A_131 = arith.constant 0 : i32
        %dma_wait3A_132 = tpu.memref_slice %arg10[%dma_wait3A_130, %dma_wait3A_131] : memref<128x128xf32, #tpu.memory_space<vmem>> -> memref<64x128xf32, #tpu.memory_space<vmem>>
        tpu.wait_dma2 semaphore(%dma_wait3A_126 : memref<!tpu.dma_semaphore, #tpu.memory_space<semaphore_mem>>) src(%dma_wait3A_132 : memref<64x128xf32, #tpu.memory_space<vmem>>) dst(%dma_wait3A_129 : memref<64x128xf32, #tpu.memory_space<hbm>>)
      }
    } else {
    }
    %and3A_57 = arith.constant 1 : i32
    %and3A_58 = arith.andi %shift_right_logical3A_51, %and3A_57 : i32
    %mul3A_59 = arith.constant 64 : i32
    %mul3A_60 = arith.muli %and3A_58, %mul3A_59 : i32
    %sub3A_61 = arith.subi %while3A_49#0, %while3A_49#1 : i32
    %and3A_62 = arith.constant 32 : i32
    %and3A_63 = arith.andi %sub3A_61, %and3A_62 : i32
    %ne3A = arith.constant 0 : i32
    %ne3A_64 = arith.cmpi ne, %and3A_63, %ne3A : i32
    %convert_element_type3A_65 = arith.extui %ne3A_64 : i1 to i32
    %cond3A_66 = arith.constant 0 : i32
    %cond3A_67 = arith.constant 0 : i32
    %cond3A_68 = arith.cmpi ne, %convert_element_type3A_65, %cond3A_67 : i32
    %cond3A_69 = scf.if %cond3A_68 -> (i32) {
      %add3A_110 = arith.addi %mul3A_60, %cond3A_66 : i32
      %add3A_111 = arith.addi %while3A_49#1, %cond3A_66 : i32
      "tpu.region"() ({
        %run_scoped3A = tpu.sem_alloc : memref<!tpu.dma_semaphore, #tpu.memory_space<semaphore_mem>>
        %dma_start3A_114 = arith.constant 0 : i32
        %dma_start3A_115 = tpu.memref_slice %arg10[%add3A_110, %dma_start3A_114] : memref<128x128xf32, #tpu.memory_space<vmem>> -> memref<32x128xf32, #tpu.memory_space<vmem>>
        %dma_start3A_116 = arith.constant 0 : i32
        %dma_start3A_117 = tpu.memref_slice %arg4[%add3A_111, %dma_start3A_116] : memref<10000x128xf32, #tpu.memory_space<hbm>> -> memref<32x128xf32, #tpu.memory_space<hbm>>
        %dma_start3A_118 = arith.constant 0 : i32
        %dma_start3A_119 = tpu.memref_slice %arg4[%add3A_111, %dma_start3A_118] : memref<10000x128xf32, #tpu.memory_space<hbm>> -> memref<32x128xf32, #tpu.memory_space<hbm>>
        %dma_start3A_120 = arith.constant 0 : i32
        %dma_start3A_121 = tpu.memref_slice %arg10[%add3A_110, %dma_start3A_120] : memref<128x128xf32, #tpu.memory_space<vmem>> -> memref<32x128xf32, #tpu.memory_space<vmem>>
        tpu.enqueue_dma source(%dma_start3A_121 : memref<32x128xf32, #tpu.memory_space<vmem>>) target(%dma_start3A_119 : memref<32x128xf32, #tpu.memory_space<hbm>>) target_semaphore(%run_scoped3A : memref<!tpu.dma_semaphore, #tpu.memory_space<semaphore_mem>>)
        %dma_wait3A = arith.constant 0 : i32
        %dma_wait3A_122 = tpu.memref_slice %arg10[%add3A_110, %dma_wait3A] : memref<128x128xf32, #tpu.memory_space<vmem>> -> memref<32x128xf32, #tpu.memory_space<vmem>>
        %dma_wait3A_123 = arith.constant 0 : i32
        %dma_wait3A_124 = tpu.memref_slice %arg4[%add3A_111, %dma_wait3A_123] : memref<10000x128xf32, #tpu.memory_space<hbm>> -> memref<32x128xf32, #tpu.memory_space<hbm>>
        %dma_wait3A_125 = arith.constant 0 : i32
        %dma_wait3A_126 = tpu.memref_slice %arg4[%add3A_111, %dma_wait3A_125] : memref<10000x128xf32, #tpu.memory_space<hbm>> -> memref<32x128xf32, #tpu.memory_space<hbm>>
        %dma_wait3A_127 = arith.constant 0 : i32
        %dma_wait3A_128 = tpu.memref_slice %arg10[%add3A_110, %dma_wait3A_127] : memref<128x128xf32, #tpu.memory_space<vmem>> -> memref<32x128xf32, #tpu.memory_space<vmem>>
        tpu.wait_dma2 semaphore(%run_scoped3A : memref<!tpu.dma_semaphore, #tpu.memory_space<semaphore_mem>>) src(%dma_wait3A_128 : memref<32x128xf32, #tpu.memory_space<vmem>>) dst(%dma_wait3A_126 : memref<32x128xf32, #tpu.memory_space<hbm>>)
        tpu.yield
      }) : () -> ()
      %add3A_112 = arith.constant 32 : i32
      %add3A_113 = arith.addi %cond3A_66, %add3A_112 : i32
      scf.yield %add3A_113 : i32
    } else {
      scf.yield %cond3A_66 : i32
    }
    %and3A_70 = arith.constant 16 : i32
    %and3A_71 = arith.andi %sub3A_61, %and3A_70 : i32
    %ne3A_72 = arith.constant 0 : i32
    %ne3A_73 = arith.cmpi ne, %and3A_71, %ne3A_72 : i32
    %convert_element_type3A_74 = arith.extui %ne3A_73 : i1 to i32
    %cond3A_75 = arith.constant 0 : i32
    %cond3A_76 = arith.cmpi ne, %convert_element_type3A_74, %cond3A_75 : i32
    %cond3A_77 = scf.if %cond3A_76 -> (i32) {
      %add3A_110 = arith.addi %mul3A_60, %cond3A_69 : i32
      %add3A_111 = arith.addi %while3A_49#1, %cond3A_69 : i32
      "tpu.region"() ({
        %run_scoped3A = tpu.sem_alloc : memref<!tpu.dma_semaphore, #tpu.memory_space<semaphore_mem>>
        %dma_start3A_114 = arith.constant 0 : i32
        %dma_start3A_115 = tpu.memref_slice %arg10[%add3A_110, %dma_start3A_114] : memref<128x128xf32, #tpu.memory_space<vmem>> -> memref<16x128xf32, #tpu.memory_space<vmem>>
        %dma_start3A_116 = arith.constant 0 : i32
        %dma_start3A_117 = tpu.memref_slice %arg4[%add3A_111, %dma_start3A_116] : memref<10000x128xf32, #tpu.memory_space<hbm>> -> memref<16x128xf32, #tpu.memory_space<hbm>>
        %dma_start3A_118 = arith.constant 0 : i32
        %dma_start3A_119 = tpu.memref_slice %arg4[%add3A_111, %dma_start3A_118] : memref<10000x128xf32, #tpu.memory_space<hbm>> -> memref<16x128xf32, #tpu.memory_space<hbm>>
        %dma_start3A_120 = arith.constant 0 : i32
        %dma_start3A_121 = tpu.memref_slice %arg10[%add3A_110, %dma_start3A_120] : memref<128x128xf32, #tpu.memory_space<vmem>> -> memref<16x128xf32, #tpu.memory_space<vmem>>
        tpu.enqueue_dma source(%dma_start3A_121 : memref<16x128xf32, #tpu.memory_space<vmem>>) target(%dma_start3A_119 : memref<16x128xf32, #tpu.memory_space<hbm>>) target_semaphore(%run_scoped3A : memref<!tpu.dma_semaphore, #tpu.memory_space<semaphore_mem>>)
        %dma_wait3A = arith.constant 0 : i32
        %dma_wait3A_122 = tpu.memref_slice %arg10[%add3A_110, %dma_wait3A] : memref<128x128xf32, #tpu.memory_space<vmem>> -> memref<16x128xf32, #tpu.memory_space<vmem>>
        %dma_wait3A_123 = arith.constant 0 : i32
        %dma_wait3A_124 = tpu.memref_slice %arg4[%add3A_111, %dma_wait3A_123] : memref<10000x128xf32, #tpu.memory_space<hbm>> -> memref<16x128xf32, #tpu.memory_space<hbm>>
        %dma_wait3A_125 = arith.constant 0 : i32
        %dma_wait3A_126 = tpu.memref_slice %arg4[%add3A_111, %dma_wait3A_125] : memref<10000x128xf32, #tpu.memory_space<hbm>> -> memref<16x128xf32, #tpu.memory_space<hbm>>
        %dma_wait3A_127 = arith.constant 0 : i32
        %dma_wait3A_128 = tpu.memref_slice %arg10[%add3A_110, %dma_wait3A_127] : memref<128x128xf32, #tpu.memory_space<vmem>> -> memref<16x128xf32, #tpu.memory_space<vmem>>
        tpu.wait_dma2 semaphore(%run_scoped3A : memref<!tpu.dma_semaphore, #tpu.memory_space<semaphore_mem>>) src(%dma_wait3A_128 : memref<16x128xf32, #tpu.memory_space<vmem>>) dst(%dma_wait3A_126 : memref<16x128xf32, #tpu.memory_space<hbm>>)
        tpu.yield
      }) : () -> ()
      %add3A_112 = arith.constant 16 : i32
      %add3A_113 = arith.addi %cond3A_69, %add3A_112 : i32
      scf.yield %add3A_113 : i32
    } else {
      scf.yield %cond3A_69 : i32
    }
    %and3A_78 = arith.constant 8 : i32
    %and3A_79 = arith.andi %sub3A_61, %and3A_78 : i32
    %ne3A_80 = arith.constant 0 : i32
    %ne3A_81 = arith.cmpi ne, %and3A_79, %ne3A_80 : i32
    %convert_element_type3A_82 = arith.extui %ne3A_81 : i1 to i32
    %cond3A_83 = arith.constant 0 : i32
    %cond3A_84 = arith.cmpi ne, %convert_element_type3A_82, %cond3A_83 : i32
    %cond3A_85 = scf.if %cond3A_84 -> (i32) {
      %add3A_110 = arith.addi %mul3A_60, %cond3A_77 : i32
      %add3A_111 = arith.addi %while3A_49#1, %cond3A_77 : i32
      "tpu.region"() ({
        %run_scoped3A = tpu.sem_alloc : memref<!tpu.dma_semaphore, #tpu.memory_space<semaphore_mem>>
        %dma_start3A_114 = arith.constant 0 : i32
        %dma_start3A_115 = tpu.memref_slice %arg10[%add3A_110, %dma_start3A_114] : memref<128x128xf32, #tpu.memory_space<vmem>> -> memref<8x128xf32, #tpu.memory_space<vmem>>
        %dma_start3A_116 = arith.constant 0 : i32
        %dma_start3A_117 = tpu.memref_slice %arg4[%add3A_111, %dma_start3A_116] : memref<10000x128xf32, #tpu.memory_space<hbm>> -> memref<8x128xf32, #tpu.memory_space<hbm>>
        %dma_start3A_118 = arith.constant 0 : i32
        %dma_start3A_119 = tpu.memref_slice %arg4[%add3A_111, %dma_start3A_118] : memref<10000x128xf32, #tpu.memory_space<hbm>> -> memref<8x128xf32, #tpu.memory_space<hbm>>
        %dma_start3A_120 = arith.constant 0 : i32
        %dma_start3A_121 = tpu.memref_slice %arg10[%add3A_110, %dma_start3A_120] : memref<128x128xf32, #tpu.memory_space<vmem>> -> memref<8x128xf32, #tpu.memory_space<vmem>>
        tpu.enqueue_dma source(%dma_start3A_121 : memref<8x128xf32, #tpu.memory_space<vmem>>) target(%dma_start3A_119 : memref<8x128xf32, #tpu.memory_space<hbm>>) target_semaphore(%run_scoped3A : memref<!tpu.dma_semaphore, #tpu.memory_space<semaphore_mem>>)
        %dma_wait3A = arith.constant 0 : i32
        %dma_wait3A_122 = tpu.memref_slice %arg10[%add3A_110, %dma_wait3A] : memref<128x128xf32, #tpu.memory_space<vmem>> -> memref<8x128xf32, #tpu.memory_space<vmem>>
        %dma_wait3A_123 = arith.constant 0 : i32
        %dma_wait3A_124 = tpu.memref_slice %arg4[%add3A_111, %dma_wait3A_123] : memref<10000x128xf32, #tpu.memory_space<hbm>> -> memref<8x128xf32, #tpu.memory_space<hbm>>
        %dma_wait3A_125 = arith.constant 0 : i32
        %dma_wait3A_126 = tpu.memref_slice %arg4[%add3A_111, %dma_wait3A_125] : memref<10000x128xf32, #tpu.memory_space<hbm>> -> memref<8x128xf32, #tpu.memory_space<hbm>>
        %dma_wait3A_127 = arith.constant 0 : i32
        %dma_wait3A_128 = tpu.memref_slice %arg10[%add3A_110, %dma_wait3A_127] : memref<128x128xf32, #tpu.memory_space<vmem>> -> memref<8x128xf32, #tpu.memory_space<vmem>>
        tpu.wait_dma2 semaphore(%run_scoped3A : memref<!tpu.dma_semaphore, #tpu.memory_space<semaphore_mem>>) src(%dma_wait3A_128 : memref<8x128xf32, #tpu.memory_space<vmem>>) dst(%dma_wait3A_126 : memref<8x128xf32, #tpu.memory_space<hbm>>)
        tpu.yield
      }) : () -> ()
      %add3A_112 = arith.constant 8 : i32
      %add3A_113 = arith.addi %cond3A_77, %add3A_112 : i32
      scf.yield %add3A_113 : i32
    } else {
      scf.yield %cond3A_77 : i32
    }
    %and3A_86 = arith.constant 4 : i32
    %and3A_87 = arith.andi %sub3A_61, %and3A_86 : i32
    %ne3A_88 = arith.constant 0 : i32
    %ne3A_89 = arith.cmpi ne, %and3A_87, %ne3A_88 : i32
    %convert_element_type3A_90 = arith.extui %ne3A_89 : i1 to i32
    %cond3A_91 = arith.constant 0 : i32
    %cond3A_92 = arith.cmpi ne, %convert_element_type3A_90, %cond3A_91 : i32
    %cond3A_93 = scf.if %cond3A_92 -> (i32) {
      %add3A_110 = arith.addi %mul3A_60, %cond3A_85 : i32
      %add3A_111 = arith.addi %while3A_49#1, %cond3A_85 : i32
      "tpu.region"() ({
        %run_scoped3A = tpu.sem_alloc : memref<!tpu.dma_semaphore, #tpu.memory_space<semaphore_mem>>
        %dma_start3A_114 = arith.constant 0 : i32
        %dma_start3A_115 = tpu.memref_slice %arg10[%add3A_110, %dma_start3A_114] : memref<128x128xf32, #tpu.memory_space<vmem>> -> memref<4x128xf32, #tpu.memory_space<vmem>>
        %dma_start3A_116 = arith.constant 0 : i32
        %dma_start3A_117 = tpu.memref_slice %arg4[%add3A_111, %dma_start3A_116] : memref<10000x128xf32, #tpu.memory_space<hbm>> -> memref<4x128xf32, #tpu.memory_space<hbm>>
        %dma_start3A_118 = arith.constant 0 : i32
        %dma_start3A_119 = tpu.memref_slice %arg4[%add3A_111, %dma_start3A_118] : memref<10000x128xf32, #tpu.memory_space<hbm>> -> memref<4x128xf32, #tpu.memory_space<hbm>>
        %dma_start3A_120 = arith.constant 0 : i32
        %dma_start3A_121 = tpu.memref_slice %arg10[%add3A_110, %dma_start3A_120] : memref<128x128xf32, #tpu.memory_space<vmem>> -> memref<4x128xf32, #tpu.memory_space<vmem>>
        tpu.enqueue_dma source(%dma_start3A_121 : memref<4x128xf32, #tpu.memory_space<vmem>>) target(%dma_start3A_119 : memref<4x128xf32, #tpu.memory_space<hbm>>) target_semaphore(%run_scoped3A : memref<!tpu.dma_semaphore, #tpu.memory_space<semaphore_mem>>)
        %dma_wait3A = arith.constant 0 : i32
        %dma_wait3A_122 = tpu.memref_slice %arg10[%add3A_110, %dma_wait3A] : memref<128x128xf32, #tpu.memory_space<vmem>> -> memref<4x128xf32, #tpu.memory_space<vmem>>
        %dma_wait3A_123 = arith.constant 0 : i32
        %dma_wait3A_124 = tpu.memref_slice %arg4[%add3A_111, %dma_wait3A_123] : memref<10000x128xf32, #tpu.memory_space<hbm>> -> memref<4x128xf32, #tpu.memory_space<hbm>>
        %dma_wait3A_125 = arith.constant 0 : i32
        %dma_wait3A_126 = tpu.memref_slice %arg4[%add3A_111, %dma_wait3A_125] : memref<10000x128xf32, #tpu.memory_space<hbm>> -> memref<4x128xf32, #tpu.memory_space<hbm>>
        %dma_wait3A_127 = arith.constant 0 : i32
        %dma_wait3A_128 = tpu.memref_slice %arg10[%add3A_110, %dma_wait3A_127] : memref<128x128xf32, #tpu.memory_space<vmem>> -> memref<4x128xf32, #tpu.memory_space<vmem>>
        tpu.wait_dma2 semaphore(%run_scoped3A : memref<!tpu.dma_semaphore, #tpu.memory_space<semaphore_mem>>) src(%dma_wait3A_128 : memref<4x128xf32, #tpu.memory_space<vmem>>) dst(%dma_wait3A_126 : memref<4x128xf32, #tpu.memory_space<hbm>>)
        tpu.yield
      }) : () -> ()
      %add3A_112 = arith.constant 4 : i32
      %add3A_113 = arith.addi %cond3A_85, %add3A_112 : i32
      scf.yield %add3A_113 : i32
    } else {
      scf.yield %cond3A_85 : i32
    }
    %and3A_94 = arith.constant 2 : i32
    %and3A_95 = arith.andi %sub3A_61, %and3A_94 : i32
    %ne3A_96 = arith.constant 0 : i32
    %ne3A_97 = arith.cmpi ne, %and3A_95, %ne3A_96 : i32
    %convert_element_type3A_98 = arith.extui %ne3A_97 : i1 to i32
    %cond3A_99 = arith.constant 0 : i32
    %cond3A_100 = arith.cmpi ne, %convert_element_type3A_98, %cond3A_99 : i32
    %cond3A_101 = scf.if %cond3A_100 -> (i32) {
      %add3A_110 = arith.addi %mul3A_60, %cond3A_93 : i32
      %add3A_111 = arith.addi %while3A_49#1, %cond3A_93 : i32
      "tpu.region"() ({
        %run_scoped3A = tpu.sem_alloc : memref<!tpu.dma_semaphore, #tpu.memory_space<semaphore_mem>>
        %dma_start3A_114 = arith.constant 0 : i32
        %dma_start3A_115 = tpu.memref_slice %arg10[%add3A_110, %dma_start3A_114] : memref<128x128xf32, #tpu.memory_space<vmem>> -> memref<2x128xf32, #tpu.memory_space<vmem>>
        %dma_start3A_116 = arith.constant 0 : i32
        %dma_start3A_117 = tpu.memref_slice %arg4[%add3A_111, %dma_start3A_116] : memref<10000x128xf32, #tpu.memory_space<hbm>> -> memref<2x128xf32, #tpu.memory_space<hbm>>
        %dma_start3A_118 = arith.constant 0 : i32
        %dma_start3A_119 = tpu.memref_slice %arg4[%add3A_111, %dma_start3A_118] : memref<10000x128xf32, #tpu.memory_space<hbm>> -> memref<2x128xf32, #tpu.memory_space<hbm>>
        %dma_start3A_120 = arith.constant 0 : i32
        %dma_start3A_121 = tpu.memref_slice %arg10[%add3A_110, %dma_start3A_120] : memref<128x128xf32, #tpu.memory_space<vmem>> -> memref<2x128xf32, #tpu.memory_space<vmem>>
        tpu.enqueue_dma source(%dma_start3A_121 : memref<2x128xf32, #tpu.memory_space<vmem>>) target(%dma_start3A_119 : memref<2x128xf32, #tpu.memory_space<hbm>>) target_semaphore(%run_scoped3A : memref<!tpu.dma_semaphore, #tpu.memory_space<semaphore_mem>>)
        %dma_wait3A = arith.constant 0 : i32
        %dma_wait3A_122 = tpu.memref_slice %arg10[%add3A_110, %dma_wait3A] : memref<128x128xf32, #tpu.memory_space<vmem>> -> memref<2x128xf32, #tpu.memory_space<vmem>>
        %dma_wait3A_123 = arith.constant 0 : i32
        %dma_wait3A_124 = tpu.memref_slice %arg4[%add3A_111, %dma_wait3A_123] : memref<10000x128xf32, #tpu.memory_space<hbm>> -> memref<2x128xf32, #tpu.memory_space<hbm>>
        %dma_wait3A_125 = arith.constant 0 : i32
        %dma_wait3A_126 = tpu.memref_slice %arg4[%add3A_111, %dma_wait3A_125] : memref<10000x128xf32, #tpu.memory_space<hbm>> -> memref<2x128xf32, #tpu.memory_space<hbm>>
        %dma_wait3A_127 = arith.constant 0 : i32
        %dma_wait3A_128 = tpu.memref_slice %arg10[%add3A_110, %dma_wait3A_127] : memref<128x128xf32, #tpu.memory_space<vmem>> -> memref<2x128xf32, #tpu.memory_space<vmem>>
        tpu.wait_dma2 semaphore(%run_scoped3A : memref<!tpu.dma_semaphore, #tpu.memory_space<semaphore_mem>>) src(%dma_wait3A_128 : memref<2x128xf32, #tpu.memory_space<vmem>>) dst(%dma_wait3A_126 : memref<2x128xf32, #tpu.memory_space<hbm>>)
        tpu.yield
      }) : () -> ()
      %add3A_112 = arith.constant 2 : i32
      %add3A_113 = arith.addi %cond3A_93, %add3A_112 : i32
      scf.yield %add3A_113 : i32
    } else {
      scf.yield %cond3A_93 : i32
    }
    %and3A_102 = arith.constant 1 : i32
    %and3A_103 = arith.andi %sub3A_61, %and3A_102 : i32
    %ne3A_104 = arith.constant 0 : i32
    %ne3A_105 = arith.cmpi ne, %and3A_103, %ne3A_104 : i32
    %convert_element_type3A_106 = arith.extui %ne3A_105 : i1 to i32
    %cond3A_107 = arith.constant 0 : i32
    %cond3A_108 = arith.cmpi ne, %convert_element_type3A_106, %cond3A_107 : i32
    %cond3A_109 = scf.if %cond3A_108 -> (i32) {
      %add3A_110 = arith.addi %mul3A_60, %cond3A_101 : i32
      %add3A_111 = arith.addi %while3A_49#1, %cond3A_101 : i32
      "tpu.region"() ({
        %run_scoped3A = tpu.sem_alloc : memref<!tpu.dma_semaphore, #tpu.memory_space<semaphore_mem>>
        %dma_start3A_114 = arith.constant 0 : i32
        %dma_start3A_115 = tpu.memref_slice %arg10[%add3A_110, %dma_start3A_114] : memref<128x128xf32, #tpu.memory_space<vmem>> -> memref<1x128xf32, #tpu.memory_space<vmem>>
        %dma_start3A_116 = arith.constant 0 : i32
        %dma_start3A_117 = tpu.memref_slice %arg4[%add3A_111, %dma_start3A_116] : memref<10000x128xf32, #tpu.memory_space<hbm>> -> memref<1x128xf32, #tpu.memory_space<hbm>>
        %dma_start3A_118 = arith.constant 0 : i32
        %dma_start3A_119 = tpu.memref_slice %arg4[%add3A_111, %dma_start3A_118] : memref<10000x128xf32, #tpu.memory_space<hbm>> -> memref<1x128xf32, #tpu.memory_space<hbm>>
        %dma_start3A_120 = arith.constant 0 : i32
        %dma_start3A_121 = tpu.memref_slice %arg10[%add3A_110, %dma_start3A_120] : memref<128x128xf32, #tpu.memory_space<vmem>> -> memref<1x128xf32, #tpu.memory_space<vmem>>
        tpu.enqueue_dma source(%dma_start3A_121 : memref<1x128xf32, #tpu.memory_space<vmem>>) target(%dma_start3A_119 : memref<1x128xf32, #tpu.memory_space<hbm>>) target_semaphore(%run_scoped3A : memref<!tpu.dma_semaphore, #tpu.memory_space<semaphore_mem>>)
        %dma_wait3A = arith.constant 0 : i32
        %dma_wait3A_122 = tpu.memref_slice %arg10[%add3A_110, %dma_wait3A] : memref<128x128xf32, #tpu.memory_space<vmem>> -> memref<1x128xf32, #tpu.memory_space<vmem>>
        %dma_wait3A_123 = arith.constant 0 : i32
        %dma_wait3A_124 = tpu.memref_slice %arg4[%add3A_111, %dma_wait3A_123] : memref<10000x128xf32, #tpu.memory_space<hbm>> -> memref<1x128xf32, #tpu.memory_space<hbm>>
        %dma_wait3A_125 = arith.constant 0 : i32
        %dma_wait3A_126 = tpu.memref_slice %arg4[%add3A_111, %dma_wait3A_125] : memref<10000x128xf32, #tpu.memory_space<hbm>> -> memref<1x128xf32, #tpu.memory_space<hbm>>
        %dma_wait3A_127 = arith.constant 0 : i32
        %dma_wait3A_128 = tpu.memref_slice %arg10[%add3A_110, %dma_wait3A_127] : memref<128x128xf32, #tpu.memory_space<vmem>> -> memref<1x128xf32, #tpu.memory_space<vmem>>
        tpu.wait_dma2 semaphore(%run_scoped3A : memref<!tpu.dma_semaphore, #tpu.memory_space<semaphore_mem>>) src(%dma_wait3A_128 : memref<1x128xf32, #tpu.memory_space<vmem>>) dst(%dma_wait3A_126 : memref<1x128xf32, #tpu.memory_space<hbm>>)
        tpu.yield
      }) : () -> ()
      %add3A_112 = arith.constant 1 : i32
      %add3A_113 = arith.addi %cond3A_101, %add3A_112 : i32
      scf.yield %add3A_113 : i32
    } else {
      scf.yield %cond3A_101 : i32
    }
    return
  }
}

</mosaic_0001>

<sc_bundles>
// kernel: kernel.3.cloned.1.call-start
scs
__scs_entry_jumppad:
0x0: {  	(pc) =	sbr.rel $0x88, $3  }
0x1: {  	(tag) =	ssettag $0x0;
	lr =	simm.s32 $0x1  }
0x2: {  	[smem:$0x3F9F] =	sst lr;
	_ =	strace $0xD0000000  }
0x3: {  	_ = 	snop  }
0x4: {  	_ = 	snop  }
0x5: {  	_ = 	snop  }
0x6: {  	_ = 	snop  }
0x7: {  	_ = 	snop  }
__scs_overlays_trampoline_lowered:
0x8: {  	[smem:$0x3FAE] =	sst s0  }
0x9: {  	[smem:$0x3FAF] =	sst s1  }
0xa: {  	[smem:$0x3FB0] =	sst s2  }
0xb: {  	[smem:$0x3FB1] =	sst s3  }
0xc: {  	[smem:$0x3FB2] =	sst s4  }
0xd: {  	[smem:$0x3FB3] =	sst s5  }
0xe: {  	[smem:$0x3FB4] =	sst s6  }
0xf: {  	[smem:$0x3FB5] =	sst s7  }
0x10: {  	[smem:$0x3FB6] =	sst s8  }
0x11: {  	[smem:$0x3FB7] =	sst s9;
	s0 =	simm.s32 @!p0 $0x0  }
0x12: {  	s1 =	sld [smem:$0x3F9D];
	s0 =	simm.s32 @p0 $0x1  }
0x13: {  	[smem:$0x3FB8] =	sst s0;
	s0 =	simm.s32 @!p1 $0x0  }
0x14: {  	s2 =	sld [smem:$0x3F9C];
	s0 =	simm.s32 @p1 $0x1  }
0x15: {  	[smem:$0x3FB9] =	sst s0;
	s0 =	simm.s32 @!p2 $0x0  }
0x16: {  	s3 =	sld [smem:$0x3FDB];
	s0 =	simm.s32 @p2 $0x1  }
0x17: {  	s4 =	simm.s32 $0x1BF5;
	[smem:$0x3FBB] =	sst s0  }
0x18: {  	s0 =	sld [smem:$0x3F9E];
	_ =	swait.ge [sflag:s4], $0x0  }
0x19: {  	s7 =	sld [smem:$0x3F9F]  }
0x1a: {  	s8 =	sadd.s32 $0xFFFFE003, lr  }
0x1b: {  	s9 =	sadd.s32 $0xFFFFFEF7, lr;
	s5 =	simm.s32 $0xFFFFFFFF;
	p2 =	slt.u32 s8, $0xFFFFF086  }
0x1c: {  	p1 =	slt.u32 s9, $0xF7A;
	s5 =	simm.s32 @!p2 $0x0  }
0x1d: {  	s5 =	simm.s32 @p1 $0x1;
	p0 =	seq.s32 s7, s2  }
0x1e: {  	s7 =	smul.u32 @!p0 $0xF7A, s2;
	p2 =	seq.s32 @!p0 s5, $0x0  }
0x1f: {  	s9 =	smul.u32 $0xF7A, s1;
	s8 =	simm.s32 @!p0 $0x1BF5;
	p2 =	por !p2, p0  }
0x20: {  	[sflag:s8] =	ssyncset.s32 @!p0 $0xFFFFF086;
	s6 =	sadd.s32 @!p0 s3, s7;
	s7 =	simm.s32 @!p0 $0x108  }
0x21: {  	s3 =	sadd.s32 s3, s9;
	s6 =	sadd.s32 @!p0 $0x88, s6;
	s7 =	simm.s32 @p2 $0x1082  }
0x22: {  	[simem:s7], [sflag:s8] =	dma.local @!p0 [hbm:s6], $0xF7A  }
0x23: {  	s9 =	sor.u32 $0xD0000000, s2;
	s6 =	simm.s32 $0x108;
	_ =	swait.ge @!p0 [sflag:s8], $0x0  }
0x24: {  	s3 =	sadd.s32 $0x88, s3;
	s6 =	simm.s32 @!p1 $0x1082;
	[sflag:s4] =	ssyncset.s32 $0xFFFFF086  }
0x25: {  	[simem:s6], [sflag:s4] =	dma.local [hbm:s3], $0xF7A  }
0x26: {  	[smem:$0x3F9F] =	sst s1;
	(tag) =	ssettag s2;
	_ =	strace s9  }
0x27: {  	s1 =	sld [smem:$0x3FAF]  }
0x28: {  	s2 =	sld [smem:$0x3FB0]  }
0x29: {  	s4 =	sld [smem:$0x3FB2]  }
0x2a: {  	p0 =	seq.s32 s5, $0x0;
	s5 =	sld [smem:$0x3FB3]  }
0x2b: {  	s6 =	sld [smem:$0x3FB4]  }
0x2c: {  	s7 =	sld [smem:$0x3FB5]  }
0x2d: {  	s3 =	simm.s32 $0x108;
	s8 =	sld [smem:$0x3FB6]  }
0x2e: {  	s3 =	simm.s32 @!p0 $0x1082;
	s9 =	sld [smem:$0x3FB7]  }
0x2f: {  	lr =	sadd.s32 s0, s3;
	s0 =	sld [smem:$0x3FAE]  }
0x30: {  	s3 =	sld [smem:$0x3FB1]  }
0x31: {  	[smem:$0x3FBA] =	sst s10  }
0x32: {  	s10 =	sld [smem:$0x3FB8];
	_ =	sdelay $0x3  }
0x33: {  	p0 =	seq.s32 s10, $0x1;
	s10 =	sld [smem:$0x3FBA];
	_ =	sdelay $0x3  }
0x34: {  	[smem:$0x3FBA] =	sst s10  }
0x35: {  	s10 =	sld [smem:$0x3FB9];
	_ =	sdelay $0x3  }
0x36: {  	p1 =	seq.s32 s10, $0x1;
	s10 =	sld [smem:$0x3FBA];
	_ =	sdelay $0x3  }
0x37: {  	[smem:$0x3FBA] =	sst s10  }
0x38: {  	s10 =	sld [smem:$0x3FBB]  }
0x39: {  	_ = 	snop;
	(pc) =	sbr.ind lr, $3  }
0x3a: {  	_ = 	snop  }
0x3b: {  	_ = 	snop  }
0x3c: {  	p2 =	seq.s32 s10, $0x1;
	s10 =	sld [smem:$0x3FBA]  }
0x3d: {  	_ =	shalt  }
0x3e: {  	_ =	shalt  }
0x3f: {  	_ =	shalt  }
0x40: {  	_ =	shalt  }
0x41: {  	_ =	shalt  }
0x42: {  	_ =	shalt  }
0x43: {  	_ =	shalt  }
0x44: {  	_ =	shalt  }
0x45: {  	_ =	shalt  }
0x46: {  	_ =	shalt  }
0x47: {  	_ =	shalt  }
0x48: {  	_ =	shalt  }
0x49: {  	_ =	shalt  }
0x4a: {  	_ =	shalt  }
0x4b: {  	_ =	shalt  }
0x4c: {  	_ =	shalt  }
0x4d: {  	_ =	shalt  }
0x4e: {  	_ =	shalt  }
0x4f: {  	_ =	shalt  }
0x50: {  	_ =	shalt  }
0x51: {  	_ =	shalt  }
0x52: {  	_ =	shalt  }
0x53: {  	_ =	shalt  }
0x54: {  	_ =	shalt  }
0x55: {  	_ =	shalt  }
0x56: {  	_ =	shalt  }
0x57: {  	_ =	shalt  }
0x58: {  	_ =	shalt  }
0x59: {  	_ =	shalt  }
0x5a: {  	_ =	shalt  }
0x5b: {  	_ =	shalt  }
0x5c: {  	_ =	shalt  }
0x5d: {  	_ =	shalt  }
0x5e: {  	_ =	shalt  }
0x5f: {  	_ =	shalt  }
0x60: {  	_ =	shalt  }
0x61: {  	_ =	shalt  }
0x62: {  	_ =	shalt  }
0x63: {  	_ =	shalt  }
0x64: {  	_ =	shalt  }
0x65: {  	_ =	shalt  }
0x66: {  	_ =	shalt  }
0x67: {  	_ =	shalt  }
0x68: {  	_ =	shalt  }
0x69: {  	_ =	shalt  }
0x6a: {  	_ =	shalt  }
0x6b: {  	_ =	shalt  }
0x6c: {  	_ =	shalt  }
0x6d: {  	_ =	shalt  }
0x6e: {  	_ =	shalt  }
0x6f: {  	_ =	shalt  }
0x70: {  	_ =	shalt  }
0x71: {  	_ =	shalt  }
0x72: {  	_ =	shalt  }
0x73: {  	_ =	shalt  }
0x74: {  	_ =	shalt  }
0x75: {  	_ =	shalt  }
0x76: {  	_ =	shalt  }
0x77: {  	_ =	shalt  }
0x78: {  	_ =	shalt  }
0x79: {  	_ =	shalt  }
0x7a: {  	_ =	shalt  }
0x7b: {  	_ =	shalt  }
0x7c: {  	_ =	shalt  }
0x7d: {  	_ =	shalt  }
0x7e: {  	_ =	shalt  }
0x7f: {  	_ =	shalt  }
0x80: {  	_ =	shalt  }
0x81: {  	_ =	shalt  }
0x82: {  	_ =	shalt  }
0x83: {  	_ =	shalt  }
0x84: {  	_ =	shalt  }
0x85: {  	_ =	shalt  }
0x86: {  	_ =	shalt  }
0x87: {  	_ =	shalt  }
.Lfunc_end0:
.L_simem_size_0:
called_computation_lowered:
.L_overlay_start_0:
0x88: {  	s2 =	sld [smem:$0x3FD9]  }
0x89: {  	s3 =	sld [smem:$0x3FFE];
	_ =	sdelay $0x1  }
0x8a: {  	s1 =	srdreg.scid  }
0x8b: {  	s0 =	sand.u32 $0x1, s1  }
0x8c: {  	s18 =	sshll.u32 s0, $0xA;
	s2 =	sadd.s32 s3, s2  }
0x8d: {  	s2 =	sadd.s32 s2, s18  }
0x8e: {  	[smem:$0x3FC6] =	sst s2  }
0x8f: {  	_ = 	snop  }
0x90: {  	s2 =	sld [smem:$0x3FC9]  }
0x91: {  	s19 =	sld [smem:$0x3FC8]  }
0x92: {  	s4 =	sld [smem:$0x3FD0];
	(tm) =	ssettm $0x1  }
0x93: {  	s5 =	sld [smem:$0x3FFB];
	_ =	sdelay $0x3  }
0x94: {  	_ =	strace s5  }
0x95: {  	s5 =	sld [smem:$0x3FFC];
	_ =	sdelay $0x3  }
0x96: {  	_ =	strace s5  }
0x97: {  	s5 =	sld [smem:$0x3FFD];
	_ =	sdelay $0x3  }
0x98: {  	_ =	strace s5  }
0x99: {  	_ =	strace $0x8FFFFFFF  }
0x9a: {  	s20 =	sld [smem:$0x3FDB];
	_ =	sdelay $0x1  }
0x9b: {  	s6 =	simm.s32 $_scs_section_size  }
0x9c: {  	s7 =	simm.s32 $_size__tile_overlayer_lowered;
	s8 =	simm.s32 $_tile_overlayer_lowered  }
0x9d: {  	s23 =	simm.s32 $0x1BFF;
	s22 =	sshll.u32 s8, $0x1;
	s5 =	sadd.s32 s6, s20  }
0x9e: {  	s9 =	simm.s32 $0x0;
	s21 =	sshll.u32 s7, $0x1;
	s7 =	sadd.s32 s22, s5  }
0x9f: {  	[timem:s9], [sflag:s23] =	dma.local [hbm:s7], s21  }
0xa0: {  	_ =	swait.ge [sflag:s23], s21  }
0xa1: {  	s6 =	ssub.s32 $0x0, s21;
	[sflag:s23] =	ssyncset.done $0x0  }
0xa2: {  	[sflag:s23] =	ssyncadd.s32 s6;
	_ =	sdelay $0x1  }
0xa3: {  	s24 =	simm.s32 $0x1B8B  }
0xa4: {  	_ =	swait.ge [sflag:s24], $0x1  }
0xa5: {  	[sflag:s24] =	ssyncset.done $0x0  }
0xa6: {  	s25 =	simm.s32 $0x1B8E;
	[sflag:s24] =	ssyncadd.s32 $0xFFFFFFFF  }
0xa7: {  	s26 =	simm.s32 $execute0_lowered;
	[smem:$0x3FD2] =	sst s25  }
0xa8: {  	s6 =	sshll.u32 s26, $0x1;
	_ =	strace $0x80000046;
	[dreg:$0x1] =	wrdreg $0xFFFFFFFF  }
0xa9: {  	s28 =	simm.s32 $_size_execute0_lowered;
	s5 =	sadd.s32 s5, s6;
	[dreg:$0x0] =	wrdreg $0x0  }
0xaa: {  	s6 =	sshll.u32 s28, $0x1;
	[dreg:$0x2] =	wrdreg s5  }
0xab: {  	[dreg:$0x3] =	wrdreg s6  }
0xac: {  	[dreg:$0x4] =	wrdreg $0xC0  }
0xad: {  	_ =	task [dreg:s9], $0x5FFFF  }
0xae: {  	[dreg:$0x1] =	wrdreg $0xFFFFFFFF  }
0xaf: {  	[dreg:$0x0] =	wrdreg $0x60  }
0xb0: {  	[dreg:$0x2] =	wrdreg s2  }
0xb1: {  	[dreg:$0x3] =	wrdreg s19  }
0xb2: {  	[dreg:$0x4] =	wrdreg s4  }
0xb3: {  	[dreg:$0x5] =	wrdreg $0x9  }
0xb4: {  	_ =	task.clear_ibuf [dreg:s9], $0x6FFFF;
	_ =	strace $0x90000046  }
0xb5: {  	s29 =	simm.s32 $0x9;
	_ =	strace $0x80000048  }
0xb6: {  	_ =	swait.ge [sflag:s29], $0x1  }
0xb7: {  	[sflag:s29] =	ssyncadd.s32 $0xFFFFFFFF  }
0xb8: {  	_ =	strace $0x90000048  }
0xb9: {  	_ =	sfence  }
0xba: {  	s30 =	sld [smem:$0x0];
	_ =	sdelay $0x2  }
0xbb: {  	s31 =	sshll.u32 s1, $0xD;
	s1 =	sshrl.u32 s1, $0x2  }
0xbc: {  	s3 =	sand.u32 $0x4000, s31;
	s1 =	sadd.s32 s1, s30  }
0xbd: {  	s0 =	sor.u32 s3, s0;
	s1 =	sshll.u32 s1, $0x11  }
0xbe: {  	s0 =	sor.u32 s1, s0  }
0xbf: {  	s0 =	sadd.s32 $0x8F2B, s0  }
0xc0: {  	[sflag:s0] =	ssyncadd.remote.s32 $0x1  }
0xc1: {  	_ =	sfence.sel $0xFFFF  }
0xc2: {  	[dreg:$0x0] =	wrdreg $0xFFFFFFFF;
	(pc) =	sbr.abs _section_cstart, $3  }
0xc3: {  	[dreg:$0x1] =	wrdreg $0xFFFFFFFF  }
0xc4: {  	_ =	task.clear_ibuf [dreg:s9], $0x2FFFF;
	_ =	strace $0x9FFFFFFF  }
0xc5: {  	(tm) =	ssettm $0x7FFFFFFF  }
tec
execute0_lowered:
.L_overlay_start_1:
0x0: {  	(tag) =	ssettag $0x1  }
0x1: {  	s9 =	rddreg [dreg:$0x0]  }
0x2: {  	s0 =	srdreg.scid;
	s3 =	rddreg [dreg:$0x1]  }
0x3: {  	s1 =	stileid.u32;
	s4 =	rddreg [dreg:$0x2];
	s5 =	simm.s32 $0x0  }
0x4: {  	s16 =	simm.s32 $0x190;
	s18 =	simm.s32 $0x3;
	s0 =	sand.u32 $0x1, s0  }
0x5: {  	s19 =	simm.s32 $0x2;
	s20 =	simm.s32 $0x4;
	s2 =	sshll.u32 s0, $0x4  }
0x6: {  	s21 =	simm.s32 $0x19330;
	s22 =	simm.s32 $0x1B330;
	s2 =	sor.u32 s1, s2  }
0x7: {  	s12 =	simm.s32 $0x0;
	s0 =	ssub.s32 $0x2, s0;
	s6 =	smul.u32 $0x2710, s2  }
0x8: {  	v0 =	vimm.s32 $0xEDCBA987;
	[smem:$0x7FF] =	sst s5;
	s8 =	sshrl.u32 s0, $0x1;
	s26 =	smul.u32 $0x27100, s2  }
0x9: {  	v1 =	vimm.s32 $0x65432100;
	v0 =	vunpack.c.l.s4.s8 v0;
	_ =	strace $0x80000047;
	s0 =	ssub.s32 s0, s8;
	s29 =	smul.u32 $0x19, s2  }
0xa: {  	v1 =	vunpack.c.l.s4.s8 v1;
	p0 =	seq.s32 s2, $0x1F;
	s0 =	smax.u32 s0, $0x1;
	s7 =	smax.u32 s6, $0x8  }
0xb: {  	v0 =	vunpack.c.0.s8.s32 v0;
	s23 =	sadd.s32 $0x2708, s6;
	s6 =	sshrl.u32 s6, $0x3;
	s31 =	sadd.s32 s9, s26  }
.Ltmp0:
0xc: {  	v1 =	vunpack.c.0.s8.s32 v1;
	[dreg:$0x8] =	wrdreg s0;
	s7 =	sadd.s32 $0xFFFFFFF8, s7;
	(pc) =	sbr.rel .LBB2_1-.Ltmp0, $4  }
0xd: {  	v2 =	vlaneseq.u32;
	v0 =	vand.u32 $0xF, v0;
	s25 =	sshrl.u32 s23, $0x3;
	s30 =	sadd.s32 s3, s6;
	[dreg:$0x7] =	wrdreg s31  }
0xe: {  	v24 =	vadd.s32 $0x1, v2;
	v0 =	vcombine.low v1, v0;
	s7 =	sshrl.u32 s7, $0x3;
	s28 =	sadd.s32 s3, s25;
	[dreg:$0x6] =	wrdreg s30  }
0xf: {  	vm0 =	vmmov $0x1;
	[tilespmem:$0x1FFF0] =	vst v24;
	p1 =	seq.s32 s2, $0x0;
	s24 =	sadd.s32 s3, s7;
	[dreg:$0x5] =	wrdreg s28  }
0x10: {  	vm1 =	vmneg vm0;
	s11 =	sadd.s32 $0x1, s29;
	v1 =	vimm.f32 $-Inf;
	[tilespmem:$0x1FFE0] =	vst v0;
	s3 =	smov.u32 s9;
	[dreg:$0x4] =	wrdreg s24  }
.LBB2_158:
0x11: {  	s30 =	smov.u32 s0  }
.LBB2_159:
0x12: {  	s0 =	ssub.s32 s24, s25  }
0x13: {  	p2 =	slt.u32 s0, $0x40  }
0x14: {  	s0 =	sand.u32 @!p2 $0x40, s0  }
0x15: {  	p3 =	seq.s32 @!p2 s0, $0x0  }
0x16: {  	s2 =	ssub.s32 s30, s24;
	s1 =	simm.s32 @!p2 $0x6;
	p3 =	por !p3, p2  }
0x17: {  	s6 =	sand.u32 $0x20, s2;
	s1 =	simm.s32 @p3 $0x5  }
0x18: {  	s26 =	sand.u32 $0x10, s2;
	p3 =	seq.s32 s6, $0x0;
	_ =	swait.ge @!p2 [sflag:s1], $0x2000  }
0x19: {  	s0 =	simm.s32 @p2 $0x0;
	s7 =	sshll.u32 @!p3 s24, $0x4;
	[sflag:s1] =	ssyncset.done @!p2 $0x0  }
0x1a: {  	[sflag:s1] =	ssyncadd.s32 @!p2 $0xFFFFE000;
	s1 =	sand.u32 @!p3 $0x1FFFFFF0, s7;
	s7 =	sshll.u32 @!p3 s0, $0x7  }
0x1b: {  	s8 =	simm.s32 @!p3 $0x0;
	s1 =	sadd.s32 @!p3 s4, s1;
	s7 =	sadd.s32 @!p3 $0x19330, s7  }
0x1c: {  	[hbm4b:s1+s8] =	stream.linear.scatter @!p3 [tilespmem:s7], [sflag:$0x7], $0x1000, $0x38;
	[tilespmem:$0x1D330] =	vst v63  }
0x1d: {  	p2 =	seq.s32 s26, $0x0;
	s7 =	simm.s32 @!p3 $0x7  }
0x1e: {  	s1 =	sadd.s32 @!p2 s24, s6;
	_ =	swait.ge @!p3 [sflag:s7], $0x1000  }
0x1f: {  	s8 =	sor.u32 @!p2 s6, s0;
	s1 =	sshll.u32 @!p2 s1, $0x4;
	[sflag:s7] =	ssyncset.done @!p3 $0x0  }
0x20: {  	s1 =	sand.u32 @!p2 $0x1FFFFFF0, s1;
	[sflag:s7] =	ssyncadd.s32 @!p3 $0xFFFFF000;
	s7 =	sshll.u32 @!p2 s8, $0x7  }
0x21: {  	s1 =	sadd.s32 @!p2 s4, s1;
	s8 =	simm.s32 @!p2 $0x0;
	s7 =	sadd.s32 @!p2 $0x19330, s7  }
0x22: {  	[hbm4b:s1+s8] =	stream.linear.scatter @!p2 [tilespmem:s7], [sflag:$0x7], $0x800, $0x38;
	[tilespmem:$0x1D330] =	vst v63  }
0x23: {  	s28 =	sand.u32 $0x8, s2;
	s1 =	sor.u32 @!p2 $0x10, s6  }
0x24: {  	p3 =	seq.s32 s28, $0x0;
	s8 =	simm.s32 @!p2 $0x7;
	s1 =	smov.u32 @p2 s6  }
0x25: {  	_ =	swait.ge @!p2 [sflag:s8], $0x800;
	s6 =	sadd.s32 @!p3 s24, s1  }
0x26: {  	[sflag:s8] =	ssyncset.done @!p2 $0x0;
	s7 =	sadd.s32 @!p3 s0, s1;
	s6 =	sshll.u32 @!p3 s6, $0x4  }
0x27: {  	[sflag:s8] =	ssyncadd.s32 @!p2 $0xFFFFF800;
	s7 =	sshll.u32 @!p3 s7, $0x7;
	s6 =	sand.u32 @!p3 $0x1FFFFFF0, s6  }
0x28: {  	s8 =	simm.s32 @!p3 $0x0;
	s7 =	sadd.s32 @!p3 $0x19330, s7;
	s6 =	sadd.s32 @!p3 s4, s6  }
0x29: {  	[hbm4b:s6+s8] =	stream.linear.scatter @!p3 [tilespmem:s7], [sflag:$0x7], $0x400, $0x38;
	[tilespmem:$0x1D330] =	vst v63  }
0x2a: {  	s29 =	sand.u32 $0x4, s2;
	s6 =	sadd.s32 @!p3 $0x8, s1  }
0x2b: {  	p2 =	seq.s32 s29, $0x0;
	s8 =	simm.s32 @!p3 $0x7;
	s6 =	smov.u32 @p3 s1  }
0x2c: {  	_ =	swait.ge @!p3 [sflag:s8], $0x400;
	s1 =	sadd.s32 @!p2 s24, s6  }
0x2d: {  	[sflag:s8] =	ssyncset.done @!p3 $0x0;
	s7 =	sadd.s32 @!p2 s0, s6;
	s1 =	sshll.u32 @!p2 s1, $0x4  }
0x2e: {  	[sflag:s8] =	ssyncadd.s32 @!p3 $0xFFFFFC00;
	s7 =	sshll.u32 @!p2 s7, $0x7;
	s1 =	sand.u32 @!p2 $0x1FFFFFF0, s1  }
0x2f: {  	s8 =	simm.s32 @!p2 $0x0;
	s7 =	sadd.s32 @!p2 $0x19330, s7;
	s1 =	sadd.s32 @!p2 s4, s1  }
0x30: {  	[hbm4b:s1+s8] =	stream.linear.scatter @!p2 [tilespmem:s7], [sflag:$0x7], $0x200, $0x38;
	[tilespmem:$0x1D330] =	vst v63  }
0x31: {  	s30 =	sand.u32 $0x2, s2;
	s1 =	sadd.s32 @!p2 $0x4, s6  }
0x32: {  	p3 =	seq.s32 s30, $0x0;
	s8 =	simm.s32 @!p2 $0x7;
	s1 =	smov.u32 @p2 s6  }
0x33: {  	_ =	swait.ge @!p2 [sflag:s8], $0x200;
	s6 =	sadd.s32 @!p3 s24, s1  }
0x34: {  	[sflag:s8] =	ssyncset.done @!p2 $0x0;
	s7 =	sadd.s32 @!p3 s0, s1;
	s6 =	sshll.u32 @!p3 s6, $0x4  }
0x35: {  	[sflag:s8] =	ssyncadd.s32 @!p2 $0xFFFFFE00;
	s7 =	sshll.u32 @!p3 s7, $0x7;
	s6 =	sand.u32 @!p3 $0x1FFFFFF0, s6  }
0x36: {  	s8 =	simm.s32 @!p3 $0x0;
	s7 =	sadd.s32 @!p3 $0x19330, s7;
	s6 =	sadd.s32 @!p3 s4, s6  }
0x37: {  	[hbm4b:s6+s8] =	stream.linear.scatter @!p3 [tilespmem:s7], [sflag:$0x7], $0x100, $0x38;
	[tilespmem:$0x1D330] =	vst v63  }
0x38: {  	s2 =	sand.u32 $0x1, s2;
	s6 =	sadd.s32 @!p3 $0x2, s1  }
0x39: {  	p2 =	seq.s32 s2, $0x0;
	s6 =	smov.u32 @p3 s1  }
0x3a: {  	s2 =	simm.s32 @!p2 $0x0;
	s7 =	simm.s32 @!p3 $0x7;
	s1 =	sadd.s32 @!p2 s24, s6  }
0x3b: {  	_ =	swait.ge @!p3 [sflag:s7], $0x100;
	s0 =	sadd.s32 @!p2 s0, s6;
	s1 =	sshll.u32 @!p2 s1, $0x4  }
0x3c: {  	[sflag:s7] =	ssyncset.done @!p3 $0x0;
	s0 =	sshll.u32 @!p2 s0, $0x7;
	s1 =	sand.u32 @!p2 $0x1FFFFFF0, s1  }
0x3d: {  	[sflag:s7] =	ssyncadd.s32 @!p3 $0xFFFFFF00;
	s0 =	sadd.s32 @!p2 $0x19330, s0;
	s1 =	sadd.s32 @!p2 s4, s1  }
0x3e: {  	[hbm4b:s1+s2] =	stream.linear.scatter @!p2 [tilespmem:s0], [sflag:$0x7], $0x80, $0x38;
	[tilespmem:$0x1D330] =	vst v63  }
0x3f: {  	s0 =	simm.s32 @!p2 $0x7  }
0x40: {  	_ =	swait.ge @!p2 [sflag:s0], $0x80  }
0x41: {  	s12 =	sadd.s32 $0x1, s12;
	s31 =	rddreg [dreg:$0x8]  }
0x42: {  	p3 =	sne.s32 s12, s31  }
.Ltmp1:
0x43: {  	_ = 	snop;
	(pc) =	sbr.rel @!p3 .LBB2_160-.Ltmp1, $3  }
0x44: {  	_ =	sdelay $0x1  }
0x45: {  	[sflag:s0] =	ssyncset.done @!p2 $0x0  }
0x46: {  	[sflag:s0] =	ssyncadd.s32 @!p2 $0xFFFFFF80  }
.LBB2_1:
0x47: {  	[dreg:$0x9] =	wrdreg s12  }
0x48: {  	s0 =	rddreg [dreg:$0x4];
	s1 =	simm.s32 $0x19320;
	s14 =	simm.s32 $0x7  }
0x49: {  	[tilespmem:s1], [sflag:$0x7] =	stream.linear.gather [hbm4b:s0+s5], $0x8, $0x38;
	[tilespmem:$0x1D330] =	vst v63  }
0x4a: {  	_ =	swait.ge [sflag:s14], $0x8  }
0x4b: {  	[sflag:s14] =	ssyncset.done $0x0  }
0x4c: {  	s2 =	simm.s32 $0x19328;
	s15 =	rddreg [dreg:$0x5];
	[sflag:s14] =	ssyncadd.s32 $0xFFFFFFF8  }
0x4d: {  	[tilespmem:s2], [sflag:$0x7] =	stream.linear.gather [hbm4b:s15+s5], $0x8, $0x38;
	[tilespmem:$0x1D330] =	vst v63  }
0x4e: {  	_ =	swait.ge [sflag:s14], $0x8  }
0x4f: {  	[sflag:s14] =	ssyncset.done $0x0  }
0x50: {  	[sflag:s14] =	ssyncadd.s32 $0xFFFFFFF8  }
0x51: {  	v3 =	vld [tilespmem:$0x19320];
	_ =	sdelay $0x4  }
0x52: {  	(v2sf) =	vpush v3, $0x7;
	_ =	sdelay $0x1  }
0x53: {  	(v2sf) =	vpush v3, $0xF;
	_ =	sdelay $0x8  }
0x54: {  	s23 =	rddreg [dreg:$0x6]  }
0x55: {  	[tilespmem:s5], [sflag:$0x1] =	stream.linear.gather [hbm4b:s23+s5], $0x190, $0x38;
	[tilespmem:$0x1D330] =	vst v63  }
0x56: {  	s29 =	simm.s32 $0x320;
	s24 =	rddreg [dreg:$0x7]  }
0x57: {  	[tilespmem:s29], [sflag:$0x3] =	stream.linear.gather [hbm4b:s24+s5], $0xC800, $0x38;
	[tilespmem:$0x1D330] =	vst v63  }
0x58: {  	s17 =	spop (v2sf)  }
.Ltmp2:
0x59: {  	s25 =	sadd.s32 $0x1, s17;
	(pc) =	sbr.rel .LBB2_2-.Ltmp2, $4  }
0x5a: {  	v8 =	vimm.f32 $-Inf;
	s26 =	spop (v2sf);
	s25 =	simm.s32 @p1 $0x0  }
0x5b: {  	v12 =	vimm.f32 $-Inf;
	v11 =	vimm.f32 $-Inf;
	s26 =	simm.s32 @p0 $0x270F;
	v0 =	vmov s25  }
0x5c: {  	v10 =	vimm.f32 $-Inf;
	v7 =	vimm.f32 $-Inf;
	s31 =	simm.s32 $0xFFFFFFFF;
	[tilespmem:$0x1FFC0] =	vst v0;
	v0 =	vmov s26  }
0x5d: {  	v6 =	vimm.f32 $-Inf;
	v5 =	vimm.f32 $-Inf;
	v9 =	vimm.f32 $-Inf;
	s28 =	simm.s32 $0x0;
	s24 =	smov.u32 s25;
	s30 =	smov.u32 s25;
	[tilespmem:$0x1FFD0] =	vst v0  }
.LBB2_137:
0x5e: {  	v0 =	vld [tilespmem:$0x310];
	_ =	sdelay $0x4  }
0x5f: {  	(v2sf) =	vpush v0, $0xF;
	_ =	sdelay $0xe  }
0x60: {  	p2 =	sgt.s32 s29, $0x31F;
	s0 =	spop (v2sf)  }
0x61: {  	p3 =	sle.s32 @!p2 s0, s26  }
0x62: {  	p3 =	por p2, !p3  }
.Ltmp3:
0x63: {  	_ = 	snop;
	(pc) =	sbr.rel @p3 .LBB2_138-.Ltmp3, $2  }
0x64: {  	_ =	sdelay $0x2  }
0x65: {  	s28 =	sadd.s32 $0x1, s28  }
.LBB2_2:
0x66: {  	s29 =	sadd.s32 s11, s28  }
0x67: {  	p2 =	slt.s32 s29, $0x31F;
	s0 =	smov.u32 s29  }
0x68: {  	s6 =	sand.u32 $0x1, s28;
	s0 =	simm.s32 @!p2 $0x31F  }
0x69: {  	p2 =	seq.s32 s6, $0x1;
	s2 =	smul.u32 $0x190, s0  }
.Ltmp4:
0x6a: {  	_ = 	snop;
	(pc) =	sbr.rel @p2 .LBB2_71-.Ltmp4, $3  }
0x6b: {  	s0 =	smul.u32 $0xC800, s0;
	_ =	sdelay $0x1  }
0x6c: {  	s1 =	rddreg [dreg:$0x1];
	s2 =	sshrl.u32 s2, $0x3;
	s0 =	sshrl.u32 s0, $0x3  }
0x6d: {  	s6 =	sadd.s32 s1, s2;
	s0 =	sadd.s32 s3, s0;
	s2 =	simm.s32 $0x0  }
0x6e: {  	[tilespmem:s16], [sflag:$0x2] =	stream.linear.gather [hbm4b:s6+s2], $0x190, $0x38;
	[tilespmem:$0x1D330] =	vst v63  }
0x6f: {  	s1 =	simm.s32 $0xCB20  }
0x70: {  	[tilespmem:s1], [sflag:$0x4] =	stream.linear.gather [hbm4b:s0+s2], $0xC800, $0x38;
	[tilespmem:$0x1D330] =	vst v63  }
0x71: {  	s0 =	simm.s32 $0x1  }
0x72: {  	_ =	swait.ge [sflag:s0], $0x190  }
.Ltmp5:
0x73: {  	[sflag:s0] =	ssyncset.done $0x0;
	(pc) =	sbr.rel .LBB2_4-.Ltmp5, $4  }
0x74: {  	[sflag:s0] =	ssyncadd.s32 $0xFFFFFE70  }
0x75: {  	_ =	swait.ge [sflag:s18], $0xC800  }
0x76: {  	[sflag:s18] =	ssyncset.done $0x0  }
0x77: {  	s12 =	simm.s32 $0x360;
	s14 =	simm.s32 $0x0;
	[sflag:s18] =	ssyncadd.s32 $0xFFFF3800  }
.LBB2_5:
0x78: {  	s6 =	sshll.u32 s14, $0xB  }
0x79: {  	s6 =	sand.u32 $0x3FFFF800, s6  }
0x7a: {  	v13 =	vld [tilespmem:s6+$0x320]  }
0x7b: {  	v14 =	vld [tilespmem:s6+$0x3A0]  }
0x7c: {  	v15 =	vld [tilespmem:s6+$0x420]  }
0x7d: {  	v16 =	vld [tilespmem:s6+$0x4A0]  }
0x7e: {  	v17 =	vld [tilespmem:s6+$0x520]  }
0x7f: {  	v18 =	vld [tilespmem:s6+$0x5A0]  }
0x80: {  	v19 =	vld [tilespmem:s6+$0x620]  }
0x81: {  	v20 =	vld [tilespmem:s6+$0x6A0]  }
0x82: {  	v21 =	vld [tilespmem:s6+$0x720]  }
0x83: {  	v22 =	vld [tilespmem:s6+$0x7A0]  }
0x84: {  	v23 =	vld [tilespmem:s6+$0x820]  }
0x85: {  	v24 =	vld [tilespmem:s6+$0x8A0]  }
0x86: {  	v25 =	vld [tilespmem:s6+$0x920]  }
0x87: {  	v26 =	vld [tilespmem:s6+$0x9A0]  }
0x88: {  	v27 =	vld [tilespmem:s6+$0xA20]  }
0x89: {  	v28 =	vld [tilespmem:s6+$0xAA0]  }
0x8a: {  	v29 =	vld [tilespmem:s6+$0x330]  }
0x8b: {  	v30 =	vld [tilespmem:s6+$0x3B0]  }
0x8c: {  	v31 =	vld [tilespmem:s6+$0x430]  }
0x8d: {  	v32 =	vld [tilespmem:s6+$0x4B0]  }
0x8e: {  	v33 =	vld [tilespmem:s6+$0x530]  }
0x8f: {  	v34 =	vld [tilespmem:s6+$0x5B0]  }
0x90: {  	v35 =	vld [tilespmem:s6+$0x630]  }
0x91: {  	v36 =	vld [tilespmem:s6+$0x6B0]  }
0x92: {  	v37 =	vld [tilespmem:s6+$0x730]  }
0x93: {  	v38 =	vld [tilespmem:s6+$0x7B0]  }
0x94: {  	v39 =	vld [tilespmem:s6+$0x830]  }
0x95: {  	v40 =	vld [tilespmem:s6+$0x8B0]  }
0x96: {  	v41 =	vld [tilespmem:s6+$0x930]  }
0x97: {  	v42 =	vld [tilespmem:s6+$0x9B0]  }
0x98: {  	v43 =	vld [tilespmem:s6+$0xA30]  }
0x99: {  	v44 =	vld [tilespmem:s6+$0xAB0]  }
0x9a: {  	v0 =	vld [tilespmem:s6+$0x340]  }
0x9b: {  	v48 =	vld [tilespmem:s6+$0x4C0]  }
0x9c: {  	v49 =	vld [tilespmem:s6+$0x540]  }
0x9d: {  	v46 =	vld [tilespmem:s6+$0x360]  }
0x9e: {  	v47 =	vld [tilespmem:s6+$0x370]  }
0x9f: {  	v50 =	vld [tilespmem:s6+$0x5C0]  }
0xa0: {  	v51 =	vld [tilespmem:s6+$0x640]  }
0xa1: {  	v52 =	vld [tilespmem:s6+$0x6C0]  }
0xa2: {  	[tilespmem:$0x1FE00] =	vst v46;
	v46 =	vld [tilespmem:s6+$0x3E0]  }
0xa3: {  	[tilespmem:$0x1FEF0] =	vst v47;
	v47 =	vld [tilespmem:s6+$0x3F0]  }
0xa4: {  	v53 =	vld [tilespmem:s6+$0x740]  }
0xa5: {  	v54 =	vld [tilespmem:s6+$0x7C0]  }
0xa6: {  	[tilespmem:$0x1FD50] =	vst v0;
	v0 =	vld [tilespmem:s6+$0x3C0]  }
0xa7: {  	[tilespmem:$0x1FE10] =	vst v46;
	v46 =	vld [tilespmem:s6+$0x460]  }
0xa8: {  	[tilespmem:$0x1FF00] =	vst v47;
	v47 =	vld [tilespmem:s6+$0x470]  }
0xa9: {  	v55 =	vld [tilespmem:s6+$0x840]  }
0xaa: {  	v56 =	vld [tilespmem:s6+$0x8C0]  }
0xab: {  	[tilespmem:$0x1FD60] =	vst v0;
	v0 =	vld [tilespmem:s6+$0x440]  }
0xac: {  	[tilespmem:$0x1FE20] =	vst v46;
	v46 =	vld [tilespmem:s6+$0x4E0]  }
0xad: {  	[tilespmem:$0x1FF10] =	vst v47;
	v47 =	vld [tilespmem:s6+$0x4F0]  }
0xae: {  	v57 =	vld [tilespmem:s6+$0x940]  }
0xaf: {  	v58 =	vld [tilespmem:s6+$0x9C0]  }
0xb0: {  	[tilespmem:$0x1FD70] =	vst v0;
	v0 =	vld [tilespmem:s6+$0x350]  }
0xb1: {  	[tilespmem:$0x1FE30] =	vst v46;
	v46 =	vld [tilespmem:s6+$0x560]  }
0xb2: {  	[tilespmem:$0x1FF20] =	vst v47;
	v47 =	vld [tilespmem:s6+$0x570]  }
0xb3: {  	v59 =	vld [tilespmem:s6+$0xA40]  }
0xb4: {  	v60 =	vld [tilespmem:s6+$0xAC0]  }
0xb5: {  	[tilespmem:$0x1FD80] =	vst v0;
	v0 =	vld [tilespmem:s6+$0x3D0]  }
0xb6: {  	[tilespmem:$0x1FE40] =	vst v46;
	v46 =	vld [tilespmem:s6+$0x5E0]  }
0xb7: {  	[tilespmem:$0x1FF30] =	vst v47;
	v47 =	vld [tilespmem:s6+$0x5F0]  }
0xb8: {  	v62 =	vld [tilespmem:s6+$0x6D0]  }
0xb9: {  	v63 =	vld [tilespmem:s6+$0x7D0]  }
0xba: {  	[tilespmem:$0x1FD90] =	vst v0;
	v0 =	vld [tilespmem:s6+$0x450]  }
0xbb: {  	[tilespmem:$0x1FE50] =	vst v46;
	v46 =	vld [tilespmem:s6+$0x660]  }
0xbc: {  	[tilespmem:$0x1FF40] =	vst v47;
	v47 =	vld [tilespmem:s6+$0x670]  }
0xbd: {  	v61 =	vld [tilespmem:s6+$0x850]  }
0xbe: {  	v3 =	vld [tilespmem:s6+$0x8D0]  }
0xbf: {  	[tilespmem:$0x1FDA0] =	vst v0;
	v0 =	vld [tilespmem:s6+$0x4D0]  }
0xc0: {  	[tilespmem:$0x1FE60] =	vst v46;
	v46 =	vld [tilespmem:s6+$0x6E0]  }
0xc1: {  	[tilespmem:$0x1FF60] =	vst v47;
	v47 =	vld [tilespmem:s6+$0x6F0]  }
0xc2: {  	v45 =	vld [tilespmem:s6+$0x950]  }
0xc3: {  	v4 =	vld [tilespmem:s6+$0xA50]  }
0xc4: {  	[tilespmem:$0x1FDB0] =	vst v0;
	v0 =	vld [tilespmem:s6+$0x550]  }
0xc5: {  	[tilespmem:$0x1FE70] =	vst v46;
	v46 =	vld [tilespmem:s6+$0x760]  }
0xc6: {  	[tilespmem:$0x1FF50] =	vst v47;
	v47 =	vld [tilespmem:s6+$0x770]  }
0xc7: {  	v2 =	vld [tilespmem:s6+$0xAD0]  }
0xc8: {  	v13 =	vmax.f32 v13, v14;
	v14 =	vld [tilespmem:s6+$0x9F0]  }
0xc9: {  	[tilespmem:$0x1FDC0] =	vst v0;
	v0 =	vld [tilespmem:s6+$0x5D0]  }
0xca: {  	[tilespmem:$0x1FE80] =	vst v46;
	v46 =	vld [tilespmem:s6+$0x7E0]  }
0xcb: {  	[tilespmem:$0x1FF80] =	vst v47;
	v47 =	vld [tilespmem:s6+$0x7F0]  }
0xcc: {  	v15 =	vmax.f32 v15, v16;
	v16 =	vmax.f32 v17, v18;
	v18 =	vld [tilespmem:s6+$0xA70]  }
0xcd: {  	v17 =	vmax.f32 v19, v20;
	v19 =	vmax.f32 v21, v22;
	v22 =	vld [tilespmem:s6+$0xAF0]  }
0xce: {  	[tilespmem:$0x1FDD0] =	vst v0;
	v0 =	vld [tilespmem:s6+$0x650]  }
0xcf: {  	[tilespmem:$0x1FE90] =	vst v46;
	v46 =	vld [tilespmem:s6+$0x860]  }
0xd0: {  	[tilespmem:$0x1FF70] =	vst v47;
	v47 =	vld [tilespmem:s6+$0x870]  }
0xd1: {  	v20 =	vmax.f32 v23, v24;
	v24 =	vld [tilespmem:s6+$0x480]  }
0xd2: {  	v21 =	vld [tilespmem:s6+$0x580]  }
0xd3: {  	[tilespmem:$0x1FDE0] =	vst v0;
	v0 =	vld [tilespmem:s6+$0x750]  }
0xd4: {  	[tilespmem:$0x1FEA0] =	vst v46;
	v46 =	vld [tilespmem:s6+$0x8E0]  }
0xd5: {  	[tilespmem:$0x1FF90] =	vst v47;
	v47 =	vld [tilespmem:s6+$0x8F0]  }
0xd6: {  	v13 =	vmax.f32 v13, v15;
	v15 =	vmax.f32 v16, v17;
	v16 =	vld [tilespmem:s6+$0x380]  }
0xd7: {  	v17 =	vmax.f32 v19, v20;
	v20 =	vmax.f32 v29, v30;
	v30 =	vld [tilespmem:s6+$0xA00]  }
0xd8: {  	[tilespmem:$0x1FDF0] =	vst v0;
	v0 =	vld [tilespmem:s6+$0x9D0]  }
0xd9: {  	[tilespmem:$0x1FEB0] =	vst v46;
	v46 =	vld [tilespmem:s6+$0x960]  }
0xda: {  	[tilespmem:$0x1FFA0] =	vst v47;
	v47 =	vld [tilespmem:s6+$0x970]  }
0xdb: {  	v13 =	vmax.f32 v13, v15;
	v15 =	vld [tilespmem:s6+$0x400]  }
0xdc: {  	v3 =	vmax.f32 v61, v3;
	v61 =	vld [tilespmem:$0x1FF10]  }
0xdd: {  	v0 =	vmax.f32 v45, v0;
	v45 =	vld [tilespmem:$0x1FE40]  }
0xde: {  	[tilespmem:$0x1FEC0] =	vst v46;
	v46 =	vld [tilespmem:s6+$0x9E0]  }
0xdf: {  	[tilespmem:$0x1FFB0] =	vst v47;
	v47 =	vmax.f32 v25, v26;
	v26 =	vmax.f32 v37, v38;
	v37 =	vmax.f32 v41, v42;
	v42 =	vld [tilespmem:$0x1FD50]  }
0xe0: {  	v38 =	vmax.f32 v43, v44;
	v43 =	vld [tilespmem:$0x1FD60]  }
0xe1: {  	v44 =	vld [tilespmem:$0x1FD70]  }
0xe2: {  	v28 =	vmax.f32 v27, v28;
	v25 =	vmax.f32 v35, v36;
	v36 =	vld [tilespmem:s6+$0xA80]  }
0xe3: {  	v34 =	vmax.f32 v33, v34;
	v27 =	vmax.f32 v39, v40;
	v19 =	vmax.f32 v47, v28;
	v28 =	vld [tilespmem:s6+$0x500]  }
0xe4: {  	v23 =	vmax.f32 v34, v25;
	v25 =	vmax.f32 v26, v27;
	v27 =	vld [tilespmem:s6+$0x600]  }
0xe5: {  	v47 =	vmax.f32 v31, v32;
	v32 =	vld [tilespmem:s6+$0x880]  }
0xe6: {  	v31 =	vld [tilespmem:s6+$0x980]  }
0xe7: {  	v26 =	vmax.f32 v37, v38;
	v38 =	vld [tilespmem:s6+$0xB00]  }
0xe8: {  	v17 =	vmax.f32 v17, v19;
	v19 =	vld [tilespmem:s6+$0x700]  }
0xe9: {  	v40 =	vmax.f32 v25, v26;
	v26 =	vld [tilespmem:s6+$0x800]  }
0xea: {  	v25 =	vmax.f32 v49, v50;
	v49 =	vmax.f32 v55, v56;
	v55 =	vld [tilespmem:$0x1FD90]  }
0xeb: {  	v56 =	vld [tilespmem:$0x1FDA0]  }
0xec: {  	v50 =	vmax.f32 v57, v58;
	v57 =	vld [tilespmem:$0x1FDB0]  }
0xed: {  	v58 =	vld [tilespmem:$0x1FDC0]  }
0xee: {  	v20 =	vmax.f32 v20, v47;
	v47 =	vmax.f32 v51, v52;
	v51 =	vmax.f32 v59, v60;
	v59 =	vld [tilespmem:$0x1FDD0]  }
0xef: {  	v60 =	vld [tilespmem:$0x1FDE0]  }
0xf0: {  	v39 =	vmax.f32 v20, v23;
	v23 =	vld [tilespmem:s6+$0x680]  }
0xf1: {  	v13 =	vmax.f32 v13, v17;
	v25 =	vmax.f32 v25, v47;
	v47 =	vld [tilespmem:$0x1FE50]  }
0xf2: {  	v9 =	vmax.f32 v9, v13;
	v13 =	vld [tilespmem:s6+$0x780]  }
0xf3: {  	[tilespmem:$0x1FED0] =	vst v46;
	v46 =	vld [tilespmem:s6+$0xA60]  }
0xf4: {  	v41 =	vmax.f32 v39, v40;
	v20 =	vmax.f32 v44, v48;
	v48 =	vmax.f32 v53, v54;
	v54 =	vld [tilespmem:$0x1FD80]  }
0xf5: {  	v5 =	vmax.f32 v5, v41;
	v41 =	vld [tilespmem:$0x1FE00]  }
0xf6: {  	v17 =	vmax.f32 v42, v43;
	v42 =	vld [tilespmem:$0x1FE10]  }
0xf7: {  	v43 =	vld [tilespmem:$0x1FE20]  }
0xf8: {  	v44 =	vld [tilespmem:$0x1FE30]  }
0xf9: {  	v53 =	vmax.f32 v50, v51;
	v50 =	vld [tilespmem:$0x1FE80]  }
0xfa: {  	v51 =	vld [tilespmem:$0x1FE90]  }
0xfb: {  	v17 =	vmax.f32 v17, v20;
	v20 =	vld [tilespmem:s6+$0x900]  }
0xfc: {  	v52 =	vmax.f32 v48, v49;
	v48 =	vld [tilespmem:$0x1FE60]  }
0xfd: {  	v49 =	vld [tilespmem:$0x1FE70]  }
0xfe: {  	v35 =	vmax.f32 v60, v62;
	v62 =	vld [tilespmem:$0x1FDF0]  }
0xff: {  	v17 =	vmax.f32 v17, v25;
	v25 =	vmax.f32 v52, v53;
	v52 =	vld [tilespmem:$0x1FEA0]  }
0x100: {  	v53 =	vld [tilespmem:$0x1FEB0]  }
0x101: {  	v60 =	vld [tilespmem:$0x1FF00]  }
0x102: {  	v34 =	vmax.f32 v58, v59;
	v17 =	vmax.f32 v17, v25;
	v25 =	vld [tilespmem:$0x1FF20]  }
0x103: {  	v40 =	vmax.f32 v34, v35;
	v35 =	vmax.f32 v45, v47;
	v47 =	vld [tilespmem:$0x1FF60]  }
0x104: {  	[tilespmem:$0x1FEE0] =	vst v46;
	v46 =	vld [tilespmem:s6+$0xAE0]  }
0x105: {  	v29 =	vmax.f32 v54, v55;
	v54 =	vld [tilespmem:$0x1FEC0]  }
0x106: {  	v33 =	vmax.f32 v56, v57;
	v55 =	vld [tilespmem:$0x1FED0]  }
0x107: {  	v2 =	vmax.f32 v4, v2;
	v4 =	vmax.f32 v29, v33;
	v33 =	vld [tilespmem:s6+$0x390]  }
0x108: {  	v29 =	vmax.f32 v41, v42;
	v42 =	vld [tilespmem:s6+$0x510]  }
0x109: {  	v56 =	vld [tilespmem:$0x1FEE0]  }
0x10a: {  	v39 =	vmax.f32 v48, v49;
	v48 =	vld [tilespmem:$0x1FF70]  }
0x10b: {  	v49 =	vld [tilespmem:$0x1FF80]  }
0x10c: {  	v0 =	vmax.f32 v0, v2;
	v34 =	vmax.f32 v43, v44;
	v2 =	vmax.f32 v4, v40;
	v4 =	vld [tilespmem:s6+$0x410]  }
0x10d: {  	v29 =	vmax.f32 v29, v34;
	v34 =	vld [tilespmem:s6+$0x590]  }
0x10e: {  	v37 =	vmax.f32 v62, v63;
	v62 =	vld [tilespmem:$0x1FF40]  }
0x10f: {  	v63 =	vld [tilespmem:s6+$0x810]  }
0x110: {  	v40 =	vmax.f32 v50, v51;
	v50 =	vld [tilespmem:$0x1FF90]  }
0x111: {  	v51 =	vld [tilespmem:$0x1FFA0]  }
0x112: {  	v41 =	vmax.f32 v52, v53;
	v52 =	vld [tilespmem:s6+$0x890]  }
0x113: {  	v53 =	vld [tilespmem:$0x1FFB0]  }
0x114: {  	v3 =	vmax.f32 v37, v3;
	v37 =	vld [tilespmem:s6+$0x490]  }
0x115: {  	v57 =	vmax.f32 v40, v41;
	v41 =	vld [tilespmem:s6+$0x610]  }
0x116: {  	v6 =	vmax.f32 v6, v17;
	v35 =	vmax.f32 v35, v39;
	v17 =	vmax.f32 v61, v25;
	v25 =	vld [tilespmem:$0x1FF30]  }
0x117: {  	v18 =	vmax.f32 v18, v22;
	v0 =	vmax.f32 v3, v0;
	v3 =	vmax.f32 v29, v35;
	v35 =	vld [tilespmem:s6+$0x690]  }
0x118: {  	v15 =	vmax.f32 v16, v15;
	v21 =	vmax.f32 v21, v27;
	v43 =	vmax.f32 v54, v55;
	v54 =	vld [tilespmem:s6+$0x910]  }
0x119: {  	v19 =	vmax.f32 v23, v19;
	v0 =	vmax.f32 v2, v0;
	v44 =	vmax.f32 v56, v46;
	v46 =	vld [tilespmem:$0x1FF50]  }
0x11a: {  	v13 =	vmax.f32 v13, v26;
	v26 =	vmax.f32 v36, v38;
	v7 =	vmax.f32 v7, v0;
	v0 =	vld [tilespmem:s6+$0x790]  }
0x11b: {  	v19 =	vmax.f32 v21, v19;
	v20 =	vmax.f32 v32, v20;
	v56 =	vld [tilespmem:s6+$0x990];
	v58 =	vmax.f32 v43, v44  }
0x11c: {  	v13 =	vmax.f32 v13, v20;
	v40 =	vmax.f32 v49, v48;
	v59 =	vmax.f32 v57, v58;
	v57 =	vld [tilespmem:s6+$0xA10]  }
0x11d: {  	v43 =	vmax.f32 v50, v51;
	v14 =	vmax.f32 v53, v14;
	v2 =	vmax.f32 v3, v59;
	v3 =	vld [tilespmem:s6+$0x710]  }
0x11e: {  	v25 =	vmax.f32 v25, v62;
	v14 =	vmax.f32 v14, v18;
	v59 =	vld [tilespmem:s6+$0xA90];
	v39 =	vmax.f32 v47, v46  }
0x11f: {  	v10 =	vmax.f32 v10, v2;
	v2 =	vld [tilespmem:$0x1FEF0];
	v55 =	vmax.f32 v25, v39;
	v25 =	vmax.f32 v40, v43  }
0x120: {  	v4 =	vmax.f32 v33, v4;
	v58 =	vmax.f32 v24, v28;
	v14 =	vmax.f32 v25, v14;
	v25 =	vld [tilespmem:s6+$0xB10]  }
0x121: {  	v24 =	vmax.f32 v31, v30;
	v61 =	vmax.f32 v37, v42;
	v15 =	vmax.f32 v15, v58  }
0x122: {  	v62 =	vmax.f32 v34, v41;
	v4 =	vmax.f32 v4, v61;
	v15 =	vmax.f32 v15, v19  }
0x123: {  	v0 =	vmax.f32 v0, v63;
	v16 =	vmax.f32 v56, v57;
	v3 =	vmax.f32 v35, v3  }
0x124: {  	v2 =	vmax.f32 v2, v60;
	v60 =	vmax.f32 v24, v26;
	v3 =	vmax.f32 v62, v3  }
0x125: {  	v2 =	vmax.f32 v2, v17;
	v17 =	vmax.f32 v52, v54;
	v63 =	vmax.f32 v59, v25  }
0x126: {  	v13 =	vmax.f32 v13, v60;
	v0 =	vmax.f32 v0, v17;
	v16 =	vmax.f32 v16, v63  }
0x127: {  	v3 =	vmax.f32 v4, v3;
	v2 =	vmax.f32 v2, v55;
	v0 =	vmax.f32 v0, v16  }
0x128: {  	v4 =	vmax.f32 v15, v13;
	v2 =	vmax.f32 v2, v14;
	v0 =	vmax.f32 v3, v0  }
0x129: {  	v24 =	vld [tilespmem:$0x1FFF0];
	v12 =	vmax.f32 v12, v4;
	v11 =	vmax.f32 v11, v2;
	v8 =	vmax.f32 v8, v0  }
.LBB2_68:
0x12a: {  	s14 =	sadd.s32 $0x1, s14  }
0x12b: {  	p2 =	seq.s32 s14, $0x19  }
.Ltmp6:
0x12c: {  	_ = 	snop;
	(pc) =	sbr.rel @p2 .LBB2_69-.Ltmp6, $2  }
0x12d: {  	_ =	sdelay $0x2  }
0x12e: {  	s2 =	sadd.s32 $0x10, s2;
	s12 =	sadd.s32 $0x800, s12;
	s0 =	sadd.s32 $0x10, s0  }
.LBB2_4:
0x12f: {  	s6 =	sshll.u32 s14, $0x4  }
0x130: {  	v13 =	vld [tilespmem:s6+$0x0];
	_ =	sdelay $0x4  }
0x131: {  	(v2sf) =	vpush v13, $0xF;
	_ =	sdelay $0xe  }
0x132: {  	s7 =	spop (v2sf)  }
0x133: {  	p2 =	sne.s32 s7, s31  }
.Ltmp7:
0x134: {  	_ = 	snop;
	(pc) =	sbr.rel @!p2 .LBB2_5-.Ltmp7, $1  }
0x135: {  	_ =	sdelay $0x3  }
0x136: {  	v0 =	vld [tilespmem:$0x1FFE0];
	_ =	sdelay $0x4  }
0x137: {  	v0 =	vor.u32 s6, v0;
	_ =	sdelay $0x4  }
0x138: {  	v0 =	vld.idx.msk [tilespmem:v0+s5+$0x0], $0xffff;
	_ =	sdelay $0x4  }
0x139: {  	vm3 =	vne.s32 v13, v0;
	v0 =	vld [tilespmem:$0x1FFC0];
	_ =	sdelay $0x4  }
0x13a: {  	vm4 =	vge.s32 v13, v0;
	v0 =	vld [tilespmem:$0x1FFD0];
	_ =	sdelay $0x2  }
0x13b: {  	vm2 =	vne.s32 v13, s31  }
0x13c: {  	vm2 =	vmand vm2, vm0  }
0x13d: {  	vm3 =	vmand vm1, vm3;
	vm5 =	vle.s32 v13, v0;
	vm6 =	vgt.s32 v13, v0  }
0x13e: {  	vm2 =	vmor vm2, vm3;
	vm3 =	vmand vm4, vm5;
	v0 =	vmpcnt.ones.xlane vm6  }
0x13f: {  	v2 =	vmctz.xlane vm6;
	vm2 =	vmand vm3, vm2  }
0x140: {  	(v2sf) =	vpush v0, $0x0;
	v0 =	vmpcnt.ones.xlane vm2  }
0x141: {  	(v2sf) =	vpush v2, $0x0  }
0x142: {  	(v2sf) =	vpush v0, $0x0;
	_ =	sdelay $0xc  }
0x143: {  	s7 =	spop (v2sf)  }
0x144: {  	s8 =	spop (v2sf)  }
0x145: {  	p2 =	sne.s32 s7, $0x0;
	s9 =	spop (v2sf)  }
0x146: {  	p3 =	seq.s32 @!p2 s9, $0x1  }
0x147: {  	p2 =	por p2, !p3  }
.Ltmp8:
0x148: {  	_ = 	snop;
	(pc) =	sbr.rel @p2 .LBB2_7-.Ltmp8, $1  }
0x149: {  	_ =	sdelay $0x3  }
0x14a: {  	v0 =	vmctz.xlane vm2;
	_ =	sdelay $0x1  }
0x14b: {  	(v2sf) =	vpush v0, $0x0;
	_ =	sdelay $0x9  }
0x14c: {  	p2 =	slt.s32 s31, $0x0  }
.Ltmp9:
0x14d: {  	_ = 	snop;
	(pc) =	sbr.rel @p2 .LBB2_27-.Ltmp9, $2  }
0x14e: {  	_ =	sdelay $0x2  }
0x14f: {  	s7 =	spop (v2sf)  }
0x150: {  	p2 =	slt.s32 s7, $0x1  }
.Ltmp10:
0x151: {  	_ = 	snop;
	(pc) =	sbr.rel @p2 .LBB2_20-.Ltmp10, $1  }
0x152: {  	_ =	sdelay $0x3  }
0x153: {  	p3 =	sne.s32 s7, $0x1  }
.Ltmp11:
0x154: {  	_ = 	snop;
	(pc) =	sbr.rel @!p3 .LBB2_15-.Ltmp11, $2  }
0x155: {  	_ =	sdelay $0x2  }
0x156: {  	v13 =	vld [tilespmem:s12+$0x30];
	s9 =	sadd.s32 $0xFFFFFFFF, s7;
	p2 =	por $0x0, $0x0  }
0x157: {  	v0 =	vld [tilespmem:s12+$0xFFFFFFD0]  }
0x158: {  	v2 =	vld [tilespmem:s12+$0xFFFFFFE0]  }
0x159: {  	v3 =	vld [tilespmem:s12+$0xFFFFFFF0];
	p3 =	sne.s32 s9, $0x1  }
.Ltmp12:
0x15a: {  	v14 =	vld [tilespmem:s12+$0x0];
	(pc) =	sbr.rel @!p3 .LBB2_17-.Ltmp12, $4  }
0x15b: {  	v15 =	vld [tilespmem:s12+$0x10]  }
0x15c: {  	v16 =	vld [tilespmem:s12+$0x20]  }
0x15d: {  	v18 =	vld [tilespmem:s12+$0xFFFFFFC0];
	s8 =	sadd.s32 $0x80, s12;
	v17 =	vmovc v10;
	v19 =	vmov v11;
	v20 =	vmov v12;
	v8 =	vmax.f32 v8, v13  }
0x15e: {  	s9 =	sadd.s32 $0xFFFFFFFF, s9;
	p2 =	por $0x1, $0x1;
	v21 =	vmovc v9;
	v13 =	vld [tilespmem:s8+$0x30];
	v5 =	vmax.f32 v5, v0;
	v6 =	vmax.f32 v6, v2;
	v7 =	vmax.f32 v7, v3  }
.LBB2_18:
0x15f: {  	p3 =	sne.s32 s9, $0x1;
	v0 =	vld [tilespmem:s8+$0xFFFFFFD0];
	v17 =	vmax.f32 v17, v14  }
0x160: {  	v2 =	vld [tilespmem:s8+$0xFFFFFFE0];
	v19 =	vmax.f32 v19, v15  }
0x161: {  	v3 =	vld [tilespmem:s8+$0xFFFFFFF0];
	v20 =	vmax.f32 v20, v16  }
.Ltmp13:
0x162: {  	v14 =	vld [tilespmem:s8+$0x0];
	v21 =	vmax.f32 v21, v18;
	(pc) =	sbr.rel @p3 .LBB2_18-.Ltmp13, $4  }
0x163: {  	v15 =	vld [tilespmem:s8+$0x10];
	v8 =	vmax.f32 v8, v13  }
0x164: {  	v16 =	vld [tilespmem:s8+$0x20];
	v5 =	vmax.f32 v5, v0  }
0x165: {  	v18 =	vld [tilespmem:s8+$0xFFFFFFC0];
	v6 =	vmax.f32 v6, v2;
	s8 =	sadd.s32 $0x80, s8  }
0x166: {  	s9 =	sadd.s32 $0xFFFFFFFF, s9;
	v13 =	vld [tilespmem:s8+$0x30];
	v7 =	vmax.f32 v7, v3  }
.LBB2_19:
0x167: {  	v0 =	vld [tilespmem:s8+$0xFFFFFFD0]  }
0x168: {  	v2 =	vld [tilespmem:s8+$0xFFFFFFE0]  }
0x169: {  	v3 =	vld [tilespmem:s8+$0xFFFFFFF0]  }
0x16a: {  	v4 =	vld [tilespmem:s8+$0x0]  }
0x16b: {  	v22 =	vld [tilespmem:s8+$0x10]  }
0x16c: {  	v63 =	vld [tilespmem:s8+$0xFFFFFFC0]  }
0x16d: {  	v23 =	vld [tilespmem:s8+$0x20];
	v14 =	vmax.f32 @p2 v17, v14  }
0x16e: {  	v15 =	vmax.f32 @p2 v19, v15;
	v16 =	vmax.f32 @p2 v20, v16;
	v18 =	vmax.f32 @p2 v21, v18  }
0x16f: {  	v8 =	vmax.f32 v8, v13;
	v9 =	vpsel p2, v18, v9;
	v5 =	vmax.f32 v5, v0  }
0x170: {  	v6 =	vmax.f32 v6, v2;
	v7 =	vmax.f32 v7, v3;
	v0 =	vpsel p2, v14, v10  }
0x171: {  	v2 =	vpsel p2, v15, v11;
	v3 =	vpsel p2, v16, v12;
	v9 =	vmax.f32 v9, v63  }
0x172: {  	v10 =	vmax.f32 v0, v4;
	v11 =	vmax.f32 v2, v22;
	v12 =	vmax.f32 v3, v23  }
.LBB2_20:
0x173: {  	s8 =	ssub.s32 s24, s25  }
0x174: {  	s10 =	ssub.s32 s30, s24;
	s9 =	sshrl.u32 s8, $0x6  }
0x175: {  	s13 =	sshll.u32 s10, $0x9;
	s9 =	sand.u32 $0x1, s9  }
0x176: {  	s13 =	sshra.s32 s13, $0x2;
	s17 =	sshll.u32 s9, $0xD  }
0x177: {  	s13 =	sadd.s32 s13, s17  }
0x178: {  	s17 =	sadd.s32 $0x19330, s13;
	[tilespmem:s13+$0x19330] =	vst v9  }
0x179: {  	[tilespmem:s17+$0x10] =	vst v5  }
0x17a: {  	p2 =	sne.s32 s10, $0x3F;
	[tilespmem:s17+$0x20] =	vst v6  }
.Ltmp14:
0x17b: {  	[tilespmem:s17+$0x30] =	vst v7;
	(pc) =	sbr.rel @p2 .LBB2_26-.Ltmp14, $4  }
0x17c: {  	[tilespmem:s17+$0x40] =	vst v10  }
0x17d: {  	[tilespmem:s17+$0x50] =	vst v11  }
0x17e: {  	[tilespmem:s17+$0x60] =	vst v12  }
0x17f: {  	[tilespmem:s17+$0x70] =	vst v8  }
0x180: {  	p2 =	sne.s32 s9, $0x0  }
.Ltmp15:
0x181: {  	_ = 	snop;
	(pc) =	sbr.rel @p2 .LBB2_23-.Ltmp15, $4  }
0x182: {  	_ = 	snop  }
0x183: {  	s10 =	sshll.u32 s24, $0x4  }
0x184: {  	s31 =	sand.u32 $0x1FFFFFF0, s10  }
0x185: {  	s9 =	sadd.s32 s4, s31  }
0x186: {  	p2 =	sgt.s32 s8, $0x3F  }
.Ltmp16:
0x187: {  	_ = 	snop;
	(pc) =	sbr.rel @p2 .LBB2_24-.Ltmp16, $4  }
.Ltmp17:
0x188: {  	_ = 	snop;
	(pc) =	sbr.rel @!p2 .LBB2_25-.Ltmp17, $4  }
0x189: {  	_ = 	snop  }
0x18a: {  	[hbm4b:s9+s5] =	stream.linear.scatter [tilespmem:s21], [sflag:$0x5], $0x2000, $0x38;
	[tilespmem:$0x1D330] =	vst v63  }
0x18b: {  	s8 =	simm.s32 $0x6  }
0x18c: {  	_ = 	snop  }
.LBB2_7:
0x18d: {  	p2 =	sgt.s32 s7, $0x0  }
0x18e: {  	s8 =	simm.s32 @!p2 $0x10  }
0x18f: {  	p2 =	sgt.s32 s8, $0x0  }
.Ltmp18:
0x190: {  	_ = 	snop;
	(pc) =	sbr.rel @p2 .LBB2_8-.Ltmp18, $4  }
.Ltmp19:
0x191: {  	_ = 	snop;
	(pc) =	sbr.rel @!p2 .LBB2_68-.Ltmp19, $4  }
0x192: {  	_ = 	snop  }
0x193: {  	_ = 	snop  }
0x194: {  	s9 =	simm.s32 $0x0  }
0x195: {  	_ = 	snop  }
.LBB2_65:
0x196: {  	s30 =	smov.u32 s31  }
.LBB2_66:
0x197: {  	s1 =	sshll.u32 s9, $0x9  }
0x198: {  	s1 =	sshra.s32 s1, $0x2  }
0x199: {  	v9 =	vld [tilespmem:s1+$0x320]  }
0x19a: {  	v5 =	vld [tilespmem:s1+$0x330]  }
0x19b: {  	v6 =	vld [tilespmem:s1+$0x340]  }
0x19c: {  	v7 =	vld [tilespmem:s1+$0x350]  }
0x19d: {  	v10 =	vld [tilespmem:s1+$0x360]  }
0x19e: {  	v11 =	vld [tilespmem:s1+$0x370]  }
0x19f: {  	v12 =	vld [tilespmem:s1+$0x380]  }
0x1a0: {  	v8 =	vld [tilespmem:s1+$0x390]  }
.LBB2_67:
0x1a1: {  	s9 =	sadd.s32 $0x1, s7  }
0x1a2: {  	p2 =	slt.s32 s9, s8  }
.Ltmp20:
0x1a3: {  	_ = 	snop;
	(pc) =	sbr.rel @!p2 .LBB2_68-.Ltmp20, $1  }
0x1a4: {  	_ =	sdelay $0x3  }
.LBB2_8:
0x1a5: {  	v0 =	vmov s9  }
0x1a6: {  	vm3 =	vlt.s32 v0, v24  }
0x1a7: {  	vm3 =	vmand vm2, vm3  }
0x1a8: {  	v0 =	vmpcnt.ones.xlane vm3  }
0x1a9: {  	v2 =	vmctz.xlane vm3  }
0x1aa: {  	(v2sf) =	vpush v0, $0x0  }
0x1ab: {  	(v2sf) =	vpush v2, $0x0;
	_ =	sdelay $0xc  }
0x1ac: {  	p3 =	slt.s32 s31, $0x0  }
.Ltmp21:
0x1ad: {  	s7 =	spop (v2sf);
	(pc) =	sbr.rel @p3 .LBB2_161-.Ltmp21, $4  }
0x1ae: {  	p2 =	sgt.s32 s7, $0x0;
	s10 =	spop (v2sf)  }
0x1af: {  	s10 =	simm.s32 @!p2 $0x10  }
0x1b0: {  	s7 =	smov.u32 s8;
	p2 =	slt.s32 s10, s8  }
0x1b1: {  	s7 =	smov.u32 @p2 s10  }
0x1b2: {  	p3 =	sle.s32 s7, s9  }
.Ltmp22:
0x1b3: {  	_ = 	snop;
	(pc) =	sbr.rel @p3 .LBB2_48-.Ltmp22, $1  }
0x1b4: {  	_ =	sdelay $0x3  }
0x1b5: {  	s13 =	ssub.s32 s7, s9  }
0x1b6: {  	p4 =	sne.s32 s13, $0x1  }
.Ltmp23:
0x1b7: {  	s10 =	sadd.s32 s9, s2;
	(pc) =	sbr.rel @!p4 .LBB2_11-.Ltmp23, $4  }
0x1b8: {  	s10 =	sshll.u32 s10, $0x9  }
0x1b9: {  	s23 =	sshra.s32 s10, $0x2  }
0x1ba: {  	s9 =	sadd.s32 $0x360, s23  }
0x1bb: {  	p3 =	por $0x0, $0x0;
	s10 =	sadd.s32 $0xFFFFFFFF, s13;
	v13 =	vld [tilespmem:s9+$0x30]  }
0x1bc: {  	v0 =	vld [tilespmem:s9+$0xFFFFFFD0]  }
0x1bd: {  	v2 =	vld [tilespmem:s9+$0xFFFFFFE0]  }
0x1be: {  	v3 =	vld [tilespmem:s9+$0xFFFFFFF0];
	p4 =	sne.s32 s10, $0x1  }
.Ltmp24:
0x1bf: {  	v14 =	vld [tilespmem:s9+$0x0];
	(pc) =	sbr.rel @!p4 .LBB2_45-.Ltmp24, $4  }
0x1c0: {  	v15 =	vld [tilespmem:s9+$0x10]  }
0x1c1: {  	v16 =	vld [tilespmem:s9+$0x20]  }
0x1c2: {  	v17 =	vld [tilespmem:s9+$0xFFFFFFC0];
	s9 =	sadd.s32 $0x80, s9;
	v18 =	vmovc v10;
	v19 =	vmov v11;
	v20 =	vmov v12;
	v8 =	vmax.f32 v8, v13  }
0x1c3: {  	s10 =	sadd.s32 $0xFFFFFFFF, s10;
	p3 =	por $0x1, $0x1;
	v21 =	vmovc v9;
	v13 =	vld [tilespmem:s9+$0x30];
	v5 =	vmax.f32 v5, v0;
	v6 =	vmax.f32 v6, v2;
	v7 =	vmax.f32 v7, v3  }
.LBB2_46:
0x1c4: {  	p4 =	sne.s32 s10, $0x1;
	v0 =	vld [tilespmem:s9+$0xFFFFFFD0];
	v18 =	vmax.f32 v18, v14  }
0x1c5: {  	v2 =	vld [tilespmem:s9+$0xFFFFFFE0];
	v19 =	vmax.f32 v19, v15  }
0x1c6: {  	v3 =	vld [tilespmem:s9+$0xFFFFFFF0];
	v20 =	vmax.f32 v20, v16  }
.Ltmp25:
0x1c7: {  	v14 =	vld [tilespmem:s9+$0x0];
	v21 =	vmax.f32 v21, v17;
	(pc) =	sbr.rel @p4 .LBB2_46-.Ltmp25, $4  }
0x1c8: {  	v15 =	vld [tilespmem:s9+$0x10];
	v8 =	vmax.f32 v8, v13  }
0x1c9: {  	v16 =	vld [tilespmem:s9+$0x20];
	v5 =	vmax.f32 v5, v0  }
0x1ca: {  	v17 =	vld [tilespmem:s9+$0xFFFFFFC0];
	v6 =	vmax.f32 v6, v2;
	s9 =	sadd.s32 $0x80, s9  }
0x1cb: {  	s10 =	sadd.s32 $0xFFFFFFFF, s10;
	v13 =	vld [tilespmem:s9+$0x30];
	v7 =	vmax.f32 v7, v3  }
.LBB2_47:
0x1cc: {  	v0 =	vld [tilespmem:s9+$0xFFFFFFD0]  }
0x1cd: {  	v2 =	vld [tilespmem:s9+$0xFFFFFFE0]  }
0x1ce: {  	v3 =	vld [tilespmem:s9+$0xFFFFFFF0]  }
0x1cf: {  	v4 =	vld [tilespmem:s9+$0x0]  }
0x1d0: {  	v22 =	vld [tilespmem:s9+$0x10]  }
0x1d1: {  	v63 =	vld [tilespmem:s9+$0xFFFFFFC0]  }
0x1d2: {  	v23 =	vld [tilespmem:s9+$0x20];
	v14 =	vmax.f32 @p3 v18, v14  }
0x1d3: {  	v15 =	vmax.f32 @p3 v19, v15;
	v16 =	vmax.f32 @p3 v20, v16;
	v17 =	vmax.f32 @p3 v21, v17  }
0x1d4: {  	v8 =	vmax.f32 v8, v13;
	v9 =	vpsel p3, v17, v9;
	v5 =	vmax.f32 v5, v0  }
0x1d5: {  	v6 =	vmax.f32 v6, v2;
	v7 =	vmax.f32 v7, v3;
	v0 =	vpsel p3, v14, v10  }
0x1d6: {  	v2 =	vpsel p3, v15, v11;
	v3 =	vpsel p3, v16, v12;
	v9 =	vmax.f32 v9, v63  }
0x1d7: {  	v10 =	vmax.f32 v0, v4;
	v11 =	vmax.f32 v2, v22;
	v12 =	vmax.f32 v3, v23  }
.LBB2_48:
.Ltmp26:
0x1d8: {  	(pc) =	sbr.rel @!p2 .LBB2_67-.Ltmp26, $1  }
0x1d9: {  	_ =	sdelay $0x3  }
0x1da: {  	s9 =	ssub.s32 s24, s25  }
0x1db: {  	s13 =	ssub.s32 s30, s24;
	s10 =	sshrl.u32 s9, $0x6  }
0x1dc: {  	s17 =	sshll.u32 s13, $0x9;
	s10 =	sand.u32 $0x1, s10  }
0x1dd: {  	s17 =	sshra.s32 s17, $0x2;
	s23 =	sshll.u32 s10, $0xD  }
0x1de: {  	s17 =	sadd.s32 s17, s23  }
0x1df: {  	s23 =	sadd.s32 $0x19330, s17;
	[tilespmem:s17+$0x19330] =	vst v9  }
0x1e0: {  	[tilespmem:s23+$0x10] =	vst v5  }
0x1e1: {  	p2 =	sne.s32 s13, $0x3F;
	[tilespmem:s23+$0x20] =	vst v6  }
.Ltmp27:
0x1e2: {  	[tilespmem:s23+$0x30] =	vst v7;
	(pc) =	sbr.rel @p2 .LBB2_55-.Ltmp27, $4  }
0x1e3: {  	[tilespmem:s23+$0x40] =	vst v10  }
0x1e4: {  	[tilespmem:s23+$0x50] =	vst v11  }
0x1e5: {  	[tilespmem:s23+$0x60] =	vst v12  }
0x1e6: {  	[tilespmem:s23+$0x70] =	vst v8  }
0x1e7: {  	p2 =	sne.s32 s10, $0x0  }
.Ltmp28:
0x1e8: {  	_ = 	snop;
	(pc) =	sbr.rel @p2 .LBB2_52-.Ltmp28, $4  }
0x1e9: {  	_ = 	snop  }
0x1ea: {  	s13 =	sshll.u32 s24, $0x4  }
0x1eb: {  	s31 =	sand.u32 $0x1FFFFFF0, s13  }
0x1ec: {  	s10 =	sadd.s32 s4, s31  }
0x1ed: {  	p2 =	sgt.s32 s9, $0x3F  }
.Ltmp29:
0x1ee: {  	_ = 	snop;
	(pc) =	sbr.rel @p2 .LBB2_53-.Ltmp29, $4  }
.Ltmp30:
0x1ef: {  	_ = 	snop;
	(pc) =	sbr.rel @!p2 .LBB2_54-.Ltmp30, $4  }
0x1f0: {  	_ = 	snop  }
0x1f1: {  	[hbm4b:s10+s5] =	stream.linear.scatter [tilespmem:s21], [sflag:$0x5], $0x2000, $0x38;
	[tilespmem:$0x1D330] =	vst v63  }
0x1f2: {  	s9 =	simm.s32 $0x6  }
0x1f3: {  	_ = 	snop  }
.LBB2_161:
.Ltmp31:
0x1f4: {  	(pc) =	sbr.rel @p2 .LBB2_56-.Ltmp31, $4  }
.Ltmp32:
0x1f5: {  	(pc) =	sbr.rel @!p2 .LBB2_67-.Ltmp32, $4  }
0x1f6: {  	_ = 	snop  }
0x1f7: {  	_ = 	snop  }
0x1f8: {  	_ = 	snop  }
0x1f9: {  	_ = 	snop  }
.LBB2_52:
0x1fa: {  	p2 =	slt.s32 s9, $0x40  }
.Ltmp33:
0x1fb: {  	_ = 	snop;
	(pc) =	sbr.rel @p2 .LBB2_54-.Ltmp33, $3  }
0x1fc: {  	_ =	sdelay $0x1  }
0x1fd: {  	[hbm4b:s10+s5] =	stream.linear.scatter [tilespmem:s22], [sflag:$0x6], $0x2000, $0x38;
	[tilespmem:$0x1D330] =	vst v63  }
0x1fe: {  	s9 =	simm.s32 $0x5  }
.LBB2_53:
0x1ff: {  	_ =	swait.ge [sflag:s9], $0x2000  }
0x200: {  	[sflag:s9] =	ssyncset.done $0x0  }
0x201: {  	[sflag:s9] =	ssyncadd.s32 $0xFFFFE000  }
.LBB2_54:
0x202: {  	s24 =	sadd.s32 $0x40, s24  }
.LBB2_55:
0x203: {  	s30 =	sadd.s32 $0x1, s30  }
.LBB2_56:
0x204: {  	s9 =	sadd.s32 s6, s7  }
0x205: {  	v0 =	vmov s9;
	_ =	sdelay $0x4  }
0x206: {  	v0 =	vld.idx.msk [tilespmem:v0+s5+$0x0], $0xffff;
	_ =	sdelay $0x4  }
0x207: {  	(v2sf) =	vpush v0, $0x0;
	_ =	sdelay $0xe  }
0x208: {  	s31 =	spop (v2sf)  }
0x209: {  	p2 =	sge.s32 s30, s31  }
.Ltmp34:
0x20a: {  	_ = 	snop;
	(pc) =	sbr.rel @p2 .LBB2_66-.Ltmp34, $1  }
0x20b: {  	_ =	sdelay $0x3  }
.Ltmp35:
0x20c: {  	(pc) =	sbr.rel .LBB2_58-.Ltmp35, $4  }
0x20d: {  	_ = 	snop  }
0x20e: {  	s10 =	sshll.u32 s30, $0x9  }
0x20f: {  	s13 =	sshra.s32 s10, $0x2  }
0x210: {  	s30 =	ssub.s32 $0x0, s30;
	s10 =	ssub.s32 $0x0, s31;
	s13 =	sadd.s32 $0x193A0, s13  }
.LBB2_62:
0x211: {  	_ =	swait.ge [sflag:s17], $0x2000  }
0x212: {  	[sflag:s17] =	ssyncset.done $0x0  }
0x213: {  	[sflag:s17] =	ssyncadd.s32 $0xFFFFE000  }
.LBB2_63:
0x214: {  	s24 =	sadd.s32 $0x40, s24  }
.LBB2_64:
0x215: {  	s30 =	sadd.s32 $0xFFFFFFFF, s30  }
0x216: {  	p2 =	sne.s32 s10, s30  }
.Ltmp36:
0x217: {  	_ = 	snop;
	(pc) =	sbr.rel @!p2 .LBB2_65-.Ltmp36, $2  }
0x218: {  	_ =	sdelay $0x2  }
0x219: {  	s13 =	sadd.s32 $0x80, s13  }
.LBB2_58:
0x21a: {  	s23 =	ssub.s32 s24, s25  }
0x21b: {  	s17 =	sshrl.u32 s23, $0x6  }
0x21c: {  	s17 =	sand.u32 $0x1, s17  }
0x21d: {  	s1 =	sshll.u32 s24, $0x9;
	s15 =	sshll.u32 s17, $0xF  }
0x21e: {  	s1 =	ssub.s32 s15, s1  }
0x21f: {  	s1 =	sshra.s32 s1, $0x2  }
0x220: {  	s1 =	sadd.s32 s1, s13  }
0x221: {  	[tilespmem:s1+$0xFFFFFF90] =	vst v1  }
0x222: {  	s15 =	ssub.s32 $0xFFFFFFC1, s24;
	[tilespmem:s1+$0xFFFFFFA0] =	vst v1  }
0x223: {  	p2 =	sne.s32 s15, s30;
	[tilespmem:s1+$0xFFFFFFB0] =	vst v1  }
.Ltmp37:
0x224: {  	[tilespmem:s1+$0xFFFFFFC0] =	vst v1;
	(pc) =	sbr.rel @p2 .LBB2_64-.Ltmp37, $4  }
0x225: {  	[tilespmem:s1+$0xFFFFFFD0] =	vst v1  }
0x226: {  	[tilespmem:s1+$0xFFFFFFE0] =	vst v1  }
0x227: {  	[tilespmem:s1+$0xFFFFFFF0] =	vst v1  }
0x228: {  	[tilespmem:s1+$0x0] =	vst v1  }
0x229: {  	p2 =	sne.s32 s17, $0x0  }
.Ltmp38:
0x22a: {  	_ = 	snop;
	(pc) =	sbr.rel @p2 .LBB2_61-.Ltmp38, $4  }
0x22b: {  	_ = 	snop  }
0x22c: {  	s1 =	sshll.u32 s24, $0x4  }
0x22d: {  	s1 =	sand.u32 $0x1FFFFFF0, s1  }
0x22e: {  	s17 =	sadd.s32 s4, s1  }
0x22f: {  	p2 =	sgt.s32 s23, $0x3F  }
.Ltmp39:
0x230: {  	_ = 	snop;
	(pc) =	sbr.rel @p2 .LBB2_62-.Ltmp39, $4  }
.Ltmp40:
0x231: {  	_ = 	snop;
	(pc) =	sbr.rel @!p2 .LBB2_63-.Ltmp40, $4  }
0x232: {  	_ = 	snop  }
0x233: {  	[hbm4b:s17+s5] =	stream.linear.scatter [tilespmem:s21], [sflag:$0x5], $0x2000, $0x38;
	[tilespmem:$0x1D330] =	vst v63  }
0x234: {  	s17 =	simm.s32 $0x6  }
0x235: {  	_ = 	snop  }
.LBB2_61:
0x236: {  	p2 =	slt.s32 s23, $0x40  }
.Ltmp41:
0x237: {  	_ = 	snop;
	(pc) =	sbr.rel @p2 .LBB2_63-.Ltmp41, $4  }
.Ltmp42:
0x238: {  	_ = 	snop;
	(pc) =	sbr.rel @!p2 .LBB2_62-.Ltmp42, $4  }
0x239: {  	_ = 	snop  }
0x23a: {  	[hbm4b:s17+s5] =	stream.linear.scatter [tilespmem:s22], [sflag:$0x6], $0x2000, $0x38;
	[tilespmem:$0x1D330] =	vst v63  }
0x23b: {  	s17 =	simm.s32 $0x5  }
0x23c: {  	_ = 	snop  }
.LBB2_11:
.Ltmp43:
0x23d: {  	(pc) =	sbr.rel .LBB2_47-.Ltmp43, $2  }
0x23e: {  	_ =	sdelay $0x2  }
0x23f: {  	v18 =	vmovc v10;
	v19 =	vmov v11;
	v20 =	vmov v12;
	v21 =	vmov v9  }
.LBB2_45:
.Ltmp44:
0x240: {  	(pc) =	sbr.rel .LBB2_47-.Ltmp44, $2  }
0x241: {  	_ =	sdelay $0x2  }
0x242: {  	v18 =	vmovc v10;
	v19 =	vmov v11;
	v20 =	vmov v12;
	v21 =	vmov v9  }
.LBB2_23:
0x243: {  	p2 =	slt.s32 s8, $0x40  }
.Ltmp45:
0x244: {  	_ = 	snop;
	(pc) =	sbr.rel @p2 .LBB2_25-.Ltmp45, $3  }
0x245: {  	_ =	sdelay $0x1  }
0x246: {  	[hbm4b:s9+s5] =	stream.linear.scatter [tilespmem:s22], [sflag:$0x6], $0x2000, $0x38;
	[tilespmem:$0x1D330] =	vst v63  }
0x247: {  	s8 =	simm.s32 $0x5  }
.LBB2_24:
0x248: {  	_ =	swait.ge [sflag:s8], $0x2000  }
0x249: {  	[sflag:s8] =	ssyncset.done $0x0  }
0x24a: {  	[sflag:s8] =	ssyncadd.s32 $0xFFFFE000  }
.LBB2_25:
0x24b: {  	s24 =	sadd.s32 $0x40, s24  }
.LBB2_26:
0x24c: {  	s30 =	sadd.s32 $0x1, s30  }
.LBB2_27:
0x24d: {  	s6 =	sadd.s32 s6, s7  }
0x24e: {  	v0 =	vmov s6;
	_ =	sdelay $0x4  }
0x24f: {  	v0 =	vld.idx.msk [tilespmem:v0+s5+$0x0], $0xffff;
	_ =	sdelay $0x4  }
0x250: {  	(v2sf) =	vpush v0, $0x0;
	_ =	sdelay $0xe  }
0x251: {  	s31 =	spop (v2sf)  }
0x252: {  	p2 =	sge.s32 s30, s31  }
.Ltmp46:
0x253: {  	_ = 	snop;
	(pc) =	sbr.rel @p2 .LBB2_37-.Ltmp46, $1  }
0x254: {  	_ =	sdelay $0x3  }
.Ltmp47:
0x255: {  	(pc) =	sbr.rel .LBB2_29-.Ltmp47, $4  }
0x256: {  	_ = 	snop  }
0x257: {  	s8 =	sshll.u32 s30, $0x9  }
0x258: {  	s10 =	sshra.s32 s8, $0x2  }
0x259: {  	s9 =	ssub.s32 $0x0, s30;
	s8 =	ssub.s32 $0x0, s31;
	s10 =	sadd.s32 $0x193A0, s10  }
.LBB2_33:
0x25a: {  	_ =	swait.ge [sflag:s13], $0x2000  }
0x25b: {  	[sflag:s13] =	ssyncset.done $0x0  }
0x25c: {  	[sflag:s13] =	ssyncadd.s32 $0xFFFFE000  }
.LBB2_34:
0x25d: {  	s24 =	sadd.s32 $0x40, s24  }
.LBB2_35:
0x25e: {  	s9 =	sadd.s32 $0xFFFFFFFF, s9  }
0x25f: {  	p2 =	sne.s32 s8, s9  }
.Ltmp48:
0x260: {  	_ = 	snop;
	(pc) =	sbr.rel @!p2 .LBB2_36-.Ltmp48, $2  }
0x261: {  	_ =	sdelay $0x2  }
0x262: {  	s10 =	sadd.s32 $0x80, s10  }
.LBB2_29:
0x263: {  	s13 =	ssub.s32 s24, s25  }
0x264: {  	s17 =	sshrl.u32 s13, $0x6  }
0x265: {  	s23 =	sand.u32 $0x1, s17  }
0x266: {  	s30 =	sshll.u32 s24, $0x9;
	s17 =	sshll.u32 s23, $0xF  }
0x267: {  	s17 =	ssub.s32 s17, s30  }
0x268: {  	s17 =	sshra.s32 s17, $0x2  }
0x269: {  	s17 =	sadd.s32 s17, s10  }
0x26a: {  	[tilespmem:s17+$0xFFFFFF90] =	vst v1  }
0x26b: {  	s15 =	ssub.s32 $0xFFFFFFC1, s24;
	[tilespmem:s17+$0xFFFFFFA0] =	vst v1  }
0x26c: {  	p2 =	sne.s32 s15, s9;
	[tilespmem:s17+$0xFFFFFFB0] =	vst v1  }
.Ltmp49:
0x26d: {  	[tilespmem:s17+$0xFFFFFFC0] =	vst v1;
	(pc) =	sbr.rel @p2 .LBB2_35-.Ltmp49, $4  }
0x26e: {  	[tilespmem:s17+$0xFFFFFFD0] =	vst v1  }
0x26f: {  	[tilespmem:s17+$0xFFFFFFE0] =	vst v1  }
0x270: {  	[tilespmem:s17+$0xFFFFFFF0] =	vst v1  }
0x271: {  	[tilespmem:s17+$0x0] =	vst v1  }
0x272: {  	p2 =	sne.s32 s23, $0x0  }
.Ltmp50:
0x273: {  	_ = 	snop;
	(pc) =	sbr.rel @p2 .LBB2_32-.Ltmp50, $4  }
0x274: {  	_ = 	snop  }
0x275: {  	s17 =	sshll.u32 s24, $0x4  }
0x276: {  	s17 =	sand.u32 $0x1FFFFFF0, s17  }
0x277: {  	s17 =	sadd.s32 s4, s17  }
0x278: {  	p2 =	sgt.s32 s13, $0x3F  }
.Ltmp51:
0x279: {  	_ = 	snop;
	(pc) =	sbr.rel @p2 .LBB2_33-.Ltmp51, $4  }
.Ltmp52:
0x27a: {  	_ = 	snop;
	(pc) =	sbr.rel @!p2 .LBB2_34-.Ltmp52, $4  }
0x27b: {  	_ = 	snop  }
0x27c: {  	[hbm4b:s17+s5] =	stream.linear.scatter [tilespmem:s21], [sflag:$0x5], $0x2000, $0x38;
	[tilespmem:$0x1D330] =	vst v63  }
0x27d: {  	s13 =	simm.s32 $0x6  }
0x27e: {  	_ = 	snop  }
.LBB2_32:
0x27f: {  	p2 =	slt.s32 s13, $0x40  }
.Ltmp53:
0x280: {  	_ = 	snop;
	(pc) =	sbr.rel @p2 .LBB2_34-.Ltmp53, $4  }
.Ltmp54:
0x281: {  	_ = 	snop;
	(pc) =	sbr.rel @!p2 .LBB2_33-.Ltmp54, $4  }
0x282: {  	_ = 	snop  }
0x283: {  	[hbm4b:s17+s5] =	stream.linear.scatter [tilespmem:s22], [sflag:$0x6], $0x2000, $0x38;
	[tilespmem:$0x1D330] =	vst v63  }
0x284: {  	s13 =	simm.s32 $0x5  }
0x285: {  	_ = 	snop  }
.LBB2_36:
0x286: {  	s30 =	smov.u32 s31  }
.LBB2_37:
0x287: {  	s6 =	sshll.u32 s6, $0x9  }
0x288: {  	s6 =	sshra.s32 s6, $0x2  }
0x289: {  	v9 =	vld [tilespmem:s6+$0x320]  }
0x28a: {  	s8 =	sadd.s32 $0x1, s7;
	v5 =	vld [tilespmem:s6+$0x330]  }
0x28b: {  	p2 =	sgt.s32 s8, $0xF;
	v6 =	vld [tilespmem:s6+$0x340]  }
.Ltmp55:
0x28c: {  	v7 =	vld [tilespmem:s6+$0x350];
	(pc) =	sbr.rel @p2 .LBB2_68-.Ltmp55, $4  }
0x28d: {  	v10 =	vld [tilespmem:s6+$0x360]  }
0x28e: {  	v11 =	vld [tilespmem:s6+$0x370]  }
0x28f: {  	v12 =	vld [tilespmem:s6+$0x380]  }
0x290: {  	v8 =	vld [tilespmem:s6+$0x390]  }
0x291: {  	s23 =	ssub.s32 $0xF, s7  }
0x292: {  	p3 =	seq.s32 s23, $0x1  }
.Ltmp56:
0x293: {  	s6 =	sadd.s32 s0, s7;
	(pc) =	sbr.rel @p3 .LBB2_39-.Ltmp56, $4  }
0x294: {  	s6 =	sshll.u32 s6, $0x9  }
0x295: {  	s6 =	sshra.s32 s6, $0x2  }
0x296: {  	s6 =	sadd.s32 $0x360, s6  }
0x297: {  	p2 =	por $0x0, $0x0;
	s7 =	sadd.s32 $0xFFFFFFFF, s23;
	v13 =	vld [tilespmem:s6+$0x30]  }
0x298: {  	v0 =	vld [tilespmem:s6+$0xFFFFFFD0]  }
0x299: {  	v2 =	vld [tilespmem:s6+$0xFFFFFFE0]  }
0x29a: {  	v3 =	vld [tilespmem:s6+$0xFFFFFFF0];
	p3 =	seq.s32 s7, $0x1  }
.Ltmp57:
0x29b: {  	v14 =	vld [tilespmem:s6+$0x0];
	(pc) =	sbr.rel @p3 .LBB2_41-.Ltmp57, $4  }
0x29c: {  	v15 =	vld [tilespmem:s6+$0x10]  }
0x29d: {  	v16 =	vld [tilespmem:s6+$0x20]  }
0x29e: {  	v17 =	vld [tilespmem:s6+$0xFFFFFFC0];
	s6 =	sadd.s32 $0x80, s6;
	v18 =	vmovc v10;
	v19 =	vmov v11;
	v20 =	vmov v12;
	v8 =	vmax.f32 v8, v13  }
0x29f: {  	s7 =	sadd.s32 $0xFFFFFFFF, s7;
	p2 =	por $0x1, $0x1;
	v21 =	vmovc v9;
	v13 =	vld [tilespmem:s6+$0x30];
	v5 =	vmax.f32 v5, v0;
	v6 =	vmax.f32 v6, v2;
	v7 =	vmax.f32 v7, v3  }
.LBB2_42:
0x2a0: {  	p3 =	seq.s32 s7, $0x1;
	v0 =	vld [tilespmem:s6+$0xFFFFFFD0];
	v18 =	vmax.f32 v18, v14  }
0x2a1: {  	v2 =	vld [tilespmem:s6+$0xFFFFFFE0];
	v19 =	vmax.f32 v19, v15  }
0x2a2: {  	v3 =	vld [tilespmem:s6+$0xFFFFFFF0];
	v20 =	vmax.f32 v20, v16  }
.Ltmp58:
0x2a3: {  	v14 =	vld [tilespmem:s6+$0x0];
	v21 =	vmax.f32 v21, v17;
	(pc) =	sbr.rel @!p3 .LBB2_42-.Ltmp58, $4  }
0x2a4: {  	v15 =	vld [tilespmem:s6+$0x10];
	v8 =	vmax.f32 v8, v13  }
0x2a5: {  	v16 =	vld [tilespmem:s6+$0x20];
	v5 =	vmax.f32 v5, v0  }
0x2a6: {  	v17 =	vld [tilespmem:s6+$0xFFFFFFC0];
	v6 =	vmax.f32 v6, v2;
	s6 =	sadd.s32 $0x80, s6  }
0x2a7: {  	s7 =	sadd.s32 $0xFFFFFFFF, s7;
	v13 =	vld [tilespmem:s6+$0x30];
	v7 =	vmax.f32 v7, v3  }
.LBB2_43:
0x2a8: {  	v0 =	vld [tilespmem:s6+$0xFFFFFFD0]  }
0x2a9: {  	v2 =	vld [tilespmem:s6+$0xFFFFFFE0]  }
0x2aa: {  	v3 =	vld [tilespmem:s6+$0xFFFFFFF0]  }
0x2ab: {  	v4 =	vld [tilespmem:s6+$0x0]  }
0x2ac: {  	v22 =	vld [tilespmem:s6+$0x10]  }
0x2ad: {  	v63 =	vld [tilespmem:s6+$0xFFFFFFC0]  }
0x2ae: {  	v23 =	vld [tilespmem:s6+$0x20];
	v14 =	vmax.f32 @p2 v18, v14  }
.Ltmp59:
0x2af: {  	v15 =	vmax.f32 @p2 v19, v15;
	v16 =	vmax.f32 @p2 v20, v16;
	v17 =	vmax.f32 @p2 v21, v17;
	(pc) =	sbr.rel .LBB2_68-.Ltmp59, $4  }
0x2b0: {  	v8 =	vmax.f32 v8, v13;
	v9 =	vpsel p2, v17, v9;
	v5 =	vmax.f32 v5, v0  }
0x2b1: {  	v6 =	vmax.f32 v6, v2;
	v7 =	vmax.f32 v7, v3;
	v0 =	vpsel p2, v14, v10  }
0x2b2: {  	v2 =	vpsel p2, v15, v11;
	v3 =	vpsel p2, v16, v12;
	v9 =	vmax.f32 v9, v63  }
0x2b3: {  	v10 =	vmax.f32 v0, v4;
	v11 =	vmax.f32 v2, v22;
	v12 =	vmax.f32 v3, v23  }
.LBB2_39:
.Ltmp60:
0x2b4: {  	(pc) =	sbr.rel .LBB2_43-.Ltmp60, $2  }
0x2b5: {  	_ =	sdelay $0x2  }
0x2b6: {  	v18 =	vmovc v10;
	v19 =	vmov v11;
	v20 =	vmov v12;
	v21 =	vmov v9  }
.LBB2_41:
.Ltmp61:
0x2b7: {  	(pc) =	sbr.rel .LBB2_43-.Ltmp61, $2  }
0x2b8: {  	_ =	sdelay $0x2  }
0x2b9: {  	v18 =	vmovc v10;
	v19 =	vmov v11;
	v20 =	vmov v12;
	v21 =	vmov v9  }
.LBB2_15:
.Ltmp62:
0x2ba: {  	(pc) =	sbr.rel .LBB2_19-.Ltmp62, $2  }
0x2bb: {  	_ =	sdelay $0x2  }
0x2bc: {  	s8 =	smov.u32 s12;
	v17 =	vmovc v10;
	v19 =	vmov v11;
	v20 =	vmov v12;
	v21 =	vmov v9  }
.LBB2_17:
.Ltmp63:
0x2bd: {  	(pc) =	sbr.rel .LBB2_19-.Ltmp63, $2  }
0x2be: {  	_ =	sdelay $0x2  }
0x2bf: {  	v17 =	vmovc v10;
	v19 =	vmov v11;
	v20 =	vmov v12;
	v21 =	vmov v9  }
.LBB2_71:
0x2c0: {  	[tilespmem:s2], [sflag:$0x1] =	stream.linear.gather [hbm4b:s6+s2], $0x190, $0x38;
	[tilespmem:$0x1D330] =	vst v63  }
0x2c1: {  	s1 =	simm.s32 $0x320  }
0x2c2: {  	[tilespmem:s1], [sflag:$0x3] =	stream.linear.gather [hbm4b:s0+s2], $0xC800, $0x38;
	[tilespmem:$0x1D330] =	vst v63  }
0x2c3: {  	_ =	swait.ge [sflag:s19], $0x190  }
.Ltmp64:
0x2c4: {  	[sflag:s19] =	ssyncset.done $0x0;
	(pc) =	sbr.rel .LBB2_72-.Ltmp64, $4  }
0x2c5: {  	[sflag:s19] =	ssyncadd.s32 $0xFFFFFE70  }
0x2c6: {  	_ =	swait.ge [sflag:s20], $0xC800  }
0x2c7: {  	s12 =	simm.s32 $0x1;
	[sflag:s20] =	ssyncset.done $0x0  }
0x2c8: {  	s14 =	simm.s32 $0x0;
	s0 =	simm.s32 $0xCB60;
	[sflag:s20] =	ssyncadd.s32 $0xFFFF3800  }
.LBB2_73:
0x2c9: {  	s1 =	sshll.u32 s14, $0xB  }
0x2ca: {  	s6 =	sand.u32 $0x3FFFF800, s1  }
0x2cb: {  	v60 =	vld [tilespmem:s6+$0xCCD0];
	_ =	sdelay $0x4  }
0x2cc: {  	[tilespmem:$0x1FB30] =	vst v60;
	v60 =	vld [tilespmem:s6+$0xCBE0];
	_ =	sdelay $0x4  }
0x2cd: {  	[tilespmem:$0x1FBA0] =	vst v60;
	v60 =	vld [tilespmem:s6+$0xCC60];
	_ =	sdelay $0x4  }
0x2ce: {  	[tilespmem:$0x1FBB0] =	vst v60;
	v60 =	vld [tilespmem:s6+$0xCCE0];
	_ =	sdelay $0x4  }
0x2cf: {  	[tilespmem:$0x1FBC0] =	vst v60;
	v60 =	vld [tilespmem:s6+$0xCD60];
	_ =	sdelay $0x4  }
0x2d0: {  	[tilespmem:$0x1FBD0] =	vst v60;
	v60 =	vld [tilespmem:s6+$0xCDE0];
	_ =	sdelay $0x4  }
0x2d1: {  	[tilespmem:$0x1FBE0] =	vst v60;
	v60 =	vld [tilespmem:s6+$0xCE60];
	_ =	sdelay $0x4  }
0x2d2: {  	[tilespmem:$0x1FBF0] =	vst v60;
	v60 =	vld [tilespmem:s6+$0xCEE0];
	_ =	sdelay $0x4  }
0x2d3: {  	[tilespmem:$0x1FC00] =	vst v60;
	v60 =	vld [tilespmem:s6+$0xCF60];
	_ =	sdelay $0x3  }
0x2d4: {  	v0 =	vld [tilespmem:s6+$0xCB20]  }
0x2d5: {  	[tilespmem:$0x1FC10] =	vst v60;
	v60 =	vld [tilespmem:s6+$0xCFE0]  }
0x2d6: {  	v2 =	vld [tilespmem:s6+$0xCBA0]  }
0x2d7: {  	v3 =	vld [tilespmem:s6+$0xCC20]  }
0x2d8: {  	v4 =	vld [tilespmem:s6+$0xCCA0]  }
0x2d9: {  	v13 =	vld [tilespmem:s6+$0xCD20]  }
0x2da: {  	[tilespmem:$0x1FC20] =	vst v60;
	v60 =	vld [tilespmem:s6+$0xD060]  }
0x2db: {  	v14 =	vld [tilespmem:s6+$0xCDA0]  }
0x2dc: {  	v15 =	vld [tilespmem:s6+$0xCE20]  }
0x2dd: {  	v16 =	vld [tilespmem:s6+$0xCEA0]  }
0x2de: {  	v17 =	vld [tilespmem:s6+$0xCF20]  }
0x2df: {  	[tilespmem:$0x1FC30] =	vst v60;
	v60 =	vld [tilespmem:s6+$0xD0E0]  }
0x2e0: {  	v18 =	vld [tilespmem:s6+$0xCFA0]  }
0x2e1: {  	v19 =	vld [tilespmem:s6+$0xD020]  }
0x2e2: {  	v20 =	vld [tilespmem:s6+$0xD0A0]  }
0x2e3: {  	v21 =	vld [tilespmem:s6+$0xD120]  }
0x2e4: {  	[tilespmem:$0x1FC40] =	vst v60;
	v60 =	vld [tilespmem:s6+$0xD160]  }
0x2e5: {  	v22 =	vld [tilespmem:s6+$0xD1A0]  }
0x2e6: {  	v23 =	vld [tilespmem:s6+$0xD220]  }
0x2e7: {  	v24 =	vld [tilespmem:s6+$0xD2A0]  }
0x2e8: {  	v25 =	vld [tilespmem:s6+$0xCB30]  }
0x2e9: {  	[tilespmem:$0x1FC50] =	vst v60;
	v60 =	vld [tilespmem:s6+$0xD1E0]  }
0x2ea: {  	v26 =	vld [tilespmem:s6+$0xCBB0]  }
0x2eb: {  	v27 =	vld [tilespmem:s6+$0xCC30]  }
0x2ec: {  	v28 =	vld [tilespmem:s6+$0xCCB0]  }
0x2ed: {  	v29 =	vld [tilespmem:s6+$0xCD30]  }
0x2ee: {  	[tilespmem:$0x1FC60] =	vst v60;
	v60 =	vld [tilespmem:s6+$0xD260]  }
0x2ef: {  	v30 =	vld [tilespmem:s6+$0xCDB0]  }
0x2f0: {  	v31 =	vld [tilespmem:s6+$0xCE30]  }
0x2f1: {  	v32 =	vld [tilespmem:s6+$0xCEB0]  }
0x2f2: {  	v33 =	vld [tilespmem:s6+$0xCF30]  }
0x2f3: {  	[tilespmem:$0x1FC70] =	vst v60;
	v60 =	vld [tilespmem:s6+$0xCB70]  }
0x2f4: {  	v34 =	vld [tilespmem:s6+$0xCFB0]  }
0x2f5: {  	v35 =	vld [tilespmem:s6+$0xD030]  }
0x2f6: {  	v36 =	vld [tilespmem:s6+$0xD0B0]  }
0x2f7: {  	v37 =	vld [tilespmem:s6+$0xD130]  }
0x2f8: {  	[tilespmem:$0x1FC80] =	vst v60;
	v60 =	vld [tilespmem:s6+$0xCBF0]  }
0x2f9: {  	v38 =	vld [tilespmem:s6+$0xD1B0]  }
0x2fa: {  	v39 =	vld [tilespmem:s6+$0xD230]  }
0x2fb: {  	v40 =	vld [tilespmem:s6+$0xD2B0]  }
0x2fc: {  	v41 =	vld [tilespmem:s6+$0xCB40]  }
0x2fd: {  	[tilespmem:$0x1FC90] =	vst v60;
	v60 =	vld [tilespmem:s6+$0xCC70]  }
0x2fe: {  	v56 =	vld [tilespmem:s6+$0xCBC0]  }
0x2ff: {  	v61 =	vld [tilespmem:s6+$0xCC40]  }
0x300: {  	v44 =	vld [tilespmem:s6+$0xCCC0]  }
0x301: {  	v45 =	vld [tilespmem:s6+$0xCD40]  }
0x302: {  	[tilespmem:$0x1FCA0] =	vst v60;
	v60 =	vld [tilespmem:s6+$0xCCF0]  }
0x303: {  	v46 =	vld [tilespmem:s6+$0xCDC0]  }
0x304: {  	v47 =	vld [tilespmem:s6+$0xCE40]  }
0x305: {  	v48 =	vld [tilespmem:s6+$0xCEC0]  }
0x306: {  	v49 =	vld [tilespmem:s6+$0xCF40]  }
0x307: {  	[tilespmem:$0x1FCB0] =	vst v60;
	v60 =	vld [tilespmem:s6+$0xCD70]  }
0x308: {  	v50 =	vld [tilespmem:s6+$0xCFC0]  }
0x309: {  	v51 =	vld [tilespmem:s6+$0xD040]  }
0x30a: {  	v52 =	vld [tilespmem:s6+$0xD0C0]  }
0x30b: {  	v53 =	vld [tilespmem:s6+$0xD140]  }
0x30c: {  	[tilespmem:$0x1FCC0] =	vst v60;
	v60 =	vld [tilespmem:s6+$0xCDF0]  }
0x30d: {  	v54 =	vld [tilespmem:s6+$0xD1C0]  }
0x30e: {  	v55 =	vld [tilespmem:s6+$0xD240]  }
0x30f: {  	v57 =	vld [tilespmem:s6+$0xCB50]  }
0x310: {  	v58 =	vld [tilespmem:s6+$0xCBD0]  }
0x311: {  	[tilespmem:$0x1FCD0] =	vst v60;
	v60 =	vld [tilespmem:s6+$0xCE70]  }
0x312: {  	v59 =	vld [tilespmem:s6+$0xCC50]  }
0x313: {  	v62 =	vld [tilespmem:s6+$0xCD50]  }
0x314: {  	v63 =	vld [tilespmem:s6+$0xCDD0]  }
0x315: {  	v43 =	vld [tilespmem:s6+$0xD0D0]  }
0x316: {  	[tilespmem:$0x1FCF0] =	vst v60;
	v60 =	vld [tilespmem:s6+$0xCEF0]  }
0x317: {  	v42 =	vld [tilespmem:s6+$0xD2D0]  }
0x318: {  	[tilespmem:$0x1FAF0] =	vst v56;
	v56 =	vld [tilespmem:s6+$0xD2C0]  }
0x319: {  	[tilespmem:$0x1FB00] =	vst v57;
	v57 =	vld [tilespmem:s6+$0xCE50]  }
0x31a: {  	[tilespmem:$0x1FB10] =	vst v58;
	v58 =	vld [tilespmem:s6+$0xCED0]  }
0x31b: {  	[tilespmem:$0x1FCE0] =	vst v60;
	v60 =	vld [tilespmem:s6+$0xCF70]  }
0x31c: {  	[tilespmem:$0x1FB20] =	vst v59;
	v59 =	vld [tilespmem:s6+$0xCF50]  }
0x31d: {  	[tilespmem:$0x1FB40] =	vst v62;
	v62 =	vld [tilespmem:s6+$0xCFD0]  }
0x31e: {  	[tilespmem:$0x1FB50] =	vst v63;
	v63 =	vld [tilespmem:s6+$0xD050]  }
0x31f: {  	[tilespmem:$0x1FAE0] =	vst v41;
	v41 =	vld [tilespmem:s6+$0xD1D0]  }
0x320: {  	[tilespmem:$0x1FD10] =	vst v60;
	v60 =	vld [tilespmem:s6+$0xCFF0]  }
0x321: {  	v0 =	vmax.f32 v0, v2;
	v2 =	vld [tilespmem:s6+$0xD1F0]  }
0x322: {  	v3 =	vmax.f32 v3, v4;
	v4 =	vmax.f32 v13, v14;
	v14 =	vld [tilespmem:s6+$0xD270]  }
0x323: {  	v13 =	vmax.f32 v15, v16;
	v15 =	vmax.f32 v17, v18;
	v18 =	vld [tilespmem:s6+$0xD2F0]  }
0x324: {  	v23 =	vmax.f32 v23, v24;
	v24 =	vld [tilespmem:s6+$0xCD00]  }
0x325: {  	[tilespmem:$0x1FD00] =	vst v60;
	v60 =	vld [tilespmem:s6+$0xD070]  }
0x326: {  	v17 =	vld [tilespmem:s6+$0xCD80]  }
0x327: {  	v0 =	vmax.f32 v0, v3;
	v3 =	vmax.f32 v4, v13;
	v4 =	vld [tilespmem:s6+$0xCB80]  }
0x328: {  	v28 =	vmax.f32 v27, v28;
	v27 =	vmax.f32 v51, v52;
	v51 =	vld [tilespmem:$0x1FB40]  }
0x329: {  	v52 =	vld [tilespmem:$0x1FB50]  }
0x32a: {  	[tilespmem:$0x1FD20] =	vst v60;
	v60 =	vld [tilespmem:s6+$0xD0F0]  }
0x32b: {  	v0 =	vmax.f32 v0, v3;
	v3 =	vld [tilespmem:s6+$0xCC00]  }
0x32c: {  	[tilespmem:$0x1FB80] =	vst v59;
	v59 =	vld [tilespmem:s6+$0xCB60]  }
0x32d: {  	[tilespmem:$0x1FB70] =	vst v58;
	v58 =	vld [tilespmem:s6+$0xD150]  }
0x32e: {  	[tilespmem:$0x1FB60] =	vst v57;
	v57 =	vld [tilespmem:s6+$0xD250]  }
0x32f: {  	[tilespmem:$0x1FD30] =	vst v60;
	v60 =	vld [tilespmem:s6+$0xD170]  }
0x330: {  	v3 =	vmax.f32 v4, v3;
	v4 =	vld [tilespmem:s6+$0xD210]  }
0x331: {  	[tilespmem:$0x1FB90] =	vst v59;
	v59 =	vld [tilespmem:s6+$0xD2E0]  }
0x332: {  	v58 =	vmax.f32 v58, v41;
	v41 =	vld [tilespmem:$0x1FBB0]  }
0x333: {  	v46 =	vmax.f32 v45, v46;
	v45 =	vld [tilespmem:$0x1FBF0]  }
0x334: {  	v30 =	vmax.f32 v29, v30;
	v32 =	vmax.f32 v31, v32;
	[tilespmem:$0x1FD40] =	vst v60;
	v60 =	vmax.f32 v19, v20;
	v20 =	vld [tilespmem:s6+$0xCC80]  }
0x335: {  	v19 =	vmax.f32 v30, v32;
	v32 =	vld [tilespmem:s6+$0xD280]  }
0x336: {  	v30 =	vmax.f32 v51, v52;
	v51 =	vld [tilespmem:$0x1FC50]  }
0x337: {  	v22 =	vmax.f32 v21, v22;
	v52 =	vld [tilespmem:$0x1FC60]  }
0x338: {  	v13 =	vmax.f32 v15, v60;
	v15 =	vmax.f32 v22, v23;
	v23 =	vld [tilespmem:s6+$0xCE00]  }
0x339: {  	v60 =	vmax.f32 v25, v26;
	v26 =	vmax.f32 v39, v40;
	v40 =	vld [tilespmem:$0x1FAF0]  }
0x33a: {  	v34 =	vmax.f32 v33, v34;
	v36 =	vmax.f32 v35, v36;
	v22 =	vld [tilespmem:s6+$0xD000]  }
0x33b: {  	v25 =	vmax.f32 v37, v38;
	v37 =	vmax.f32 v34, v36;
	v36 =	vld [tilespmem:s6+$0xD300]  }
0x33c: {  	v16 =	vmax.f32 v60, v28;
	v28 =	vld [tilespmem:s6+$0xD080]  }
0x33d: {  	v38 =	vmax.f32 v25, v26;
	v26 =	vmax.f32 v49, v50;
	v49 =	vld [tilespmem:$0x1FB20]  }
0x33e: {  	v50 =	vld [tilespmem:$0x1FB30]  }
0x33f: {  	v25 =	vmax.f32 v47, v48;
	v47 =	vmax.f32 v53, v54;
	v53 =	vld [tilespmem:$0x1FB60]  }
0x340: {  	v54 =	vld [tilespmem:$0x1FB70]  }
0x341: {  	v48 =	vmax.f32 v55, v56;
	v55 =	vld [tilespmem:$0x1FB80]  }
0x342: {  	v60 =	vmax.f32 v57, v42;
	v42 =	vld [tilespmem:$0x1FBC0]  }
0x343: {  	v56 =	vmax.f32 v63, v43;
	v43 =	vld [tilespmem:$0x1FBD0]  }
0x344: {  	v13 =	vmax.f32 v13, v15;
	v15 =	vmax.f32 v16, v19;
	v19 =	vld [tilespmem:s6+$0xCE80]  }
0x345: {  	v16 =	vld [tilespmem:s6+$0xD100]  }
0x346: {  	v21 =	vmax.f32 v46, v25;
	v25 =	vmax.f32 v26, v27;
	v27 =	vld [tilespmem:s6+$0xD180]  }
0x347: {  	v39 =	vmax.f32 v37, v38;
	v38 =	vld [tilespmem:s6+$0xCC90]  }
0x348: {  	v46 =	vld [tilespmem:$0x1FC00]  }
0x349: {  	v26 =	vmax.f32 v47, v48;
	v47 =	vld [tilespmem:$0x1FC10]  }
0x34a: {  	v48 =	vld [tilespmem:$0x1FC20]  }
0x34b: {  	v63 =	vmax.f32 v58, v60;
	v60 =	vld [tilespmem:$0x1FCB0]  }
0x34c: {  	v0 =	vmax.f32 v0, v13;
	v13 =	vmax.f32 v15, v39;
	v15 =	vld [tilespmem:s6+$0xCF00]  }
0x34d: {  	v9 =	vmax.f32 v9, v0;
	v0 =	vld [tilespmem:s6+$0xCF80]  }
0x34e: {  	v39 =	vld [tilespmem:$0x1FB90]  }
0x34f: {  	v5 =	vmax.f32 v5, v13;
	v13 =	vld [tilespmem:$0x1FAE0]  }
0x350: {  	v29 =	vmax.f32 v49, v50;
	v49 =	vld [tilespmem:$0x1FC30]  }
0x351: {  	v50 =	vld [tilespmem:$0x1FC40]  }
0x352: {  	v35 =	vmax.f32 v41, v42;
	v42 =	vld [tilespmem:s6+$0xCD10]  }
0x353: {  	v31 =	vmax.f32 v53, v54;
	v33 =	vmax.f32 v55, v62;
	v53 =	vld [tilespmem:$0x1FC70]  }
0x354: {  	v44 =	vmax.f32 v61, v44;
	v61 =	vmax.f32 v30, v31;
	v30 =	vld [tilespmem:s6+$0xCB90];
	v62 =	vmax.f32 v33, v56  }
0x355: {  	v31 =	vmax.f32 v62, v63;
	v62 =	vld [tilespmem:$0x1FCD0]  }
0x356: {  	v63 =	vld [tilespmem:s6+$0xD010]  }
0x357: {  	v13 =	vmax.f32 v13, v40;
	v40 =	vld [tilespmem:$0x1FBA0]  }
0x358: {  	v13 =	vmax.f32 v13, v44;
	v44 =	vld [tilespmem:$0x1FBE0]  }
0x359: {  	v13 =	vmax.f32 v13, v21;
	v21 =	vmax.f32 v25, v26;
	v25 =	vld [tilespmem:$0x1FB00]  }
0x35a: {  	v26 =	vld [tilespmem:$0x1FB10]  }
0x35b: {  	v41 =	vmax.f32 v49, v50;
	v49 =	vld [tilespmem:$0x1FD20]  }
0x35c: {  	v50 =	vld [tilespmem:$0x1FD30];
	v13 =	vmax.f32 v13, v21  }
0x35d: {  	v6 =	vmax.f32 v6, v13;
	v13 =	vld [tilespmem:s6+$0xCF90]  }
0x35e: {  	v34 =	vmax.f32 v39, v40;
	v39 =	vmax.f32 v45, v46;
	v45 =	vld [tilespmem:$0x1FCE0]  }
0x35f: {  	v46 =	vld [tilespmem:$0x1FCF0]  }
0x360: {  	v40 =	vmax.f32 v47, v48;
	v47 =	vld [tilespmem:$0x1FD00]  }
0x361: {  	v48 =	vld [tilespmem:$0x1FD10]  }
0x362: {  	v34 =	vmax.f32 v34, v35;
	v35 =	vld [tilespmem:s6+$0xCD90]  }
0x363: {  	v54 =	vmax.f32 v40, v41;
	v41 =	vld [tilespmem:s6+$0xCE10]  }
0x364: {  	v37 =	vmax.f32 v43, v44;
	v44 =	vmax.f32 v53, v59;
	v59 =	vld [tilespmem:$0x1FC80]  }
0x365: {  	v43 =	vmax.f32 v51, v52;
	v51 =	vld [tilespmem:s6+$0xD090]  }
0x366: {  	v52 =	vld [tilespmem:$0x1FD40]  }
0x367: {  	v25 =	vmax.f32 v25, v26;
	v26 =	vld [tilespmem:s6+$0xD200]  }
0x368: {  	v37 =	vmax.f32 v37, v39;
	v55 =	vmax.f32 v43, v44;
	v25 =	vmax.f32 v25, v29;
	v29 =	vld [tilespmem:s6+$0xCC10]  }
0x369: {  	v56 =	vmax.f32 v34, v37;
	v57 =	vmax.f32 v54, v55;
	v37 =	vld [tilespmem:s6+$0xCE90];
	v25 =	vmax.f32 v25, v61  }
0x36a: {  	v14 =	vmax.f32 v14, v18;
	v61 =	vld [tilespmem:$0x1FCC0];
	v58 =	vmax.f32 v25, v31;
	v25 =	vmax.f32 v56, v57  }
0x36b: {  	v20 =	vmax.f32 v20, v24;
	v17 =	vmax.f32 v17, v23;
	v10 =	vmax.f32 v10, v25;
	v25 =	vld [tilespmem:$0x1FC90]  }
0x36c: {  	v24 =	vmax.f32 v32, v36;
	v3 =	vmax.f32 v3, v20;
	v15 =	vmax.f32 v19, v15;
	v31 =	vld [tilespmem:s6+$0xCF10]  }
0x36d: {  	v16 =	vmax.f32 v28, v16;
	v0 =	vmax.f32 v0, v22;
	v15 =	vmax.f32 v17, v15;
	v56 =	vld [tilespmem:s6+$0xD290]  }
0x36e: {  	v0 =	vmax.f32 v0, v16;
	v7 =	vmax.f32 v7, v58;
	v2 =	vmax.f32 v52, v2;
	v58 =	vld [tilespmem:s6+$0xD310]  }
0x36f: {  	v3 =	vmax.f32 v3, v15;
	v43 =	vmax.f32 v49, v50;
	v2 =	vmax.f32 v2, v14;
	v14 =	vld [tilespmem:s6+$0xD190]  }
0x370: {  	v13 =	vmax.f32 v13, v63;
	v40 =	vmax.f32 v48, v47;
	v21 =	vmax.f32 v59, v25;
	v25 =	vld [tilespmem:$0x1FCA0]  }
0x371: {  	v54 =	vld [tilespmem:s6+$0xD110];
	v39 =	vmax.f32 v46, v45;
	v55 =	vmax.f32 v40, v43;
	v57 =	vmax.f32 v27, v26  }
0x372: {  	v2 =	vmax.f32 v55, v2;
	v15 =	vmax.f32 v30, v29;
	v33 =	vmax.f32 v61, v62  }
0x373: {  	v61 =	vmax.f32 v35, v41;
	v62 =	vmax.f32 v37, v31;
	v59 =	vmax.f32 v57, v24  }
0x374: {  	v63 =	vmax.f32 v61, v62;
	v4 =	vmax.f32 v14, v4;
	v14 =	vmax.f32 v56, v58  }
0x375: {  	v0 =	vmax.f32 v0, v59;
	v4 =	vmax.f32 v4, v14;
	v25 =	vmax.f32 v25, v60  }
0x376: {  	v60 =	vmax.f32 v38, v42;
	v53 =	vmax.f32 v21, v25;
	v21 =	vmax.f32 v51, v54  }
0x377: {  	v25 =	vmax.f32 v33, v39;
	v15 =	vmax.f32 v15, v60;
	v13 =	vmax.f32 v13, v21  }
0x378: {  	v18 =	vmax.f32 v53, v25;
	v14 =	vmax.f32 v15, v63;
	v4 =	vmax.f32 v13, v4  }
0x379: {  	v0 =	vmax.f32 v3, v0;
	v2 =	vmax.f32 v18, v2;
	v3 =	vmax.f32 v14, v4  }
0x37a: {  	v24 =	vld [tilespmem:$0x1FFF0];
	v12 =	vmax.f32 v12, v0;
	v11 =	vmax.f32 v11, v2;
	v8 =	vmax.f32 v8, v3  }
.LBB2_136:
0x37b: {  	s14 =	sadd.s32 $0x1, s14  }
0x37c: {  	p2 =	sne.s32 s14, $0x19  }
.Ltmp65:
0x37d: {  	_ = 	snop;
	(pc) =	sbr.rel @!p2 .LBB2_137-.Ltmp65, $2  }
0x37e: {  	_ =	sdelay $0x2  }
0x37f: {  	s2 =	sadd.s32 $0x10, s2;
	s0 =	sadd.s32 $0x800, s0;
	s12 =	sadd.s32 $0x10, s12  }
.LBB2_72:
0x380: {  	s6 =	sshll.u32 s14, $0x4  }
0x381: {  	v13 =	vld [tilespmem:s6+$0x190];
	_ =	sdelay $0x4  }
0x382: {  	(v2sf) =	vpush v13, $0xF;
	_ =	sdelay $0xe  }
0x383: {  	s1 =	spop (v2sf)  }
0x384: {  	p2 =	sne.s32 s1, s31  }
.Ltmp66:
0x385: {  	_ = 	snop;
	(pc) =	sbr.rel @!p2 .LBB2_73-.Ltmp66, $1  }
0x386: {  	_ =	sdelay $0x3  }
0x387: {  	v0 =	vld [tilespmem:$0x1FFE0];
	_ =	sdelay $0x4  }
0x388: {  	v0 =	vor.u32 s6, v0;
	_ =	sdelay $0x4  }
0x389: {  	v0 =	vld.idx.msk [tilespmem:v0+s16+$0x0], $0xffff;
	_ =	sdelay $0x4  }
0x38a: {  	vm3 =	vne.s32 v13, v0;
	v0 =	vld [tilespmem:$0x1FFC0];
	_ =	sdelay $0x4  }
0x38b: {  	vm4 =	vge.s32 v13, v0;
	v0 =	vld [tilespmem:$0x1FFD0];
	_ =	sdelay $0x2  }
0x38c: {  	vm2 =	vne.s32 v13, s31  }
0x38d: {  	vm2 =	vmand vm2, vm0  }
0x38e: {  	vm3 =	vmand vm1, vm3;
	vm5 =	vle.s32 v13, v0;
	vm6 =	vgt.s32 v13, v0  }
0x38f: {  	vm2 =	vmor vm2, vm3;
	vm3 =	vmand vm4, vm5;
	v0 =	vmpcnt.ones.xlane vm6  }
0x390: {  	v2 =	vmctz.xlane vm6;
	vm2 =	vmand vm3, vm2  }
0x391: {  	(v2sf) =	vpush v0, $0x0;
	v0 =	vmpcnt.ones.xlane vm2  }
0x392: {  	(v2sf) =	vpush v2, $0x0  }
0x393: {  	(v2sf) =	vpush v0, $0x0;
	_ =	sdelay $0xc  }
0x394: {  	s8 =	spop (v2sf)  }
0x395: {  	s7 =	spop (v2sf)  }
0x396: {  	p2 =	sne.s32 s8, $0x0;
	s1 =	spop (v2sf)  }
0x397: {  	p3 =	seq.s32 @!p2 s1, $0x1  }
0x398: {  	p2 =	por p2, !p3  }
.Ltmp67:
0x399: {  	_ = 	snop;
	(pc) =	sbr.rel @p2 .LBB2_75-.Ltmp67, $1  }
0x39a: {  	_ =	sdelay $0x3  }
0x39b: {  	v0 =	vmctz.xlane vm2;
	_ =	sdelay $0x1  }
0x39c: {  	(v2sf) =	vpush v0, $0x0;
	_ =	sdelay $0x9  }
0x39d: {  	p2 =	slt.s32 s31, $0x0  }
.Ltmp68:
0x39e: {  	_ = 	snop;
	(pc) =	sbr.rel @p2 .LBB2_95-.Ltmp68, $2  }
0x39f: {  	_ =	sdelay $0x2  }
0x3a0: {  	s7 =	spop (v2sf)  }
0x3a1: {  	p2 =	slt.s32 s7, $0x1  }
.Ltmp69:
0x3a2: {  	_ = 	snop;
	(pc) =	sbr.rel @p2 .LBB2_88-.Ltmp69, $1  }
0x3a3: {  	_ =	sdelay $0x3  }
0x3a4: {  	p3 =	sne.s32 s7, $0x1  }
.Ltmp70:
0x3a5: {  	_ = 	snop;
	(pc) =	sbr.rel @!p3 .LBB2_83-.Ltmp70, $2  }
0x3a6: {  	_ =	sdelay $0x2  }
0x3a7: {  	v13 =	vld [tilespmem:s0+$0x30];
	s9 =	sadd.s32 $0xFFFFFFFF, s7;
	p2 =	por $0x0, $0x0  }
0x3a8: {  	v0 =	vld [tilespmem:s0+$0xFFFFFFD0]  }
0x3a9: {  	v2 =	vld [tilespmem:s0+$0xFFFFFFE0]  }
0x3aa: {  	v3 =	vld [tilespmem:s0+$0xFFFFFFF0];
	p3 =	sne.s32 s9, $0x1  }
.Ltmp71:
0x3ab: {  	v14 =	vld [tilespmem:s0+$0x0];
	(pc) =	sbr.rel @!p3 .LBB2_85-.Ltmp71, $4  }
0x3ac: {  	v15 =	vld [tilespmem:s0+$0x10]  }
0x3ad: {  	v16 =	vld [tilespmem:s0+$0x20]  }
0x3ae: {  	v18 =	vld [tilespmem:s0+$0xFFFFFFC0];
	s8 =	sadd.s32 $0x80, s0;
	v17 =	vmovc v10;
	v19 =	vmov v11;
	v20 =	vmov v12;
	v8 =	vmax.f32 v8, v13  }
0x3af: {  	s9 =	sadd.s32 $0xFFFFFFFF, s9;
	p2 =	por $0x1, $0x1;
	v21 =	vmovc v9;
	v13 =	vld [tilespmem:s8+$0x30];
	v5 =	vmax.f32 v5, v0;
	v6 =	vmax.f32 v6, v2;
	v7 =	vmax.f32 v7, v3  }
.LBB2_86:
0x3b0: {  	p3 =	sne.s32 s9, $0x1;
	v0 =	vld [tilespmem:s8+$0xFFFFFFD0];
	v17 =	vmax.f32 v17, v14  }
0x3b1: {  	v2 =	vld [tilespmem:s8+$0xFFFFFFE0];
	v19 =	vmax.f32 v19, v15  }
0x3b2: {  	v3 =	vld [tilespmem:s8+$0xFFFFFFF0];
	v20 =	vmax.f32 v20, v16  }
.Ltmp72:
0x3b3: {  	v14 =	vld [tilespmem:s8+$0x0];
	v21 =	vmax.f32 v21, v18;
	(pc) =	sbr.rel @p3 .LBB2_86-.Ltmp72, $4  }
0x3b4: {  	v15 =	vld [tilespmem:s8+$0x10];
	v8 =	vmax.f32 v8, v13  }
0x3b5: {  	v16 =	vld [tilespmem:s8+$0x20];
	v5 =	vmax.f32 v5, v0  }
0x3b6: {  	v18 =	vld [tilespmem:s8+$0xFFFFFFC0];
	v6 =	vmax.f32 v6, v2;
	s8 =	sadd.s32 $0x80, s8  }
0x3b7: {  	s9 =	sadd.s32 $0xFFFFFFFF, s9;
	v13 =	vld [tilespmem:s8+$0x30];
	v7 =	vmax.f32 v7, v3  }
.LBB2_87:
0x3b8: {  	v0 =	vld [tilespmem:s8+$0xFFFFFFD0]  }
0x3b9: {  	v2 =	vld [tilespmem:s8+$0xFFFFFFE0]  }
0x3ba: {  	v3 =	vld [tilespmem:s8+$0xFFFFFFF0]  }
0x3bb: {  	v4 =	vld [tilespmem:s8+$0x0]  }
0x3bc: {  	v22 =	vld [tilespmem:s8+$0x10]  }
0x3bd: {  	v63 =	vld [tilespmem:s8+$0xFFFFFFC0]  }
0x3be: {  	v23 =	vld [tilespmem:s8+$0x20];
	v14 =	vmax.f32 @p2 v17, v14  }
0x3bf: {  	v15 =	vmax.f32 @p2 v19, v15;
	v16 =	vmax.f32 @p2 v20, v16;
	v18 =	vmax.f32 @p2 v21, v18  }
0x3c0: {  	v8 =	vmax.f32 v8, v13;
	v9 =	vpsel p2, v18, v9;
	v5 =	vmax.f32 v5, v0  }
0x3c1: {  	v6 =	vmax.f32 v6, v2;
	v7 =	vmax.f32 v7, v3;
	v0 =	vpsel p2, v14, v10  }
0x3c2: {  	v2 =	vpsel p2, v15, v11;
	v3 =	vpsel p2, v16, v12;
	v9 =	vmax.f32 v9, v63  }
0x3c3: {  	v10 =	vmax.f32 v0, v4;
	v11 =	vmax.f32 v2, v22;
	v12 =	vmax.f32 v3, v23  }
.LBB2_88:
0x3c4: {  	s8 =	ssub.s32 s24, s25  }
0x3c5: {  	s1 =	ssub.s32 s30, s24;
	s9 =	sshrl.u32 s8, $0x6  }
0x3c6: {  	s10 =	sshll.u32 s1, $0x9;
	s9 =	sand.u32 $0x1, s9  }
0x3c7: {  	s10 =	sshra.s32 s10, $0x2;
	s13 =	sshll.u32 s9, $0xD  }
0x3c8: {  	s10 =	sadd.s32 s10, s13  }
0x3c9: {  	s13 =	sadd.s32 $0x19330, s10;
	[tilespmem:s10+$0x19330] =	vst v9  }
0x3ca: {  	[tilespmem:s13+$0x10] =	vst v5  }
0x3cb: {  	p2 =	sne.s32 s1, $0x3F;
	[tilespmem:s13+$0x20] =	vst v6  }
.Ltmp73:
0x3cc: {  	[tilespmem:s13+$0x30] =	vst v7;
	(pc) =	sbr.rel @p2 .LBB2_94-.Ltmp73, $4  }
0x3cd: {  	[tilespmem:s13+$0x40] =	vst v10  }
0x3ce: {  	[tilespmem:s13+$0x50] =	vst v11  }
0x3cf: {  	[tilespmem:s13+$0x60] =	vst v12  }
0x3d0: {  	[tilespmem:s13+$0x70] =	vst v8  }
0x3d1: {  	p2 =	sne.s32 s9, $0x0  }
.Ltmp74:
0x3d2: {  	_ = 	snop;
	(pc) =	sbr.rel @p2 .LBB2_91-.Ltmp74, $4  }
0x3d3: {  	_ = 	snop  }
0x3d4: {  	s1 =	sshll.u32 s24, $0x4  }
0x3d5: {  	s1 =	sand.u32 $0x1FFFFFF0, s1  }
0x3d6: {  	s9 =	sadd.s32 s4, s1  }
0x3d7: {  	p2 =	sgt.s32 s8, $0x3F  }
.Ltmp75:
0x3d8: {  	_ = 	snop;
	(pc) =	sbr.rel @p2 .LBB2_92-.Ltmp75, $4  }
.Ltmp76:
0x3d9: {  	_ = 	snop;
	(pc) =	sbr.rel @!p2 .LBB2_93-.Ltmp76, $4  }
0x3da: {  	_ = 	snop  }
0x3db: {  	[hbm4b:s9+s5] =	stream.linear.scatter [tilespmem:s21], [sflag:$0x5], $0x2000, $0x38;
	[tilespmem:$0x1D330] =	vst v63  }
0x3dc: {  	s8 =	simm.s32 $0x6  }
0x3dd: {  	_ = 	snop  }
.LBB2_75:
0x3de: {  	p2 =	sgt.s32 s8, $0x0  }
0x3df: {  	s7 =	simm.s32 @!p2 $0x10  }
0x3e0: {  	p2 =	sgt.s32 s7, $0x0  }
.Ltmp77:
0x3e1: {  	_ = 	snop;
	(pc) =	sbr.rel @p2 .LBB2_76-.Ltmp77, $4  }
.Ltmp78:
0x3e2: {  	_ = 	snop;
	(pc) =	sbr.rel @!p2 .LBB2_136-.Ltmp78, $4  }
0x3e3: {  	_ = 	snop  }
0x3e4: {  	_ = 	snop  }
0x3e5: {  	s9 =	simm.s32 $0x0  }
0x3e6: {  	_ = 	snop  }
.LBB2_133:
0x3e7: {  	s30 =	smov.u32 s31  }
.LBB2_134:
0x3e8: {  	s1 =	sshll.u32 s9, $0x9  }
0x3e9: {  	s1 =	sshra.s32 s1, $0x2  }
0x3ea: {  	v9 =	vld [tilespmem:s1+$0xCB20]  }
0x3eb: {  	v5 =	vld [tilespmem:s1+$0xCB30]  }
0x3ec: {  	v6 =	vld [tilespmem:s1+$0xCB40]  }
0x3ed: {  	v7 =	vld [tilespmem:s1+$0xCB50]  }
0x3ee: {  	v10 =	vld [tilespmem:s1+$0xCB60]  }
0x3ef: {  	v11 =	vld [tilespmem:s1+$0xCB70]  }
0x3f0: {  	v12 =	vld [tilespmem:s1+$0xCB80]  }
0x3f1: {  	v8 =	vld [tilespmem:s1+$0xCB90]  }
.LBB2_135:
0x3f2: {  	s9 =	sadd.s32 $0x1, s8  }
0x3f3: {  	p2 =	slt.s32 s9, s7  }
.Ltmp79:
0x3f4: {  	_ = 	snop;
	(pc) =	sbr.rel @!p2 .LBB2_136-.Ltmp79, $1  }
0x3f5: {  	_ =	sdelay $0x3  }
.LBB2_76:
0x3f6: {  	v0 =	vmov s9  }
0x3f7: {  	vm3 =	vlt.s32 v0, v24  }
0x3f8: {  	vm3 =	vmand vm2, vm3  }
0x3f9: {  	v0 =	vmpcnt.ones.xlane vm3  }
0x3fa: {  	v2 =	vmctz.xlane vm3  }
0x3fb: {  	(v2sf) =	vpush v0, $0x0  }
0x3fc: {  	(v2sf) =	vpush v2, $0x0;
	_ =	sdelay $0xc  }
0x3fd: {  	p3 =	slt.s32 s31, $0x0  }
.Ltmp80:
0x3fe: {  	s1 =	spop (v2sf);
	(pc) =	sbr.rel @p3 .LBB2_162-.Ltmp80, $4  }
0x3ff: {  	p2 =	sgt.s32 s1, $0x0;
	s1 =	spop (v2sf)  }
0x400: {  	s1 =	simm.s32 @!p2 $0x10  }
0x401: {  	s8 =	smov.u32 s7;
	p2 =	slt.s32 s1, s7  }
0x402: {  	s8 =	smov.u32 @p2 s1  }
0x403: {  	p3 =	sle.s32 s8, s9  }
.Ltmp81:
0x404: {  	_ = 	snop;
	(pc) =	sbr.rel @p3 .LBB2_116-.Ltmp81, $1  }
0x405: {  	_ =	sdelay $0x3  }
0x406: {  	s10 =	ssub.s32 s8, s9  }
0x407: {  	p4 =	sne.s32 s10, $0x1  }
.Ltmp82:
0x408: {  	s1 =	sadd.s32 s9, s2;
	(pc) =	sbr.rel @!p4 .LBB2_79-.Ltmp82, $4  }
0x409: {  	s1 =	sshll.u32 s1, $0x9  }
0x40a: {  	s1 =	sshra.s32 s1, $0x2  }
0x40b: {  	s9 =	sadd.s32 $0xCB60, s1  }
0x40c: {  	p3 =	por $0x0, $0x0;
	s10 =	sadd.s32 $0xFFFFFFFF, s10;
	v13 =	vld [tilespmem:s9+$0x30]  }
0x40d: {  	v0 =	vld [tilespmem:s9+$0xFFFFFFD0]  }
0x40e: {  	v2 =	vld [tilespmem:s9+$0xFFFFFFE0]  }
0x40f: {  	v3 =	vld [tilespmem:s9+$0xFFFFFFF0];
	p4 =	sne.s32 s10, $0x1  }
.Ltmp83:
0x410: {  	v14 =	vld [tilespmem:s9+$0x0];
	(pc) =	sbr.rel @!p4 .LBB2_113-.Ltmp83, $4  }
0x411: {  	v15 =	vld [tilespmem:s9+$0x10]  }
0x412: {  	v16 =	vld [tilespmem:s9+$0x20]  }
0x413: {  	v17 =	vld [tilespmem:s9+$0xFFFFFFC0];
	s9 =	sadd.s32 $0x80, s9;
	v18 =	vmovc v10;
	v19 =	vmov v11;
	v20 =	vmov v12;
	v8 =	vmax.f32 v8, v13  }
0x414: {  	s10 =	sadd.s32 $0xFFFFFFFF, s10;
	p3 =	por $0x1, $0x1;
	v21 =	vmovc v9;
	v13 =	vld [tilespmem:s9+$0x30];
	v5 =	vmax.f32 v5, v0;
	v6 =	vmax.f32 v6, v2;
	v7 =	vmax.f32 v7, v3  }
.LBB2_114:
0x415: {  	p4 =	sne.s32 s10, $0x1;
	v0 =	vld [tilespmem:s9+$0xFFFFFFD0];
	v18 =	vmax.f32 v18, v14  }
0x416: {  	v2 =	vld [tilespmem:s9+$0xFFFFFFE0];
	v19 =	vmax.f32 v19, v15  }
0x417: {  	v3 =	vld [tilespmem:s9+$0xFFFFFFF0];
	v20 =	vmax.f32 v20, v16  }
.Ltmp84:
0x418: {  	v14 =	vld [tilespmem:s9+$0x0];
	v21 =	vmax.f32 v21, v17;
	(pc) =	sbr.rel @p4 .LBB2_114-.Ltmp84, $4  }
0x419: {  	v15 =	vld [tilespmem:s9+$0x10];
	v8 =	vmax.f32 v8, v13  }
0x41a: {  	v16 =	vld [tilespmem:s9+$0x20];
	v5 =	vmax.f32 v5, v0  }
0x41b: {  	v17 =	vld [tilespmem:s9+$0xFFFFFFC0];
	v6 =	vmax.f32 v6, v2;
	s9 =	sadd.s32 $0x80, s9  }
0x41c: {  	s10 =	sadd.s32 $0xFFFFFFFF, s10;
	v13 =	vld [tilespmem:s9+$0x30];
	v7 =	vmax.f32 v7, v3  }
.LBB2_115:
0x41d: {  	v0 =	vld [tilespmem:s9+$0xFFFFFFD0]  }
0x41e: {  	v2 =	vld [tilespmem:s9+$0xFFFFFFE0]  }
0x41f: {  	v3 =	vld [tilespmem:s9+$0xFFFFFFF0]  }
0x420: {  	v4 =	vld [tilespmem:s9+$0x0]  }
0x421: {  	v22 =	vld [tilespmem:s9+$0x10]  }
0x422: {  	v63 =	vld [tilespmem:s9+$0xFFFFFFC0]  }
0x423: {  	v23 =	vld [tilespmem:s9+$0x20];
	v14 =	vmax.f32 @p3 v18, v14  }
0x424: {  	v15 =	vmax.f32 @p3 v19, v15;
	v16 =	vmax.f32 @p3 v20, v16;
	v17 =	vmax.f32 @p3 v21, v17  }
0x425: {  	v8 =	vmax.f32 v8, v13;
	v9 =	vpsel p3, v17, v9;
	v5 =	vmax.f32 v5, v0  }
0x426: {  	v6 =	vmax.f32 v6, v2;
	v7 =	vmax.f32 v7, v3;
	v0 =	vpsel p3, v14, v10  }
0x427: {  	v2 =	vpsel p3, v15, v11;
	v3 =	vpsel p3, v16, v12;
	v9 =	vmax.f32 v9, v63  }
0x428: {  	v10 =	vmax.f32 v0, v4;
	v11 =	vmax.f32 v2, v22;
	v12 =	vmax.f32 v3, v23  }
.LBB2_116:
.Ltmp85:
0x429: {  	(pc) =	sbr.rel @!p2 .LBB2_135-.Ltmp85, $1  }
0x42a: {  	_ =	sdelay $0x3  }
0x42b: {  	s9 =	ssub.s32 s24, s25  }
0x42c: {  	s1 =	ssub.s32 s30, s24;
	s10 =	sshrl.u32 s9, $0x6  }
0x42d: {  	s13 =	sshll.u32 s1, $0x9;
	s10 =	sand.u32 $0x1, s10  }
0x42e: {  	s13 =	sshra.s32 s13, $0x2;
	s15 =	sshll.u32 s10, $0xD  }
0x42f: {  	s13 =	sadd.s32 s13, s15  }
0x430: {  	s15 =	sadd.s32 $0x19330, s13;
	[tilespmem:s13+$0x19330] =	vst v9  }
0x431: {  	[tilespmem:s15+$0x10] =	vst v5  }
0x432: {  	p2 =	sne.s32 s1, $0x3F;
	[tilespmem:s15+$0x20] =	vst v6  }
.Ltmp86:
0x433: {  	[tilespmem:s15+$0x30] =	vst v7;
	(pc) =	sbr.rel @p2 .LBB2_123-.Ltmp86, $4  }
0x434: {  	[tilespmem:s15+$0x40] =	vst v10  }
0x435: {  	[tilespmem:s15+$0x50] =	vst v11  }
0x436: {  	[tilespmem:s15+$0x60] =	vst v12  }
0x437: {  	[tilespmem:s15+$0x70] =	vst v8  }
0x438: {  	p2 =	sne.s32 s10, $0x0  }
.Ltmp87:
0x439: {  	_ = 	snop;
	(pc) =	sbr.rel @p2 .LBB2_120-.Ltmp87, $4  }
0x43a: {  	_ = 	snop  }
0x43b: {  	s1 =	sshll.u32 s24, $0x4  }
0x43c: {  	s1 =	sand.u32 $0x1FFFFFF0, s1  }
0x43d: {  	s10 =	sadd.s32 s4, s1  }
0x43e: {  	p2 =	sgt.s32 s9, $0x3F  }
.Ltmp88:
0x43f: {  	_ = 	snop;
	(pc) =	sbr.rel @p2 .LBB2_121-.Ltmp88, $4  }
.Ltmp89:
0x440: {  	_ = 	snop;
	(pc) =	sbr.rel @!p2 .LBB2_122-.Ltmp89, $4  }
0x441: {  	_ = 	snop  }
0x442: {  	[hbm4b:s10+s5] =	stream.linear.scatter [tilespmem:s21], [sflag:$0x5], $0x2000, $0x38;
	[tilespmem:$0x1D330] =	vst v63  }
0x443: {  	s9 =	simm.s32 $0x6  }
0x444: {  	_ = 	snop  }
.LBB2_162:
.Ltmp90:
0x445: {  	(pc) =	sbr.rel @p2 .LBB2_124-.Ltmp90, $4  }
.Ltmp91:
0x446: {  	(pc) =	sbr.rel @!p2 .LBB2_135-.Ltmp91, $4  }
0x447: {  	_ = 	snop  }
0x448: {  	_ = 	snop  }
0x449: {  	_ = 	snop  }
0x44a: {  	_ = 	snop  }
.LBB2_120:
0x44b: {  	p2 =	slt.s32 s9, $0x40  }
.Ltmp92:
0x44c: {  	_ = 	snop;
	(pc) =	sbr.rel @p2 .LBB2_122-.Ltmp92, $3  }
0x44d: {  	_ =	sdelay $0x1  }
0x44e: {  	[hbm4b:s10+s5] =	stream.linear.scatter [tilespmem:s22], [sflag:$0x6], $0x2000, $0x38;
	[tilespmem:$0x1D330] =	vst v63  }
0x44f: {  	s9 =	simm.s32 $0x5  }
.LBB2_121:
0x450: {  	_ =	swait.ge [sflag:s9], $0x2000  }
0x451: {  	[sflag:s9] =	ssyncset.done $0x0  }
0x452: {  	[sflag:s9] =	ssyncadd.s32 $0xFFFFE000  }
.LBB2_122:
0x453: {  	s24 =	sadd.s32 $0x40, s24  }
.LBB2_123:
0x454: {  	s30 =	sadd.s32 $0x1, s30  }
.LBB2_124:
0x455: {  	s9 =	sadd.s32 s6, s8  }
0x456: {  	v0 =	vmov s9;
	_ =	sdelay $0x4  }
0x457: {  	v0 =	vld.idx.msk [tilespmem:v0+s16+$0x0], $0xffff;
	_ =	sdelay $0x4  }
0x458: {  	(v2sf) =	vpush v0, $0x0;
	_ =	sdelay $0xe  }
0x459: {  	s31 =	spop (v2sf)  }
0x45a: {  	p2 =	sge.s32 s30, s31  }
.Ltmp93:
0x45b: {  	_ = 	snop;
	(pc) =	sbr.rel @p2 .LBB2_134-.Ltmp93, $1  }
0x45c: {  	_ =	sdelay $0x3  }
.Ltmp94:
0x45d: {  	(pc) =	sbr.rel .LBB2_126-.Ltmp94, $4  }
0x45e: {  	_ = 	snop  }
0x45f: {  	s1 =	sshll.u32 s30, $0x9  }
0x460: {  	s1 =	sshra.s32 s1, $0x2  }
0x461: {  	s10 =	ssub.s32 $0x0, s31;
	s30 =	ssub.s32 $0x0, s30;
	s13 =	sadd.s32 $0x193A0, s1  }
.LBB2_130:
0x462: {  	_ =	swait.ge [sflag:s17], $0x2000  }
0x463: {  	[sflag:s17] =	ssyncset.done $0x0  }
0x464: {  	[sflag:s17] =	ssyncadd.s32 $0xFFFFE000  }
.LBB2_131:
0x465: {  	s24 =	sadd.s32 $0x40, s24  }
.LBB2_132:
0x466: {  	s30 =	sadd.s32 $0xFFFFFFFF, s30  }
0x467: {  	p2 =	sne.s32 s10, s30  }
.Ltmp95:
0x468: {  	_ = 	snop;
	(pc) =	sbr.rel @!p2 .LBB2_133-.Ltmp95, $2  }
0x469: {  	_ =	sdelay $0x2  }
0x46a: {  	s13 =	sadd.s32 $0x80, s13  }
.LBB2_126:
0x46b: {  	s23 =	ssub.s32 s24, s25  }
0x46c: {  	s1 =	sshrl.u32 s23, $0x6  }
0x46d: {  	s17 =	sand.u32 $0x1, s1  }
0x46e: {  	s15 =	sshll.u32 s24, $0x9;
	s1 =	sshll.u32 s17, $0xF  }
0x46f: {  	s1 =	ssub.s32 s1, s15  }
0x470: {  	s1 =	sshra.s32 s1, $0x2  }
0x471: {  	s1 =	sadd.s32 s1, s13  }
0x472: {  	[tilespmem:s1+$0xFFFFFF90] =	vst v1  }
0x473: {  	s15 =	ssub.s32 $0xFFFFFFC1, s24;
	[tilespmem:s1+$0xFFFFFFA0] =	vst v1  }
0x474: {  	p2 =	sne.s32 s15, s30;
	[tilespmem:s1+$0xFFFFFFB0] =	vst v1  }
.Ltmp96:
0x475: {  	[tilespmem:s1+$0xFFFFFFC0] =	vst v1;
	(pc) =	sbr.rel @p2 .LBB2_132-.Ltmp96, $4  }
0x476: {  	[tilespmem:s1+$0xFFFFFFD0] =	vst v1  }
0x477: {  	[tilespmem:s1+$0xFFFFFFE0] =	vst v1  }
0x478: {  	[tilespmem:s1+$0xFFFFFFF0] =	vst v1  }
0x479: {  	[tilespmem:s1+$0x0] =	vst v1  }
0x47a: {  	p2 =	sne.s32 s17, $0x0  }
.Ltmp97:
0x47b: {  	_ = 	snop;
	(pc) =	sbr.rel @p2 .LBB2_129-.Ltmp97, $4  }
0x47c: {  	_ = 	snop  }
0x47d: {  	s1 =	sshll.u32 s24, $0x4  }
0x47e: {  	s1 =	sand.u32 $0x1FFFFFF0, s1  }
0x47f: {  	s17 =	sadd.s32 s4, s1  }
0x480: {  	p2 =	sgt.s32 s23, $0x3F  }
.Ltmp98:
0x481: {  	_ = 	snop;
	(pc) =	sbr.rel @p2 .LBB2_130-.Ltmp98, $4  }
.Ltmp99:
0x482: {  	_ = 	snop;
	(pc) =	sbr.rel @!p2 .LBB2_131-.Ltmp99, $4  }
0x483: {  	_ = 	snop  }
0x484: {  	[hbm4b:s17+s5] =	stream.linear.scatter [tilespmem:s21], [sflag:$0x5], $0x2000, $0x38;
	[tilespmem:$0x1D330] =	vst v63  }
0x485: {  	s17 =	simm.s32 $0x6  }
0x486: {  	_ = 	snop  }
.LBB2_129:
0x487: {  	p2 =	slt.s32 s23, $0x40  }
.Ltmp100:
0x488: {  	_ = 	snop;
	(pc) =	sbr.rel @p2 .LBB2_131-.Ltmp100, $4  }
.Ltmp101:
0x489: {  	_ = 	snop;
	(pc) =	sbr.rel @!p2 .LBB2_130-.Ltmp101, $4  }
0x48a: {  	_ = 	snop  }
0x48b: {  	[hbm4b:s17+s5] =	stream.linear.scatter [tilespmem:s22], [sflag:$0x6], $0x2000, $0x38;
	[tilespmem:$0x1D330] =	vst v63  }
0x48c: {  	s17 =	simm.s32 $0x5  }
0x48d: {  	_ = 	snop  }
.LBB2_79:
.Ltmp102:
0x48e: {  	(pc) =	sbr.rel .LBB2_115-.Ltmp102, $2  }
0x48f: {  	_ =	sdelay $0x2  }
0x490: {  	v18 =	vmovc v10;
	v19 =	vmov v11;
	v20 =	vmov v12;
	v21 =	vmov v9  }
.LBB2_113:
.Ltmp103:
0x491: {  	(pc) =	sbr.rel .LBB2_115-.Ltmp103, $2  }
0x492: {  	_ =	sdelay $0x2  }
0x493: {  	v18 =	vmovc v10;
	v19 =	vmov v11;
	v20 =	vmov v12;
	v21 =	vmov v9  }
.LBB2_91:
0x494: {  	p2 =	slt.s32 s8, $0x40  }
.Ltmp104:
0x495: {  	_ = 	snop;
	(pc) =	sbr.rel @p2 .LBB2_93-.Ltmp104, $3  }
0x496: {  	_ =	sdelay $0x1  }
0x497: {  	[hbm4b:s9+s5] =	stream.linear.scatter [tilespmem:s22], [sflag:$0x6], $0x2000, $0x38;
	[tilespmem:$0x1D330] =	vst v63  }
0x498: {  	s8 =	simm.s32 $0x5  }
.LBB2_92:
0x499: {  	_ =	swait.ge [sflag:s8], $0x2000  }
0x49a: {  	[sflag:s8] =	ssyncset.done $0x0  }
0x49b: {  	[sflag:s8] =	ssyncadd.s32 $0xFFFFE000  }
.LBB2_93:
0x49c: {  	s24 =	sadd.s32 $0x40, s24  }
.LBB2_94:
0x49d: {  	s30 =	sadd.s32 $0x1, s30  }
.LBB2_95:
0x49e: {  	s6 =	sadd.s32 s6, s7  }
0x49f: {  	v0 =	vmov s6;
	_ =	sdelay $0x4  }
0x4a0: {  	v0 =	vld.idx.msk [tilespmem:v0+s16+$0x0], $0xffff;
	_ =	sdelay $0x4  }
0x4a1: {  	(v2sf) =	vpush v0, $0x0;
	_ =	sdelay $0xe  }
0x4a2: {  	s31 =	spop (v2sf)  }
0x4a3: {  	p2 =	sge.s32 s30, s31  }
.Ltmp105:
0x4a4: {  	_ = 	snop;
	(pc) =	sbr.rel @p2 .LBB2_105-.Ltmp105, $1  }
0x4a5: {  	_ =	sdelay $0x3  }
.Ltmp106:
0x4a6: {  	(pc) =	sbr.rel .LBB2_97-.Ltmp106, $4  }
0x4a7: {  	_ = 	snop  }
0x4a8: {  	s1 =	sshll.u32 s30, $0x9  }
0x4a9: {  	s1 =	sshra.s32 s1, $0x2  }
0x4aa: {  	s8 =	ssub.s32 $0x0, s31;
	s9 =	ssub.s32 $0x0, s30;
	s10 =	sadd.s32 $0x193A0, s1  }
.LBB2_101:
0x4ab: {  	_ =	swait.ge [sflag:s13], $0x2000  }
0x4ac: {  	[sflag:s13] =	ssyncset.done $0x0  }
0x4ad: {  	[sflag:s13] =	ssyncadd.s32 $0xFFFFE000  }
.LBB2_102:
0x4ae: {  	s24 =	sadd.s32 $0x40, s24  }
.LBB2_103:
0x4af: {  	s9 =	sadd.s32 $0xFFFFFFFF, s9  }
0x4b0: {  	p2 =	sne.s32 s8, s9  }
.Ltmp107:
0x4b1: {  	_ = 	snop;
	(pc) =	sbr.rel @!p2 .LBB2_104-.Ltmp107, $2  }
0x4b2: {  	_ =	sdelay $0x2  }
0x4b3: {  	s10 =	sadd.s32 $0x80, s10  }
.LBB2_97:
0x4b4: {  	s13 =	ssub.s32 s24, s25  }
0x4b5: {  	s1 =	sshrl.u32 s13, $0x6  }
0x4b6: {  	s17 =	sand.u32 $0x1, s1  }
0x4b7: {  	s15 =	sshll.u32 s24, $0x9;
	s1 =	sshll.u32 s17, $0xF  }
0x4b8: {  	s1 =	ssub.s32 s1, s15  }
0x4b9: {  	s1 =	sshra.s32 s1, $0x2  }
0x4ba: {  	s1 =	sadd.s32 s1, s10  }
0x4bb: {  	[tilespmem:s1+$0xFFFFFF90] =	vst v1  }
0x4bc: {  	s30 =	ssub.s32 $0xFFFFFFC1, s24;
	[tilespmem:s1+$0xFFFFFFA0] =	vst v1  }
0x4bd: {  	p2 =	sne.s32 s30, s9;
	[tilespmem:s1+$0xFFFFFFB0] =	vst v1  }
.Ltmp108:
0x4be: {  	[tilespmem:s1+$0xFFFFFFC0] =	vst v1;
	(pc) =	sbr.rel @p2 .LBB2_103-.Ltmp108, $4  }
0x4bf: {  	[tilespmem:s1+$0xFFFFFFD0] =	vst v1  }
0x4c0: {  	[tilespmem:s1+$0xFFFFFFE0] =	vst v1  }
0x4c1: {  	[tilespmem:s1+$0xFFFFFFF0] =	vst v1  }
0x4c2: {  	[tilespmem:s1+$0x0] =	vst v1  }
0x4c3: {  	p2 =	sne.s32 s17, $0x0  }
.Ltmp109:
0x4c4: {  	_ = 	snop;
	(pc) =	sbr.rel @p2 .LBB2_100-.Ltmp109, $4  }
0x4c5: {  	_ = 	snop  }
0x4c6: {  	s1 =	sshll.u32 s24, $0x4  }
0x4c7: {  	s1 =	sand.u32 $0x1FFFFFF0, s1  }
0x4c8: {  	s17 =	sadd.s32 s4, s1  }
0x4c9: {  	p2 =	sgt.s32 s13, $0x3F  }
.Ltmp110:
0x4ca: {  	_ = 	snop;
	(pc) =	sbr.rel @p2 .LBB2_101-.Ltmp110, $4  }
.Ltmp111:
0x4cb: {  	_ = 	snop;
	(pc) =	sbr.rel @!p2 .LBB2_102-.Ltmp111, $4  }
0x4cc: {  	_ = 	snop  }
0x4cd: {  	[hbm4b:s17+s5] =	stream.linear.scatter [tilespmem:s21], [sflag:$0x5], $0x2000, $0x38;
	[tilespmem:$0x1D330] =	vst v63  }
0x4ce: {  	s13 =	simm.s32 $0x6  }
0x4cf: {  	_ = 	snop  }
.LBB2_100:
0x4d0: {  	p2 =	slt.s32 s13, $0x40  }
.Ltmp112:
0x4d1: {  	_ = 	snop;
	(pc) =	sbr.rel @p2 .LBB2_102-.Ltmp112, $4  }
.Ltmp113:
0x4d2: {  	_ = 	snop;
	(pc) =	sbr.rel @!p2 .LBB2_101-.Ltmp113, $4  }
0x4d3: {  	_ = 	snop  }
0x4d4: {  	[hbm4b:s17+s5] =	stream.linear.scatter [tilespmem:s22], [sflag:$0x6], $0x2000, $0x38;
	[tilespmem:$0x1D330] =	vst v63  }
0x4d5: {  	s13 =	simm.s32 $0x5  }
0x4d6: {  	_ = 	snop  }
.LBB2_104:
0x4d7: {  	s30 =	smov.u32 s31  }
.LBB2_105:
0x4d8: {  	s1 =	sshll.u32 s6, $0x9  }
0x4d9: {  	s1 =	sshra.s32 s1, $0x2  }
0x4da: {  	v9 =	vld [tilespmem:s1+$0xCB20]  }
0x4db: {  	s23 =	sadd.s32 $0x1, s7;
	v5 =	vld [tilespmem:s1+$0xCB30]  }
0x4dc: {  	p2 =	sgt.s32 s23, $0xF;
	v6 =	vld [tilespmem:s1+$0xCB40]  }
.Ltmp114:
0x4dd: {  	v7 =	vld [tilespmem:s1+$0xCB50];
	(pc) =	sbr.rel @p2 .LBB2_136-.Ltmp114, $4  }
0x4de: {  	v10 =	vld [tilespmem:s1+$0xCB60]  }
0x4df: {  	v11 =	vld [tilespmem:s1+$0xCB70]  }
0x4e0: {  	v12 =	vld [tilespmem:s1+$0xCB80]  }
0x4e1: {  	v8 =	vld [tilespmem:s1+$0xCB90]  }
0x4e2: {  	s23 =	ssub.s32 $0xF, s7  }
0x4e3: {  	p3 =	seq.s32 s23, $0x1  }
.Ltmp115:
0x4e4: {  	s1 =	sadd.s32 s12, s7;
	(pc) =	sbr.rel @p3 .LBB2_107-.Ltmp115, $4  }
0x4e5: {  	s1 =	sshll.u32 s1, $0x9  }
0x4e6: {  	s1 =	sshra.s32 s1, $0x2  }
0x4e7: {  	s6 =	sadd.s32 $0xCB60, s1  }
0x4e8: {  	p2 =	por $0x0, $0x0;
	s7 =	sadd.s32 $0xFFFFFFFF, s23;
	v13 =	vld [tilespmem:s6+$0x30]  }
0x4e9: {  	v0 =	vld [tilespmem:s6+$0xFFFFFFD0]  }
0x4ea: {  	v2 =	vld [tilespmem:s6+$0xFFFFFFE0]  }
0x4eb: {  	v3 =	vld [tilespmem:s6+$0xFFFFFFF0];
	p3 =	seq.s32 s7, $0x1  }
.Ltmp116:
0x4ec: {  	v14 =	vld [tilespmem:s6+$0x0];
	(pc) =	sbr.rel @p3 .LBB2_109-.Ltmp116, $4  }
0x4ed: {  	v15 =	vld [tilespmem:s6+$0x10]  }
0x4ee: {  	v16 =	vld [tilespmem:s6+$0x20]  }
0x4ef: {  	v17 =	vld [tilespmem:s6+$0xFFFFFFC0];
	s6 =	sadd.s32 $0x80, s6;
	v18 =	vmovc v10;
	v19 =	vmov v11;
	v20 =	vmov v12;
	v8 =	vmax.f32 v8, v13  }
0x4f0: {  	s7 =	sadd.s32 $0xFFFFFFFF, s7;
	p2 =	por $0x1, $0x1;
	v21 =	vmovc v9;
	v13 =	vld [tilespmem:s6+$0x30];
	v5 =	vmax.f32 v5, v0;
	v6 =	vmax.f32 v6, v2;
	v7 =	vmax.f32 v7, v3  }
.LBB2_110:
0x4f1: {  	p3 =	seq.s32 s7, $0x1;
	v0 =	vld [tilespmem:s6+$0xFFFFFFD0];
	v18 =	vmax.f32 v18, v14  }
0x4f2: {  	v2 =	vld [tilespmem:s6+$0xFFFFFFE0];
	v19 =	vmax.f32 v19, v15  }
0x4f3: {  	v3 =	vld [tilespmem:s6+$0xFFFFFFF0];
	v20 =	vmax.f32 v20, v16  }
.Ltmp117:
0x4f4: {  	v14 =	vld [tilespmem:s6+$0x0];
	v21 =	vmax.f32 v21, v17;
	(pc) =	sbr.rel @!p3 .LBB2_110-.Ltmp117, $4  }
0x4f5: {  	v15 =	vld [tilespmem:s6+$0x10];
	v8 =	vmax.f32 v8, v13  }
0x4f6: {  	v16 =	vld [tilespmem:s6+$0x20];
	v5 =	vmax.f32 v5, v0  }
0x4f7: {  	v17 =	vld [tilespmem:s6+$0xFFFFFFC0];
	v6 =	vmax.f32 v6, v2;
	s6 =	sadd.s32 $0x80, s6  }
0x4f8: {  	s7 =	sadd.s32 $0xFFFFFFFF, s7;
	v13 =	vld [tilespmem:s6+$0x30];
	v7 =	vmax.f32 v7, v3  }
.LBB2_111:
0x4f9: {  	v0 =	vld [tilespmem:s6+$0xFFFFFFD0]  }
0x4fa: {  	v2 =	vld [tilespmem:s6+$0xFFFFFFE0]  }
0x4fb: {  	v3 =	vld [tilespmem:s6+$0xFFFFFFF0]  }
0x4fc: {  	v4 =	vld [tilespmem:s6+$0x0]  }
0x4fd: {  	v22 =	vld [tilespmem:s6+$0x10]  }
0x4fe: {  	v63 =	vld [tilespmem:s6+$0xFFFFFFC0]  }
0x4ff: {  	v23 =	vld [tilespmem:s6+$0x20];
	v14 =	vmax.f32 @p2 v18, v14  }
.Ltmp118:
0x500: {  	v15 =	vmax.f32 @p2 v19, v15;
	v16 =	vmax.f32 @p2 v20, v16;
	v17 =	vmax.f32 @p2 v21, v17;
	(pc) =	sbr.rel .LBB2_136-.Ltmp118, $4  }
0x501: {  	v8 =	vmax.f32 v8, v13;
	v9 =	vpsel p2, v17, v9;
	v5 =	vmax.f32 v5, v0  }
0x502: {  	v6 =	vmax.f32 v6, v2;
	v7 =	vmax.f32 v7, v3;
	v0 =	vpsel p2, v14, v10  }
0x503: {  	v2 =	vpsel p2, v15, v11;
	v3 =	vpsel p2, v16, v12;
	v9 =	vmax.f32 v9, v63  }
0x504: {  	v10 =	vmax.f32 v0, v4;
	v11 =	vmax.f32 v2, v22;
	v12 =	vmax.f32 v3, v23  }
.LBB2_107:
.Ltmp119:
0x505: {  	(pc) =	sbr.rel .LBB2_111-.Ltmp119, $2  }
0x506: {  	_ =	sdelay $0x2  }
0x507: {  	v18 =	vmovc v10;
	v19 =	vmov v11;
	v20 =	vmov v12;
	v21 =	vmov v9  }
.LBB2_109:
.Ltmp120:
0x508: {  	(pc) =	sbr.rel .LBB2_111-.Ltmp120, $2  }
0x509: {  	_ =	sdelay $0x2  }
0x50a: {  	v18 =	vmovc v10;
	v19 =	vmov v11;
	v20 =	vmov v12;
	v21 =	vmov v9  }
.LBB2_83:
.Ltmp121:
0x50b: {  	(pc) =	sbr.rel .LBB2_87-.Ltmp121, $2  }
0x50c: {  	_ =	sdelay $0x2  }
0x50d: {  	s8 =	smov.u32 s0;
	v17 =	vmovc v10;
	v19 =	vmov v11;
	v20 =	vmov v12;
	v21 =	vmov v9  }
.LBB2_85:
.Ltmp122:
0x50e: {  	(pc) =	sbr.rel .LBB2_87-.Ltmp122, $2  }
0x50f: {  	_ =	sdelay $0x2  }
0x510: {  	v17 =	vmovc v10;
	v19 =	vmov v11;
	v20 =	vmov v12;
	v21 =	vmov v9  }
.LBB2_69:
0x511: {  	v0 =	vld [tilespmem:$0x180];
	_ =	sdelay $0x4  }
0x512: {  	(v2sf) =	vpush v0, $0xF;
	_ =	sdelay $0xe  }
0x513: {  	p2 =	sgt.s32 s29, $0x31F;
	s0 =	spop (v2sf)  }
0x514: {  	p3 =	sle.s32 @!p2 s0, s26  }
0x515: {  	p3 =	por p2, !p3  }
.Ltmp123:
0x516: {  	_ = 	snop;
	(pc) =	sbr.rel @!p3 .LBB2_2-.Ltmp123, $2  }
0x517: {  	_ =	sdelay $0x2  }
0x518: {  	s28 =	sor.u32 $0x1, s28  }
.Ltmp124:
0x519: {  	(pc) =	sbr.rel .LBB2_139-.Ltmp124, $4  }
0x51a: {  	_ = 	snop  }
0x51b: {  	s0 =	simm.s32 $0x4;
	v3 =	vpsel p2, v8, v8;
	v4 =	vpsel p2, v12, v12  }
0x51c: {  	s2 =	simm.s32 $0x2;
	v8 =	vpsel p2, v11, v11;
	v10 =	vpsel p2, v10, v10;
	v7 =	vpsel p2, v7, v7;
	s24 =	smov.u32 @p2 s24;
	s30 =	smov.u32 @p2 s30  }
0x51d: {  	v6 =	vpsel p2, v6, v6;
	v5 =	vpsel p2, v5, v5;
	v9 =	vpsel p2, v9, v9;
	s31 =	smov.u32 @p2 s31;
	s0 =	simm.s32 @p2 $0x4;
	s2 =	simm.s32 @p2 $0x2  }
.LBB2_138:
0x51e: {  	s0 =	simm.s32 $0x3;
	v3 =	vpsel p2, v8, v8;
	v4 =	vpsel p2, v12, v12  }
0x51f: {  	s2 =	simm.s32 $0x1;
	v8 =	vpsel p2, v11, v11;
	v10 =	vpsel p2, v10, v10;
	v7 =	vpsel p2, v7, v7;
	s24 =	smov.u32 @p2 s24;
	s30 =	smov.u32 @p2 s30  }
0x520: {  	v6 =	vpsel p2, v6, v6;
	v5 =	vpsel p2, v5, v5;
	v9 =	vpsel p2, v9, v9;
	s31 =	smov.u32 @p2 s31;
	s0 =	simm.s32 @p2 $0x3;
	s2 =	simm.s32 @p2 $0x1  }
.LBB2_139:
0x521: {  	_ =	swait.ge [sflag:s2], $0x190;
	p2 =	slt.s32 s31, $0x0  }
.Ltmp125:
0x522: {  	[sflag:s2] =	ssyncset.done $0x0;
	(pc) =	sbr.rel @p2 .LBB2_140-.Ltmp125, $4  }
0x523: {  	[sflag:s2] =	ssyncadd.s32 $0xFFFFFE70  }
0x524: {  	_ =	swait.ge [sflag:s0], $0xC800  }
0x525: {  	[sflag:s0] =	ssyncset.done $0x0  }
0x526: {  	[sflag:s0] =	ssyncadd.s32 $0xFFFF3800  }
0x527: {  	s0 =	ssub.s32 s24, s25  }
0x528: {  	s1 =	ssub.s32 s30, s24;
	s2 =	sshrl.u32 s0, $0x6  }
0x529: {  	s6 =	sshll.u32 s1, $0x9;
	s2 =	sand.u32 $0x1, s2  }
0x52a: {  	s6 =	sshra.s32 s6, $0x2;
	s7 =	sshll.u32 s2, $0xD  }
0x52b: {  	s6 =	sadd.s32 s6, s7  }
0x52c: {  	s7 =	sadd.s32 $0x19330, s6;
	[tilespmem:s6+$0x19330] =	vst v9  }
0x52d: {  	[tilespmem:s7+$0x10] =	vst v5  }
0x52e: {  	p2 =	sne.s32 s1, $0x3F;
	[tilespmem:s7+$0x20] =	vst v6  }
.Ltmp126:
0x52f: {  	[tilespmem:s7+$0x30] =	vst v7;
	(pc) =	sbr.rel @p2 .LBB2_142-.Ltmp126, $4  }
0x530: {  	[tilespmem:s7+$0x40] =	vst v10  }
0x531: {  	[tilespmem:s7+$0x50] =	vst v8  }
0x532: {  	[tilespmem:s7+$0x60] =	vst v4  }
0x533: {  	[tilespmem:s7+$0x70] =	vst v3  }
0x534: {  	p2 =	sne.s32 s2, $0x0  }
.Ltmp127:
0x535: {  	_ = 	snop;
	(pc) =	sbr.rel @p2 .LBB2_145-.Ltmp127, $4  }
0x536: {  	_ = 	snop  }
0x537: {  	s1 =	sshll.u32 s24, $0x4  }
0x538: {  	s1 =	sand.u32 $0x1FFFFFF0, s1  }
0x539: {  	s12 =	rddreg [dreg:$0x9];
	s2 =	sadd.s32 s4, s1  }
0x53a: {  	p2 =	sgt.s32 s0, $0x3F  }
.Ltmp128:
0x53b: {  	_ = 	snop;
	(pc) =	sbr.rel @p2 .LBB2_146-.Ltmp128, $4  }
.Ltmp129:
0x53c: {  	_ = 	snop;
	(pc) =	sbr.rel @!p2 .LBB2_147-.Ltmp129, $4  }
0x53d: {  	_ = 	snop  }
0x53e: {  	[hbm4b:s2+s5] =	stream.linear.scatter [tilespmem:s21], [sflag:$0x5], $0x2000, $0x38;
	[tilespmem:$0x1D330] =	vst v63  }
0x53f: {  	s0 =	simm.s32 $0x6  }
0x540: {  	_ = 	snop  }
.LBB2_140:
.Ltmp130:
0x541: {  	(pc) =	sbr.rel .LBB2_149-.Ltmp130, $2  }
0x542: {  	_ =	sdelay $0x2  }
0x543: {  	s12 =	rddreg [dreg:$0x9]  }
.LBB2_142:
.Ltmp131:
0x544: {  	(pc) =	sbr.rel .LBB2_148-.Ltmp131, $2  }
0x545: {  	_ =	sdelay $0x2  }
0x546: {  	s12 =	rddreg [dreg:$0x9]  }
.LBB2_145:
0x547: {  	p2 =	slt.s32 s0, $0x40  }
.Ltmp132:
0x548: {  	_ = 	snop;
	(pc) =	sbr.rel @p2 .LBB2_147-.Ltmp132, $3  }
0x549: {  	_ =	sdelay $0x1  }
0x54a: {  	[hbm4b:s2+s5] =	stream.linear.scatter [tilespmem:s22], [sflag:$0x6], $0x2000, $0x38;
	[tilespmem:$0x1D330] =	vst v63  }
0x54b: {  	s0 =	simm.s32 $0x5  }
.LBB2_146:
0x54c: {  	_ =	swait.ge [sflag:s0], $0x2000  }
0x54d: {  	[sflag:s0] =	ssyncset.done $0x0  }
0x54e: {  	[sflag:s0] =	ssyncadd.s32 $0xFFFFE000  }
.LBB2_147:
0x54f: {  	s24 =	sadd.s32 $0x40, s24  }
.LBB2_148:
0x550: {  	s30 =	sadd.s32 $0x1, s30  }
.LBB2_149:
0x551: {  	s0 =	sadd.s32 $0x1, s26  }
0x552: {  	p2 =	sge.s32 s30, s0  }
.Ltmp133:
0x553: {  	_ = 	snop;
	(pc) =	sbr.rel @p2 .LBB2_159-.Ltmp133, $1  }
0x554: {  	_ =	sdelay $0x3  }
.Ltmp134:
0x555: {  	(pc) =	sbr.rel .LBB2_151-.Ltmp134, $4  }
0x556: {  	_ = 	snop  }
0x557: {  	s1 =	sshll.u32 s30, $0x9  }
0x558: {  	s1 =	sshra.s32 s1, $0x2  }
0x559: {  	s2 =	sxor.u32 $0xFFFFFFFF, s26;
	s6 =	ssub.s32 $0x0, s30;
	s7 =	sadd.s32 $0x193A0, s1  }
.LBB2_155:
0x55a: {  	_ =	swait.ge [sflag:s8], $0x2000  }
0x55b: {  	[sflag:s8] =	ssyncset.done $0x0  }
0x55c: {  	[sflag:s8] =	ssyncadd.s32 $0xFFFFE000  }
.LBB2_156:
0x55d: {  	s24 =	sadd.s32 $0x40, s24  }
.LBB2_157:
0x55e: {  	s6 =	sadd.s32 $0xFFFFFFFF, s6  }
0x55f: {  	p2 =	sne.s32 s2, s6  }
.Ltmp135:
0x560: {  	_ = 	snop;
	(pc) =	sbr.rel @!p2 .LBB2_158-.Ltmp135, $2  }
0x561: {  	_ =	sdelay $0x2  }
0x562: {  	s7 =	sadd.s32 $0x80, s7  }
.LBB2_151:
0x563: {  	s8 =	ssub.s32 s24, s25  }
0x564: {  	s1 =	sshrl.u32 s8, $0x6  }
0x565: {  	s9 =	sand.u32 $0x1, s1  }
0x566: {  	s10 =	sshll.u32 s24, $0x9;
	s1 =	sshll.u32 s9, $0xF  }
0x567: {  	s1 =	ssub.s32 s1, s10  }
0x568: {  	s1 =	sshra.s32 s1, $0x2  }
0x569: {  	s1 =	sadd.s32 s1, s7  }
0x56a: {  	[tilespmem:s1+$0xFFFFFF90] =	vst v1  }
0x56b: {  	s31 =	ssub.s32 $0xFFFFFFC1, s24;
	[tilespmem:s1+$0xFFFFFFA0] =	vst v1  }
0x56c: {  	p2 =	sne.s32 s31, s6;
	[tilespmem:s1+$0xFFFFFFB0] =	vst v1  }
.Ltmp136:
0x56d: {  	[tilespmem:s1+$0xFFFFFFC0] =	vst v1;
	(pc) =	sbr.rel @p2 .LBB2_157-.Ltmp136, $4  }
0x56e: {  	[tilespmem:s1+$0xFFFFFFD0] =	vst v1  }
0x56f: {  	[tilespmem:s1+$0xFFFFFFE0] =	vst v1  }
0x570: {  	[tilespmem:s1+$0xFFFFFFF0] =	vst v1  }
0x571: {  	[tilespmem:s1+$0x0] =	vst v1  }
0x572: {  	p2 =	sne.s32 s9, $0x0  }
.Ltmp137:
0x573: {  	_ = 	snop;
	(pc) =	sbr.rel @p2 .LBB2_154-.Ltmp137, $4  }
0x574: {  	_ = 	snop  }
0x575: {  	s1 =	sshll.u32 s24, $0x4  }
0x576: {  	s1 =	sand.u32 $0x1FFFFFF0, s1  }
0x577: {  	s9 =	sadd.s32 s4, s1  }
0x578: {  	p2 =	sgt.s32 s8, $0x3F  }
.Ltmp138:
0x579: {  	_ = 	snop;
	(pc) =	sbr.rel @p2 .LBB2_155-.Ltmp138, $4  }
.Ltmp139:
0x57a: {  	_ = 	snop;
	(pc) =	sbr.rel @!p2 .LBB2_156-.Ltmp139, $4  }
0x57b: {  	_ = 	snop  }
0x57c: {  	[hbm4b:s9+s5] =	stream.linear.scatter [tilespmem:s21], [sflag:$0x5], $0x2000, $0x38;
	[tilespmem:$0x1D330] =	vst v63  }
0x57d: {  	s8 =	simm.s32 $0x6  }
0x57e: {  	_ = 	snop  }
.LBB2_154:
0x57f: {  	p2 =	slt.s32 s8, $0x40  }
.Ltmp140:
0x580: {  	_ = 	snop;
	(pc) =	sbr.rel @p2 .LBB2_156-.Ltmp140, $4  }
.Ltmp141:
0x581: {  	_ = 	snop;
	(pc) =	sbr.rel @!p2 .LBB2_155-.Ltmp141, $4  }
0x582: {  	_ = 	snop  }
0x583: {  	[hbm4b:s9+s5] =	stream.linear.scatter [tilespmem:s22], [sflag:$0x6], $0x2000, $0x38;
	[tilespmem:$0x1D330] =	vst v63  }
0x584: {  	s8 =	simm.s32 $0x5  }
0x585: {  	_ = 	snop  }
.LBB2_160:
0x586: {  	_ =	sfence.sel $0x180000  }
0x587: {  	[bflag:$0x0] =	sbarrier.arrive $0xFFFF  }
0x588: {  	_ =	strace $0x90000047  }
0x589: {  	s0 =	stileid.u32;
	[bflag:$0x2] =	sbarrier.arrive $0xFFFF  }
0x58a: {  	p0 =	sne.s32 s0, $0x0;
	s0 =	rddreg [dreg:$0x3]  }
0x58b: {  	s0 =	sadd.s32 @!p0 $0x100000, s0  }
0x58c: {  	[sflag:s0] =	ssyncadd.tile.s32 @!p0 $0x1;
	_ =	shalt  }
.Lfunc_end2:
_tile_overlayer_lowered:
.L_overlay_start_2:
0x58d: {  	(tag) =	ssettag $0x2  }
0x58e: {  	s0 =	rddreg [dreg:$0x0];
	s2 =	stileid.u32  }
0x58f: {  	s1 =	rddreg [dreg:$0x1];
	p0 =	sne.s32 s2, $0x0  }
0x590: {  	s3 =	rddreg [dreg:$0x2];
	[bflag:$0x3] =	sbarrier.arrive $0xFFFF;
	s2 =	simm.s32 @!p0 $0x1C07  }
0x591: {  	[timem:s3], [sflag:s2] =	dma.local @!p0 [hbm:s0], s1  }
0x592: {  	s0 =	simm.s32 @!p0 $0x7  }
0x593: {  	_ =	swait.ge @!p0 [sflag:s0], s1  }
0x594: {  	s1 =	ssub.s32 @!p0 $0x0, s1;
	[sflag:s0] =	ssyncset.done @!p0 $0x0  }
0x595: {  	[sflag:s0] =	ssyncadd.s32 @!p0 s1  }
0x596: {  	[bflag:$0x3] =	sbarrier.arrive $0xFFFF  }
0x597: {  	_ =	shalt  }

</sc_bundles>
